<compile_context>
chip_gen: v7x
topology: tpu7x:2x2x1
jax: 0.10.2.dev20260603
libtpu: 0.0.44.dev20260713+nightly
codegen_flags: <defaults>
</compile_context>

<pallas_src>
import functools

import jax
import jax.numpy as jnp
from jax import lax
from jax.experimental import pallas as pl
from jax.experimental.pallas import tpu as pltpu
from jax.experimental.pallas import tpu_sc as plsc

N = 8192
D_IN = 2048
D_OUT = 2048
BLK = 512
N_PAD = N + BLK
NUM_BLOCKS = N_PAD // BLK

NC, NS, L = 2, 16, 16
NW = NC * NS
TOK_W = N // NW
CHUNK = 16
NCHUNK = TOK_W // CHUNK

_mesh = functools.partial(
    pl.kernel,
    mesh=plsc.VectorSubcoreMesh(core_axis_name="c", subcore_axis_name="s"),
    compiler_params=pltpu.CompilerParams(needs_layout_passes=False),
)


def _wid():
    return lax.axis_index("s") * NC + lax.axis_index("c")


@functools.partial(
    _mesh,
    out_type=(
        jax.ShapeDtypeStruct((N // CHUNK, CHUNK), jnp.int32),
        jax.ShapeDtypeStruct((16,), jnp.int32),
    ),
    scratch_types=[
        pltpu.VMEM((N,), jnp.int32),
        pltpu.VMEM((TOK_W // L, L), jnp.int32),
        pltpu.VMEM((16,), jnp.int32),
    ],
)
def _route(flags_hbm, pos_hbm, nblk_hbm, flags_v, pos_v, nblk_v):
    wid = _wid()
    base = wid * TOK_W
    pltpu.sync_copy(flags_hbm, flags_v)

    iota = lax.iota(jnp.int32, L)
    zv = iota * 0

    def scan_body(j, carry):
        totv, prev = carry
        b = flags_v[pl.ds(j * L, L)] & 1
        return totv + b, prev + jnp.where(j < wid * (TOK_W // L), b, zv)

    totv, prev = lax.fori_loop(0, N // L, scan_body, (zv, zv))
    tot = jnp.sum(totv)
    pre_pc2 = jnp.sum(prev)
    c_pad = ((tot + BLK - 1) >> 9) << 9
    pre_ko = base - pre_pc2

    carry_pc2 = 0
    for j in range(TOK_W // L):
        v = flags_v[pl.ds(base + j * L, L)]
        b = v & 1
        incl = plsc.cumsum(b)
        excl = incl - b
        tloc = j * L + lax.iota(jnp.int32, L)
        pc2_rank = carry_pc2 + excl
        ko_rank = tloc - pc2_rank
        dest = jnp.where(v == 1,
                         pre_pc2 + pc2_rank,
                         c_pad + pre_ko + ko_rank)
        pos_v[j, pl.ds(0, L)] = dest
        carry_pc2 = carry_pc2 + jnp.sum(b)

    pltpu.sync_copy(pos_v, pos_hbm.at[pl.ds(wid * (TOK_W // L), TOK_W // L)])

    @pl.when(wid == 0)
    def _():
        nblk_v[...] = jnp.full((16,), c_pad >> 9, jnp.int32)
        pltpu.sync_copy(nblk_v, nblk_hbm)


@functools.partial(
    _mesh,
    out_type=jax.ShapeDtypeStruct((N_PAD, D_IN), jnp.float32),
    scratch_types=[
        pltpu.VMEM((NCHUNK, CHUNK), jnp.int32),
        pltpu.VMEM((CHUNK, D_IN), jnp.float32),
        pltpu.VMEM((CHUNK, D_IN), jnp.float32),
        pltpu.SemaphoreType.DMA,
        pltpu.SemaphoreType.DMA,
        pltpu.SemaphoreType.DMA,
        pltpu.SemaphoreType.DMA,
    ],
)
def _scatter_x(x_hbm, pos_hbm, xpad_hbm, idx_v, buf0, buf1, si0, si1, so0, so1):
    wid = _wid()
    base = wid * TOK_W
    pltpu.sync_copy(pos_hbm.at[pl.ds(wid * NCHUNK, NCHUNK)], idx_v)
    bufs = (buf0, buf1)
    sins = (si0, si1)
    souts = (so0, so1)
    in_cp = [None] * NCHUNK
    out_cp = [None] * NCHUNK
    in_cp[0] = pltpu.async_copy(x_hbm.at[pl.ds(base, CHUNK)], bufs[0], sins[0])
    for j in range(NCHUNK):
        p = j % 2
        if j + 1 < NCHUNK:
            if j >= 1:
                out_cp[j - 1].wait()
            in_cp[j + 1] = pltpu.async_copy(
                x_hbm.at[pl.ds(base + (j + 1) * CHUNK, CHUNK)],
                bufs[1 - p], sins[1 - p])
        in_cp[j].wait()
        out_cp[j] = pltpu.async_copy(bufs[p], xpad_hbm.at[idx_v.at[j]], souts[p])
    out_cp[NCHUNK - 2].wait()
    out_cp[NCHUNK - 1].wait()


def _mm_body(nblk_ref, x_ref, w_ref, b_ref, o_ref):
    del nblk_ref
    xb = x_ref[...].astype(jnp.bfloat16)
    o_ref[...] = lax.dot_general(
        xb, w_ref[0], (((1,), (1,)), ((), ())),
        preferred_element_type=jnp.float32) + b_ref[0]


def _routed_matmul(nblk, x_pad, wstack, bstack):
    def sel(i, nb):
        return jnp.where(i >= nb[0], 1, 0)

    grid_spec = pltpu.PrefetchScalarGridSpec(
        num_scalar_prefetch=1,
        grid=(NUM_BLOCKS,),
        in_specs=[
            pl.BlockSpec((BLK, D_IN), lambda i, nb: (i, 0)),
            pl.BlockSpec((1, D_OUT, D_IN), lambda i, nb: (sel(i, nb), 0, 0)),
            pl.BlockSpec((1, 1, D_OUT), lambda i, nb: (sel(i, nb), 0, 0)),
        ],
        out_specs=pl.BlockSpec((BLK, D_OUT), lambda i, nb: (i, 0)),
    )
    return pl.pallas_call(
        _mm_body,
        grid_spec=grid_spec,
        out_shape=jax.ShapeDtypeStruct((N_PAD, D_OUT), jnp.float32),
    )(nblk, x_pad, wstack, bstack)


@functools.partial(
    _mesh,
    out_type=jax.ShapeDtypeStruct((N, D_OUT), jnp.float32),
    scratch_types=[
        pltpu.VMEM((NCHUNK, CHUNK), jnp.int32),
        pltpu.VMEM((CHUNK, D_OUT), jnp.float32),
        pltpu.VMEM((CHUNK, D_OUT), jnp.float32),
        pltpu.SemaphoreType.DMA,
        pltpu.SemaphoreType.DMA,
        pltpu.SemaphoreType.DMA,
        pltpu.SemaphoreType.DMA,
    ],
)
def _gather_out(opad_hbm, pos_hbm, out_hbm, idx_v, buf0, buf1, si0, si1, so0, so1):
    wid = _wid()
    base = wid * TOK_W
    pltpu.sync_copy(pos_hbm.at[pl.ds(wid * NCHUNK, NCHUNK)], idx_v)
    bufs = (buf0, buf1)
    sins = (si0, si1)
    souts = (so0, so1)
    in_cp = [None] * NCHUNK
    out_cp = [None] * NCHUNK
    in_cp[0] = pltpu.async_copy(opad_hbm.at[idx_v.at[0]], bufs[0], sins[0])
    for j in range(NCHUNK):
        p = j % 2
        if j + 1 < NCHUNK:
            if j >= 1:
                out_cp[j - 1].wait()
            in_cp[j + 1] = pltpu.async_copy(
                opad_hbm.at[idx_v.at[j + 1]], bufs[1 - p], sins[1 - p])
        in_cp[j].wait()
        out_cp[j] = pltpu.async_copy(
            bufs[p], out_hbm.at[pl.ds(base + j * CHUNK, CHUNK)], souts[p])
    out_cp[NCHUNK - 2].wait()
    out_cp[NCHUNK - 1].wait()


def kernel(x, is_pc2, W_pc2, b_pc2, W_ko, b_ko):
    flags = is_pc2.astype(jnp.int32)
    wstack = jnp.stack([W_pc2, W_ko]).astype(jnp.bfloat16)
    bstack = jnp.stack([b_pc2, b_ko]).reshape(2, 1, D_OUT)
    pos, nblk = _route(flags)
    x_pad = _scatter_x(x, pos)
    out_pad = _routed_matmul(nblk, x_pad, wstack, bstack)
    return _gather_out(out_pad, pos)

# --- scband reference (transcript-rebuilt; emitter-appended) ---
"""Pipeline reference for scband-separated-head-51677046505516 (READ-ONLY COPY).

The authoritative reference and input builder live on the scoring server;
editing this copy changes nothing except your own understanding.
"""

import jax, jax.numpy as jnp
import numpy as np

N = 8192
D_IN = 2048
D_OUT = 2048

def setup_inputs(seed: int = 0) -> dict:
    key = jax.random.key(seed)
    k1, k2, k3, k4, k5, k6 = jax.random.split(key, 6)
    x = jax.random.normal(k1, (N, D_IN), dtype=jnp.float32)
    is_pc2 = jax.random.randint(k2, (N,), 0, 2, dtype=jnp.int64 if jax.config.jax_enable_x64 else jnp.int32).astype(jnp.int32)
    s = 1.0 / np.sqrt(D_IN)
    W_pc2 = jax.random.uniform(k3, (D_OUT, D_IN), minval=-s, maxval=s, dtype=jnp.float32)
    b_pc2 = jax.random.uniform(k4, (D_OUT,), minval=-s, maxval=s, dtype=jnp.float32)
    W_ko = jax.random.uniform(k5, (D_OUT, D_IN), minval=-s, maxval=s, dtype=jnp.float32)
    b_ko = jax.random.uniform(k6, (D_OUT,), minval=-s, maxval=s, dtype=jnp.float32)
    return {"x": x, "is_pc2": is_pc2, "W_pc2": W_pc2, "b_pc2": b_pc2, "W_ko": W_ko, "b_ko": b_ko}

def reference(x, is_pc2, W_pc2, b_pc2, W_ko, b_ko):
    # Faithful to SeparatedHead.forward: route each token to head_pc2 if is_pc2==1
    # else head_ko. Implemented with dense compute + select so shapes are static
    # (masked-gather routing yields identical outputs and gradients).
    mask = (is_pc2 == 1)
    out_pc2 = x @ W_pc2.T + b_pc2
    out_ko = x @ W_ko.T + b_ko
    output = jnp.where(mask[:, None], out_pc2, out_ko)
    return output

if __name__ == "__main__":
    import jax
    _d = setup_inputs()
    print(jax.jit(kernel)(*tuple(_d.values())))

</pallas_src>

<mosaic_0001>
#map = affine_map<(d0, d1) -> (0, 0)>
module attributes {stable_mosaic.version = 14 : i64} {
  func.func @_gather_out(%arg0: i32, %arg1: i32, %arg2: memref<8704x2048xf32, #tpu.memory_space<hbm>>, %arg3: memref<512x16xi32, #tpu.memory_space<hbm>>, %arg4: memref<8192x2048xf32, #tpu.memory_space<hbm>>, %arg5: memref<16x16xi32, #tpu.memory_space<vmem>>, %arg6: memref<16x2048xf32, #tpu.memory_space<vmem>>, %arg7: memref<16x2048xf32, #tpu.memory_space<vmem>>, %arg8: memref<!tpu.dma_semaphore, #tpu.memory_space<semaphore_mem>>, %arg9: memref<!tpu.dma_semaphore, #tpu.memory_space<semaphore_mem>>, %arg10: memref<!tpu.dma_semaphore, #tpu.memory_space<semaphore_mem>>, %arg11: memref<!tpu.dma_semaphore, #tpu.memory_space<semaphore_mem>>) attributes {dimension_semantics = [#tpu.dimension_semantics<core_parallel>, #tpu.dimension_semantics<subcore_parallel>], iteration_bounds = array<i64: 2, 16>, scalar_prefetch = 0 : i64, scratch_operands = 7 : i64, tpu.core_type = #tpu.core_type<sc_vector_subcore>, window_params = [{transform_indices = #map}, {transform_indices = #map}, {transform_indices = #map}]} {
    %mul3A = arith.constant 2 : i32
    %mul3A_0 = arith.muli %arg1, %mul3A : i32
    %add3A = arith.addi %mul3A_0, %arg0 : i32
    %mul3A_1 = arith.constant 256 : i32
    %mul3A_2 = arith.muli %add3A, %mul3A_1 : i32
    %mul3A_3 = arith.constant 16 : i32
    %mul3A_4 = arith.muli %add3A, %mul3A_3 : i32
    "tpu.region"() ({
      %run_scoped3A = tpu.sem_alloc : memref<!tpu.dma_semaphore, #tpu.memory_space<semaphore_mem>>
      %dma_start3A_387 = arith.constant 0 : i32
      %dma_start3A_388 = tpu.memref_slice %arg3[%mul3A_4, %dma_start3A_387] : memref<512x16xi32, #tpu.memory_space<hbm>> -> memref<16x16xi32, #tpu.memory_space<hbm>>
      %dma_start3A_389 = arith.constant 0 : i32
      %dma_start3A_390 = tpu.memref_slice %arg3[%mul3A_4, %dma_start3A_389] : memref<512x16xi32, #tpu.memory_space<hbm>> -> memref<16x16xi32, #tpu.memory_space<hbm>>
      tpu.enqueue_dma source(%dma_start3A_390 : memref<16x16xi32, #tpu.memory_space<hbm>>) target(%arg5 : memref<16x16xi32, #tpu.memory_space<vmem>>) target_semaphore(%run_scoped3A : memref<!tpu.dma_semaphore, #tpu.memory_space<semaphore_mem>>)
      %dma_wait3A_391 = arith.constant 0 : i32
      %dma_wait3A_392 = tpu.memref_slice %arg3[%mul3A_4, %dma_wait3A_391] : memref<512x16xi32, #tpu.memory_space<hbm>> -> memref<16x16xi32, #tpu.memory_space<hbm>>
      %dma_wait3A_393 = arith.constant 0 : i32
      %dma_wait3A_394 = tpu.memref_slice %arg3[%mul3A_4, %dma_wait3A_393] : memref<512x16xi32, #tpu.memory_space<hbm>> -> memref<16x16xi32, #tpu.memory_space<hbm>>
      tpu.wait_dma2 semaphore(%run_scoped3A : memref<!tpu.dma_semaphore, #tpu.memory_space<semaphore_mem>>) src(%dma_wait3A_394 : memref<16x16xi32, #tpu.memory_space<hbm>>) dst(%arg5 : memref<16x16xi32, #tpu.memory_space<vmem>>)
      tpu.yield
    }) : () -> ()
    %dma_start3A = arith.constant 0 : i32
    %dma_start3A_5 = arith.constant 0 : i32
    %dma_start3A_6 = tpu.memref_slice %arg5[%dma_start3A, %dma_start3A_5] : memref<16x16xi32, #tpu.memory_space<vmem>> -> memref<1x16xi32, #tpu.memory_space<vmem>>
    %dma_start3A_7 = tpu.memref_squeeze %dma_start3A_6 : memref<1x16xi32, #tpu.memory_space<vmem>> -> memref<16xi32, #tpu.memory_space<vmem>>
    %dma_start3A_8 = arith.constant 0 : i32
    %dma_start3A_9 = arith.constant 0 : i32
    %dma_start3A_10 = tpu.memref_slice %arg2[%dma_start3A_8, %dma_start3A_9] : memref<8704x2048xf32, #tpu.memory_space<hbm>> -> memref<8704x2048xf32, #tpu.memory_space<hbm>>
    tpu.enqueue_indirect_dma source(%dma_start3A_10 : memref<8704x2048xf32, #tpu.memory_space<hbm>>) target(%arg6 : memref<16x2048xf32, #tpu.memory_space<vmem>>) offsets(%dma_start3A_7 : memref<16xi32, #tpu.memory_space<vmem>>) semaphore(%arg8 : memref<!tpu.dma_semaphore, #tpu.memory_space<semaphore_mem>>)
    %dma_start3A_11 = arith.constant 1 : i32
    %dma_start3A_12 = arith.constant 0 : i32
    %dma_start3A_13 = tpu.memref_slice %arg5[%dma_start3A_11, %dma_start3A_12] : memref<16x16xi32, #tpu.memory_space<vmem>> -> memref<1x16xi32, #tpu.memory_space<vmem>>
    %dma_start3A_14 = tpu.memref_squeeze %dma_start3A_13 : memref<1x16xi32, #tpu.memory_space<vmem>> -> memref<16xi32, #tpu.memory_space<vmem>>
    %dma_start3A_15 = arith.constant 0 : i32
    %dma_start3A_16 = arith.constant 0 : i32
    %dma_start3A_17 = tpu.memref_slice %arg2[%dma_start3A_15, %dma_start3A_16] : memref<8704x2048xf32, #tpu.memory_space<hbm>> -> memref<8704x2048xf32, #tpu.memory_space<hbm>>
    tpu.enqueue_indirect_dma source(%dma_start3A_17 : memref<8704x2048xf32, #tpu.memory_space<hbm>>) target(%arg7 : memref<16x2048xf32, #tpu.memory_space<vmem>>) offsets(%dma_start3A_14 : memref<16xi32, #tpu.memory_space<vmem>>) semaphore(%arg9 : memref<!tpu.dma_semaphore, #tpu.memory_space<semaphore_mem>>)
    %dma_wait3A = arith.constant 0 : i32
    %dma_wait3A_18 = arith.constant 0 : i32
    %dma_wait3A_19 = tpu.memref_slice %arg5[%dma_wait3A, %dma_wait3A_18] : memref<16x16xi32, #tpu.memory_space<vmem>> -> memref<1x16xi32, #tpu.memory_space<vmem>>
    %dma_wait3A_20 = tpu.memref_squeeze %dma_wait3A_19 : memref<1x16xi32, #tpu.memory_space<vmem>> -> memref<16xi32, #tpu.memory_space<vmem>>
    %dma_wait3A_21 = arith.constant 0 : i32
    %dma_wait3A_22 = arith.constant 0 : i32
    %dma_wait3A_23 = tpu.memref_slice %arg2[%dma_wait3A_21, %dma_wait3A_22] : memref<8704x2048xf32, #tpu.memory_space<hbm>> -> memref<8704x2048xf32, #tpu.memory_space<hbm>>
    tpu.wait_indirect_dma semaphore(%arg8 : memref<!tpu.dma_semaphore, #tpu.memory_space<semaphore_mem>>) src(%dma_wait3A_23 : memref<8704x2048xf32, #tpu.memory_space<hbm>>) dst(%arg6 : memref<16x2048xf32, #tpu.memory_space<vmem>>)
    %add3A_24 = arith.constant 0 : i32
    %add3A_25 = arith.addi %mul3A_2, %add3A_24 : i32
    %dma_start3A_26 = arith.constant 0 : i32
    %dma_start3A_27 = tpu.memref_slice %arg4[%add3A_25, %dma_start3A_26] : memref<8192x2048xf32, #tpu.memory_space<hbm>> -> memref<16x2048xf32, #tpu.memory_space<hbm>>
    %dma_start3A_28 = arith.constant 0 : i32
    %dma_start3A_29 = tpu.memref_slice %arg4[%add3A_25, %dma_start3A_28] : memref<8192x2048xf32, #tpu.memory_space<hbm>> -> memref<16x2048xf32, #tpu.memory_space<hbm>>
    tpu.enqueue_dma source(%arg6 : memref<16x2048xf32, #tpu.memory_space<vmem>>) target(%dma_start3A_29 : memref<16x2048xf32, #tpu.memory_space<hbm>>) target_semaphore(%arg10 : memref<!tpu.dma_semaphore, #tpu.memory_space<semaphore_mem>>)
    %dma_wait3A_30 = arith.constant 0 : i32
    %dma_wait3A_31 = tpu.memref_slice %arg4[%add3A_25, %dma_wait3A_30] : memref<8192x2048xf32, #tpu.memory_space<hbm>> -> memref<16x2048xf32, #tpu.memory_space<hbm>>
    %dma_wait3A_32 = arith.constant 0 : i32
    %dma_wait3A_33 = tpu.memref_slice %arg4[%add3A_25, %dma_wait3A_32] : memref<8192x2048xf32, #tpu.memory_space<hbm>> -> memref<16x2048xf32, #tpu.memory_space<hbm>>
    tpu.wait_dma2 semaphore(%arg10 : memref<!tpu.dma_semaphore, #tpu.memory_space<semaphore_mem>>) src(%arg6 : memref<16x2048xf32, #tpu.memory_space<vmem>>) dst(%dma_wait3A_33 : memref<16x2048xf32, #tpu.memory_space<hbm>>)
    %dma_start3A_34 = arith.constant 2 : i32
    %dma_start3A_35 = arith.constant 0 : i32
    %dma_start3A_36 = tpu.memref_slice %arg5[%dma_start3A_34, %dma_start3A_35] : memref<16x16xi32, #tpu.memory_space<vmem>> -> memref<1x16xi32, #tpu.memory_space<vmem>>
    %dma_start3A_37 = tpu.memref_squeeze %dma_start3A_36 : memref<1x16xi32, #tpu.memory_space<vmem>> -> memref<16xi32, #tpu.memory_space<vmem>>
    %dma_start3A_38 = arith.constant 0 : i32
    %dma_start3A_39 = arith.constant 0 : i32
    %dma_start3A_40 = tpu.memref_slice %arg2[%dma_start3A_38, %dma_start3A_39] : memref<8704x2048xf32, #tpu.memory_space<hbm>> -> memref<8704x2048xf32, #tpu.memory_space<hbm>>
    tpu.enqueue_indirect_dma source(%dma_start3A_40 : memref<8704x2048xf32, #tpu.memory_space<hbm>>) target(%arg6 : memref<16x2048xf32, #tpu.memory_space<vmem>>) offsets(%dma_start3A_37 : memref<16xi32, #tpu.memory_space<vmem>>) semaphore(%arg8 : memref<!tpu.dma_semaphore, #tpu.memory_space<semaphore_mem>>)
    %dma_wait3A_41 = arith.constant 1 : i32
    %dma_wait3A_42 = arith.constant 0 : i32
    %dma_wait3A_43 = tpu.memref_slice %arg5[%dma_wait3A_41, %dma_wait3A_42] : memref<16x16xi32, #tpu.memory_space<vmem>> -> memref<1x16xi32, #tpu.memory_space<vmem>>
    %dma_wait3A_44 = tpu.memref_squeeze %dma_wait3A_43 : memref<1x16xi32, #tpu.memory_space<vmem>> -> memref<16xi32, #tpu.memory_space<vmem>>
    %dma_wait3A_45 = arith.constant 0 : i32
    %dma_wait3A_46 = arith.constant 0 : i32
    %dma_wait3A_47 = tpu.memref_slice %arg2[%dma_wait3A_45, %dma_wait3A_46] : memref<8704x2048xf32, #tpu.memory_space<hbm>> -> memref<8704x2048xf32, #tpu.memory_space<hbm>>
    tpu.wait_indirect_dma semaphore(%arg9 : memref<!tpu.dma_semaphore, #tpu.memory_space<semaphore_mem>>) src(%dma_wait3A_47 : memref<8704x2048xf32, #tpu.memory_space<hbm>>) dst(%arg7 : memref<16x2048xf32, #tpu.memory_space<vmem>>)
    %add3A_48 = arith.constant 16 : i32
    %add3A_49 = arith.addi %mul3A_2, %add3A_48 : i32
    %dma_start3A_50 = arith.constant 0 : i32
    %dma_start3A_51 = tpu.memref_slice %arg4[%add3A_49, %dma_start3A_50] : memref<8192x2048xf32, #tpu.memory_space<hbm>> -> memref<16x2048xf32, #tpu.memory_space<hbm>>
    %dma_start3A_52 = arith.constant 0 : i32
    %dma_start3A_53 = tpu.memref_slice %arg4[%add3A_49, %dma_start3A_52] : memref<8192x2048xf32, #tpu.memory_space<hbm>> -> memref<16x2048xf32, #tpu.memory_space<hbm>>
    tpu.enqueue_dma source(%arg7 : memref<16x2048xf32, #tpu.memory_space<vmem>>) target(%dma_start3A_53 : memref<16x2048xf32, #tpu.memory_space<hbm>>) target_semaphore(%arg11 : memref<!tpu.dma_semaphore, #tpu.memory_space<semaphore_mem>>)
    %dma_wait3A_54 = arith.constant 0 : i32
    %dma_wait3A_55 = tpu.memref_slice %arg4[%add3A_49, %dma_wait3A_54] : memref<8192x2048xf32, #tpu.memory_space<hbm>> -> memref<16x2048xf32, #tpu.memory_space<hbm>>
    %dma_wait3A_56 = arith.constant 0 : i32
    %dma_wait3A_57 = tpu.memref_slice %arg4[%add3A_49, %dma_wait3A_56] : memref<8192x2048xf32, #tpu.memory_space<hbm>> -> memref<16x2048xf32, #tpu.memory_space<hbm>>
    tpu.wait_dma2 semaphore(%arg11 : memref<!tpu.dma_semaphore, #tpu.memory_space<semaphore_mem>>) src(%arg7 : memref<16x2048xf32, #tpu.memory_space<vmem>>) dst(%dma_wait3A_57 : memref<16x2048xf32, #tpu.memory_space<hbm>>)
    %dma_start3A_58 = arith.constant 3 : i32
    %dma_start3A_59 = arith.constant 0 : i32
    %dma_start3A_60 = tpu.memref_slice %arg5[%dma_start3A_58, %dma_start3A_59] : memref<16x16xi32, #tpu.memory_space<vmem>> -> memref<1x16xi32, #tpu.memory_space<vmem>>
    %dma_start3A_61 = tpu.memref_squeeze %dma_start3A_60 : memref<1x16xi32, #tpu.memory_space<vmem>> -> memref<16xi32, #tpu.memory_space<vmem>>
    %dma_start3A_62 = arith.constant 0 : i32
    %dma_start3A_63 = arith.constant 0 : i32
    %dma_start3A_64 = tpu.memref_slice %arg2[%dma_start3A_62, %dma_start3A_63] : memref<8704x2048xf32, #tpu.memory_space<hbm>> -> memref<8704x2048xf32, #tpu.memory_space<hbm>>
    tpu.enqueue_indirect_dma source(%dma_start3A_64 : memref<8704x2048xf32, #tpu.memory_space<hbm>>) target(%arg7 : memref<16x2048xf32, #tpu.memory_space<vmem>>) offsets(%dma_start3A_61 : memref<16xi32, #tpu.memory_space<vmem>>) semaphore(%arg9 : memref<!tpu.dma_semaphore, #tpu.memory_space<semaphore_mem>>)
    %dma_wait3A_65 = arith.constant 2 : i32
    %dma_wait3A_66 = arith.constant 0 : i32
    %dma_wait3A_67 = tpu.memref_slice %arg5[%dma_wait3A_65, %dma_wait3A_66] : memref<16x16xi32, #tpu.memory_space<vmem>> -> memref<1x16xi32, #tpu.memory_space<vmem>>
    %dma_wait3A_68 = tpu.memref_squeeze %dma_wait3A_67 : memref<1x16xi32, #tpu.memory_space<vmem>> -> memref<16xi32, #tpu.memory_space<vmem>>
    %dma_wait3A_69 = arith.constant 0 : i32
    %dma_wait3A_70 = arith.constant 0 : i32
    %dma_wait3A_71 = tpu.memref_slice %arg2[%dma_wait3A_69, %dma_wait3A_70] : memref<8704x2048xf32, #tpu.memory_space<hbm>> -> memref<8704x2048xf32, #tpu.memory_space<hbm>>
    tpu.wait_indirect_dma semaphore(%arg8 : memref<!tpu.dma_semaphore, #tpu.memory_space<semaphore_mem>>) src(%dma_wait3A_71 : memref<8704x2048xf32, #tpu.memory_space<hbm>>) dst(%arg6 : memref<16x2048xf32, #tpu.memory_space<vmem>>)
    %add3A_72 = arith.constant 32 : i32
    %add3A_73 = arith.addi %mul3A_2, %add3A_72 : i32
    %dma_start3A_74 = arith.constant 0 : i32
    %dma_start3A_75 = tpu.memref_slice %arg4[%add3A_73, %dma_start3A_74] : memref<8192x2048xf32, #tpu.memory_space<hbm>> -> memref<16x2048xf32, #tpu.memory_space<hbm>>
    %dma_start3A_76 = arith.constant 0 : i32
    %dma_start3A_77 = tpu.memref_slice %arg4[%add3A_73, %dma_start3A_76] : memref<8192x2048xf32, #tpu.memory_space<hbm>> -> memref<16x2048xf32, #tpu.memory_space<hbm>>
    tpu.enqueue_dma source(%arg6 : memref<16x2048xf32, #tpu.memory_space<vmem>>) target(%dma_start3A_77 : memref<16x2048xf32, #tpu.memory_space<hbm>>) target_semaphore(%arg10 : memref<!tpu.dma_semaphore, #tpu.memory_space<semaphore_mem>>)
    %dma_wait3A_78 = arith.constant 0 : i32
    %dma_wait3A_79 = tpu.memref_slice %arg4[%add3A_73, %dma_wait3A_78] : memref<8192x2048xf32, #tpu.memory_space<hbm>> -> memref<16x2048xf32, #tpu.memory_space<hbm>>
    %dma_wait3A_80 = arith.constant 0 : i32
    %dma_wait3A_81 = tpu.memref_slice %arg4[%add3A_73, %dma_wait3A_80] : memref<8192x2048xf32, #tpu.memory_space<hbm>> -> memref<16x2048xf32, #tpu.memory_space<hbm>>
    tpu.wait_dma2 semaphore(%arg10 : memref<!tpu.dma_semaphore, #tpu.memory_space<semaphore_mem>>) src(%arg6 : memref<16x2048xf32, #tpu.memory_space<vmem>>) dst(%dma_wait3A_81 : memref<16x2048xf32, #tpu.memory_space<hbm>>)
    %dma_start3A_82 = arith.constant 4 : i32
    %dma_start3A_83 = arith.constant 0 : i32
    %dma_start3A_84 = tpu.memref_slice %arg5[%dma_start3A_82, %dma_start3A_83] : memref<16x16xi32, #tpu.memory_space<vmem>> -> memref<1x16xi32, #tpu.memory_space<vmem>>
    %dma_start3A_85 = tpu.memref_squeeze %dma_start3A_84 : memref<1x16xi32, #tpu.memory_space<vmem>> -> memref<16xi32, #tpu.memory_space<vmem>>
    %dma_start3A_86 = arith.constant 0 : i32
    %dma_start3A_87 = arith.constant 0 : i32
    %dma_start3A_88 = tpu.memref_slice %arg2[%dma_start3A_86, %dma_start3A_87] : memref<8704x2048xf32, #tpu.memory_space<hbm>> -> memref<8704x2048xf32, #tpu.memory_space<hbm>>
    tpu.enqueue_indirect_dma source(%dma_start3A_88 : memref<8704x2048xf32, #tpu.memory_space<hbm>>) target(%arg6 : memref<16x2048xf32, #tpu.memory_space<vmem>>) offsets(%dma_start3A_85 : memref<16xi32, #tpu.memory_space<vmem>>) semaphore(%arg8 : memref<!tpu.dma_semaphore, #tpu.memory_space<semaphore_mem>>)
    %dma_wait3A_89 = arith.constant 3 : i32
    %dma_wait3A_90 = arith.constant 0 : i32
    %dma_wait3A_91 = tpu.memref_slice %arg5[%dma_wait3A_89, %dma_wait3A_90] : memref<16x16xi32, #tpu.memory_space<vmem>> -> memref<1x16xi32, #tpu.memory_space<vmem>>
    %dma_wait3A_92 = tpu.memref_squeeze %dma_wait3A_91 : memref<1x16xi32, #tpu.memory_space<vmem>> -> memref<16xi32, #tpu.memory_space<vmem>>
    %dma_wait3A_93 = arith.constant 0 : i32
    %dma_wait3A_94 = arith.constant 0 : i32
    %dma_wait3A_95 = tpu.memref_slice %arg2[%dma_wait3A_93, %dma_wait3A_94] : memref<8704x2048xf32, #tpu.memory_space<hbm>> -> memref<8704x2048xf32, #tpu.memory_space<hbm>>
    tpu.wait_indirect_dma semaphore(%arg9 : memref<!tpu.dma_semaphore, #tpu.memory_space<semaphore_mem>>) src(%dma_wait3A_95 : memref<8704x2048xf32, #tpu.memory_space<hbm>>) dst(%arg7 : memref<16x2048xf32, #tpu.memory_space<vmem>>)
    %add3A_96 = arith.constant 48 : i32
    %add3A_97 = arith.addi %mul3A_2, %add3A_96 : i32
    %dma_start3A_98 = arith.constant 0 : i32
    %dma_start3A_99 = tpu.memref_slice %arg4[%add3A_97, %dma_start3A_98] : memref<8192x2048xf32, #tpu.memory_space<hbm>> -> memref<16x2048xf32, #tpu.memory_space<hbm>>
    %dma_start3A_100 = arith.constant 0 : i32
    %dma_start3A_101 = tpu.memref_slice %arg4[%add3A_97, %dma_start3A_100] : memref<8192x2048xf32, #tpu.memory_space<hbm>> -> memref<16x2048xf32, #tpu.memory_space<hbm>>
    tpu.enqueue_dma source(%arg7 : memref<16x2048xf32, #tpu.memory_space<vmem>>) target(%dma_start3A_101 : memref<16x2048xf32, #tpu.memory_space<hbm>>) target_semaphore(%arg11 : memref<!tpu.dma_semaphore, #tpu.memory_space<semaphore_mem>>)
    %dma_wait3A_102 = arith.constant 0 : i32
    %dma_wait3A_103 = tpu.memref_slice %arg4[%add3A_97, %dma_wait3A_102] : memref<8192x2048xf32, #tpu.memory_space<hbm>> -> memref<16x2048xf32, #tpu.memory_space<hbm>>
    %dma_wait3A_104 = arith.constant 0 : i32
    %dma_wait3A_105 = tpu.memref_slice %arg4[%add3A_97, %dma_wait3A_104] : memref<8192x2048xf32, #tpu.memory_space<hbm>> -> memref<16x2048xf32, #tpu.memory_space<hbm>>
    tpu.wait_dma2 semaphore(%arg11 : memref<!tpu.dma_semaphore, #tpu.memory_space<semaphore_mem>>) src(%arg7 : memref<16x2048xf32, #tpu.memory_space<vmem>>) dst(%dma_wait3A_105 : memref<16x2048xf32, #tpu.memory_space<hbm>>)
    %dma_start3A_106 = arith.constant 5 : i32
    %dma_start3A_107 = arith.constant 0 : i32
    %dma_start3A_108 = tpu.memref_slice %arg5[%dma_start3A_106, %dma_start3A_107] : memref<16x16xi32, #tpu.memory_space<vmem>> -> memref<1x16xi32, #tpu.memory_space<vmem>>
    %dma_start3A_109 = tpu.memref_squeeze %dma_start3A_108 : memref<1x16xi32, #tpu.memory_space<vmem>> -> memref<16xi32, #tpu.memory_space<vmem>>
    %dma_start3A_110 = arith.constant 0 : i32
    %dma_start3A_111 = arith.constant 0 : i32
    %dma_start3A_112 = tpu.memref_slice %arg2[%dma_start3A_110, %dma_start3A_111] : memref<8704x2048xf32, #tpu.memory_space<hbm>> -> memref<8704x2048xf32, #tpu.memory_space<hbm>>
    tpu.enqueue_indirect_dma source(%dma_start3A_112 : memref<8704x2048xf32, #tpu.memory_space<hbm>>) target(%arg7 : memref<16x2048xf32, #tpu.memory_space<vmem>>) offsets(%dma_start3A_109 : memref<16xi32, #tpu.memory_space<vmem>>) semaphore(%arg9 : memref<!tpu.dma_semaphore, #tpu.memory_space<semaphore_mem>>)
    %dma_wait3A_113 = arith.constant 4 : i32
    %dma_wait3A_114 = arith.constant 0 : i32
    %dma_wait3A_115 = tpu.memref_slice %arg5[%dma_wait3A_113, %dma_wait3A_114] : memref<16x16xi32, #tpu.memory_space<vmem>> -> memref<1x16xi32, #tpu.memory_space<vmem>>
    %dma_wait3A_116 = tpu.memref_squeeze %dma_wait3A_115 : memref<1x16xi32, #tpu.memory_space<vmem>> -> memref<16xi32, #tpu.memory_space<vmem>>
    %dma_wait3A_117 = arith.constant 0 : i32
    %dma_wait3A_118 = arith.constant 0 : i32
    %dma_wait3A_119 = tpu.memref_slice %arg2[%dma_wait3A_117, %dma_wait3A_118] : memref<8704x2048xf32, #tpu.memory_space<hbm>> -> memref<8704x2048xf32, #tpu.memory_space<hbm>>
    tpu.wait_indirect_dma semaphore(%arg8 : memref<!tpu.dma_semaphore, #tpu.memory_space<semaphore_mem>>) src(%dma_wait3A_119 : memref<8704x2048xf32, #tpu.memory_space<hbm>>) dst(%arg6 : memref<16x2048xf32, #tpu.memory_space<vmem>>)
    %add3A_120 = arith.constant 64 : i32
    %add3A_121 = arith.addi %mul3A_2, %add3A_120 : i32
    %dma_start3A_122 = arith.constant 0 : i32
    %dma_start3A_123 = tpu.memref_slice %arg4[%add3A_121, %dma_start3A_122] : memref<8192x2048xf32, #tpu.memory_space<hbm>> -> memref<16x2048xf32, #tpu.memory_space<hbm>>
    %dma_start3A_124 = arith.constant 0 : i32
    %dma_start3A_125 = tpu.memref_slice %arg4[%add3A_121, %dma_start3A_124] : memref<8192x2048xf32, #tpu.memory_space<hbm>> -> memref<16x2048xf32, #tpu.memory_space<hbm>>
    tpu.enqueue_dma source(%arg6 : memref<16x2048xf32, #tpu.memory_space<vmem>>) target(%dma_start3A_125 : memref<16x2048xf32, #tpu.memory_space<hbm>>) target_semaphore(%arg10 : memref<!tpu.dma_semaphore, #tpu.memory_space<semaphore_mem>>)
    %dma_wait3A_126 = arith.constant 0 : i32
    %dma_wait3A_127 = tpu.memref_slice %arg4[%add3A_121, %dma_wait3A_126] : memref<8192x2048xf32, #tpu.memory_space<hbm>> -> memref<16x2048xf32, #tpu.memory_space<hbm>>
    %dma_wait3A_128 = arith.constant 0 : i32
    %dma_wait3A_129 = tpu.memref_slice %arg4[%add3A_121, %dma_wait3A_128] : memref<8192x2048xf32, #tpu.memory_space<hbm>> -> memref<16x2048xf32, #tpu.memory_space<hbm>>
    tpu.wait_dma2 semaphore(%arg10 : memref<!tpu.dma_semaphore, #tpu.memory_space<semaphore_mem>>) src(%arg6 : memref<16x2048xf32, #tpu.memory_space<vmem>>) dst(%dma_wait3A_129 : memref<16x2048xf32, #tpu.memory_space<hbm>>)
    %dma_start3A_130 = arith.constant 6 : i32
    %dma_start3A_131 = arith.constant 0 : i32
    %dma_start3A_132 = tpu.memref_slice %arg5[%dma_start3A_130, %dma_start3A_131] : memref<16x16xi32, #tpu.memory_space<vmem>> -> memref<1x16xi32, #tpu.memory_space<vmem>>
    %dma_start3A_133 = tpu.memref_squeeze %dma_start3A_132 : memref<1x16xi32, #tpu.memory_space<vmem>> -> memref<16xi32, #tpu.memory_space<vmem>>
    %dma_start3A_134 = arith.constant 0 : i32
    %dma_start3A_135 = arith.constant 0 : i32
    %dma_start3A_136 = tpu.memref_slice %arg2[%dma_start3A_134, %dma_start3A_135] : memref<8704x2048xf32, #tpu.memory_space<hbm>> -> memref<8704x2048xf32, #tpu.memory_space<hbm>>
    tpu.enqueue_indirect_dma source(%dma_start3A_136 : memref<8704x2048xf32, #tpu.memory_space<hbm>>) target(%arg6 : memref<16x2048xf32, #tpu.memory_space<vmem>>) offsets(%dma_start3A_133 : memref<16xi32, #tpu.memory_space<vmem>>) semaphore(%arg8 : memref<!tpu.dma_semaphore, #tpu.memory_space<semaphore_mem>>)
    %dma_wait3A_137 = arith.constant 5 : i32
    %dma_wait3A_138 = arith.constant 0 : i32
    %dma_wait3A_139 = tpu.memref_slice %arg5[%dma_wait3A_137, %dma_wait3A_138] : memref<16x16xi32, #tpu.memory_space<vmem>> -> memref<1x16xi32, #tpu.memory_space<vmem>>
    %dma_wait3A_140 = tpu.memref_squeeze %dma_wait3A_139 : memref<1x16xi32, #tpu.memory_space<vmem>> -> memref<16xi32, #tpu.memory_space<vmem>>
    %dma_wait3A_141 = arith.constant 0 : i32
    %dma_wait3A_142 = arith.constant 0 : i32
    %dma_wait3A_143 = tpu.memref_slice %arg2[%dma_wait3A_141, %dma_wait3A_142] : memref<8704x2048xf32, #tpu.memory_space<hbm>> -> memref<8704x2048xf32, #tpu.memory_space<hbm>>
    tpu.wait_indirect_dma semaphore(%arg9 : memref<!tpu.dma_semaphore, #tpu.memory_space<semaphore_mem>>) src(%dma_wait3A_143 : memref<8704x2048xf32, #tpu.memory_space<hbm>>) dst(%arg7 : memref<16x2048xf32, #tpu.memory_space<vmem>>)
    %add3A_144 = arith.constant 80 : i32
    %add3A_145 = arith.addi %mul3A_2, %add3A_144 : i32
    %dma_start3A_146 = arith.constant 0 : i32
    %dma_start3A_147 = tpu.memref_slice %arg4[%add3A_145, %dma_start3A_146] : memref<8192x2048xf32, #tpu.memory_space<hbm>> -> memref<16x2048xf32, #tpu.memory_space<hbm>>
    %dma_start3A_148 = arith.constant 0 : i32
    %dma_start3A_149 = tpu.memref_slice %arg4[%add3A_145, %dma_start3A_148] : memref<8192x2048xf32, #tpu.memory_space<hbm>> -> memref<16x2048xf32, #tpu.memory_space<hbm>>
    tpu.enqueue_dma source(%arg7 : memref<16x2048xf32, #tpu.memory_space<vmem>>) target(%dma_start3A_149 : memref<16x2048xf32, #tpu.memory_space<hbm>>) target_semaphore(%arg11 : memref<!tpu.dma_semaphore, #tpu.memory_space<semaphore_mem>>)
    %dma_wait3A_150 = arith.constant 0 : i32
    %dma_wait3A_151 = tpu.memref_slice %arg4[%add3A_145, %dma_wait3A_150] : memref<8192x2048xf32, #tpu.memory_space<hbm>> -> memref<16x2048xf32, #tpu.memory_space<hbm>>
    %dma_wait3A_152 = arith.constant 0 : i32
    %dma_wait3A_153 = tpu.memref_slice %arg4[%add3A_145, %dma_wait3A_152] : memref<8192x2048xf32, #tpu.memory_space<hbm>> -> memref<16x2048xf32, #tpu.memory_space<hbm>>
    tpu.wait_dma2 semaphore(%arg11 : memref<!tpu.dma_semaphore, #tpu.memory_space<semaphore_mem>>) src(%arg7 : memref<16x2048xf32, #tpu.memory_space<vmem>>) dst(%dma_wait3A_153 : memref<16x2048xf32, #tpu.memory_space<hbm>>)
    %dma_start3A_154 = arith.constant 7 : i32
    %dma_start3A_155 = arith.constant 0 : i32
    %dma_start3A_156 = tpu.memref_slice %arg5[%dma_start3A_154, %dma_start3A_155] : memref<16x16xi32, #tpu.memory_space<vmem>> -> memref<1x16xi32, #tpu.memory_space<vmem>>
    %dma_start3A_157 = tpu.memref_squeeze %dma_start3A_156 : memref<1x16xi32, #tpu.memory_space<vmem>> -> memref<16xi32, #tpu.memory_space<vmem>>
    %dma_start3A_158 = arith.constant 0 : i32
    %dma_start3A_159 = arith.constant 0 : i32
    %dma_start3A_160 = tpu.memref_slice %arg2[%dma_start3A_158, %dma_start3A_159] : memref<8704x2048xf32, #tpu.memory_space<hbm>> -> memref<8704x2048xf32, #tpu.memory_space<hbm>>
    tpu.enqueue_indirect_dma source(%dma_start3A_160 : memref<8704x2048xf32, #tpu.memory_space<hbm>>) target(%arg7 : memref<16x2048xf32, #tpu.memory_space<vmem>>) offsets(%dma_start3A_157 : memref<16xi32, #tpu.memory_space<vmem>>) semaphore(%arg9 : memref<!tpu.dma_semaphore, #tpu.memory_space<semaphore_mem>>)
    %dma_wait3A_161 = arith.constant 6 : i32
    %dma_wait3A_162 = arith.constant 0 : i32
    %dma_wait3A_163 = tpu.memref_slice %arg5[%dma_wait3A_161, %dma_wait3A_162] : memref<16x16xi32, #tpu.memory_space<vmem>> -> memref<1x16xi32, #tpu.memory_space<vmem>>
    %dma_wait3A_164 = tpu.memref_squeeze %dma_wait3A_163 : memref<1x16xi32, #tpu.memory_space<vmem>> -> memref<16xi32, #tpu.memory_space<vmem>>
    %dma_wait3A_165 = arith.constant 0 : i32
    %dma_wait3A_166 = arith.constant 0 : i32
    %dma_wait3A_167 = tpu.memref_slice %arg2[%dma_wait3A_165, %dma_wait3A_166] : memref<8704x2048xf32, #tpu.memory_space<hbm>> -> memref<8704x2048xf32, #tpu.memory_space<hbm>>
    tpu.wait_indirect_dma semaphore(%arg8 : memref<!tpu.dma_semaphore, #tpu.memory_space<semaphore_mem>>) src(%dma_wait3A_167 : memref<8704x2048xf32, #tpu.memory_space<hbm>>) dst(%arg6 : memref<16x2048xf32, #tpu.memory_space<vmem>>)
    %add3A_168 = arith.constant 96 : i32
    %add3A_169 = arith.addi %mul3A_2, %add3A_168 : i32
    %dma_start3A_170 = arith.constant 0 : i32
    %dma_start3A_171 = tpu.memref_slice %arg4[%add3A_169, %dma_start3A_170] : memref<8192x2048xf32, #tpu.memory_space<hbm>> -> memref<16x2048xf32, #tpu.memory_space<hbm>>
    %dma_start3A_172 = arith.constant 0 : i32
    %dma_start3A_173 = tpu.memref_slice %arg4[%add3A_169, %dma_start3A_172] : memref<8192x2048xf32, #tpu.memory_space<hbm>> -> memref<16x2048xf32, #tpu.memory_space<hbm>>
    tpu.enqueue_dma source(%arg6 : memref<16x2048xf32, #tpu.memory_space<vmem>>) target(%dma_start3A_173 : memref<16x2048xf32, #tpu.memory_space<hbm>>) target_semaphore(%arg10 : memref<!tpu.dma_semaphore, #tpu.memory_space<semaphore_mem>>)
    %dma_wait3A_174 = arith.constant 0 : i32
    %dma_wait3A_175 = tpu.memref_slice %arg4[%add3A_169, %dma_wait3A_174] : memref<8192x2048xf32, #tpu.memory_space<hbm>> -> memref<16x2048xf32, #tpu.memory_space<hbm>>
    %dma_wait3A_176 = arith.constant 0 : i32
    %dma_wait3A_177 = tpu.memref_slice %arg4[%add3A_169, %dma_wait3A_176] : memref<8192x2048xf32, #tpu.memory_space<hbm>> -> memref<16x2048xf32, #tpu.memory_space<hbm>>
    tpu.wait_dma2 semaphore(%arg10 : memref<!tpu.dma_semaphore, #tpu.memory_space<semaphore_mem>>) src(%arg6 : memref<16x2048xf32, #tpu.memory_space<vmem>>) dst(%dma_wait3A_177 : memref<16x2048xf32, #tpu.memory_space<hbm>>)
    %dma_start3A_178 = arith.constant 8 : i32
    %dma_start3A_179 = arith.constant 0 : i32
    %dma_start3A_180 = tpu.memref_slice %arg5[%dma_start3A_178, %dma_start3A_179] : memref<16x16xi32, #tpu.memory_space<vmem>> -> memref<1x16xi32, #tpu.memory_space<vmem>>
    %dma_start3A_181 = tpu.memref_squeeze %dma_start3A_180 : memref<1x16xi32, #tpu.memory_space<vmem>> -> memref<16xi32, #tpu.memory_space<vmem>>
    %dma_start3A_182 = arith.constant 0 : i32
    %dma_start3A_183 = arith.constant 0 : i32
    %dma_start3A_184 = tpu.memref_slice %arg2[%dma_start3A_182, %dma_start3A_183] : memref<8704x2048xf32, #tpu.memory_space<hbm>> -> memref<8704x2048xf32, #tpu.memory_space<hbm>>
    tpu.enqueue_indirect_dma source(%dma_start3A_184 : memref<8704x2048xf32, #tpu.memory_space<hbm>>) target(%arg6 : memref<16x2048xf32, #tpu.memory_space<vmem>>) offsets(%dma_start3A_181 : memref<16xi32, #tpu.memory_space<vmem>>) semaphore(%arg8 : memref<!tpu.dma_semaphore, #tpu.memory_space<semaphore_mem>>)
    %dma_wait3A_185 = arith.constant 7 : i32
    %dma_wait3A_186 = arith.constant 0 : i32
    %dma_wait3A_187 = tpu.memref_slice %arg5[%dma_wait3A_185, %dma_wait3A_186] : memref<16x16xi32, #tpu.memory_space<vmem>> -> memref<1x16xi32, #tpu.memory_space<vmem>>
    %dma_wait3A_188 = tpu.memref_squeeze %dma_wait3A_187 : memref<1x16xi32, #tpu.memory_space<vmem>> -> memref<16xi32, #tpu.memory_space<vmem>>
    %dma_wait3A_189 = arith.constant 0 : i32
    %dma_wait3A_190 = arith.constant 0 : i32
    %dma_wait3A_191 = tpu.memref_slice %arg2[%dma_wait3A_189, %dma_wait3A_190] : memref<8704x2048xf32, #tpu.memory_space<hbm>> -> memref<8704x2048xf32, #tpu.memory_space<hbm>>
    tpu.wait_indirect_dma semaphore(%arg9 : memref<!tpu.dma_semaphore, #tpu.memory_space<semaphore_mem>>) src(%dma_wait3A_191 : memref<8704x2048xf32, #tpu.memory_space<hbm>>) dst(%arg7 : memref<16x2048xf32, #tpu.memory_space<vmem>>)
    %add3A_192 = arith.constant 112 : i32
    %add3A_193 = arith.addi %mul3A_2, %add3A_192 : i32
    %dma_start3A_194 = arith.constant 0 : i32
    %dma_start3A_195 = tpu.memref_slice %arg4[%add3A_193, %dma_start3A_194] : memref<8192x2048xf32, #tpu.memory_space<hbm>> -> memref<16x2048xf32, #tpu.memory_space<hbm>>
    %dma_start3A_196 = arith.constant 0 : i32
    %dma_start3A_197 = tpu.memref_slice %arg4[%add3A_193, %dma_start3A_196] : memref<8192x2048xf32, #tpu.memory_space<hbm>> -> memref<16x2048xf32, #tpu.memory_space<hbm>>
    tpu.enqueue_dma source(%arg7 : memref<16x2048xf32, #tpu.memory_space<vmem>>) target(%dma_start3A_197 : memref<16x2048xf32, #tpu.memory_space<hbm>>) target_semaphore(%arg11 : memref<!tpu.dma_semaphore, #tpu.memory_space<semaphore_mem>>)
    %dma_wait3A_198 = arith.constant 0 : i32
    %dma_wait3A_199 = tpu.memref_slice %arg4[%add3A_193, %dma_wait3A_198] : memref<8192x2048xf32, #tpu.memory_space<hbm>> -> memref<16x2048xf32, #tpu.memory_space<hbm>>
    %dma_wait3A_200 = arith.constant 0 : i32
    %dma_wait3A_201 = tpu.memref_slice %arg4[%add3A_193, %dma_wait3A_200] : memref<8192x2048xf32, #tpu.memory_space<hbm>> -> memref<16x2048xf32, #tpu.memory_space<hbm>>
    tpu.wait_dma2 semaphore(%arg11 : memref<!tpu.dma_semaphore, #tpu.memory_space<semaphore_mem>>) src(%arg7 : memref<16x2048xf32, #tpu.memory_space<vmem>>) dst(%dma_wait3A_201 : memref<16x2048xf32, #tpu.memory_space<hbm>>)
    %dma_start3A_202 = arith.constant 9 : i32
    %dma_start3A_203 = arith.constant 0 : i32
    %dma_start3A_204 = tpu.memref_slice %arg5[%dma_start3A_202, %dma_start3A_203] : memref<16x16xi32, #tpu.memory_space<vmem>> -> memref<1x16xi32, #tpu.memory_space<vmem>>
    %dma_start3A_205 = tpu.memref_squeeze %dma_start3A_204 : memref<1x16xi32, #tpu.memory_space<vmem>> -> memref<16xi32, #tpu.memory_space<vmem>>
    %dma_start3A_206 = arith.constant 0 : i32
    %dma_start3A_207 = arith.constant 0 : i32
    %dma_start3A_208 = tpu.memref_slice %arg2[%dma_start3A_206, %dma_start3A_207] : memref<8704x2048xf32, #tpu.memory_space<hbm>> -> memref<8704x2048xf32, #tpu.memory_space<hbm>>
    tpu.enqueue_indirect_dma source(%dma_start3A_208 : memref<8704x2048xf32, #tpu.memory_space<hbm>>) target(%arg7 : memref<16x2048xf32, #tpu.memory_space<vmem>>) offsets(%dma_start3A_205 : memref<16xi32, #tpu.memory_space<vmem>>) semaphore(%arg9 : memref<!tpu.dma_semaphore, #tpu.memory_space<semaphore_mem>>)
    %dma_wait3A_209 = arith.constant 8 : i32
    %dma_wait3A_210 = arith.constant 0 : i32
    %dma_wait3A_211 = tpu.memref_slice %arg5[%dma_wait3A_209, %dma_wait3A_210] : memref<16x16xi32, #tpu.memory_space<vmem>> -> memref<1x16xi32, #tpu.memory_space<vmem>>
    %dma_wait3A_212 = tpu.memref_squeeze %dma_wait3A_211 : memref<1x16xi32, #tpu.memory_space<vmem>> -> memref<16xi32, #tpu.memory_space<vmem>>
    %dma_wait3A_213 = arith.constant 0 : i32
    %dma_wait3A_214 = arith.constant 0 : i32
    %dma_wait3A_215 = tpu.memref_slice %arg2[%dma_wait3A_213, %dma_wait3A_214] : memref<8704x2048xf32, #tpu.memory_space<hbm>> -> memref<8704x2048xf32, #tpu.memory_space<hbm>>
    tpu.wait_indirect_dma semaphore(%arg8 : memref<!tpu.dma_semaphore, #tpu.memory_space<semaphore_mem>>) src(%dma_wait3A_215 : memref<8704x2048xf32, #tpu.memory_space<hbm>>) dst(%arg6 : memref<16x2048xf32, #tpu.memory_space<vmem>>)
    %add3A_216 = arith.constant 128 : i32
    %add3A_217 = arith.addi %mul3A_2, %add3A_216 : i32
    %dma_start3A_218 = arith.constant 0 : i32
    %dma_start3A_219 = tpu.memref_slice %arg4[%add3A_217, %dma_start3A_218] : memref<8192x2048xf32, #tpu.memory_space<hbm>> -> memref<16x2048xf32, #tpu.memory_space<hbm>>
    %dma_start3A_220 = arith.constant 0 : i32
    %dma_start3A_221 = tpu.memref_slice %arg4[%add3A_217, %dma_start3A_220] : memref<8192x2048xf32, #tpu.memory_space<hbm>> -> memref<16x2048xf32, #tpu.memory_space<hbm>>
    tpu.enqueue_dma source(%arg6 : memref<16x2048xf32, #tpu.memory_space<vmem>>) target(%dma_start3A_221 : memref<16x2048xf32, #tpu.memory_space<hbm>>) target_semaphore(%arg10 : memref<!tpu.dma_semaphore, #tpu.memory_space<semaphore_mem>>)
    %dma_wait3A_222 = arith.constant 0 : i32
    %dma_wait3A_223 = tpu.memref_slice %arg4[%add3A_217, %dma_wait3A_222] : memref<8192x2048xf32, #tpu.memory_space<hbm>> -> memref<16x2048xf32, #tpu.memory_space<hbm>>
    %dma_wait3A_224 = arith.constant 0 : i32
    %dma_wait3A_225 = tpu.memref_slice %arg4[%add3A_217, %dma_wait3A_224] : memref<8192x2048xf32, #tpu.memory_space<hbm>> -> memref<16x2048xf32, #tpu.memory_space<hbm>>
    tpu.wait_dma2 semaphore(%arg10 : memref<!tpu.dma_semaphore, #tpu.memory_space<semaphore_mem>>) src(%arg6 : memref<16x2048xf32, #tpu.memory_space<vmem>>) dst(%dma_wait3A_225 : memref<16x2048xf32, #tpu.memory_space<hbm>>)
    %dma_start3A_226 = arith.constant 10 : i32
    %dma_start3A_227 = arith.constant 0 : i32
    %dma_start3A_228 = tpu.memref_slice %arg5[%dma_start3A_226, %dma_start3A_227] : memref<16x16xi32, #tpu.memory_space<vmem>> -> memref<1x16xi32, #tpu.memory_space<vmem>>
    %dma_start3A_229 = tpu.memref_squeeze %dma_start3A_228 : memref<1x16xi32, #tpu.memory_space<vmem>> -> memref<16xi32, #tpu.memory_space<vmem>>
    %dma_start3A_230 = arith.constant 0 : i32
    %dma_start3A_231 = arith.constant 0 : i32
    %dma_start3A_232 = tpu.memref_slice %arg2[%dma_start3A_230, %dma_start3A_231] : memref<8704x2048xf32, #tpu.memory_space<hbm>> -> memref<8704x2048xf32, #tpu.memory_space<hbm>>
    tpu.enqueue_indirect_dma source(%dma_start3A_232 : memref<8704x2048xf32, #tpu.memory_space<hbm>>) target(%arg6 : memref<16x2048xf32, #tpu.memory_space<vmem>>) offsets(%dma_start3A_229 : memref<16xi32, #tpu.memory_space<vmem>>) semaphore(%arg8 : memref<!tpu.dma_semaphore, #tpu.memory_space<semaphore_mem>>)
    %dma_wait3A_233 = arith.constant 9 : i32
    %dma_wait3A_234 = arith.constant 0 : i32
    %dma_wait3A_235 = tpu.memref_slice %arg5[%dma_wait3A_233, %dma_wait3A_234] : memref<16x16xi32, #tpu.memory_space<vmem>> -> memref<1x16xi32, #tpu.memory_space<vmem>>
    %dma_wait3A_236 = tpu.memref_squeeze %dma_wait3A_235 : memref<1x16xi32, #tpu.memory_space<vmem>> -> memref<16xi32, #tpu.memory_space<vmem>>
    %dma_wait3A_237 = arith.constant 0 : i32
    %dma_wait3A_238 = arith.constant 0 : i32
    %dma_wait3A_239 = tpu.memref_slice %arg2[%dma_wait3A_237, %dma_wait3A_238] : memref<8704x2048xf32, #tpu.memory_space<hbm>> -> memref<8704x2048xf32, #tpu.memory_space<hbm>>
    tpu.wait_indirect_dma semaphore(%arg9 : memref<!tpu.dma_semaphore, #tpu.memory_space<semaphore_mem>>) src(%dma_wait3A_239 : memref<8704x2048xf32, #tpu.memory_space<hbm>>) dst(%arg7 : memref<16x2048xf32, #tpu.memory_space<vmem>>)
    %add3A_240 = arith.constant 144 : i32
    %add3A_241 = arith.addi %mul3A_2, %add3A_240 : i32
    %dma_start3A_242 = arith.constant 0 : i32
    %dma_start3A_243 = tpu.memref_slice %arg4[%add3A_241, %dma_start3A_242] : memref<8192x2048xf32, #tpu.memory_space<hbm>> -> memref<16x2048xf32, #tpu.memory_space<hbm>>
    %dma_start3A_244 = arith.constant 0 : i32
    %dma_start3A_245 = tpu.memref_slice %arg4[%add3A_241, %dma_start3A_244] : memref<8192x2048xf32, #tpu.memory_space<hbm>> -> memref<16x2048xf32, #tpu.memory_space<hbm>>
    tpu.enqueue_dma source(%arg7 : memref<16x2048xf32, #tpu.memory_space<vmem>>) target(%dma_start3A_245 : memref<16x2048xf32, #tpu.memory_space<hbm>>) target_semaphore(%arg11 : memref<!tpu.dma_semaphore, #tpu.memory_space<semaphore_mem>>)
    %dma_wait3A_246 = arith.constant 0 : i32
    %dma_wait3A_247 = tpu.memref_slice %arg4[%add3A_241, %dma_wait3A_246] : memref<8192x2048xf32, #tpu.memory_space<hbm>> -> memref<16x2048xf32, #tpu.memory_space<hbm>>
    %dma_wait3A_248 = arith.constant 0 : i32
    %dma_wait3A_249 = tpu.memref_slice %arg4[%add3A_241, %dma_wait3A_248] : memref<8192x2048xf32, #tpu.memory_space<hbm>> -> memref<16x2048xf32, #tpu.memory_space<hbm>>
    tpu.wait_dma2 semaphore(%arg11 : memref<!tpu.dma_semaphore, #tpu.memory_space<semaphore_mem>>) src(%arg7 : memref<16x2048xf32, #tpu.memory_space<vmem>>) dst(%dma_wait3A_249 : memref<16x2048xf32, #tpu.memory_space<hbm>>)
    %dma_start3A_250 = arith.constant 11 : i32
    %dma_start3A_251 = arith.constant 0 : i32
    %dma_start3A_252 = tpu.memref_slice %arg5[%dma_start3A_250, %dma_start3A_251] : memref<16x16xi32, #tpu.memory_space<vmem>> -> memref<1x16xi32, #tpu.memory_space<vmem>>
    %dma_start3A_253 = tpu.memref_squeeze %dma_start3A_252 : memref<1x16xi32, #tpu.memory_space<vmem>> -> memref<16xi32, #tpu.memory_space<vmem>>
    %dma_start3A_254 = arith.constant 0 : i32
    %dma_start3A_255 = arith.constant 0 : i32
    %dma_start3A_256 = tpu.memref_slice %arg2[%dma_start3A_254, %dma_start3A_255] : memref<8704x2048xf32, #tpu.memory_space<hbm>> -> memref<8704x2048xf32, #tpu.memory_space<hbm>>
    tpu.enqueue_indirect_dma source(%dma_start3A_256 : memref<8704x2048xf32, #tpu.memory_space<hbm>>) target(%arg7 : memref<16x2048xf32, #tpu.memory_space<vmem>>) offsets(%dma_start3A_253 : memref<16xi32, #tpu.memory_space<vmem>>) semaphore(%arg9 : memref<!tpu.dma_semaphore, #tpu.memory_space<semaphore_mem>>)
    %dma_wait3A_257 = arith.constant 10 : i32
    %dma_wait3A_258 = arith.constant 0 : i32
    %dma_wait3A_259 = tpu.memref_slice %arg5[%dma_wait3A_257, %dma_wait3A_258] : memref<16x16xi32, #tpu.memory_space<vmem>> -> memref<1x16xi32, #tpu.memory_space<vmem>>
    %dma_wait3A_260 = tpu.memref_squeeze %dma_wait3A_259 : memref<1x16xi32, #tpu.memory_space<vmem>> -> memref<16xi32, #tpu.memory_space<vmem>>
    %dma_wait3A_261 = arith.constant 0 : i32
    %dma_wait3A_262 = arith.constant 0 : i32
    %dma_wait3A_263 = tpu.memref_slice %arg2[%dma_wait3A_261, %dma_wait3A_262] : memref<8704x2048xf32, #tpu.memory_space<hbm>> -> memref<8704x2048xf32, #tpu.memory_space<hbm>>
    tpu.wait_indirect_dma semaphore(%arg8 : memref<!tpu.dma_semaphore, #tpu.memory_space<semaphore_mem>>) src(%dma_wait3A_263 : memref<8704x2048xf32, #tpu.memory_space<hbm>>) dst(%arg6 : memref<16x2048xf32, #tpu.memory_space<vmem>>)
    %add3A_264 = arith.constant 160 : i32
    %add3A_265 = arith.addi %mul3A_2, %add3A_264 : i32
    %dma_start3A_266 = arith.constant 0 : i32
    %dma_start3A_267 = tpu.memref_slice %arg4[%add3A_265, %dma_start3A_266] : memref<8192x2048xf32, #tpu.memory_space<hbm>> -> memref<16x2048xf32, #tpu.memory_space<hbm>>
    %dma_start3A_268 = arith.constant 0 : i32
    %dma_start3A_269 = tpu.memref_slice %arg4[%add3A_265, %dma_start3A_268] : memref<8192x2048xf32, #tpu.memory_space<hbm>> -> memref<16x2048xf32, #tpu.memory_space<hbm>>
    tpu.enqueue_dma source(%arg6 : memref<16x2048xf32, #tpu.memory_space<vmem>>) target(%dma_start3A_269 : memref<16x2048xf32, #tpu.memory_space<hbm>>) target_semaphore(%arg10 : memref<!tpu.dma_semaphore, #tpu.memory_space<semaphore_mem>>)
    %dma_wait3A_270 = arith.constant 0 : i32
    %dma_wait3A_271 = tpu.memref_slice %arg4[%add3A_265, %dma_wait3A_270] : memref<8192x2048xf32, #tpu.memory_space<hbm>> -> memref<16x2048xf32, #tpu.memory_space<hbm>>
    %dma_wait3A_272 = arith.constant 0 : i32
    %dma_wait3A_273 = tpu.memref_slice %arg4[%add3A_265, %dma_wait3A_272] : memref<8192x2048xf32, #tpu.memory_space<hbm>> -> memref<16x2048xf32, #tpu.memory_space<hbm>>
    tpu.wait_dma2 semaphore(%arg10 : memref<!tpu.dma_semaphore, #tpu.memory_space<semaphore_mem>>) src(%arg6 : memref<16x2048xf32, #tpu.memory_space<vmem>>) dst(%dma_wait3A_273 : memref<16x2048xf32, #tpu.memory_space<hbm>>)
    %dma_start3A_274 = arith.constant 12 : i32
    %dma_start3A_275 = arith.constant 0 : i32
    %dma_start3A_276 = tpu.memref_slice %arg5[%dma_start3A_274, %dma_start3A_275] : memref<16x16xi32, #tpu.memory_space<vmem>> -> memref<1x16xi32, #tpu.memory_space<vmem>>
    %dma_start3A_277 = tpu.memref_squeeze %dma_start3A_276 : memref<1x16xi32, #tpu.memory_space<vmem>> -> memref<16xi32, #tpu.memory_space<vmem>>
    %dma_start3A_278 = arith.constant 0 : i32
    %dma_start3A_279 = arith.constant 0 : i32
    %dma_start3A_280 = tpu.memref_slice %arg2[%dma_start3A_278, %dma_start3A_279] : memref<8704x2048xf32, #tpu.memory_space<hbm>> -> memref<8704x2048xf32, #tpu.memory_space<hbm>>
    tpu.enqueue_indirect_dma source(%dma_start3A_280 : memref<8704x2048xf32, #tpu.memory_space<hbm>>) target(%arg6 : memref<16x2048xf32, #tpu.memory_space<vmem>>) offsets(%dma_start3A_277 : memref<16xi32, #tpu.memory_space<vmem>>) semaphore(%arg8 : memref<!tpu.dma_semaphore, #tpu.memory_space<semaphore_mem>>)
    %dma_wait3A_281 = arith.constant 11 : i32
    %dma_wait3A_282 = arith.constant 0 : i32
    %dma_wait3A_283 = tpu.memref_slice %arg5[%dma_wait3A_281, %dma_wait3A_282] : memref<16x16xi32, #tpu.memory_space<vmem>> -> memref<1x16xi32, #tpu.memory_space<vmem>>
    %dma_wait3A_284 = tpu.memref_squeeze %dma_wait3A_283 : memref<1x16xi32, #tpu.memory_space<vmem>> -> memref<16xi32, #tpu.memory_space<vmem>>
    %dma_wait3A_285 = arith.constant 0 : i32
    %dma_wait3A_286 = arith.constant 0 : i32
    %dma_wait3A_287 = tpu.memref_slice %arg2[%dma_wait3A_285, %dma_wait3A_286] : memref<8704x2048xf32, #tpu.memory_space<hbm>> -> memref<8704x2048xf32, #tpu.memory_space<hbm>>
    tpu.wait_indirect_dma semaphore(%arg9 : memref<!tpu.dma_semaphore, #tpu.memory_space<semaphore_mem>>) src(%dma_wait3A_287 : memref<8704x2048xf32, #tpu.memory_space<hbm>>) dst(%arg7 : memref<16x2048xf32, #tpu.memory_space<vmem>>)
    %add3A_288 = arith.constant 176 : i32
    %add3A_289 = arith.addi %mul3A_2, %add3A_288 : i32
    %dma_start3A_290 = arith.constant 0 : i32
    %dma_start3A_291 = tpu.memref_slice %arg4[%add3A_289, %dma_start3A_290] : memref<8192x2048xf32, #tpu.memory_space<hbm>> -> memref<16x2048xf32, #tpu.memory_space<hbm>>
    %dma_start3A_292 = arith.constant 0 : i32
    %dma_start3A_293 = tpu.memref_slice %arg4[%add3A_289, %dma_start3A_292] : memref<8192x2048xf32, #tpu.memory_space<hbm>> -> memref<16x2048xf32, #tpu.memory_space<hbm>>
    tpu.enqueue_dma source(%arg7 : memref<16x2048xf32, #tpu.memory_space<vmem>>) target(%dma_start3A_293 : memref<16x2048xf32, #tpu.memory_space<hbm>>) target_semaphore(%arg11 : memref<!tpu.dma_semaphore, #tpu.memory_space<semaphore_mem>>)
    %dma_wait3A_294 = arith.constant 0 : i32
    %dma_wait3A_295 = tpu.memref_slice %arg4[%add3A_289, %dma_wait3A_294] : memref<8192x2048xf32, #tpu.memory_space<hbm>> -> memref<16x2048xf32, #tpu.memory_space<hbm>>
    %dma_wait3A_296 = arith.constant 0 : i32
    %dma_wait3A_297 = tpu.memref_slice %arg4[%add3A_289, %dma_wait3A_296] : memref<8192x2048xf32, #tpu.memory_space<hbm>> -> memref<16x2048xf32, #tpu.memory_space<hbm>>
    tpu.wait_dma2 semaphore(%arg11 : memref<!tpu.dma_semaphore, #tpu.memory_space<semaphore_mem>>) src(%arg7 : memref<16x2048xf32, #tpu.memory_space<vmem>>) dst(%dma_wait3A_297 : memref<16x2048xf32, #tpu.memory_space<hbm>>)
    %dma_start3A_298 = arith.constant 13 : i32
    %dma_start3A_299 = arith.constant 0 : i32
    %dma_start3A_300 = tpu.memref_slice %arg5[%dma_start3A_298, %dma_start3A_299] : memref<16x16xi32, #tpu.memory_space<vmem>> -> memref<1x16xi32, #tpu.memory_space<vmem>>
    %dma_start3A_301 = tpu.memref_squeeze %dma_start3A_300 : memref<1x16xi32, #tpu.memory_space<vmem>> -> memref<16xi32, #tpu.memory_space<vmem>>
    %dma_start3A_302 = arith.constant 0 : i32
    %dma_start3A_303 = arith.constant 0 : i32
    %dma_start3A_304 = tpu.memref_slice %arg2[%dma_start3A_302, %dma_start3A_303] : memref<8704x2048xf32, #tpu.memory_space<hbm>> -> memref<8704x2048xf32, #tpu.memory_space<hbm>>
    tpu.enqueue_indirect_dma source(%dma_start3A_304 : memref<8704x2048xf32, #tpu.memory_space<hbm>>) target(%arg7 : memref<16x2048xf32, #tpu.memory_space<vmem>>) offsets(%dma_start3A_301 : memref<16xi32, #tpu.memory_space<vmem>>) semaphore(%arg9 : memref<!tpu.dma_semaphore, #tpu.memory_space<semaphore_mem>>)
    %dma_wait3A_305 = arith.constant 12 : i32
    %dma_wait3A_306 = arith.constant 0 : i32
    %dma_wait3A_307 = tpu.memref_slice %arg5[%dma_wait3A_305, %dma_wait3A_306] : memref<16x16xi32, #tpu.memory_space<vmem>> -> memref<1x16xi32, #tpu.memory_space<vmem>>
    %dma_wait3A_308 = tpu.memref_squeeze %dma_wait3A_307 : memref<1x16xi32, #tpu.memory_space<vmem>> -> memref<16xi32, #tpu.memory_space<vmem>>
    %dma_wait3A_309 = arith.constant 0 : i32
    %dma_wait3A_310 = arith.constant 0 : i32
    %dma_wait3A_311 = tpu.memref_slice %arg2[%dma_wait3A_309, %dma_wait3A_310] : memref<8704x2048xf32, #tpu.memory_space<hbm>> -> memref<8704x2048xf32, #tpu.memory_space<hbm>>
    tpu.wait_indirect_dma semaphore(%arg8 : memref<!tpu.dma_semaphore, #tpu.memory_space<semaphore_mem>>) src(%dma_wait3A_311 : memref<8704x2048xf32, #tpu.memory_space<hbm>>) dst(%arg6 : memref<16x2048xf32, #tpu.memory_space<vmem>>)
    %add3A_312 = arith.constant 192 : i32
    %add3A_313 = arith.addi %mul3A_2, %add3A_312 : i32
    %dma_start3A_314 = arith.constant 0 : i32
    %dma_start3A_315 = tpu.memref_slice %arg4[%add3A_313, %dma_start3A_314] : memref<8192x2048xf32, #tpu.memory_space<hbm>> -> memref<16x2048xf32, #tpu.memory_space<hbm>>
    %dma_start3A_316 = arith.constant 0 : i32
    %dma_start3A_317 = tpu.memref_slice %arg4[%add3A_313, %dma_start3A_316] : memref<8192x2048xf32, #tpu.memory_space<hbm>> -> memref<16x2048xf32, #tpu.memory_space<hbm>>
    tpu.enqueue_dma source(%arg6 : memref<16x2048xf32, #tpu.memory_space<vmem>>) target(%dma_start3A_317 : memref<16x2048xf32, #tpu.memory_space<hbm>>) target_semaphore(%arg10 : memref<!tpu.dma_semaphore, #tpu.memory_space<semaphore_mem>>)
    %dma_wait3A_318 = arith.constant 0 : i32
    %dma_wait3A_319 = tpu.memref_slice %arg4[%add3A_313, %dma_wait3A_318] : memref<8192x2048xf32, #tpu.memory_space<hbm>> -> memref<16x2048xf32, #tpu.memory_space<hbm>>
    %dma_wait3A_320 = arith.constant 0 : i32
    %dma_wait3A_321 = tpu.memref_slice %arg4[%add3A_313, %dma_wait3A_320] : memref<8192x2048xf32, #tpu.memory_space<hbm>> -> memref<16x2048xf32, #tpu.memory_space<hbm>>
    tpu.wait_dma2 semaphore(%arg10 : memref<!tpu.dma_semaphore, #tpu.memory_space<semaphore_mem>>) src(%arg6 : memref<16x2048xf32, #tpu.memory_space<vmem>>) dst(%dma_wait3A_321 : memref<16x2048xf32, #tpu.memory_space<hbm>>)
    %dma_start3A_322 = arith.constant 14 : i32
    %dma_start3A_323 = arith.constant 0 : i32
    %dma_start3A_324 = tpu.memref_slice %arg5[%dma_start3A_322, %dma_start3A_323] : memref<16x16xi32, #tpu.memory_space<vmem>> -> memref<1x16xi32, #tpu.memory_space<vmem>>
    %dma_start3A_325 = tpu.memref_squeeze %dma_start3A_324 : memref<1x16xi32, #tpu.memory_space<vmem>> -> memref<16xi32, #tpu.memory_space<vmem>>
    %dma_start3A_326 = arith.constant 0 : i32
    %dma_start3A_327 = arith.constant 0 : i32
    %dma_start3A_328 = tpu.memref_slice %arg2[%dma_start3A_326, %dma_start3A_327] : memref<8704x2048xf32, #tpu.memory_space<hbm>> -> memref<8704x2048xf32, #tpu.memory_space<hbm>>
    tpu.enqueue_indirect_dma source(%dma_start3A_328 : memref<8704x2048xf32, #tpu.memory_space<hbm>>) target(%arg6 : memref<16x2048xf32, #tpu.memory_space<vmem>>) offsets(%dma_start3A_325 : memref<16xi32, #tpu.memory_space<vmem>>) semaphore(%arg8 : memref<!tpu.dma_semaphore, #tpu.memory_space<semaphore_mem>>)
    %dma_wait3A_329 = arith.constant 13 : i32
    %dma_wait3A_330 = arith.constant 0 : i32
    %dma_wait3A_331 = tpu.memref_slice %arg5[%dma_wait3A_329, %dma_wait3A_330] : memref<16x16xi32, #tpu.memory_space<vmem>> -> memref<1x16xi32, #tpu.memory_space<vmem>>
    %dma_wait3A_332 = tpu.memref_squeeze %dma_wait3A_331 : memref<1x16xi32, #tpu.memory_space<vmem>> -> memref<16xi32, #tpu.memory_space<vmem>>
    %dma_wait3A_333 = arith.constant 0 : i32
    %dma_wait3A_334 = arith.constant 0 : i32
    %dma_wait3A_335 = tpu.memref_slice %arg2[%dma_wait3A_333, %dma_wait3A_334] : memref<8704x2048xf32, #tpu.memory_space<hbm>> -> memref<8704x2048xf32, #tpu.memory_space<hbm>>
    tpu.wait_indirect_dma semaphore(%arg9 : memref<!tpu.dma_semaphore, #tpu.memory_space<semaphore_mem>>) src(%dma_wait3A_335 : memref<8704x2048xf32, #tpu.memory_space<hbm>>) dst(%arg7 : memref<16x2048xf32, #tpu.memory_space<vmem>>)
    %add3A_336 = arith.constant 208 : i32
    %add3A_337 = arith.addi %mul3A_2, %add3A_336 : i32
    %dma_start3A_338 = arith.constant 0 : i32
    %dma_start3A_339 = tpu.memref_slice %arg4[%add3A_337, %dma_start3A_338] : memref<8192x2048xf32, #tpu.memory_space<hbm>> -> memref<16x2048xf32, #tpu.memory_space<hbm>>
    %dma_start3A_340 = arith.constant 0 : i32
    %dma_start3A_341 = tpu.memref_slice %arg4[%add3A_337, %dma_start3A_340] : memref<8192x2048xf32, #tpu.memory_space<hbm>> -> memref<16x2048xf32, #tpu.memory_space<hbm>>
    tpu.enqueue_dma source(%arg7 : memref<16x2048xf32, #tpu.memory_space<vmem>>) target(%dma_start3A_341 : memref<16x2048xf32, #tpu.memory_space<hbm>>) target_semaphore(%arg11 : memref<!tpu.dma_semaphore, #tpu.memory_space<semaphore_mem>>)
    %dma_wait3A_342 = arith.constant 0 : i32
    %dma_wait3A_343 = tpu.memref_slice %arg4[%add3A_337, %dma_wait3A_342] : memref<8192x2048xf32, #tpu.memory_space<hbm>> -> memref<16x2048xf32, #tpu.memory_space<hbm>>
    %dma_wait3A_344 = arith.constant 0 : i32
    %dma_wait3A_345 = tpu.memref_slice %arg4[%add3A_337, %dma_wait3A_344] : memref<8192x2048xf32, #tpu.memory_space<hbm>> -> memref<16x2048xf32, #tpu.memory_space<hbm>>
    tpu.wait_dma2 semaphore(%arg11 : memref<!tpu.dma_semaphore, #tpu.memory_space<semaphore_mem>>) src(%arg7 : memref<16x2048xf32, #tpu.memory_space<vmem>>) dst(%dma_wait3A_345 : memref<16x2048xf32, #tpu.memory_space<hbm>>)
    %dma_start3A_346 = arith.constant 15 : i32
    %dma_start3A_347 = arith.constant 0 : i32
    %dma_start3A_348 = tpu.memref_slice %arg5[%dma_start3A_346, %dma_start3A_347] : memref<16x16xi32, #tpu.memory_space<vmem>> -> memref<1x16xi32, #tpu.memory_space<vmem>>
    %dma_start3A_349 = tpu.memref_squeeze %dma_start3A_348 : memref<1x16xi32, #tpu.memory_space<vmem>> -> memref<16xi32, #tpu.memory_space<vmem>>
    %dma_start3A_350 = arith.constant 0 : i32
    %dma_start3A_351 = arith.constant 0 : i32
    %dma_start3A_352 = tpu.memref_slice %arg2[%dma_start3A_350, %dma_start3A_351] : memref<8704x2048xf32, #tpu.memory_space<hbm>> -> memref<8704x2048xf32, #tpu.memory_space<hbm>>
    tpu.enqueue_indirect_dma source(%dma_start3A_352 : memref<8704x2048xf32, #tpu.memory_space<hbm>>) target(%arg7 : memref<16x2048xf32, #tpu.memory_space<vmem>>) offsets(%dma_start3A_349 : memref<16xi32, #tpu.memory_space<vmem>>) semaphore(%arg9 : memref<!tpu.dma_semaphore, #tpu.memory_space<semaphore_mem>>)
    %dma_wait3A_353 = arith.constant 14 : i32
    %dma_wait3A_354 = arith.constant 0 : i32
    %dma_wait3A_355 = tpu.memref_slice %arg5[%dma_wait3A_353, %dma_wait3A_354] : memref<16x16xi32, #tpu.memory_space<vmem>> -> memref<1x16xi32, #tpu.memory_space<vmem>>
    %dma_wait3A_356 = tpu.memref_squeeze %dma_wait3A_355 : memref<1x16xi32, #tpu.memory_space<vmem>> -> memref<16xi32, #tpu.memory_space<vmem>>
    %dma_wait3A_357 = arith.constant 0 : i32
    %dma_wait3A_358 = arith.constant 0 : i32
    %dma_wait3A_359 = tpu.memref_slice %arg2[%dma_wait3A_357, %dma_wait3A_358] : memref<8704x2048xf32, #tpu.memory_space<hbm>> -> memref<8704x2048xf32, #tpu.memory_space<hbm>>
    tpu.wait_indirect_dma semaphore(%arg8 : memref<!tpu.dma_semaphore, #tpu.memory_space<semaphore_mem>>) src(%dma_wait3A_359 : memref<8704x2048xf32, #tpu.memory_space<hbm>>) dst(%arg6 : memref<16x2048xf32, #tpu.memory_space<vmem>>)
    %add3A_360 = arith.constant 224 : i32
    %add3A_361 = arith.addi %mul3A_2, %add3A_360 : i32
    %dma_start3A_362 = arith.constant 0 : i32
    %dma_start3A_363 = tpu.memref_slice %arg4[%add3A_361, %dma_start3A_362] : memref<8192x2048xf32, #tpu.memory_space<hbm>> -> memref<16x2048xf32, #tpu.memory_space<hbm>>
    %dma_start3A_364 = arith.constant 0 : i32
    %dma_start3A_365 = tpu.memref_slice %arg4[%add3A_361, %dma_start3A_364] : memref<8192x2048xf32, #tpu.memory_space<hbm>> -> memref<16x2048xf32, #tpu.memory_space<hbm>>
    tpu.enqueue_dma source(%arg6 : memref<16x2048xf32, #tpu.memory_space<vmem>>) target(%dma_start3A_365 : memref<16x2048xf32, #tpu.memory_space<hbm>>) target_semaphore(%arg10 : memref<!tpu.dma_semaphore, #tpu.memory_space<semaphore_mem>>)
    %dma_wait3A_366 = arith.constant 15 : i32
    %dma_wait3A_367 = arith.constant 0 : i32
    %dma_wait3A_368 = tpu.memref_slice %arg5[%dma_wait3A_366, %dma_wait3A_367] : memref<16x16xi32, #tpu.memory_space<vmem>> -> memref<1x16xi32, #tpu.memory_space<vmem>>
    %dma_wait3A_369 = tpu.memref_squeeze %dma_wait3A_368 : memref<1x16xi32, #tpu.memory_space<vmem>> -> memref<16xi32, #tpu.memory_space<vmem>>
    %dma_wait3A_370 = arith.constant 0 : i32
    %dma_wait3A_371 = arith.constant 0 : i32
    %dma_wait3A_372 = tpu.memref_slice %arg2[%dma_wait3A_370, %dma_wait3A_371] : memref<8704x2048xf32, #tpu.memory_space<hbm>> -> memref<8704x2048xf32, #tpu.memory_space<hbm>>
    tpu.wait_indirect_dma semaphore(%arg9 : memref<!tpu.dma_semaphore, #tpu.memory_space<semaphore_mem>>) src(%dma_wait3A_372 : memref<8704x2048xf32, #tpu.memory_space<hbm>>) dst(%arg7 : memref<16x2048xf32, #tpu.memory_space<vmem>>)
    %add3A_373 = arith.constant 240 : i32
    %add3A_374 = arith.addi %mul3A_2, %add3A_373 : i32
    %dma_start3A_375 = arith.constant 0 : i32
    %dma_start3A_376 = tpu.memref_slice %arg4[%add3A_374, %dma_start3A_375] : memref<8192x2048xf32, #tpu.memory_space<hbm>> -> memref<16x2048xf32, #tpu.memory_space<hbm>>
    %dma_start3A_377 = arith.constant 0 : i32
    %dma_start3A_378 = tpu.memref_slice %arg4[%add3A_374, %dma_start3A_377] : memref<8192x2048xf32, #tpu.memory_space<hbm>> -> memref<16x2048xf32, #tpu.memory_space<hbm>>
    tpu.enqueue_dma source(%arg7 : memref<16x2048xf32, #tpu.memory_space<vmem>>) target(%dma_start3A_378 : memref<16x2048xf32, #tpu.memory_space<hbm>>) target_semaphore(%arg11 : memref<!tpu.dma_semaphore, #tpu.memory_space<semaphore_mem>>)
    %dma_wait3A_379 = arith.constant 0 : i32
    %dma_wait3A_380 = tpu.memref_slice %arg4[%add3A_361, %dma_wait3A_379] : memref<8192x2048xf32, #tpu.memory_space<hbm>> -> memref<16x2048xf32, #tpu.memory_space<hbm>>
    %dma_wait3A_381 = arith.constant 0 : i32
    %dma_wait3A_382 = tpu.memref_slice %arg4[%add3A_361, %dma_wait3A_381] : memref<8192x2048xf32, #tpu.memory_space<hbm>> -> memref<16x2048xf32, #tpu.memory_space<hbm>>
    tpu.wait_dma2 semaphore(%arg10 : memref<!tpu.dma_semaphore, #tpu.memory_space<semaphore_mem>>) src(%arg6 : memref<16x2048xf32, #tpu.memory_space<vmem>>) dst(%dma_wait3A_382 : memref<16x2048xf32, #tpu.memory_space<hbm>>)
    %dma_wait3A_383 = arith.constant 0 : i32
    %dma_wait3A_384 = tpu.memref_slice %arg4[%add3A_374, %dma_wait3A_383] : memref<8192x2048xf32, #tpu.memory_space<hbm>> -> memref<16x2048xf32, #tpu.memory_space<hbm>>
    %dma_wait3A_385 = arith.constant 0 : i32
    %dma_wait3A_386 = tpu.memref_slice %arg4[%add3A_374, %dma_wait3A_385] : memref<8192x2048xf32, #tpu.memory_space<hbm>> -> memref<16x2048xf32, #tpu.memory_space<hbm>>
    tpu.wait_dma2 semaphore(%arg11 : memref<!tpu.dma_semaphore, #tpu.memory_space<semaphore_mem>>) src(%arg7 : memref<16x2048xf32, #tpu.memory_space<vmem>>) dst(%dma_wait3A_386 : memref<16x2048xf32, #tpu.memory_space<hbm>>)
    return
  }
}

#map = affine_map<(d0, d1) -> (0)>
#map1 = affine_map<(d0, d1) -> (0, 0)>
module attributes {stable_mosaic.version = 14 : i64} {
  func.func @_route(%arg0: i32, %arg1: i32, %arg2: memref<8192xi32, #tpu.memory_space<hbm>>, %arg3: memref<512x16xi32, #tpu.memory_space<hbm>>, %arg4: memref<16xi32, #tpu.memory_space<hbm>>, %arg5: memref<8192xi32, #tpu.memory_space<vmem>>, %arg6: memref<16x16xi32, #tpu.memory_space<vmem>>, %arg7: memref<16xi32, #tpu.memory_space<vmem>>) attributes {dimension_semantics = [#tpu.dimension_semantics<core_parallel>, #tpu.dimension_semantics<subcore_parallel>], iteration_bounds = array<i64: 2, 16>, scalar_prefetch = 0 : i64, scratch_operands = 3 : i64, tpu.core_type = #tpu.core_type<sc_vector_subcore>, window_params = [{transform_indices = #map}, {transform_indices = #map1}, {transform_indices = #map}]} {
    %mul3A = arith.constant 2 : i32
    %mul3A_0 = arith.muli %arg1, %mul3A : i32
    %add3A = arith.addi %mul3A_0, %arg0 : i32
    %mul3A_1 = arith.constant 256 : i32
    %mul3A_2 = arith.muli %add3A, %mul3A_1 : i32
    "tpu.region"() ({
      %run_scoped3A = tpu.sem_alloc : memref<!tpu.dma_semaphore, #tpu.memory_space<semaphore_mem>>
      tpu.enqueue_dma source(%arg2 : memref<8192xi32, #tpu.memory_space<hbm>>) target(%arg5 : memref<8192xi32, #tpu.memory_space<vmem>>) target_semaphore(%run_scoped3A : memref<!tpu.dma_semaphore, #tpu.memory_space<semaphore_mem>>)
      tpu.wait_dma2 semaphore(%run_scoped3A : memref<!tpu.dma_semaphore, #tpu.memory_space<semaphore_mem>>) src(%arg2 : memref<8192xi32, #tpu.memory_space<hbm>>) dst(%arg5 : memref<8192xi32, #tpu.memory_space<vmem>>)
      tpu.yield
    }) : () -> ()
    %iota3A = tpu.iota {dimensions = array<i32: 0>} : vector<16xi32>
    %mul3A_3 = arith.constant 0 : i32
    %mul3A_4 = vector.broadcast %mul3A_3 : i32 to vector<16xi32>
    %mul3A_5 = arith.muli %iota3A, %mul3A_4 : vector<16xi32>
    %scan3A = arith.constant 0 : i32
    %scan3A_6 = arith.constant 512 : i32
    %scan3A_7 = arith.addi %scan3A, %scan3A_6 : i32
    %scan3A_8 = arith.constant 1 : i32
    %scan3A_9:2 = scf.for %scan3A_600 = %scan3A to %scan3A_7 step %scan3A_8 iter_args(%scan3A_601 = %mul3A_5, %scan3A_602 = %mul3A_5) -> (vector<16xi32>, vector<16xi32>)  : i32 {
      %mul3A_603 = arith.constant 16 : i32
      %mul3A_604 = arith.muli %scan3A_600, %mul3A_603 : i32
      %get3A_605 = arith.index_cast %mul3A_604 : i32 to index
      %get3A_606 = tpu.vector_load %arg5[%get3A_605] {strides = array<i32>} : memref<8192xi32, #tpu.memory_space<vmem>>, vector<16xi32>,
      %and3A_607 = arith.constant 1 : i32
      %and3A_608 = vector.broadcast %and3A_607 : i32 to vector<16xi32>
      %and3A_609 = arith.andi %get3A_606, %and3A_608 : vector<16xi32>
      %add3A_610 = arith.addi %scan3A_601, %and3A_609 : vector<16xi32>
      %mul3A_611 = arith.constant 16 : i32
      %mul3A_612 = arith.muli %add3A, %mul3A_611 : i32
      %lt3A = arith.cmpi slt, %scan3A_600, %mul3A_612 : i32
      %select_n3A_613 = arith.select %lt3A, %and3A_609, %mul3A_5 : vector<16xi32>
      %add3A_614 = arith.addi %scan3A_602, %select_n3A_613 : vector<16xi32>
      scf.yield %add3A_610, %add3A_614 : vector<16xi32>, vector<16xi32>
    }
    %scan3A_10 = arith.constant 512 : i32
    %reduce_sum3A = arith.constant true
    %reduce_sum3A_11 = vector.broadcast %reduce_sum3A : i1 to vector<16xi1>
    %reduce_sum3A_12 = tpu.scan <sum>, %scan3A_9#0 masked %reduce_sum3A_11 : vector<16xi32>, vector<16xi1> -> vector<16xi32>
    %reduce_sum3A_13 = vector.extract %reduce_sum3A_12[15] : i32 from vector<16xi32>
    %reduce_sum3A_14 = arith.constant true
    %reduce_sum3A_15 = vector.broadcast %reduce_sum3A_14 : i1 to vector<16xi1>
    %reduce_sum3A_16 = tpu.scan <sum>, %scan3A_9#1 masked %reduce_sum3A_15 : vector<16xi32>, vector<16xi1> -> vector<16xi32>
    %reduce_sum3A_17 = vector.extract %reduce_sum3A_16[15] : i32 from vector<16xi32>
    %add3A_18 = arith.constant 512 : i32
    %add3A_19 = arith.addi %reduce_sum3A_13, %add3A_18 : i32
    %sub3A = arith.constant 1 : i32
    %sub3A_20 = arith.subi %add3A_19, %sub3A : i32
    %shift_right_arithmetic3A = arith.constant 9 : i32
    %shift_right_arithmetic3A_21 = arith.shrsi %sub3A_20, %shift_right_arithmetic3A : i32
    %shift_left3A = arith.constant 9 : i32
    %shift_left3A_22 = arith.shli %shift_right_arithmetic3A_21, %shift_left3A : i32
    %sub3A_23 = arith.subi %mul3A_2, %reduce_sum3A_17 : i32
    %add3A_24 = arith.constant 0 : i32
    %add3A_25 = arith.addi %mul3A_2, %add3A_24 : i32
    %get3A = arith.index_cast %add3A_25 : i32 to index
    %get3A_26 = tpu.vector_load %arg5[%get3A] {strides = array<i32>} : memref<8192xi32, #tpu.memory_space<vmem>>, vector<16xi32>,
    %and3A = arith.constant 1 : i32
    %and3A_27 = vector.broadcast %and3A : i32 to vector<16xi32>
    %and3A_28 = arith.andi %get3A_26, %and3A_27 : vector<16xi32>
    %broadcast_in_dim3A = arith.constant true
    %broadcast_in_dim3A_29 = vector.broadcast %broadcast_in_dim3A : i1 to vector<16xi1>
    %masked_cumsum3A = tpu.scan <sum>, %and3A_28 masked %broadcast_in_dim3A_29 : vector<16xi32>, vector<16xi1> -> vector<16xi32>
    %sub3A_30 = arith.subi %masked_cumsum3A, %and3A_28 : vector<16xi32>
    %iota3A_31 = tpu.iota {dimensions = array<i32: 0>} : vector<16xi32>
    %add3A_32 = arith.constant 0 : i32
    %add3A_33 = vector.broadcast %add3A_32 : i32 to vector<16xi32>
    %add3A_34 = arith.addi %add3A_33, %iota3A_31 : vector<16xi32>
    %add3A_35 = arith.constant 0 : i32
    %add3A_36 = vector.broadcast %add3A_35 : i32 to vector<16xi32>
    %add3A_37 = arith.addi %add3A_36, %sub3A_30 : vector<16xi32>
    %sub3A_38 = arith.subi %add3A_34, %add3A_37 : vector<16xi32>
    %eq3A = arith.constant 1 : i32
    %eq3A_39 = vector.broadcast %eq3A : i32 to vector<16xi32>
    %eq3A_40 = arith.cmpi eq, %get3A_26, %eq3A_39 : vector<16xi32>
    %add3A_41 = vector.broadcast %reduce_sum3A_17 : i32 to vector<16xi32>
    %add3A_42 = arith.addi %add3A_41, %add3A_37 : vector<16xi32>
    %add3A_43 = arith.addi %shift_left3A_22, %sub3A_23 : i32
    %add3A_44 = vector.broadcast %add3A_43 : i32 to vector<16xi32>
    %add3A_45 = arith.addi %add3A_44, %sub3A_38 : vector<16xi32>
    %select_n3A = arith.select %eq3A_40, %add3A_42, %add3A_45 : vector<16xi1>, vector<16xi32>
    %swap3A = arith.constant 0 : i32
    %swap3A_46 = arith.index_cast %swap3A : i32 to index
    %swap3A_47 = arith.constant 0 : index
    %swap3A_48 = tpu.vector_load %arg6[%swap3A_46, %swap3A_47] {strides = array<i32>} : memref<16x16xi32, #tpu.memory_space<vmem>>, vector<16xi32>,
    tpu.vector_store %arg6[%swap3A_46, %swap3A_47], %select_n3A {strides = array<i32>} : memref<16x16xi32, #tpu.memory_space<vmem>>, vector<16xi32>,
    %reduce_sum3A_49 = arith.constant true
    %reduce_sum3A_50 = vector.broadcast %reduce_sum3A_49 : i1 to vector<16xi1>
    %reduce_sum3A_51 = tpu.scan <sum>, %and3A_28 masked %reduce_sum3A_50 : vector<16xi32>, vector<16xi1> -> vector<16xi32>
    %reduce_sum3A_52 = vector.extract %reduce_sum3A_51[15] : i32 from vector<16xi32>
    %add3A_53 = arith.constant 0 : i32
    %add3A_54 = arith.addi %add3A_53, %reduce_sum3A_52 : i32
    %add3A_55 = arith.constant 16 : i32
    %add3A_56 = arith.addi %mul3A_2, %add3A_55 : i32
    %get3A_57 = arith.index_cast %add3A_56 : i32 to index
    %get3A_58 = tpu.vector_load %arg5[%get3A_57] {strides = array<i32>} : memref<8192xi32, #tpu.memory_space<vmem>>, vector<16xi32>,
    %and3A_59 = arith.constant 1 : i32
    %and3A_60 = vector.broadcast %and3A_59 : i32 to vector<16xi32>
    %and3A_61 = arith.andi %get3A_58, %and3A_60 : vector<16xi32>
    %broadcast_in_dim3A_62 = arith.constant true
    %broadcast_in_dim3A_63 = vector.broadcast %broadcast_in_dim3A_62 : i1 to vector<16xi1>
    %masked_cumsum3A_64 = tpu.scan <sum>, %and3A_61 masked %broadcast_in_dim3A_63 : vector<16xi32>, vector<16xi1> -> vector<16xi32>
    %sub3A_65 = arith.subi %masked_cumsum3A_64, %and3A_61 : vector<16xi32>
    %iota3A_66 = tpu.iota {dimensions = array<i32: 0>} : vector<16xi32>
    %add3A_67 = arith.constant 16 : i32
    %add3A_68 = vector.broadcast %add3A_67 : i32 to vector<16xi32>
    %add3A_69 = arith.addi %add3A_68, %iota3A_66 : vector<16xi32>
    %add3A_70 = vector.broadcast %add3A_54 : i32 to vector<16xi32>
    %add3A_71 = arith.addi %add3A_70, %sub3A_65 : vector<16xi32>
    %sub3A_72 = arith.subi %add3A_69, %add3A_71 : vector<16xi32>
    %eq3A_73 = arith.constant 1 : i32
    %eq3A_74 = vector.broadcast %eq3A_73 : i32 to vector<16xi32>
    %eq3A_75 = arith.cmpi eq, %get3A_58, %eq3A_74 : vector<16xi32>
    %add3A_76 = vector.broadcast %reduce_sum3A_17 : i32 to vector<16xi32>
    %add3A_77 = arith.addi %add3A_76, %add3A_71 : vector<16xi32>
    %add3A_78 = arith.addi %shift_left3A_22, %sub3A_23 : i32
    %add3A_79 = vector.broadcast %add3A_78 : i32 to vector<16xi32>
    %add3A_80 = arith.addi %add3A_79, %sub3A_72 : vector<16xi32>
    %select_n3A_81 = arith.select %eq3A_75, %add3A_77, %add3A_80 : vector<16xi1>, vector<16xi32>
    %swap3A_82 = arith.constant 1 : i32
    %swap3A_83 = arith.index_cast %swap3A_82 : i32 to index
    %swap3A_84 = arith.constant 0 : index
    %swap3A_85 = tpu.vector_load %arg6[%swap3A_83, %swap3A_84] {strides = array<i32>} : memref<16x16xi32, #tpu.memory_space<vmem>>, vector<16xi32>,
    tpu.vector_store %arg6[%swap3A_83, %swap3A_84], %select_n3A_81 {strides = array<i32>} : memref<16x16xi32, #tpu.memory_space<vmem>>, vector<16xi32>,
    %reduce_sum3A_86 = arith.constant true
    %reduce_sum3A_87 = vector.broadcast %reduce_sum3A_86 : i1 to vector<16xi1>
    %reduce_sum3A_88 = tpu.scan <sum>, %and3A_61 masked %reduce_sum3A_87 : vector<16xi32>, vector<16xi1> -> vector<16xi32>
    %reduce_sum3A_89 = vector.extract %reduce_sum3A_88[15] : i32 from vector<16xi32>
    %add3A_90 = arith.addi %add3A_54, %reduce_sum3A_89 : i32
    %add3A_91 = arith.constant 32 : i32
    %add3A_92 = arith.addi %mul3A_2, %add3A_91 : i32
    %get3A_93 = arith.index_cast %add3A_92 : i32 to index
    %get3A_94 = tpu.vector_load %arg5[%get3A_93] {strides = array<i32>} : memref<8192xi32, #tpu.memory_space<vmem>>, vector<16xi32>,
    %and3A_95 = arith.constant 1 : i32
    %and3A_96 = vector.broadcast %and3A_95 : i32 to vector<16xi32>
    %and3A_97 = arith.andi %get3A_94, %and3A_96 : vector<16xi32>
    %broadcast_in_dim3A_98 = arith.constant true
    %broadcast_in_dim3A_99 = vector.broadcast %broadcast_in_dim3A_98 : i1 to vector<16xi1>
    %masked_cumsum3A_100 = tpu.scan <sum>, %and3A_97 masked %broadcast_in_dim3A_99 : vector<16xi32>, vector<16xi1> -> vector<16xi32>
    %sub3A_101 = arith.subi %masked_cumsum3A_100, %and3A_97 : vector<16xi32>
    %iota3A_102 = tpu.iota {dimensions = array<i32: 0>} : vector<16xi32>
    %add3A_103 = arith.constant 32 : i32
    %add3A_104 = vector.broadcast %add3A_103 : i32 to vector<16xi32>
    %add3A_105 = arith.addi %add3A_104, %iota3A_102 : vector<16xi32>
    %add3A_106 = vector.broadcast %add3A_90 : i32 to vector<16xi32>
    %add3A_107 = arith.addi %add3A_106, %sub3A_101 : vector<16xi32>
    %sub3A_108 = arith.subi %add3A_105, %add3A_107 : vector<16xi32>
    %eq3A_109 = arith.constant 1 : i32
    %eq3A_110 = vector.broadcast %eq3A_109 : i32 to vector<16xi32>
    %eq3A_111 = arith.cmpi eq, %get3A_94, %eq3A_110 : vector<16xi32>
    %add3A_112 = vector.broadcast %reduce_sum3A_17 : i32 to vector<16xi32>
    %add3A_113 = arith.addi %add3A_112, %add3A_107 : vector<16xi32>
    %add3A_114 = arith.addi %shift_left3A_22, %sub3A_23 : i32
    %add3A_115 = vector.broadcast %add3A_114 : i32 to vector<16xi32>
    %add3A_116 = arith.addi %add3A_115, %sub3A_108 : vector<16xi32>
    %select_n3A_117 = arith.select %eq3A_111, %add3A_113, %add3A_116 : vector<16xi1>, vector<16xi32>
    %swap3A_118 = arith.constant 2 : i32
    %swap3A_119 = arith.index_cast %swap3A_118 : i32 to index
    %swap3A_120 = arith.constant 0 : index
    %swap3A_121 = tpu.vector_load %arg6[%swap3A_119, %swap3A_120] {strides = array<i32>} : memref<16x16xi32, #tpu.memory_space<vmem>>, vector<16xi32>,
    tpu.vector_store %arg6[%swap3A_119, %swap3A_120], %select_n3A_117 {strides = array<i32>} : memref<16x16xi32, #tpu.memory_space<vmem>>, vector<16xi32>,
    %reduce_sum3A_122 = arith.constant true
    %reduce_sum3A_123 = vector.broadcast %reduce_sum3A_122 : i1 to vector<16xi1>
    %reduce_sum3A_124 = tpu.scan <sum>, %and3A_97 masked %reduce_sum3A_123 : vector<16xi32>, vector<16xi1> -> vector<16xi32>
    %reduce_sum3A_125 = vector.extract %reduce_sum3A_124[15] : i32 from vector<16xi32>
    %add3A_126 = arith.addi %add3A_90, %reduce_sum3A_125 : i32
    %add3A_127 = arith.constant 48 : i32
    %add3A_128 = arith.addi %mul3A_2, %add3A_127 : i32
    %get3A_129 = arith.index_cast %add3A_128 : i32 to index
    %get3A_130 = tpu.vector_load %arg5[%get3A_129] {strides = array<i32>} : memref<8192xi32, #tpu.memory_space<vmem>>, vector<16xi32>,
    %and3A_131 = arith.constant 1 : i32
    %and3A_132 = vector.broadcast %and3A_131 : i32 to vector<16xi32>
    %and3A_133 = arith.andi %get3A_130, %and3A_132 : vector<16xi32>
    %broadcast_in_dim3A_134 = arith.constant true
    %broadcast_in_dim3A_135 = vector.broadcast %broadcast_in_dim3A_134 : i1 to vector<16xi1>
    %masked_cumsum3A_136 = tpu.scan <sum>, %and3A_133 masked %broadcast_in_dim3A_135 : vector<16xi32>, vector<16xi1> -> vector<16xi32>
    %sub3A_137 = arith.subi %masked_cumsum3A_136, %and3A_133 : vector<16xi32>
    %iota3A_138 = tpu.iota {dimensions = array<i32: 0>} : vector<16xi32>
    %add3A_139 = arith.constant 48 : i32
    %add3A_140 = vector.broadcast %add3A_139 : i32 to vector<16xi32>
    %add3A_141 = arith.addi %add3A_140, %iota3A_138 : vector<16xi32>
    %add3A_142 = vector.broadcast %add3A_126 : i32 to vector<16xi32>
    %add3A_143 = arith.addi %add3A_142, %sub3A_137 : vector<16xi32>
    %sub3A_144 = arith.subi %add3A_141, %add3A_143 : vector<16xi32>
    %eq3A_145 = arith.constant 1 : i32
    %eq3A_146 = vector.broadcast %eq3A_145 : i32 to vector<16xi32>
    %eq3A_147 = arith.cmpi eq, %get3A_130, %eq3A_146 : vector<16xi32>
    %add3A_148 = vector.broadcast %reduce_sum3A_17 : i32 to vector<16xi32>
    %add3A_149 = arith.addi %add3A_148, %add3A_143 : vector<16xi32>
    %add3A_150 = arith.addi %shift_left3A_22, %sub3A_23 : i32
    %add3A_151 = vector.broadcast %add3A_150 : i32 to vector<16xi32>
    %add3A_152 = arith.addi %add3A_151, %sub3A_144 : vector<16xi32>
    %select_n3A_153 = arith.select %eq3A_147, %add3A_149, %add3A_152 : vector<16xi1>, vector<16xi32>
    %swap3A_154 = arith.constant 3 : i32
    %swap3A_155 = arith.index_cast %swap3A_154 : i32 to index
    %swap3A_156 = arith.constant 0 : index
    %swap3A_157 = tpu.vector_load %arg6[%swap3A_155, %swap3A_156] {strides = array<i32>} : memref<16x16xi32, #tpu.memory_space<vmem>>, vector<16xi32>,
    tpu.vector_store %arg6[%swap3A_155, %swap3A_156], %select_n3A_153 {strides = array<i32>} : memref<16x16xi32, #tpu.memory_space<vmem>>, vector<16xi32>,
    %reduce_sum3A_158 = arith.constant true
    %reduce_sum3A_159 = vector.broadcast %reduce_sum3A_158 : i1 to vector<16xi1>
    %reduce_sum3A_160 = tpu.scan <sum>, %and3A_133 masked %reduce_sum3A_159 : vector<16xi32>, vector<16xi1> -> vector<16xi32>
    %reduce_sum3A_161 = vector.extract %reduce_sum3A_160[15] : i32 from vector<16xi32>
    %add3A_162 = arith.addi %add3A_126, %reduce_sum3A_161 : i32
    %add3A_163 = arith.constant 64 : i32
    %add3A_164 = arith.addi %mul3A_2, %add3A_163 : i32
    %get3A_165 = arith.index_cast %add3A_164 : i32 to index
    %get3A_166 = tpu.vector_load %arg5[%get3A_165] {strides = array<i32>} : memref<8192xi32, #tpu.memory_space<vmem>>, vector<16xi32>,
    %and3A_167 = arith.constant 1 : i32
    %and3A_168 = vector.broadcast %and3A_167 : i32 to vector<16xi32>
    %and3A_169 = arith.andi %get3A_166, %and3A_168 : vector<16xi32>
    %broadcast_in_dim3A_170 = arith.constant true
    %broadcast_in_dim3A_171 = vector.broadcast %broadcast_in_dim3A_170 : i1 to vector<16xi1>
    %masked_cumsum3A_172 = tpu.scan <sum>, %and3A_169 masked %broadcast_in_dim3A_171 : vector<16xi32>, vector<16xi1> -> vector<16xi32>
    %sub3A_173 = arith.subi %masked_cumsum3A_172, %and3A_169 : vector<16xi32>
    %iota3A_174 = tpu.iota {dimensions = array<i32: 0>} : vector<16xi32>
    %add3A_175 = arith.constant 64 : i32
    %add3A_176 = vector.broadcast %add3A_175 : i32 to vector<16xi32>
    %add3A_177 = arith.addi %add3A_176, %iota3A_174 : vector<16xi32>
    %add3A_178 = vector.broadcast %add3A_162 : i32 to vector<16xi32>
    %add3A_179 = arith.addi %add3A_178, %sub3A_173 : vector<16xi32>
    %sub3A_180 = arith.subi %add3A_177, %add3A_179 : vector<16xi32>
    %eq3A_181 = arith.constant 1 : i32
    %eq3A_182 = vector.broadcast %eq3A_181 : i32 to vector<16xi32>
    %eq3A_183 = arith.cmpi eq, %get3A_166, %eq3A_182 : vector<16xi32>
    %add3A_184 = vector.broadcast %reduce_sum3A_17 : i32 to vector<16xi32>
    %add3A_185 = arith.addi %add3A_184, %add3A_179 : vector<16xi32>
    %add3A_186 = arith.addi %shift_left3A_22, %sub3A_23 : i32
    %add3A_187 = vector.broadcast %add3A_186 : i32 to vector<16xi32>
    %add3A_188 = arith.addi %add3A_187, %sub3A_180 : vector<16xi32>
    %select_n3A_189 = arith.select %eq3A_183, %add3A_185, %add3A_188 : vector<16xi1>, vector<16xi32>
    %swap3A_190 = arith.constant 4 : i32
    %swap3A_191 = arith.index_cast %swap3A_190 : i32 to index
    %swap3A_192 = arith.constant 0 : index
    %swap3A_193 = tpu.vector_load %arg6[%swap3A_191, %swap3A_192] {strides = array<i32>} : memref<16x16xi32, #tpu.memory_space<vmem>>, vector<16xi32>,
    tpu.vector_store %arg6[%swap3A_191, %swap3A_192], %select_n3A_189 {strides = array<i32>} : memref<16x16xi32, #tpu.memory_space<vmem>>, vector<16xi32>,
    %reduce_sum3A_194 = arith.constant true
    %reduce_sum3A_195 = vector.broadcast %reduce_sum3A_194 : i1 to vector<16xi1>
    %reduce_sum3A_196 = tpu.scan <sum>, %and3A_169 masked %reduce_sum3A_195 : vector<16xi32>, vector<16xi1> -> vector<16xi32>
    %reduce_sum3A_197 = vector.extract %reduce_sum3A_196[15] : i32 from vector<16xi32>
    %add3A_198 = arith.addi %add3A_162, %reduce_sum3A_197 : i32
    %add3A_199 = arith.constant 80 : i32
    %add3A_200 = arith.addi %mul3A_2, %add3A_199 : i32
    %get3A_201 = arith.index_cast %add3A_200 : i32 to index
    %get3A_202 = tpu.vector_load %arg5[%get3A_201] {strides = array<i32>} : memref<8192xi32, #tpu.memory_space<vmem>>, vector<16xi32>,
    %and3A_203 = arith.constant 1 : i32
    %and3A_204 = vector.broadcast %and3A_203 : i32 to vector<16xi32>
    %and3A_205 = arith.andi %get3A_202, %and3A_204 : vector<16xi32>
    %broadcast_in_dim3A_206 = arith.constant true
    %broadcast_in_dim3A_207 = vector.broadcast %broadcast_in_dim3A_206 : i1 to vector<16xi1>
    %masked_cumsum3A_208 = tpu.scan <sum>, %and3A_205 masked %broadcast_in_dim3A_207 : vector<16xi32>, vector<16xi1> -> vector<16xi32>
    %sub3A_209 = arith.subi %masked_cumsum3A_208, %and3A_205 : vector<16xi32>
    %iota3A_210 = tpu.iota {dimensions = array<i32: 0>} : vector<16xi32>
    %add3A_211 = arith.constant 80 : i32
    %add3A_212 = vector.broadcast %add3A_211 : i32 to vector<16xi32>
    %add3A_213 = arith.addi %add3A_212, %iota3A_210 : vector<16xi32>
    %add3A_214 = vector.broadcast %add3A_198 : i32 to vector<16xi32>
    %add3A_215 = arith.addi %add3A_214, %sub3A_209 : vector<16xi32>
    %sub3A_216 = arith.subi %add3A_213, %add3A_215 : vector<16xi32>
    %eq3A_217 = arith.constant 1 : i32
    %eq3A_218 = vector.broadcast %eq3A_217 : i32 to vector<16xi32>
    %eq3A_219 = arith.cmpi eq, %get3A_202, %eq3A_218 : vector<16xi32>
    %add3A_220 = vector.broadcast %reduce_sum3A_17 : i32 to vector<16xi32>
    %add3A_221 = arith.addi %add3A_220, %add3A_215 : vector<16xi32>
    %add3A_222 = arith.addi %shift_left3A_22, %sub3A_23 : i32
    %add3A_223 = vector.broadcast %add3A_222 : i32 to vector<16xi32>
    %add3A_224 = arith.addi %add3A_223, %sub3A_216 : vector<16xi32>
    %select_n3A_225 = arith.select %eq3A_219, %add3A_221, %add3A_224 : vector<16xi1>, vector<16xi32>
    %swap3A_226 = arith.constant 5 : i32
    %swap3A_227 = arith.index_cast %swap3A_226 : i32 to index
    %swap3A_228 = arith.constant 0 : index
    %swap3A_229 = tpu.vector_load %arg6[%swap3A_227, %swap3A_228] {strides = array<i32>} : memref<16x16xi32, #tpu.memory_space<vmem>>, vector<16xi32>,
    tpu.vector_store %arg6[%swap3A_227, %swap3A_228], %select_n3A_225 {strides = array<i32>} : memref<16x16xi32, #tpu.memory_space<vmem>>, vector<16xi32>,
    %reduce_sum3A_230 = arith.constant true
    %reduce_sum3A_231 = vector.broadcast %reduce_sum3A_230 : i1 to vector<16xi1>
    %reduce_sum3A_232 = tpu.scan <sum>, %and3A_205 masked %reduce_sum3A_231 : vector<16xi32>, vector<16xi1> -> vector<16xi32>
    %reduce_sum3A_233 = vector.extract %reduce_sum3A_232[15] : i32 from vector<16xi32>
    %add3A_234 = arith.addi %add3A_198, %reduce_sum3A_233 : i32
    %add3A_235 = arith.constant 96 : i32
    %add3A_236 = arith.addi %mul3A_2, %add3A_235 : i32
    %get3A_237 = arith.index_cast %add3A_236 : i32 to index
    %get3A_238 = tpu.vector_load %arg5[%get3A_237] {strides = array<i32>} : memref<8192xi32, #tpu.memory_space<vmem>>, vector<16xi32>,
    %and3A_239 = arith.constant 1 : i32
    %and3A_240 = vector.broadcast %and3A_239 : i32 to vector<16xi32>
    %and3A_241 = arith.andi %get3A_238, %and3A_240 : vector<16xi32>
    %broadcast_in_dim3A_242 = arith.constant true
    %broadcast_in_dim3A_243 = vector.broadcast %broadcast_in_dim3A_242 : i1 to vector<16xi1>
    %masked_cumsum3A_244 = tpu.scan <sum>, %and3A_241 masked %broadcast_in_dim3A_243 : vector<16xi32>, vector<16xi1> -> vector<16xi32>
    %sub3A_245 = arith.subi %masked_cumsum3A_244, %and3A_241 : vector<16xi32>
    %iota3A_246 = tpu.iota {dimensions = array<i32: 0>} : vector<16xi32>
    %add3A_247 = arith.constant 96 : i32
    %add3A_248 = vector.broadcast %add3A_247 : i32 to vector<16xi32>
    %add3A_249 = arith.addi %add3A_248, %iota3A_246 : vector<16xi32>
    %add3A_250 = vector.broadcast %add3A_234 : i32 to vector<16xi32>
    %add3A_251 = arith.addi %add3A_250, %sub3A_245 : vector<16xi32>
    %sub3A_252 = arith.subi %add3A_249, %add3A_251 : vector<16xi32>
    %eq3A_253 = arith.constant 1 : i32
    %eq3A_254 = vector.broadcast %eq3A_253 : i32 to vector<16xi32>
    %eq3A_255 = arith.cmpi eq, %get3A_238, %eq3A_254 : vector<16xi32>
    %add3A_256 = vector.broadcast %reduce_sum3A_17 : i32 to vector<16xi32>
    %add3A_257 = arith.addi %add3A_256, %add3A_251 : vector<16xi32>
    %add3A_258 = arith.addi %shift_left3A_22, %sub3A_23 : i32
    %add3A_259 = vector.broadcast %add3A_258 : i32 to vector<16xi32>
    %add3A_260 = arith.addi %add3A_259, %sub3A_252 : vector<16xi32>
    %select_n3A_261 = arith.select %eq3A_255, %add3A_257, %add3A_260 : vector<16xi1>, vector<16xi32>
    %swap3A_262 = arith.constant 6 : i32
    %swap3A_263 = arith.index_cast %swap3A_262 : i32 to index
    %swap3A_264 = arith.constant 0 : index
    %swap3A_265 = tpu.vector_load %arg6[%swap3A_263, %swap3A_264] {strides = array<i32>} : memref<16x16xi32, #tpu.memory_space<vmem>>, vector<16xi32>,
    tpu.vector_store %arg6[%swap3A_263, %swap3A_264], %select_n3A_261 {strides = array<i32>} : memref<16x16xi32, #tpu.memory_space<vmem>>, vector<16xi32>,
    %reduce_sum3A_266 = arith.constant true
    %reduce_sum3A_267 = vector.broadcast %reduce_sum3A_266 : i1 to vector<16xi1>
    %reduce_sum3A_268 = tpu.scan <sum>, %and3A_241 masked %reduce_sum3A_267 : vector<16xi32>, vector<16xi1> -> vector<16xi32>
    %reduce_sum3A_269 = vector.extract %reduce_sum3A_268[15] : i32 from vector<16xi32>
    %add3A_270 = arith.addi %add3A_234, %reduce_sum3A_269 : i32
    %add3A_271 = arith.constant 112 : i32
    %add3A_272 = arith.addi %mul3A_2, %add3A_271 : i32
    %get3A_273 = arith.index_cast %add3A_272 : i32 to index
    %get3A_274 = tpu.vector_load %arg5[%get3A_273] {strides = array<i32>} : memref<8192xi32, #tpu.memory_space<vmem>>, vector<16xi32>,
    %and3A_275 = arith.constant 1 : i32
    %and3A_276 = vector.broadcast %and3A_275 : i32 to vector<16xi32>
    %and3A_277 = arith.andi %get3A_274, %and3A_276 : vector<16xi32>
    %broadcast_in_dim3A_278 = arith.constant true
    %broadcast_in_dim3A_279 = vector.broadcast %broadcast_in_dim3A_278 : i1 to vector<16xi1>
    %masked_cumsum3A_280 = tpu.scan <sum>, %and3A_277 masked %broadcast_in_dim3A_279 : vector<16xi32>, vector<16xi1> -> vector<16xi32>
    %sub3A_281 = arith.subi %masked_cumsum3A_280, %and3A_277 : vector<16xi32>
    %iota3A_282 = tpu.iota {dimensions = array<i32: 0>} : vector<16xi32>
    %add3A_283 = arith.constant 112 : i32
    %add3A_284 = vector.broadcast %add3A_283 : i32 to vector<16xi32>
    %add3A_285 = arith.addi %add3A_284, %iota3A_282 : vector<16xi32>
    %add3A_286 = vector.broadcast %add3A_270 : i32 to vector<16xi32>
    %add3A_287 = arith.addi %add3A_286, %sub3A_281 : vector<16xi32>
    %sub3A_288 = arith.subi %add3A_285, %add3A_287 : vector<16xi32>
    %eq3A_289 = arith.constant 1 : i32
    %eq3A_290 = vector.broadcast %eq3A_289 : i32 to vector<16xi32>
    %eq3A_291 = arith.cmpi eq, %get3A_274, %eq3A_290 : vector<16xi32>
    %add3A_292 = vector.broadcast %reduce_sum3A_17 : i32 to vector<16xi32>
    %add3A_293 = arith.addi %add3A_292, %add3A_287 : vector<16xi32>
    %add3A_294 = arith.addi %shift_left3A_22, %sub3A_23 : i32
    %add3A_295 = vector.broadcast %add3A_294 : i32 to vector<16xi32>
    %add3A_296 = arith.addi %add3A_295, %sub3A_288 : vector<16xi32>
    %select_n3A_297 = arith.select %eq3A_291, %add3A_293, %add3A_296 : vector<16xi1>, vector<16xi32>
    %swap3A_298 = arith.constant 7 : i32
    %swap3A_299 = arith.index_cast %swap3A_298 : i32 to index
    %swap3A_300 = arith.constant 0 : index
    %swap3A_301 = tpu.vector_load %arg6[%swap3A_299, %swap3A_300] {strides = array<i32>} : memref<16x16xi32, #tpu.memory_space<vmem>>, vector<16xi32>,
    tpu.vector_store %arg6[%swap3A_299, %swap3A_300], %select_n3A_297 {strides = array<i32>} : memref<16x16xi32, #tpu.memory_space<vmem>>, vector<16xi32>,
    %reduce_sum3A_302 = arith.constant true
    %reduce_sum3A_303 = vector.broadcast %reduce_sum3A_302 : i1 to vector<16xi1>
    %reduce_sum3A_304 = tpu.scan <sum>, %and3A_277 masked %reduce_sum3A_303 : vector<16xi32>, vector<16xi1> -> vector<16xi32>
    %reduce_sum3A_305 = vector.extract %reduce_sum3A_304[15] : i32 from vector<16xi32>
    %add3A_306 = arith.addi %add3A_270, %reduce_sum3A_305 : i32
    %add3A_307 = arith.constant 128 : i32
    %add3A_308 = arith.addi %mul3A_2, %add3A_307 : i32
    %get3A_309 = arith.index_cast %add3A_308 : i32 to index
    %get3A_310 = tpu.vector_load %arg5[%get3A_309] {strides = array<i32>} : memref<8192xi32, #tpu.memory_space<vmem>>, vector<16xi32>,
    %and3A_311 = arith.constant 1 : i32
    %and3A_312 = vector.broadcast %and3A_311 : i32 to vector<16xi32>
    %and3A_313 = arith.andi %get3A_310, %and3A_312 : vector<16xi32>
    %broadcast_in_dim3A_314 = arith.constant true
    %broadcast_in_dim3A_315 = vector.broadcast %broadcast_in_dim3A_314 : i1 to vector<16xi1>
    %masked_cumsum3A_316 = tpu.scan <sum>, %and3A_313 masked %broadcast_in_dim3A_315 : vector<16xi32>, vector<16xi1> -> vector<16xi32>
    %sub3A_317 = arith.subi %masked_cumsum3A_316, %and3A_313 : vector<16xi32>
    %iota3A_318 = tpu.iota {dimensions = array<i32: 0>} : vector<16xi32>
    %add3A_319 = arith.constant 128 : i32
    %add3A_320 = vector.broadcast %add3A_319 : i32 to vector<16xi32>
    %add3A_321 = arith.addi %add3A_320, %iota3A_318 : vector<16xi32>
    %add3A_322 = vector.broadcast %add3A_306 : i32 to vector<16xi32>
    %add3A_323 = arith.addi %add3A_322, %sub3A_317 : vector<16xi32>
    %sub3A_324 = arith.subi %add3A_321, %add3A_323 : vector<16xi32>
    %eq3A_325 = arith.constant 1 : i32
    %eq3A_326 = vector.broadcast %eq3A_325 : i32 to vector<16xi32>
    %eq3A_327 = arith.cmpi eq, %get3A_310, %eq3A_326 : vector<16xi32>
    %add3A_328 = vector.broadcast %reduce_sum3A_17 : i32 to vector<16xi32>
    %add3A_329 = arith.addi %add3A_328, %add3A_323 : vector<16xi32>
    %add3A_330 = arith.addi %shift_left3A_22, %sub3A_23 : i32
    %add3A_331 = vector.broadcast %add3A_330 : i32 to vector<16xi32>
    %add3A_332 = arith.addi %add3A_331, %sub3A_324 : vector<16xi32>
    %select_n3A_333 = arith.select %eq3A_327, %add3A_329, %add3A_332 : vector<16xi1>, vector<16xi32>
    %swap3A_334 = arith.constant 8 : i32
    %swap3A_335 = arith.index_cast %swap3A_334 : i32 to index
    %swap3A_336 = arith.constant 0 : index
    %swap3A_337 = tpu.vector_load %arg6[%swap3A_335, %swap3A_336] {strides = array<i32>} : memref<16x16xi32, #tpu.memory_space<vmem>>, vector<16xi32>,
    tpu.vector_store %arg6[%swap3A_335, %swap3A_336], %select_n3A_333 {strides = array<i32>} : memref<16x16xi32, #tpu.memory_space<vmem>>, vector<16xi32>,
    %reduce_sum3A_338 = arith.constant true
    %reduce_sum3A_339 = vector.broadcast %reduce_sum3A_338 : i1 to vector<16xi1>
    %reduce_sum3A_340 = tpu.scan <sum>, %and3A_313 masked %reduce_sum3A_339 : vector<16xi32>, vector<16xi1> -> vector<16xi32>
    %reduce_sum3A_341 = vector.extract %reduce_sum3A_340[15] : i32 from vector<16xi32>
    %add3A_342 = arith.addi %add3A_306, %reduce_sum3A_341 : i32
    %add3A_343 = arith.constant 144 : i32
    %add3A_344 = arith.addi %mul3A_2, %add3A_343 : i32
    %get3A_345 = arith.index_cast %add3A_344 : i32 to index
    %get3A_346 = tpu.vector_load %arg5[%get3A_345] {strides = array<i32>} : memref<8192xi32, #tpu.memory_space<vmem>>, vector<16xi32>,
    %and3A_347 = arith.constant 1 : i32
    %and3A_348 = vector.broadcast %and3A_347 : i32 to vector<16xi32>
    %and3A_349 = arith.andi %get3A_346, %and3A_348 : vector<16xi32>
    %broadcast_in_dim3A_350 = arith.constant true
    %broadcast_in_dim3A_351 = vector.broadcast %broadcast_in_dim3A_350 : i1 to vector<16xi1>
    %masked_cumsum3A_352 = tpu.scan <sum>, %and3A_349 masked %broadcast_in_dim3A_351 : vector<16xi32>, vector<16xi1> -> vector<16xi32>
    %sub3A_353 = arith.subi %masked_cumsum3A_352, %and3A_349 : vector<16xi32>
    %iota3A_354 = tpu.iota {dimensions = array<i32: 0>} : vector<16xi32>
    %add3A_355 = arith.constant 144 : i32
    %add3A_356 = vector.broadcast %add3A_355 : i32 to vector<16xi32>
    %add3A_357 = arith.addi %add3A_356, %iota3A_354 : vector<16xi32>
    %add3A_358 = vector.broadcast %add3A_342 : i32 to vector<16xi32>
    %add3A_359 = arith.addi %add3A_358, %sub3A_353 : vector<16xi32>
    %sub3A_360 = arith.subi %add3A_357, %add3A_359 : vector<16xi32>
    %eq3A_361 = arith.constant 1 : i32
    %eq3A_362 = vector.broadcast %eq3A_361 : i32 to vector<16xi32>
    %eq3A_363 = arith.cmpi eq, %get3A_346, %eq3A_362 : vector<16xi32>
    %add3A_364 = vector.broadcast %reduce_sum3A_17 : i32 to vector<16xi32>
    %add3A_365 = arith.addi %add3A_364, %add3A_359 : vector<16xi32>
    %add3A_366 = arith.addi %shift_left3A_22, %sub3A_23 : i32
    %add3A_367 = vector.broadcast %add3A_366 : i32 to vector<16xi32>
    %add3A_368 = arith.addi %add3A_367, %sub3A_360 : vector<16xi32>
    %select_n3A_369 = arith.select %eq3A_363, %add3A_365, %add3A_368 : vector<16xi1>, vector<16xi32>
    %swap3A_370 = arith.constant 9 : i32
    %swap3A_371 = arith.index_cast %swap3A_370 : i32 to index
    %swap3A_372 = arith.constant 0 : index
    %swap3A_373 = tpu.vector_load %arg6[%swap3A_371, %swap3A_372] {strides = array<i32>} : memref<16x16xi32, #tpu.memory_space<vmem>>, vector<16xi32>,
    tpu.vector_store %arg6[%swap3A_371, %swap3A_372], %select_n3A_369 {strides = array<i32>} : memref<16x16xi32, #tpu.memory_space<vmem>>, vector<16xi32>,
    %reduce_sum3A_374 = arith.constant true
    %reduce_sum3A_375 = vector.broadcast %reduce_sum3A_374 : i1 to vector<16xi1>
    %reduce_sum3A_376 = tpu.scan <sum>, %and3A_349 masked %reduce_sum3A_375 : vector<16xi32>, vector<16xi1> -> vector<16xi32>
    %reduce_sum3A_377 = vector.extract %reduce_sum3A_376[15] : i32 from vector<16xi32>
    %add3A_378 = arith.addi %add3A_342, %reduce_sum3A_377 : i32
    %add3A_379 = arith.constant 160 : i32
    %add3A_380 = arith.addi %mul3A_2, %add3A_379 : i32
    %get3A_381 = arith.index_cast %add3A_380 : i32 to index
    %get3A_382 = tpu.vector_load %arg5[%get3A_381] {strides = array<i32>} : memref<8192xi32, #tpu.memory_space<vmem>>, vector<16xi32>,
    %and3A_383 = arith.constant 1 : i32
    %and3A_384 = vector.broadcast %and3A_383 : i32 to vector<16xi32>
    %and3A_385 = arith.andi %get3A_382, %and3A_384 : vector<16xi32>
    %broadcast_in_dim3A_386 = arith.constant true
    %broadcast_in_dim3A_387 = vector.broadcast %broadcast_in_dim3A_386 : i1 to vector<16xi1>
    %masked_cumsum3A_388 = tpu.scan <sum>, %and3A_385 masked %broadcast_in_dim3A_387 : vector<16xi32>, vector<16xi1> -> vector<16xi32>
    %sub3A_389 = arith.subi %masked_cumsum3A_388, %and3A_385 : vector<16xi32>
    %iota3A_390 = tpu.iota {dimensions = array<i32: 0>} : vector<16xi32>
    %add3A_391 = arith.constant 160 : i32
    %add3A_392 = vector.broadcast %add3A_391 : i32 to vector<16xi32>
    %add3A_393 = arith.addi %add3A_392, %iota3A_390 : vector<16xi32>
    %add3A_394 = vector.broadcast %add3A_378 : i32 to vector<16xi32>
    %add3A_395 = arith.addi %add3A_394, %sub3A_389 : vector<16xi32>
    %sub3A_396 = arith.subi %add3A_393, %add3A_395 : vector<16xi32>
    %eq3A_397 = arith.constant 1 : i32
    %eq3A_398 = vector.broadcast %eq3A_397 : i32 to vector<16xi32>
    %eq3A_399 = arith.cmpi eq, %get3A_382, %eq3A_398 : vector<16xi32>
    %add3A_400 = vector.broadcast %reduce_sum3A_17 : i32 to vector<16xi32>
    %add3A_401 = arith.addi %add3A_400, %add3A_395 : vector<16xi32>
    %add3A_402 = arith.addi %shift_left3A_22, %sub3A_23 : i32
    %add3A_403 = vector.broadcast %add3A_402 : i32 to vector<16xi32>
    %add3A_404 = arith.addi %add3A_403, %sub3A_396 : vector<16xi32>
    %select_n3A_405 = arith.select %eq3A_399, %add3A_401, %add3A_404 : vector<16xi1>, vector<16xi32>
    %swap3A_406 = arith.constant 10 : i32
    %swap3A_407 = arith.index_cast %swap3A_406 : i32 to index
    %swap3A_408 = arith.constant 0 : index
    %swap3A_409 = tpu.vector_load %arg6[%swap3A_407, %swap3A_408] {strides = array<i32>} : memref<16x16xi32, #tpu.memory_space<vmem>>, vector<16xi32>,
    tpu.vector_store %arg6[%swap3A_407, %swap3A_408], %select_n3A_405 {strides = array<i32>} : memref<16x16xi32, #tpu.memory_space<vmem>>, vector<16xi32>,
    %reduce_sum3A_410 = arith.constant true
    %reduce_sum3A_411 = vector.broadcast %reduce_sum3A_410 : i1 to vector<16xi1>
    %reduce_sum3A_412 = tpu.scan <sum>, %and3A_385 masked %reduce_sum3A_411 : vector<16xi32>, vector<16xi1> -> vector<16xi32>
    %reduce_sum3A_413 = vector.extract %reduce_sum3A_412[15] : i32 from vector<16xi32>
    %add3A_414 = arith.addi %add3A_378, %reduce_sum3A_413 : i32
    %add3A_415 = arith.constant 176 : i32
    %add3A_416 = arith.addi %mul3A_2, %add3A_415 : i32
    %get3A_417 = arith.index_cast %add3A_416 : i32 to index
    %get3A_418 = tpu.vector_load %arg5[%get3A_417] {strides = array<i32>} : memref<8192xi32, #tpu.memory_space<vmem>>, vector<16xi32>,
    %and3A_419 = arith.constant 1 : i32
    %and3A_420 = vector.broadcast %and3A_419 : i32 to vector<16xi32>
    %and3A_421 = arith.andi %get3A_418, %and3A_420 : vector<16xi32>
    %broadcast_in_dim3A_422 = arith.constant true
    %broadcast_in_dim3A_423 = vector.broadcast %broadcast_in_dim3A_422 : i1 to vector<16xi1>
    %masked_cumsum3A_424 = tpu.scan <sum>, %and3A_421 masked %broadcast_in_dim3A_423 : vector<16xi32>, vector<16xi1> -> vector<16xi32>
    %sub3A_425 = arith.subi %masked_cumsum3A_424, %and3A_421 : vector<16xi32>
    %iota3A_426 = tpu.iota {dimensions = array<i32: 0>} : vector<16xi32>
    %add3A_427 = arith.constant 176 : i32
    %add3A_428 = vector.broadcast %add3A_427 : i32 to vector<16xi32>
    %add3A_429 = arith.addi %add3A_428, %iota3A_426 : vector<16xi32>
    %add3A_430 = vector.broadcast %add3A_414 : i32 to vector<16xi32>
    %add3A_431 = arith.addi %add3A_430, %sub3A_425 : vector<16xi32>
    %sub3A_432 = arith.subi %add3A_429, %add3A_431 : vector<16xi32>
    %eq3A_433 = arith.constant 1 : i32
    %eq3A_434 = vector.broadcast %eq3A_433 : i32 to vector<16xi32>
    %eq3A_435 = arith.cmpi eq, %get3A_418, %eq3A_434 : vector<16xi32>
    %add3A_436 = vector.broadcast %reduce_sum3A_17 : i32 to vector<16xi32>
    %add3A_437 = arith.addi %add3A_436, %add3A_431 : vector<16xi32>
    %add3A_438 = arith.addi %shift_left3A_22, %sub3A_23 : i32
    %add3A_439 = vector.broadcast %add3A_438 : i32 to vector<16xi32>
    %add3A_440 = arith.addi %add3A_439, %sub3A_432 : vector<16xi32>
    %select_n3A_441 = arith.select %eq3A_435, %add3A_437, %add3A_440 : vector<16xi1>, vector<16xi32>
    %swap3A_442 = arith.constant 11 : i32
    %swap3A_443 = arith.index_cast %swap3A_442 : i32 to index
    %swap3A_444 = arith.constant 0 : index
    %swap3A_445 = tpu.vector_load %arg6[%swap3A_443, %swap3A_444] {strides = array<i32>} : memref<16x16xi32, #tpu.memory_space<vmem>>, vector<16xi32>,
    tpu.vector_store %arg6[%swap3A_443, %swap3A_444], %select_n3A_441 {strides = array<i32>} : memref<16x16xi32, #tpu.memory_space<vmem>>, vector<16xi32>,
    %reduce_sum3A_446 = arith.constant true
    %reduce_sum3A_447 = vector.broadcast %reduce_sum3A_446 : i1 to vector<16xi1>
    %reduce_sum3A_448 = tpu.scan <sum>, %and3A_421 masked %reduce_sum3A_447 : vector<16xi32>, vector<16xi1> -> vector<16xi32>
    %reduce_sum3A_449 = vector.extract %reduce_sum3A_448[15] : i32 from vector<16xi32>
    %add3A_450 = arith.addi %add3A_414, %reduce_sum3A_449 : i32
    %add3A_451 = arith.constant 192 : i32
    %add3A_452 = arith.addi %mul3A_2, %add3A_451 : i32
    %get3A_453 = arith.index_cast %add3A_452 : i32 to index
    %get3A_454 = tpu.vector_load %arg5[%get3A_453] {strides = array<i32>} : memref<8192xi32, #tpu.memory_space<vmem>>, vector<16xi32>,
    %and3A_455 = arith.constant 1 : i32
    %and3A_456 = vector.broadcast %and3A_455 : i32 to vector<16xi32>
    %and3A_457 = arith.andi %get3A_454, %and3A_456 : vector<16xi32>
    %broadcast_in_dim3A_458 = arith.constant true
    %broadcast_in_dim3A_459 = vector.broadcast %broadcast_in_dim3A_458 : i1 to vector<16xi1>
    %masked_cumsum3A_460 = tpu.scan <sum>, %and3A_457 masked %broadcast_in_dim3A_459 : vector<16xi32>, vector<16xi1> -> vector<16xi32>
    %sub3A_461 = arith.subi %masked_cumsum3A_460, %and3A_457 : vector<16xi32>
    %iota3A_462 = tpu.iota {dimensions = array<i32: 0>} : vector<16xi32>
    %add3A_463 = arith.constant 192 : i32
    %add3A_464 = vector.broadcast %add3A_463 : i32 to vector<16xi32>
    %add3A_465 = arith.addi %add3A_464, %iota3A_462 : vector<16xi32>
    %add3A_466 = vector.broadcast %add3A_450 : i32 to vector<16xi32>
    %add3A_467 = arith.addi %add3A_466, %sub3A_461 : vector<16xi32>
    %sub3A_468 = arith.subi %add3A_465, %add3A_467 : vector<16xi32>
    %eq3A_469 = arith.constant 1 : i32
    %eq3A_470 = vector.broadcast %eq3A_469 : i32 to vector<16xi32>
    %eq3A_471 = arith.cmpi eq, %get3A_454, %eq3A_470 : vector<16xi32>
    %add3A_472 = vector.broadcast %reduce_sum3A_17 : i32 to vector<16xi32>
    %add3A_473 = arith.addi %add3A_472, %add3A_467 : vector<16xi32>
    %add3A_474 = arith.addi %shift_left3A_22, %sub3A_23 : i32
    %add3A_475 = vector.broadcast %add3A_474 : i32 to vector<16xi32>
    %add3A_476 = arith.addi %add3A_475, %sub3A_468 : vector<16xi32>
    %select_n3A_477 = arith.select %eq3A_471, %add3A_473, %add3A_476 : vector<16xi1>, vector<16xi32>
    %swap3A_478 = arith.constant 12 : i32
    %swap3A_479 = arith.index_cast %swap3A_478 : i32 to index
    %swap3A_480 = arith.constant 0 : index
    %swap3A_481 = tpu.vector_load %arg6[%swap3A_479, %swap3A_480] {strides = array<i32>} : memref<16x16xi32, #tpu.memory_space<vmem>>, vector<16xi32>,
    tpu.vector_store %arg6[%swap3A_479, %swap3A_480], %select_n3A_477 {strides = array<i32>} : memref<16x16xi32, #tpu.memory_space<vmem>>, vector<16xi32>,
    %reduce_sum3A_482 = arith.constant true
    %reduce_sum3A_483 = vector.broadcast %reduce_sum3A_482 : i1 to vector<16xi1>
    %reduce_sum3A_484 = tpu.scan <sum>, %and3A_457 masked %reduce_sum3A_483 : vector<16xi32>, vector<16xi1> -> vector<16xi32>
    %reduce_sum3A_485 = vector.extract %reduce_sum3A_484[15] : i32 from vector<16xi32>
    %add3A_486 = arith.addi %add3A_450, %reduce_sum3A_485 : i32
    %add3A_487 = arith.constant 208 : i32
    %add3A_488 = arith.addi %mul3A_2, %add3A_487 : i32
    %get3A_489 = arith.index_cast %add3A_488 : i32 to index
    %get3A_490 = tpu.vector_load %arg5[%get3A_489] {strides = array<i32>} : memref<8192xi32, #tpu.memory_space<vmem>>, vector<16xi32>,
    %and3A_491 = arith.constant 1 : i32
    %and3A_492 = vector.broadcast %and3A_491 : i32 to vector<16xi32>
    %and3A_493 = arith.andi %get3A_490, %and3A_492 : vector<16xi32>
    %broadcast_in_dim3A_494 = arith.constant true
    %broadcast_in_dim3A_495 = vector.broadcast %broadcast_in_dim3A_494 : i1 to vector<16xi1>
    %masked_cumsum3A_496 = tpu.scan <sum>, %and3A_493 masked %broadcast_in_dim3A_495 : vector<16xi32>, vector<16xi1> -> vector<16xi32>
    %sub3A_497 = arith.subi %masked_cumsum3A_496, %and3A_493 : vector<16xi32>
    %iota3A_498 = tpu.iota {dimensions = array<i32: 0>} : vector<16xi32>
    %add3A_499 = arith.constant 208 : i32
    %add3A_500 = vector.broadcast %add3A_499 : i32 to vector<16xi32>
    %add3A_501 = arith.addi %add3A_500, %iota3A_498 : vector<16xi32>
    %add3A_502 = vector.broadcast %add3A_486 : i32 to vector<16xi32>
    %add3A_503 = arith.addi %add3A_502, %sub3A_497 : vector<16xi32>
    %sub3A_504 = arith.subi %add3A_501, %add3A_503 : vector<16xi32>
    %eq3A_505 = arith.constant 1 : i32
    %eq3A_506 = vector.broadcast %eq3A_505 : i32 to vector<16xi32>
    %eq3A_507 = arith.cmpi eq, %get3A_490, %eq3A_506 : vector<16xi32>
    %add3A_508 = vector.broadcast %reduce_sum3A_17 : i32 to vector<16xi32>
    %add3A_509 = arith.addi %add3A_508, %add3A_503 : vector<16xi32>
    %add3A_510 = arith.addi %shift_left3A_22, %sub3A_23 : i32
    %add3A_511 = vector.broadcast %add3A_510 : i32 to vector<16xi32>
    %add3A_512 = arith.addi %add3A_511, %sub3A_504 : vector<16xi32>
    %select_n3A_513 = arith.select %eq3A_507, %add3A_509, %add3A_512 : vector<16xi1>, vector<16xi32>
    %swap3A_514 = arith.constant 13 : i32
    %swap3A_515 = arith.index_cast %swap3A_514 : i32 to index
    %swap3A_516 = arith.constant 0 : index
    %swap3A_517 = tpu.vector_load %arg6[%swap3A_515, %swap3A_516] {strides = array<i32>} : memref<16x16xi32, #tpu.memory_space<vmem>>, vector<16xi32>,
    tpu.vector_store %arg6[%swap3A_515, %swap3A_516], %select_n3A_513 {strides = array<i32>} : memref<16x16xi32, #tpu.memory_space<vmem>>, vector<16xi32>,
    %reduce_sum3A_518 = arith.constant true
    %reduce_sum3A_519 = vector.broadcast %reduce_sum3A_518 : i1 to vector<16xi1>
    %reduce_sum3A_520 = tpu.scan <sum>, %and3A_493 masked %reduce_sum3A_519 : vector<16xi32>, vector<16xi1> -> vector<16xi32>
    %reduce_sum3A_521 = vector.extract %reduce_sum3A_520[15] : i32 from vector<16xi32>
    %add3A_522 = arith.addi %add3A_486, %reduce_sum3A_521 : i32
    %add3A_523 = arith.constant 224 : i32
    %add3A_524 = arith.addi %mul3A_2, %add3A_523 : i32
    %get3A_525 = arith.index_cast %add3A_524 : i32 to index
    %get3A_526 = tpu.vector_load %arg5[%get3A_525] {strides = array<i32>} : memref<8192xi32, #tpu.memory_space<vmem>>, vector<16xi32>,
    %and3A_527 = arith.constant 1 : i32
    %and3A_528 = vector.broadcast %and3A_527 : i32 to vector<16xi32>
    %and3A_529 = arith.andi %get3A_526, %and3A_528 : vector<16xi32>
    %broadcast_in_dim3A_530 = arith.constant true
    %broadcast_in_dim3A_531 = vector.broadcast %broadcast_in_dim3A_530 : i1 to vector<16xi1>
    %masked_cumsum3A_532 = tpu.scan <sum>, %and3A_529 masked %broadcast_in_dim3A_531 : vector<16xi32>, vector<16xi1> -> vector<16xi32>
    %sub3A_533 = arith.subi %masked_cumsum3A_532, %and3A_529 : vector<16xi32>
    %iota3A_534 = tpu.iota {dimensions = array<i32: 0>} : vector<16xi32>
    %add3A_535 = arith.constant 224 : i32
    %add3A_536 = vector.broadcast %add3A_535 : i32 to vector<16xi32>
    %add3A_537 = arith.addi %add3A_536, %iota3A_534 : vector<16xi32>
    %add3A_538 = vector.broadcast %add3A_522 : i32 to vector<16xi32>
    %add3A_539 = arith.addi %add3A_538, %sub3A_533 : vector<16xi32>
    %sub3A_540 = arith.subi %add3A_537, %add3A_539 : vector<16xi32>
    %eq3A_541 = arith.constant 1 : i32
    %eq3A_542 = vector.broadcast %eq3A_541 : i32 to vector<16xi32>
    %eq3A_543 = arith.cmpi eq, %get3A_526, %eq3A_542 : vector<16xi32>
    %add3A_544 = vector.broadcast %reduce_sum3A_17 : i32 to vector<16xi32>
    %add3A_545 = arith.addi %add3A_544, %add3A_539 : vector<16xi32>
    %add3A_546 = arith.addi %shift_left3A_22, %sub3A_23 : i32
    %add3A_547 = vector.broadcast %add3A_546 : i32 to vector<16xi32>
    %add3A_548 = arith.addi %add3A_547, %sub3A_540 : vector<16xi32>
    %select_n3A_549 = arith.select %eq3A_543, %add3A_545, %add3A_548 : vector<16xi1>, vector<16xi32>
    %swap3A_550 = arith.constant 14 : i32
    %swap3A_551 = arith.index_cast %swap3A_550 : i32 to index
    %swap3A_552 = arith.constant 0 : index
    %swap3A_553 = tpu.vector_load %arg6[%swap3A_551, %swap3A_552] {strides = array<i32>} : memref<16x16xi32, #tpu.memory_space<vmem>>, vector<16xi32>,
    tpu.vector_store %arg6[%swap3A_551, %swap3A_552], %select_n3A_549 {strides = array<i32>} : memref<16x16xi32, #tpu.memory_space<vmem>>, vector<16xi32>,
    %reduce_sum3A_554 = arith.constant true
    %reduce_sum3A_555 = vector.broadcast %reduce_sum3A_554 : i1 to vector<16xi1>
    %reduce_sum3A_556 = tpu.scan <sum>, %and3A_529 masked %reduce_sum3A_555 : vector<16xi32>, vector<16xi1> -> vector<16xi32>
    %reduce_sum3A_557 = vector.extract %reduce_sum3A_556[15] : i32 from vector<16xi32>
    %add3A_558 = arith.addi %add3A_522, %reduce_sum3A_557 : i32
    %add3A_559 = arith.constant 240 : i32
    %add3A_560 = arith.addi %mul3A_2, %add3A_559 : i32
    %get3A_561 = arith.index_cast %add3A_560 : i32 to index
    %get3A_562 = tpu.vector_load %arg5[%get3A_561] {strides = array<i32>} : memref<8192xi32, #tpu.memory_space<vmem>>, vector<16xi32>,
    %and3A_563 = arith.constant 1 : i32
    %and3A_564 = vector.broadcast %and3A_563 : i32 to vector<16xi32>
    %and3A_565 = arith.andi %get3A_562, %and3A_564 : vector<16xi32>
    %broadcast_in_dim3A_566 = arith.constant true
    %broadcast_in_dim3A_567 = vector.broadcast %broadcast_in_dim3A_566 : i1 to vector<16xi1>
    %masked_cumsum3A_568 = tpu.scan <sum>, %and3A_565 masked %broadcast_in_dim3A_567 : vector<16xi32>, vector<16xi1> -> vector<16xi32>
    %sub3A_569 = arith.subi %masked_cumsum3A_568, %and3A_565 : vector<16xi32>
    %iota3A_570 = tpu.iota {dimensions = array<i32: 0>} : vector<16xi32>
    %add3A_571 = arith.constant 240 : i32
    %add3A_572 = vector.broadcast %add3A_571 : i32 to vector<16xi32>
    %add3A_573 = arith.addi %add3A_572, %iota3A_570 : vector<16xi32>
    %add3A_574 = vector.broadcast %add3A_558 : i32 to vector<16xi32>
    %add3A_575 = arith.addi %add3A_574, %sub3A_569 : vector<16xi32>
    %sub3A_576 = arith.subi %add3A_573, %add3A_575 : vector<16xi32>
    %eq3A_577 = arith.constant 1 : i32
    %eq3A_578 = vector.broadcast %eq3A_577 : i32 to vector<16xi32>
    %eq3A_579 = arith.cmpi eq, %get3A_562, %eq3A_578 : vector<16xi32>
    %add3A_580 = vector.broadcast %reduce_sum3A_17 : i32 to vector<16xi32>
    %add3A_581 = arith.addi %add3A_580, %add3A_575 : vector<16xi32>
    %add3A_582 = arith.addi %shift_left3A_22, %sub3A_23 : i32
    %add3A_583 = vector.broadcast %add3A_582 : i32 to vector<16xi32>
    %add3A_584 = arith.addi %add3A_583, %sub3A_576 : vector<16xi32>
    %select_n3A_585 = arith.select %eq3A_579, %add3A_581, %add3A_584 : vector<16xi1>, vector<16xi32>
    %swap3A_586 = arith.constant 15 : i32
    %swap3A_587 = arith.index_cast %swap3A_586 : i32 to index
    %swap3A_588 = arith.constant 0 : index
    %swap3A_589 = tpu.vector_load %arg6[%swap3A_587, %swap3A_588] {strides = array<i32>} : memref<16x16xi32, #tpu.memory_space<vmem>>, vector<16xi32>,
    tpu.vector_store %arg6[%swap3A_587, %swap3A_588], %select_n3A_585 {strides = array<i32>} : memref<16x16xi32, #tpu.memory_space<vmem>>, vector<16xi32>,
    %reduce_sum3A_590 = arith.constant true
    %reduce_sum3A_591 = vector.broadcast %reduce_sum3A_590 : i1 to vector<16xi1>
    %reduce_sum3A_592 = tpu.scan <sum>, %and3A_565 masked %reduce_sum3A_591 : vector<16xi32>, vector<16xi1> -> vector<16xi32>
    %reduce_sum3A_593 = vector.extract %reduce_sum3A_592[15] : i32 from vector<16xi32>
    %add3A_594 = arith.addi %add3A_558, %reduce_sum3A_593 : i32
    %mul3A_595 = arith.constant 16 : i32
    %mul3A_596 = arith.muli %add3A, %mul3A_595 : i32
    "tpu.region"() ({
      %run_scoped3A = tpu.sem_alloc : memref<!tpu.dma_semaphore, #tpu.memory_space<semaphore_mem>>
      %dma_start3A = arith.constant 0 : i32
      %dma_start3A_600 = tpu.memref_slice %arg3[%mul3A_596, %dma_start3A] : memref<512x16xi32, #tpu.memory_space<hbm>> -> memref<16x16xi32, #tpu.memory_space<hbm>>
      %dma_start3A_601 = arith.constant 0 : i32
      %dma_start3A_602 = tpu.memref_slice %arg3[%mul3A_596, %dma_start3A_601] : memref<512x16xi32, #tpu.memory_space<hbm>> -> memref<16x16xi32, #tpu.memory_space<hbm>>
      tpu.enqueue_dma source(%arg6 : memref<16x16xi32, #tpu.memory_space<vmem>>) target(%dma_start3A_602 : memref<16x16xi32, #tpu.memory_space<hbm>>) target_semaphore(%run_scoped3A : memref<!tpu.dma_semaphore, #tpu.memory_space<semaphore_mem>>)
      %dma_wait3A = arith.constant 0 : i32
      %dma_wait3A_603 = tpu.memref_slice %arg3[%mul3A_596, %dma_wait3A] : memref<512x16xi32, #tpu.memory_space<hbm>> -> memref<16x16xi32, #tpu.memory_space<hbm>>
      %dma_wait3A_604 = arith.constant 0 : i32
      %dma_wait3A_605 = tpu.memref_slice %arg3[%mul3A_596, %dma_wait3A_604] : memref<512x16xi32, #tpu.memory_space<hbm>> -> memref<16x16xi32, #tpu.memory_space<hbm>>
      tpu.wait_dma2 semaphore(%run_scoped3A : memref<!tpu.dma_semaphore, #tpu.memory_space<semaphore_mem>>) src(%arg6 : memref<16x16xi32, #tpu.memory_space<vmem>>) dst(%dma_wait3A_605 : memref<16x16xi32, #tpu.memory_space<hbm>>)
      tpu.yield
    }) : () -> ()
    %eq3A_597 = arith.constant 0 : i32
    %eq3A_598 = arith.cmpi eq, %add3A, %eq3A_597 : i32
    %convert_element_type3A = arith.extui %eq3A_598 : i1 to i32
    %cond3A = arith.constant 0 : i32
    %cond3A_599 = arith.cmpi ne, %convert_element_type3A, %cond3A : i32
    scf.if %cond3A_599 {
      %shift_right_arithmetic3A_600 = arith.constant 9 : i32
      %shift_right_arithmetic3A_601 = arith.shrsi %shift_left3A_22, %shift_right_arithmetic3A_600 : i32
      %broadcast_in_dim3A_602 = vector.broadcast %shift_right_arithmetic3A_601 : i32 to vector<16xi32>
      %swap3A_603 = arith.constant 0 : index
      %swap3A_604 = tpu.vector_load %arg7[%swap3A_603] {strides = array<i32>} : memref<16xi32, #tpu.memory_space<vmem>>, vector<16xi32>,
      tpu.vector_store %arg7[%swap3A_603], %broadcast_in_dim3A_602 {strides = array<i32>} : memref<16xi32, #tpu.memory_space<vmem>>, vector<16xi32>,
      "tpu.region"() ({
        %run_scoped3A = tpu.sem_alloc : memref<!tpu.dma_semaphore, #tpu.memory_space<semaphore_mem>>
        tpu.enqueue_dma source(%arg7 : memref<16xi32, #tpu.memory_space<vmem>>) target(%arg4 : memref<16xi32, #tpu.memory_space<hbm>>) target_semaphore(%run_scoped3A : memref<!tpu.dma_semaphore, #tpu.memory_space<semaphore_mem>>)
        tpu.wait_dma2 semaphore(%run_scoped3A : memref<!tpu.dma_semaphore, #tpu.memory_space<semaphore_mem>>) src(%arg7 : memref<16xi32, #tpu.memory_space<vmem>>) dst(%arg4 : memref<16xi32, #tpu.memory_space<hbm>>)
        tpu.yield
      }) : () -> ()
    } else {
    }
    return
  }
}

#map = affine_map<(d0, d1) -> (0, 0)>
module attributes {stable_mosaic.version = 14 : i64} {
  func.func @_scatter_x(%arg0: i32, %arg1: i32, %arg2: memref<8192x2048xf32, #tpu.memory_space<hbm>>, %arg3: memref<512x16xi32, #tpu.memory_space<hbm>>, %arg4: memref<8704x2048xf32, #tpu.memory_space<hbm>>, %arg5: memref<16x16xi32, #tpu.memory_space<vmem>>, %arg6: memref<16x2048xf32, #tpu.memory_space<vmem>>, %arg7: memref<16x2048xf32, #tpu.memory_space<vmem>>, %arg8: memref<!tpu.dma_semaphore, #tpu.memory_space<semaphore_mem>>, %arg9: memref<!tpu.dma_semaphore, #tpu.memory_space<semaphore_mem>>, %arg10: memref<!tpu.dma_semaphore, #tpu.memory_space<semaphore_mem>>, %arg11: memref<!tpu.dma_semaphore, #tpu.memory_space<semaphore_mem>>) attributes {dimension_semantics = [#tpu.dimension_semantics<core_parallel>, #tpu.dimension_semantics<subcore_parallel>], iteration_bounds = array<i64: 2, 16>, scalar_prefetch = 0 : i64, scratch_operands = 7 : i64, tpu.core_type = #tpu.core_type<sc_vector_subcore>, window_params = [{transform_indices = #map}, {transform_indices = #map}, {transform_indices = #map}]} {
    %mul3A = arith.constant 2 : i32
    %mul3A_0 = arith.muli %arg1, %mul3A : i32
    %add3A = arith.addi %mul3A_0, %arg0 : i32
    %mul3A_1 = arith.constant 256 : i32
    %mul3A_2 = arith.muli %add3A, %mul3A_1 : i32
    %mul3A_3 = arith.constant 16 : i32
    %mul3A_4 = arith.muli %add3A, %mul3A_3 : i32
    "tpu.region"() ({
      %run_scoped3A = tpu.sem_alloc : memref<!tpu.dma_semaphore, #tpu.memory_space<semaphore_mem>>
      %dma_start3A_385 = arith.constant 0 : i32
      %dma_start3A_386 = tpu.memref_slice %arg3[%mul3A_4, %dma_start3A_385] : memref<512x16xi32, #tpu.memory_space<hbm>> -> memref<16x16xi32, #tpu.memory_space<hbm>>
      %dma_start3A_387 = arith.constant 0 : i32
      %dma_start3A_388 = tpu.memref_slice %arg3[%mul3A_4, %dma_start3A_387] : memref<512x16xi32, #tpu.memory_space<hbm>> -> memref<16x16xi32, #tpu.memory_space<hbm>>
      tpu.enqueue_dma source(%dma_start3A_388 : memref<16x16xi32, #tpu.memory_space<hbm>>) target(%arg5 : memref<16x16xi32, #tpu.memory_space<vmem>>) target_semaphore(%run_scoped3A : memref<!tpu.dma_semaphore, #tpu.memory_space<semaphore_mem>>)
      %dma_wait3A_389 = arith.constant 0 : i32
      %dma_wait3A_390 = tpu.memref_slice %arg3[%mul3A_4, %dma_wait3A_389] : memref<512x16xi32, #tpu.memory_space<hbm>> -> memref<16x16xi32, #tpu.memory_space<hbm>>
      %dma_wait3A_391 = arith.constant 0 : i32
      %dma_wait3A_392 = tpu.memref_slice %arg3[%mul3A_4, %dma_wait3A_391] : memref<512x16xi32, #tpu.memory_space<hbm>> -> memref<16x16xi32, #tpu.memory_space<hbm>>
      tpu.wait_dma2 semaphore(%run_scoped3A : memref<!tpu.dma_semaphore, #tpu.memory_space<semaphore_mem>>) src(%dma_wait3A_392 : memref<16x16xi32, #tpu.memory_space<hbm>>) dst(%arg5 : memref<16x16xi32, #tpu.memory_space<vmem>>)
      tpu.yield
    }) : () -> ()
    %dma_start3A = arith.constant 0 : i32
    %dma_start3A_5 = tpu.memref_slice %arg2[%mul3A_2, %dma_start3A] : memref<8192x2048xf32, #tpu.memory_space<hbm>> -> memref<16x2048xf32, #tpu.memory_space<hbm>>
    %dma_start3A_6 = arith.constant 0 : i32
    %dma_start3A_7 = tpu.memref_slice %arg2[%mul3A_2, %dma_start3A_6] : memref<8192x2048xf32, #tpu.memory_space<hbm>> -> memref<16x2048xf32, #tpu.memory_space<hbm>>
    tpu.enqueue_dma source(%dma_start3A_7 : memref<16x2048xf32, #tpu.memory_space<hbm>>) target(%arg6 : memref<16x2048xf32, #tpu.memory_space<vmem>>) target_semaphore(%arg8 : memref<!tpu.dma_semaphore, #tpu.memory_space<semaphore_mem>>)
    %add3A_8 = arith.constant 16 : i32
    %add3A_9 = arith.addi %mul3A_2, %add3A_8 : i32
    %dma_start3A_10 = arith.constant 0 : i32
    %dma_start3A_11 = tpu.memref_slice %arg2[%add3A_9, %dma_start3A_10] : memref<8192x2048xf32, #tpu.memory_space<hbm>> -> memref<16x2048xf32, #tpu.memory_space<hbm>>
    %dma_start3A_12 = arith.constant 0 : i32
    %dma_start3A_13 = tpu.memref_slice %arg2[%add3A_9, %dma_start3A_12] : memref<8192x2048xf32, #tpu.memory_space<hbm>> -> memref<16x2048xf32, #tpu.memory_space<hbm>>
    tpu.enqueue_dma source(%dma_start3A_13 : memref<16x2048xf32, #tpu.memory_space<hbm>>) target(%arg7 : memref<16x2048xf32, #tpu.memory_space<vmem>>) target_semaphore(%arg9 : memref<!tpu.dma_semaphore, #tpu.memory_space<semaphore_mem>>)
    %dma_wait3A = arith.constant 0 : i32
    %dma_wait3A_14 = tpu.memref_slice %arg2[%mul3A_2, %dma_wait3A] : memref<8192x2048xf32, #tpu.memory_space<hbm>> -> memref<16x2048xf32, #tpu.memory_space<hbm>>
    %dma_wait3A_15 = arith.constant 0 : i32
    %dma_wait3A_16 = tpu.memref_slice %arg2[%mul3A_2, %dma_wait3A_15] : memref<8192x2048xf32, #tpu.memory_space<hbm>> -> memref<16x2048xf32, #tpu.memory_space<hbm>>
    tpu.wait_dma2 semaphore(%arg8 : memref<!tpu.dma_semaphore, #tpu.memory_space<semaphore_mem>>) src(%dma_wait3A_16 : memref<16x2048xf32, #tpu.memory_space<hbm>>) dst(%arg6 : memref<16x2048xf32, #tpu.memory_space<vmem>>)
    %dma_start3A_17 = arith.constant 0 : i32
    %dma_start3A_18 = arith.constant 0 : i32
    %dma_start3A_19 = tpu.memref_slice %arg5[%dma_start3A_17, %dma_start3A_18] : memref<16x16xi32, #tpu.memory_space<vmem>> -> memref<1x16xi32, #tpu.memory_space<vmem>>
    %dma_start3A_20 = tpu.memref_squeeze %dma_start3A_19 : memref<1x16xi32, #tpu.memory_space<vmem>> -> memref<16xi32, #tpu.memory_space<vmem>>
    %dma_start3A_21 = arith.constant 0 : i32
    %dma_start3A_22 = arith.constant 0 : i32
    %dma_start3A_23 = tpu.memref_slice %arg4[%dma_start3A_21, %dma_start3A_22] : memref<8704x2048xf32, #tpu.memory_space<hbm>> -> memref<8704x2048xf32, #tpu.memory_space<hbm>>
    tpu.enqueue_indirect_dma source(%arg6 : memref<16x2048xf32, #tpu.memory_space<vmem>>) target(%dma_start3A_23 : memref<8704x2048xf32, #tpu.memory_space<hbm>>) offsets(%dma_start3A_20 : memref<16xi32, #tpu.memory_space<vmem>>) semaphore(%arg10 : memref<!tpu.dma_semaphore, #tpu.memory_space<semaphore_mem>>)
    %dma_wait3A_24 = arith.constant 0 : i32
    %dma_wait3A_25 = arith.constant 0 : i32
    %dma_wait3A_26 = tpu.memref_slice %arg5[%dma_wait3A_24, %dma_wait3A_25] : memref<16x16xi32, #tpu.memory_space<vmem>> -> memref<1x16xi32, #tpu.memory_space<vmem>>
    %dma_wait3A_27 = tpu.memref_squeeze %dma_wait3A_26 : memref<1x16xi32, #tpu.memory_space<vmem>> -> memref<16xi32, #tpu.memory_space<vmem>>
    %dma_wait3A_28 = arith.constant 0 : i32
    %dma_wait3A_29 = arith.constant 0 : i32
    %dma_wait3A_30 = tpu.memref_slice %arg4[%dma_wait3A_28, %dma_wait3A_29] : memref<8704x2048xf32, #tpu.memory_space<hbm>> -> memref<8704x2048xf32, #tpu.memory_space<hbm>>
    tpu.wait_indirect_dma semaphore(%arg10 : memref<!tpu.dma_semaphore, #tpu.memory_space<semaphore_mem>>) src(%arg6 : memref<16x2048xf32, #tpu.memory_space<vmem>>) dst(%dma_wait3A_30 : memref<8704x2048xf32, #tpu.memory_space<hbm>>)
    %add3A_31 = arith.constant 32 : i32
    %add3A_32 = arith.addi %mul3A_2, %add3A_31 : i32
    %dma_start3A_33 = arith.constant 0 : i32
    %dma_start3A_34 = tpu.memref_slice %arg2[%add3A_32, %dma_start3A_33] : memref<8192x2048xf32, #tpu.memory_space<hbm>> -> memref<16x2048xf32, #tpu.memory_space<hbm>>
    %dma_start3A_35 = arith.constant 0 : i32
    %dma_start3A_36 = tpu.memref_slice %arg2[%add3A_32, %dma_start3A_35] : memref<8192x2048xf32, #tpu.memory_space<hbm>> -> memref<16x2048xf32, #tpu.memory_space<hbm>>
    tpu.enqueue_dma source(%dma_start3A_36 : memref<16x2048xf32, #tpu.memory_space<hbm>>) target(%arg6 : memref<16x2048xf32, #tpu.memory_space<vmem>>) target_semaphore(%arg8 : memref<!tpu.dma_semaphore, #tpu.memory_space<semaphore_mem>>)
    %dma_wait3A_37 = arith.constant 0 : i32
    %dma_wait3A_38 = tpu.memref_slice %arg2[%add3A_9, %dma_wait3A_37] : memref<8192x2048xf32, #tpu.memory_space<hbm>> -> memref<16x2048xf32, #tpu.memory_space<hbm>>
    %dma_wait3A_39 = arith.constant 0 : i32
    %dma_wait3A_40 = tpu.memref_slice %arg2[%add3A_9, %dma_wait3A_39] : memref<8192x2048xf32, #tpu.memory_space<hbm>> -> memref<16x2048xf32, #tpu.memory_space<hbm>>
    tpu.wait_dma2 semaphore(%arg9 : memref<!tpu.dma_semaphore, #tpu.memory_space<semaphore_mem>>) src(%dma_wait3A_40 : memref<16x2048xf32, #tpu.memory_space<hbm>>) dst(%arg7 : memref<16x2048xf32, #tpu.memory_space<vmem>>)
    %dma_start3A_41 = arith.constant 1 : i32
    %dma_start3A_42 = arith.constant 0 : i32
    %dma_start3A_43 = tpu.memref_slice %arg5[%dma_start3A_41, %dma_start3A_42] : memref<16x16xi32, #tpu.memory_space<vmem>> -> memref<1x16xi32, #tpu.memory_space<vmem>>
    %dma_start3A_44 = tpu.memref_squeeze %dma_start3A_43 : memref<1x16xi32, #tpu.memory_space<vmem>> -> memref<16xi32, #tpu.memory_space<vmem>>
    %dma_start3A_45 = arith.constant 0 : i32
    %dma_start3A_46 = arith.constant 0 : i32
    %dma_start3A_47 = tpu.memref_slice %arg4[%dma_start3A_45, %dma_start3A_46] : memref<8704x2048xf32, #tpu.memory_space<hbm>> -> memref<8704x2048xf32, #tpu.memory_space<hbm>>
    tpu.enqueue_indirect_dma source(%arg7 : memref<16x2048xf32, #tpu.memory_space<vmem>>) target(%dma_start3A_47 : memref<8704x2048xf32, #tpu.memory_space<hbm>>) offsets(%dma_start3A_44 : memref<16xi32, #tpu.memory_space<vmem>>) semaphore(%arg11 : memref<!tpu.dma_semaphore, #tpu.memory_space<semaphore_mem>>)
    %dma_wait3A_48 = arith.constant 1 : i32
    %dma_wait3A_49 = arith.constant 0 : i32
    %dma_wait3A_50 = tpu.memref_slice %arg5[%dma_wait3A_48, %dma_wait3A_49] : memref<16x16xi32, #tpu.memory_space<vmem>> -> memref<1x16xi32, #tpu.memory_space<vmem>>
    %dma_wait3A_51 = tpu.memref_squeeze %dma_wait3A_50 : memref<1x16xi32, #tpu.memory_space<vmem>> -> memref<16xi32, #tpu.memory_space<vmem>>
    %dma_wait3A_52 = arith.constant 0 : i32
    %dma_wait3A_53 = arith.constant 0 : i32
    %dma_wait3A_54 = tpu.memref_slice %arg4[%dma_wait3A_52, %dma_wait3A_53] : memref<8704x2048xf32, #tpu.memory_space<hbm>> -> memref<8704x2048xf32, #tpu.memory_space<hbm>>
    tpu.wait_indirect_dma semaphore(%arg11 : memref<!tpu.dma_semaphore, #tpu.memory_space<semaphore_mem>>) src(%arg7 : memref<16x2048xf32, #tpu.memory_space<vmem>>) dst(%dma_wait3A_54 : memref<8704x2048xf32, #tpu.memory_space<hbm>>)
    %add3A_55 = arith.constant 48 : i32
    %add3A_56 = arith.addi %mul3A_2, %add3A_55 : i32
    %dma_start3A_57 = arith.constant 0 : i32
    %dma_start3A_58 = tpu.memref_slice %arg2[%add3A_56, %dma_start3A_57] : memref<8192x2048xf32, #tpu.memory_space<hbm>> -> memref<16x2048xf32, #tpu.memory_space<hbm>>
    %dma_start3A_59 = arith.constant 0 : i32
    %dma_start3A_60 = tpu.memref_slice %arg2[%add3A_56, %dma_start3A_59] : memref<8192x2048xf32, #tpu.memory_space<hbm>> -> memref<16x2048xf32, #tpu.memory_space<hbm>>
    tpu.enqueue_dma source(%dma_start3A_60 : memref<16x2048xf32, #tpu.memory_space<hbm>>) target(%arg7 : memref<16x2048xf32, #tpu.memory_space<vmem>>) target_semaphore(%arg9 : memref<!tpu.dma_semaphore, #tpu.memory_space<semaphore_mem>>)
    %dma_wait3A_61 = arith.constant 0 : i32
    %dma_wait3A_62 = tpu.memref_slice %arg2[%add3A_32, %dma_wait3A_61] : memref<8192x2048xf32, #tpu.memory_space<hbm>> -> memref<16x2048xf32, #tpu.memory_space<hbm>>
    %dma_wait3A_63 = arith.constant 0 : i32
    %dma_wait3A_64 = tpu.memref_slice %arg2[%add3A_32, %dma_wait3A_63] : memref<8192x2048xf32, #tpu.memory_space<hbm>> -> memref<16x2048xf32, #tpu.memory_space<hbm>>
    tpu.wait_dma2 semaphore(%arg8 : memref<!tpu.dma_semaphore, #tpu.memory_space<semaphore_mem>>) src(%dma_wait3A_64 : memref<16x2048xf32, #tpu.memory_space<hbm>>) dst(%arg6 : memref<16x2048xf32, #tpu.memory_space<vmem>>)
    %dma_start3A_65 = arith.constant 2 : i32
    %dma_start3A_66 = arith.constant 0 : i32
    %dma_start3A_67 = tpu.memref_slice %arg5[%dma_start3A_65, %dma_start3A_66] : memref<16x16xi32, #tpu.memory_space<vmem>> -> memref<1x16xi32, #tpu.memory_space<vmem>>
    %dma_start3A_68 = tpu.memref_squeeze %dma_start3A_67 : memref<1x16xi32, #tpu.memory_space<vmem>> -> memref<16xi32, #tpu.memory_space<vmem>>
    %dma_start3A_69 = arith.constant 0 : i32
    %dma_start3A_70 = arith.constant 0 : i32
    %dma_start3A_71 = tpu.memref_slice %arg4[%dma_start3A_69, %dma_start3A_70] : memref<8704x2048xf32, #tpu.memory_space<hbm>> -> memref<8704x2048xf32, #tpu.memory_space<hbm>>
    tpu.enqueue_indirect_dma source(%arg6 : memref<16x2048xf32, #tpu.memory_space<vmem>>) target(%dma_start3A_71 : memref<8704x2048xf32, #tpu.memory_space<hbm>>) offsets(%dma_start3A_68 : memref<16xi32, #tpu.memory_space<vmem>>) semaphore(%arg10 : memref<!tpu.dma_semaphore, #tpu.memory_space<semaphore_mem>>)
    %dma_wait3A_72 = arith.constant 2 : i32
    %dma_wait3A_73 = arith.constant 0 : i32
    %dma_wait3A_74 = tpu.memref_slice %arg5[%dma_wait3A_72, %dma_wait3A_73] : memref<16x16xi32, #tpu.memory_space<vmem>> -> memref<1x16xi32, #tpu.memory_space<vmem>>
    %dma_wait3A_75 = tpu.memref_squeeze %dma_wait3A_74 : memref<1x16xi32, #tpu.memory_space<vmem>> -> memref<16xi32, #tpu.memory_space<vmem>>
    %dma_wait3A_76 = arith.constant 0 : i32
    %dma_wait3A_77 = arith.constant 0 : i32
    %dma_wait3A_78 = tpu.memref_slice %arg4[%dma_wait3A_76, %dma_wait3A_77] : memref<8704x2048xf32, #tpu.memory_space<hbm>> -> memref<8704x2048xf32, #tpu.memory_space<hbm>>
    tpu.wait_indirect_dma semaphore(%arg10 : memref<!tpu.dma_semaphore, #tpu.memory_space<semaphore_mem>>) src(%arg6 : memref<16x2048xf32, #tpu.memory_space<vmem>>) dst(%dma_wait3A_78 : memref<8704x2048xf32, #tpu.memory_space<hbm>>)
    %add3A_79 = arith.constant 64 : i32
    %add3A_80 = arith.addi %mul3A_2, %add3A_79 : i32
    %dma_start3A_81 = arith.constant 0 : i32
    %dma_start3A_82 = tpu.memref_slice %arg2[%add3A_80, %dma_start3A_81] : memref<8192x2048xf32, #tpu.memory_space<hbm>> -> memref<16x2048xf32, #tpu.memory_space<hbm>>
    %dma_start3A_83 = arith.constant 0 : i32
    %dma_start3A_84 = tpu.memref_slice %arg2[%add3A_80, %dma_start3A_83] : memref<8192x2048xf32, #tpu.memory_space<hbm>> -> memref<16x2048xf32, #tpu.memory_space<hbm>>
    tpu.enqueue_dma source(%dma_start3A_84 : memref<16x2048xf32, #tpu.memory_space<hbm>>) target(%arg6 : memref<16x2048xf32, #tpu.memory_space<vmem>>) target_semaphore(%arg8 : memref<!tpu.dma_semaphore, #tpu.memory_space<semaphore_mem>>)
    %dma_wait3A_85 = arith.constant 0 : i32
    %dma_wait3A_86 = tpu.memref_slice %arg2[%add3A_56, %dma_wait3A_85] : memref<8192x2048xf32, #tpu.memory_space<hbm>> -> memref<16x2048xf32, #tpu.memory_space<hbm>>
    %dma_wait3A_87 = arith.constant 0 : i32
    %dma_wait3A_88 = tpu.memref_slice %arg2[%add3A_56, %dma_wait3A_87] : memref<8192x2048xf32, #tpu.memory_space<hbm>> -> memref<16x2048xf32, #tpu.memory_space<hbm>>
    tpu.wait_dma2 semaphore(%arg9 : memref<!tpu.dma_semaphore, #tpu.memory_space<semaphore_mem>>) src(%dma_wait3A_88 : memref<16x2048xf32, #tpu.memory_space<hbm>>) dst(%arg7 : memref<16x2048xf32, #tpu.memory_space<vmem>>)
    %dma_start3A_89 = arith.constant 3 : i32
    %dma_start3A_90 = arith.constant 0 : i32
    %dma_start3A_91 = tpu.memref_slice %arg5[%dma_start3A_89, %dma_start3A_90] : memref<16x16xi32, #tpu.memory_space<vmem>> -> memref<1x16xi32, #tpu.memory_space<vmem>>
    %dma_start3A_92 = tpu.memref_squeeze %dma_start3A_91 : memref<1x16xi32, #tpu.memory_space<vmem>> -> memref<16xi32, #tpu.memory_space<vmem>>
    %dma_start3A_93 = arith.constant 0 : i32
    %dma_start3A_94 = arith.constant 0 : i32
    %dma_start3A_95 = tpu.memref_slice %arg4[%dma_start3A_93, %dma_start3A_94] : memref<8704x2048xf32, #tpu.memory_space<hbm>> -> memref<8704x2048xf32, #tpu.memory_space<hbm>>
    tpu.enqueue_indirect_dma source(%arg7 : memref<16x2048xf32, #tpu.memory_space<vmem>>) target(%dma_start3A_95 : memref<8704x2048xf32, #tpu.memory_space<hbm>>) offsets(%dma_start3A_92 : memref<16xi32, #tpu.memory_space<vmem>>) semaphore(%arg11 : memref<!tpu.dma_semaphore, #tpu.memory_space<semaphore_mem>>)
    %dma_wait3A_96 = arith.constant 3 : i32
    %dma_wait3A_97 = arith.constant 0 : i32
    %dma_wait3A_98 = tpu.memref_slice %arg5[%dma_wait3A_96, %dma_wait3A_97] : memref<16x16xi32, #tpu.memory_space<vmem>> -> memref<1x16xi32, #tpu.memory_space<vmem>>
    %dma_wait3A_99 = tpu.memref_squeeze %dma_wait3A_98 : memref<1x16xi32, #tpu.memory_space<vmem>> -> memref<16xi32, #tpu.memory_space<vmem>>
    %dma_wait3A_100 = arith.constant 0 : i32
    %dma_wait3A_101 = arith.constant 0 : i32
    %dma_wait3A_102 = tpu.memref_slice %arg4[%dma_wait3A_100, %dma_wait3A_101] : memref<8704x2048xf32, #tpu.memory_space<hbm>> -> memref<8704x2048xf32, #tpu.memory_space<hbm>>
    tpu.wait_indirect_dma semaphore(%arg11 : memref<!tpu.dma_semaphore, #tpu.memory_space<semaphore_mem>>) src(%arg7 : memref<16x2048xf32, #tpu.memory_space<vmem>>) dst(%dma_wait3A_102 : memref<8704x2048xf32, #tpu.memory_space<hbm>>)
    %add3A_103 = arith.constant 80 : i32
    %add3A_104 = arith.addi %mul3A_2, %add3A_103 : i32
    %dma_start3A_105 = arith.constant 0 : i32
    %dma_start3A_106 = tpu.memref_slice %arg2[%add3A_104, %dma_start3A_105] : memref<8192x2048xf32, #tpu.memory_space<hbm>> -> memref<16x2048xf32, #tpu.memory_space<hbm>>
    %dma_start3A_107 = arith.constant 0 : i32
    %dma_start3A_108 = tpu.memref_slice %arg2[%add3A_104, %dma_start3A_107] : memref<8192x2048xf32, #tpu.memory_space<hbm>> -> memref<16x2048xf32, #tpu.memory_space<hbm>>
    tpu.enqueue_dma source(%dma_start3A_108 : memref<16x2048xf32, #tpu.memory_space<hbm>>) target(%arg7 : memref<16x2048xf32, #tpu.memory_space<vmem>>) target_semaphore(%arg9 : memref<!tpu.dma_semaphore, #tpu.memory_space<semaphore_mem>>)
    %dma_wait3A_109 = arith.constant 0 : i32
    %dma_wait3A_110 = tpu.memref_slice %arg2[%add3A_80, %dma_wait3A_109] : memref<8192x2048xf32, #tpu.memory_space<hbm>> -> memref<16x2048xf32, #tpu.memory_space<hbm>>
    %dma_wait3A_111 = arith.constant 0 : i32
    %dma_wait3A_112 = tpu.memref_slice %arg2[%add3A_80, %dma_wait3A_111] : memref<8192x2048xf32, #tpu.memory_space<hbm>> -> memref<16x2048xf32, #tpu.memory_space<hbm>>
    tpu.wait_dma2 semaphore(%arg8 : memref<!tpu.dma_semaphore, #tpu.memory_space<semaphore_mem>>) src(%dma_wait3A_112 : memref<16x2048xf32, #tpu.memory_space<hbm>>) dst(%arg6 : memref<16x2048xf32, #tpu.memory_space<vmem>>)
    %dma_start3A_113 = arith.constant 4 : i32
    %dma_start3A_114 = arith.constant 0 : i32
    %dma_start3A_115 = tpu.memref_slice %arg5[%dma_start3A_113, %dma_start3A_114] : memref<16x16xi32, #tpu.memory_space<vmem>> -> memref<1x16xi32, #tpu.memory_space<vmem>>
    %dma_start3A_116 = tpu.memref_squeeze %dma_start3A_115 : memref<1x16xi32, #tpu.memory_space<vmem>> -> memref<16xi32, #tpu.memory_space<vmem>>
    %dma_start3A_117 = arith.constant 0 : i32
    %dma_start3A_118 = arith.constant 0 : i32
    %dma_start3A_119 = tpu.memref_slice %arg4[%dma_start3A_117, %dma_start3A_118] : memref<8704x2048xf32, #tpu.memory_space<hbm>> -> memref<8704x2048xf32, #tpu.memory_space<hbm>>
    tpu.enqueue_indirect_dma source(%arg6 : memref<16x2048xf32, #tpu.memory_space<vmem>>) target(%dma_start3A_119 : memref<8704x2048xf32, #tpu.memory_space<hbm>>) offsets(%dma_start3A_116 : memref<16xi32, #tpu.memory_space<vmem>>) semaphore(%arg10 : memref<!tpu.dma_semaphore, #tpu.memory_space<semaphore_mem>>)
    %dma_wait3A_120 = arith.constant 4 : i32
    %dma_wait3A_121 = arith.constant 0 : i32
    %dma_wait3A_122 = tpu.memref_slice %arg5[%dma_wait3A_120, %dma_wait3A_121] : memref<16x16xi32, #tpu.memory_space<vmem>> -> memref<1x16xi32, #tpu.memory_space<vmem>>
    %dma_wait3A_123 = tpu.memref_squeeze %dma_wait3A_122 : memref<1x16xi32, #tpu.memory_space<vmem>> -> memref<16xi32, #tpu.memory_space<vmem>>
    %dma_wait3A_124 = arith.constant 0 : i32
    %dma_wait3A_125 = arith.constant 0 : i32
    %dma_wait3A_126 = tpu.memref_slice %arg4[%dma_wait3A_124, %dma_wait3A_125] : memref<8704x2048xf32, #tpu.memory_space<hbm>> -> memref<8704x2048xf32, #tpu.memory_space<hbm>>
    tpu.wait_indirect_dma semaphore(%arg10 : memref<!tpu.dma_semaphore, #tpu.memory_space<semaphore_mem>>) src(%arg6 : memref<16x2048xf32, #tpu.memory_space<vmem>>) dst(%dma_wait3A_126 : memref<8704x2048xf32, #tpu.memory_space<hbm>>)
    %add3A_127 = arith.constant 96 : i32
    %add3A_128 = arith.addi %mul3A_2, %add3A_127 : i32
    %dma_start3A_129 = arith.constant 0 : i32
    %dma_start3A_130 = tpu.memref_slice %arg2[%add3A_128, %dma_start3A_129] : memref<8192x2048xf32, #tpu.memory_space<hbm>> -> memref<16x2048xf32, #tpu.memory_space<hbm>>
    %dma_start3A_131 = arith.constant 0 : i32
    %dma_start3A_132 = tpu.memref_slice %arg2[%add3A_128, %dma_start3A_131] : memref<8192x2048xf32, #tpu.memory_space<hbm>> -> memref<16x2048xf32, #tpu.memory_space<hbm>>
    tpu.enqueue_dma source(%dma_start3A_132 : memref<16x2048xf32, #tpu.memory_space<hbm>>) target(%arg6 : memref<16x2048xf32, #tpu.memory_space<vmem>>) target_semaphore(%arg8 : memref<!tpu.dma_semaphore, #tpu.memory_space<semaphore_mem>>)
    %dma_wait3A_133 = arith.constant 0 : i32
    %dma_wait3A_134 = tpu.memref_slice %arg2[%add3A_104, %dma_wait3A_133] : memref<8192x2048xf32, #tpu.memory_space<hbm>> -> memref<16x2048xf32, #tpu.memory_space<hbm>>
    %dma_wait3A_135 = arith.constant 0 : i32
    %dma_wait3A_136 = tpu.memref_slice %arg2[%add3A_104, %dma_wait3A_135] : memref<8192x2048xf32, #tpu.memory_space<hbm>> -> memref<16x2048xf32, #tpu.memory_space<hbm>>
    tpu.wait_dma2 semaphore(%arg9 : memref<!tpu.dma_semaphore, #tpu.memory_space<semaphore_mem>>) src(%dma_wait3A_136 : memref<16x2048xf32, #tpu.memory_space<hbm>>) dst(%arg7 : memref<16x2048xf32, #tpu.memory_space<vmem>>)
    %dma_start3A_137 = arith.constant 5 : i32
    %dma_start3A_138 = arith.constant 0 : i32
    %dma_start3A_139 = tpu.memref_slice %arg5[%dma_start3A_137, %dma_start3A_138] : memref<16x16xi32, #tpu.memory_space<vmem>> -> memref<1x16xi32, #tpu.memory_space<vmem>>
    %dma_start3A_140 = tpu.memref_squeeze %dma_start3A_139 : memref<1x16xi32, #tpu.memory_space<vmem>> -> memref<16xi32, #tpu.memory_space<vmem>>
    %dma_start3A_141 = arith.constant 0 : i32
    %dma_start3A_142 = arith.constant 0 : i32
    %dma_start3A_143 = tpu.memref_slice %arg4[%dma_start3A_141, %dma_start3A_142] : memref<8704x2048xf32, #tpu.memory_space<hbm>> -> memref<8704x2048xf32, #tpu.memory_space<hbm>>
    tpu.enqueue_indirect_dma source(%arg7 : memref<16x2048xf32, #tpu.memory_space<vmem>>) target(%dma_start3A_143 : memref<8704x2048xf32, #tpu.memory_space<hbm>>) offsets(%dma_start3A_140 : memref<16xi32, #tpu.memory_space<vmem>>) semaphore(%arg11 : memref<!tpu.dma_semaphore, #tpu.memory_space<semaphore_mem>>)
    %dma_wait3A_144 = arith.constant 5 : i32
    %dma_wait3A_145 = arith.constant 0 : i32
    %dma_wait3A_146 = tpu.memref_slice %arg5[%dma_wait3A_144, %dma_wait3A_145] : memref<16x16xi32, #tpu.memory_space<vmem>> -> memref<1x16xi32, #tpu.memory_space<vmem>>
    %dma_wait3A_147 = tpu.memref_squeeze %dma_wait3A_146 : memref<1x16xi32, #tpu.memory_space<vmem>> -> memref<16xi32, #tpu.memory_space<vmem>>
    %dma_wait3A_148 = arith.constant 0 : i32
    %dma_wait3A_149 = arith.constant 0 : i32
    %dma_wait3A_150 = tpu.memref_slice %arg4[%dma_wait3A_148, %dma_wait3A_149] : memref<8704x2048xf32, #tpu.memory_space<hbm>> -> memref<8704x2048xf32, #tpu.memory_space<hbm>>
    tpu.wait_indirect_dma semaphore(%arg11 : memref<!tpu.dma_semaphore, #tpu.memory_space<semaphore_mem>>) src(%arg7 : memref<16x2048xf32, #tpu.memory_space<vmem>>) dst(%dma_wait3A_150 : memref<8704x2048xf32, #tpu.memory_space<hbm>>)
    %add3A_151 = arith.constant 112 : i32
    %add3A_152 = arith.addi %mul3A_2, %add3A_151 : i32
    %dma_start3A_153 = arith.constant 0 : i32
    %dma_start3A_154 = tpu.memref_slice %arg2[%add3A_152, %dma_start3A_153] : memref<8192x2048xf32, #tpu.memory_space<hbm>> -> memref<16x2048xf32, #tpu.memory_space<hbm>>
    %dma_start3A_155 = arith.constant 0 : i32
    %dma_start3A_156 = tpu.memref_slice %arg2[%add3A_152, %dma_start3A_155] : memref<8192x2048xf32, #tpu.memory_space<hbm>> -> memref<16x2048xf32, #tpu.memory_space<hbm>>
    tpu.enqueue_dma source(%dma_start3A_156 : memref<16x2048xf32, #tpu.memory_space<hbm>>) target(%arg7 : memref<16x2048xf32, #tpu.memory_space<vmem>>) target_semaphore(%arg9 : memref<!tpu.dma_semaphore, #tpu.memory_space<semaphore_mem>>)
    %dma_wait3A_157 = arith.constant 0 : i32
    %dma_wait3A_158 = tpu.memref_slice %arg2[%add3A_128, %dma_wait3A_157] : memref<8192x2048xf32, #tpu.memory_space<hbm>> -> memref<16x2048xf32, #tpu.memory_space<hbm>>
    %dma_wait3A_159 = arith.constant 0 : i32
    %dma_wait3A_160 = tpu.memref_slice %arg2[%add3A_128, %dma_wait3A_159] : memref<8192x2048xf32, #tpu.memory_space<hbm>> -> memref<16x2048xf32, #tpu.memory_space<hbm>>
    tpu.wait_dma2 semaphore(%arg8 : memref<!tpu.dma_semaphore, #tpu.memory_space<semaphore_mem>>) src(%dma_wait3A_160 : memref<16x2048xf32, #tpu.memory_space<hbm>>) dst(%arg6 : memref<16x2048xf32, #tpu.memory_space<vmem>>)
    %dma_start3A_161 = arith.constant 6 : i32
    %dma_start3A_162 = arith.constant 0 : i32
    %dma_start3A_163 = tpu.memref_slice %arg5[%dma_start3A_161, %dma_start3A_162] : memref<16x16xi32, #tpu.memory_space<vmem>> -> memref<1x16xi32, #tpu.memory_space<vmem>>
    %dma_start3A_164 = tpu.memref_squeeze %dma_start3A_163 : memref<1x16xi32, #tpu.memory_space<vmem>> -> memref<16xi32, #tpu.memory_space<vmem>>
    %dma_start3A_165 = arith.constant 0 : i32
    %dma_start3A_166 = arith.constant 0 : i32
    %dma_start3A_167 = tpu.memref_slice %arg4[%dma_start3A_165, %dma_start3A_166] : memref<8704x2048xf32, #tpu.memory_space<hbm>> -> memref<8704x2048xf32, #tpu.memory_space<hbm>>
    tpu.enqueue_indirect_dma source(%arg6 : memref<16x2048xf32, #tpu.memory_space<vmem>>) target(%dma_start3A_167 : memref<8704x2048xf32, #tpu.memory_space<hbm>>) offsets(%dma_start3A_164 : memref<16xi32, #tpu.memory_space<vmem>>) semaphore(%arg10 : memref<!tpu.dma_semaphore, #tpu.memory_space<semaphore_mem>>)
    %dma_wait3A_168 = arith.constant 6 : i32
    %dma_wait3A_169 = arith.constant 0 : i32
    %dma_wait3A_170 = tpu.memref_slice %arg5[%dma_wait3A_168, %dma_wait3A_169] : memref<16x16xi32, #tpu.memory_space<vmem>> -> memref<1x16xi32, #tpu.memory_space<vmem>>
    %dma_wait3A_171 = tpu.memref_squeeze %dma_wait3A_170 : memref<1x16xi32, #tpu.memory_space<vmem>> -> memref<16xi32, #tpu.memory_space<vmem>>
    %dma_wait3A_172 = arith.constant 0 : i32
    %dma_wait3A_173 = arith.constant 0 : i32
    %dma_wait3A_174 = tpu.memref_slice %arg4[%dma_wait3A_172, %dma_wait3A_173] : memref<8704x2048xf32, #tpu.memory_space<hbm>> -> memref<8704x2048xf32, #tpu.memory_space<hbm>>
    tpu.wait_indirect_dma semaphore(%arg10 : memref<!tpu.dma_semaphore, #tpu.memory_space<semaphore_mem>>) src(%arg6 : memref<16x2048xf32, #tpu.memory_space<vmem>>) dst(%dma_wait3A_174 : memref<8704x2048xf32, #tpu.memory_space<hbm>>)
    %add3A_175 = arith.constant 128 : i32
    %add3A_176 = arith.addi %mul3A_2, %add3A_175 : i32
    %dma_start3A_177 = arith.constant 0 : i32
    %dma_start3A_178 = tpu.memref_slice %arg2[%add3A_176, %dma_start3A_177] : memref<8192x2048xf32, #tpu.memory_space<hbm>> -> memref<16x2048xf32, #tpu.memory_space<hbm>>
    %dma_start3A_179 = arith.constant 0 : i32
    %dma_start3A_180 = tpu.memref_slice %arg2[%add3A_176, %dma_start3A_179] : memref<8192x2048xf32, #tpu.memory_space<hbm>> -> memref<16x2048xf32, #tpu.memory_space<hbm>>
    tpu.enqueue_dma source(%dma_start3A_180 : memref<16x2048xf32, #tpu.memory_space<hbm>>) target(%arg6 : memref<16x2048xf32, #tpu.memory_space<vmem>>) target_semaphore(%arg8 : memref<!tpu.dma_semaphore, #tpu.memory_space<semaphore_mem>>)
    %dma_wait3A_181 = arith.constant 0 : i32
    %dma_wait3A_182 = tpu.memref_slice %arg2[%add3A_152, %dma_wait3A_181] : memref<8192x2048xf32, #tpu.memory_space<hbm>> -> memref<16x2048xf32, #tpu.memory_space<hbm>>
    %dma_wait3A_183 = arith.constant 0 : i32
    %dma_wait3A_184 = tpu.memref_slice %arg2[%add3A_152, %dma_wait3A_183] : memref<8192x2048xf32, #tpu.memory_space<hbm>> -> memref<16x2048xf32, #tpu.memory_space<hbm>>
    tpu.wait_dma2 semaphore(%arg9 : memref<!tpu.dma_semaphore, #tpu.memory_space<semaphore_mem>>) src(%dma_wait3A_184 : memref<16x2048xf32, #tpu.memory_space<hbm>>) dst(%arg7 : memref<16x2048xf32, #tpu.memory_space<vmem>>)
    %dma_start3A_185 = arith.constant 7 : i32
    %dma_start3A_186 = arith.constant 0 : i32
    %dma_start3A_187 = tpu.memref_slice %arg5[%dma_start3A_185, %dma_start3A_186] : memref<16x16xi32, #tpu.memory_space<vmem>> -> memref<1x16xi32, #tpu.memory_space<vmem>>
    %dma_start3A_188 = tpu.memref_squeeze %dma_start3A_187 : memref<1x16xi32, #tpu.memory_space<vmem>> -> memref<16xi32, #tpu.memory_space<vmem>>
    %dma_start3A_189 = arith.constant 0 : i32
    %dma_start3A_190 = arith.constant 0 : i32
    %dma_start3A_191 = tpu.memref_slice %arg4[%dma_start3A_189, %dma_start3A_190] : memref<8704x2048xf32, #tpu.memory_space<hbm>> -> memref<8704x2048xf32, #tpu.memory_space<hbm>>
    tpu.enqueue_indirect_dma source(%arg7 : memref<16x2048xf32, #tpu.memory_space<vmem>>) target(%dma_start3A_191 : memref<8704x2048xf32, #tpu.memory_space<hbm>>) offsets(%dma_start3A_188 : memref<16xi32, #tpu.memory_space<vmem>>) semaphore(%arg11 : memref<!tpu.dma_semaphore, #tpu.memory_space<semaphore_mem>>)
    %dma_wait3A_192 = arith.constant 7 : i32
    %dma_wait3A_193 = arith.constant 0 : i32
    %dma_wait3A_194 = tpu.memref_slice %arg5[%dma_wait3A_192, %dma_wait3A_193] : memref<16x16xi32, #tpu.memory_space<vmem>> -> memref<1x16xi32, #tpu.memory_space<vmem>>
    %dma_wait3A_195 = tpu.memref_squeeze %dma_wait3A_194 : memref<1x16xi32, #tpu.memory_space<vmem>> -> memref<16xi32, #tpu.memory_space<vmem>>
    %dma_wait3A_196 = arith.constant 0 : i32
    %dma_wait3A_197 = arith.constant 0 : i32
    %dma_wait3A_198 = tpu.memref_slice %arg4[%dma_wait3A_196, %dma_wait3A_197] : memref<8704x2048xf32, #tpu.memory_space<hbm>> -> memref<8704x2048xf32, #tpu.memory_space<hbm>>
    tpu.wait_indirect_dma semaphore(%arg11 : memref<!tpu.dma_semaphore, #tpu.memory_space<semaphore_mem>>) src(%arg7 : memref<16x2048xf32, #tpu.memory_space<vmem>>) dst(%dma_wait3A_198 : memref<8704x2048xf32, #tpu.memory_space<hbm>>)
    %add3A_199 = arith.constant 144 : i32
    %add3A_200 = arith.addi %mul3A_2, %add3A_199 : i32
    %dma_start3A_201 = arith.constant 0 : i32
    %dma_start3A_202 = tpu.memref_slice %arg2[%add3A_200, %dma_start3A_201] : memref<8192x2048xf32, #tpu.memory_space<hbm>> -> memref<16x2048xf32, #tpu.memory_space<hbm>>
    %dma_start3A_203 = arith.constant 0 : i32
    %dma_start3A_204 = tpu.memref_slice %arg2[%add3A_200, %dma_start3A_203] : memref<8192x2048xf32, #tpu.memory_space<hbm>> -> memref<16x2048xf32, #tpu.memory_space<hbm>>
    tpu.enqueue_dma source(%dma_start3A_204 : memref<16x2048xf32, #tpu.memory_space<hbm>>) target(%arg7 : memref<16x2048xf32, #tpu.memory_space<vmem>>) target_semaphore(%arg9 : memref<!tpu.dma_semaphore, #tpu.memory_space<semaphore_mem>>)
    %dma_wait3A_205 = arith.constant 0 : i32
    %dma_wait3A_206 = tpu.memref_slice %arg2[%add3A_176, %dma_wait3A_205] : memref<8192x2048xf32, #tpu.memory_space<hbm>> -> memref<16x2048xf32, #tpu.memory_space<hbm>>
    %dma_wait3A_207 = arith.constant 0 : i32
    %dma_wait3A_208 = tpu.memref_slice %arg2[%add3A_176, %dma_wait3A_207] : memref<8192x2048xf32, #tpu.memory_space<hbm>> -> memref<16x2048xf32, #tpu.memory_space<hbm>>
    tpu.wait_dma2 semaphore(%arg8 : memref<!tpu.dma_semaphore, #tpu.memory_space<semaphore_mem>>) src(%dma_wait3A_208 : memref<16x2048xf32, #tpu.memory_space<hbm>>) dst(%arg6 : memref<16x2048xf32, #tpu.memory_space<vmem>>)
    %dma_start3A_209 = arith.constant 8 : i32
    %dma_start3A_210 = arith.constant 0 : i32
    %dma_start3A_211 = tpu.memref_slice %arg5[%dma_start3A_209, %dma_start3A_210] : memref<16x16xi32, #tpu.memory_space<vmem>> -> memref<1x16xi32, #tpu.memory_space<vmem>>
    %dma_start3A_212 = tpu.memref_squeeze %dma_start3A_211 : memref<1x16xi32, #tpu.memory_space<vmem>> -> memref<16xi32, #tpu.memory_space<vmem>>
    %dma_start3A_213 = arith.constant 0 : i32
    %dma_start3A_214 = arith.constant 0 : i32
    %dma_start3A_215 = tpu.memref_slice %arg4[%dma_start3A_213, %dma_start3A_214] : memref<8704x2048xf32, #tpu.memory_space<hbm>> -> memref<8704x2048xf32, #tpu.memory_space<hbm>>
    tpu.enqueue_indirect_dma source(%arg6 : memref<16x2048xf32, #tpu.memory_space<vmem>>) target(%dma_start3A_215 : memref<8704x2048xf32, #tpu.memory_space<hbm>>) offsets(%dma_start3A_212 : memref<16xi32, #tpu.memory_space<vmem>>) semaphore(%arg10 : memref<!tpu.dma_semaphore, #tpu.memory_space<semaphore_mem>>)
    %dma_wait3A_216 = arith.constant 8 : i32
    %dma_wait3A_217 = arith.constant 0 : i32
    %dma_wait3A_218 = tpu.memref_slice %arg5[%dma_wait3A_216, %dma_wait3A_217] : memref<16x16xi32, #tpu.memory_space<vmem>> -> memref<1x16xi32, #tpu.memory_space<vmem>>
    %dma_wait3A_219 = tpu.memref_squeeze %dma_wait3A_218 : memref<1x16xi32, #tpu.memory_space<vmem>> -> memref<16xi32, #tpu.memory_space<vmem>>
    %dma_wait3A_220 = arith.constant 0 : i32
    %dma_wait3A_221 = arith.constant 0 : i32
    %dma_wait3A_222 = tpu.memref_slice %arg4[%dma_wait3A_220, %dma_wait3A_221] : memref<8704x2048xf32, #tpu.memory_space<hbm>> -> memref<8704x2048xf32, #tpu.memory_space<hbm>>
    tpu.wait_indirect_dma semaphore(%arg10 : memref<!tpu.dma_semaphore, #tpu.memory_space<semaphore_mem>>) src(%arg6 : memref<16x2048xf32, #tpu.memory_space<vmem>>) dst(%dma_wait3A_222 : memref<8704x2048xf32, #tpu.memory_space<hbm>>)
    %add3A_223 = arith.constant 160 : i32
    %add3A_224 = arith.addi %mul3A_2, %add3A_223 : i32
    %dma_start3A_225 = arith.constant 0 : i32
    %dma_start3A_226 = tpu.memref_slice %arg2[%add3A_224, %dma_start3A_225] : memref<8192x2048xf32, #tpu.memory_space<hbm>> -> memref<16x2048xf32, #tpu.memory_space<hbm>>
    %dma_start3A_227 = arith.constant 0 : i32
    %dma_start3A_228 = tpu.memref_slice %arg2[%add3A_224, %dma_start3A_227] : memref<8192x2048xf32, #tpu.memory_space<hbm>> -> memref<16x2048xf32, #tpu.memory_space<hbm>>
    tpu.enqueue_dma source(%dma_start3A_228 : memref<16x2048xf32, #tpu.memory_space<hbm>>) target(%arg6 : memref<16x2048xf32, #tpu.memory_space<vmem>>) target_semaphore(%arg8 : memref<!tpu.dma_semaphore, #tpu.memory_space<semaphore_mem>>)
    %dma_wait3A_229 = arith.constant 0 : i32
    %dma_wait3A_230 = tpu.memref_slice %arg2[%add3A_200, %dma_wait3A_229] : memref<8192x2048xf32, #tpu.memory_space<hbm>> -> memref<16x2048xf32, #tpu.memory_space<hbm>>
    %dma_wait3A_231 = arith.constant 0 : i32
    %dma_wait3A_232 = tpu.memref_slice %arg2[%add3A_200, %dma_wait3A_231] : memref<8192x2048xf32, #tpu.memory_space<hbm>> -> memref<16x2048xf32, #tpu.memory_space<hbm>>
    tpu.wait_dma2 semaphore(%arg9 : memref<!tpu.dma_semaphore, #tpu.memory_space<semaphore_mem>>) src(%dma_wait3A_232 : memref<16x2048xf32, #tpu.memory_space<hbm>>) dst(%arg7 : memref<16x2048xf32, #tpu.memory_space<vmem>>)
    %dma_start3A_233 = arith.constant 9 : i32
    %dma_start3A_234 = arith.constant 0 : i32
    %dma_start3A_235 = tpu.memref_slice %arg5[%dma_start3A_233, %dma_start3A_234] : memref<16x16xi32, #tpu.memory_space<vmem>> -> memref<1x16xi32, #tpu.memory_space<vmem>>
    %dma_start3A_236 = tpu.memref_squeeze %dma_start3A_235 : memref<1x16xi32, #tpu.memory_space<vmem>> -> memref<16xi32, #tpu.memory_space<vmem>>
    %dma_start3A_237 = arith.constant 0 : i32
    %dma_start3A_238 = arith.constant 0 : i32
    %dma_start3A_239 = tpu.memref_slice %arg4[%dma_start3A_237, %dma_start3A_238] : memref<8704x2048xf32, #tpu.memory_space<hbm>> -> memref<8704x2048xf32, #tpu.memory_space<hbm>>
    tpu.enqueue_indirect_dma source(%arg7 : memref<16x2048xf32, #tpu.memory_space<vmem>>) target(%dma_start3A_239 : memref<8704x2048xf32, #tpu.memory_space<hbm>>) offsets(%dma_start3A_236 : memref<16xi32, #tpu.memory_space<vmem>>) semaphore(%arg11 : memref<!tpu.dma_semaphore, #tpu.memory_space<semaphore_mem>>)
    %dma_wait3A_240 = arith.constant 9 : i32
    %dma_wait3A_241 = arith.constant 0 : i32
    %dma_wait3A_242 = tpu.memref_slice %arg5[%dma_wait3A_240, %dma_wait3A_241] : memref<16x16xi32, #tpu.memory_space<vmem>> -> memref<1x16xi32, #tpu.memory_space<vmem>>
    %dma_wait3A_243 = tpu.memref_squeeze %dma_wait3A_242 : memref<1x16xi32, #tpu.memory_space<vmem>> -> memref<16xi32, #tpu.memory_space<vmem>>
    %dma_wait3A_244 = arith.constant 0 : i32
    %dma_wait3A_245 = arith.constant 0 : i32
    %dma_wait3A_246 = tpu.memref_slice %arg4[%dma_wait3A_244, %dma_wait3A_245] : memref<8704x2048xf32, #tpu.memory_space<hbm>> -> memref<8704x2048xf32, #tpu.memory_space<hbm>>
    tpu.wait_indirect_dma semaphore(%arg11 : memref<!tpu.dma_semaphore, #tpu.memory_space<semaphore_mem>>) src(%arg7 : memref<16x2048xf32, #tpu.memory_space<vmem>>) dst(%dma_wait3A_246 : memref<8704x2048xf32, #tpu.memory_space<hbm>>)
    %add3A_247 = arith.constant 176 : i32
    %add3A_248 = arith.addi %mul3A_2, %add3A_247 : i32
    %dma_start3A_249 = arith.constant 0 : i32
    %dma_start3A_250 = tpu.memref_slice %arg2[%add3A_248, %dma_start3A_249] : memref<8192x2048xf32, #tpu.memory_space<hbm>> -> memref<16x2048xf32, #tpu.memory_space<hbm>>
    %dma_start3A_251 = arith.constant 0 : i32
    %dma_start3A_252 = tpu.memref_slice %arg2[%add3A_248, %dma_start3A_251] : memref<8192x2048xf32, #tpu.memory_space<hbm>> -> memref<16x2048xf32, #tpu.memory_space<hbm>>
    tpu.enqueue_dma source(%dma_start3A_252 : memref<16x2048xf32, #tpu.memory_space<hbm>>) target(%arg7 : memref<16x2048xf32, #tpu.memory_space<vmem>>) target_semaphore(%arg9 : memref<!tpu.dma_semaphore, #tpu.memory_space<semaphore_mem>>)
    %dma_wait3A_253 = arith.constant 0 : i32
    %dma_wait3A_254 = tpu.memref_slice %arg2[%add3A_224, %dma_wait3A_253] : memref<8192x2048xf32, #tpu.memory_space<hbm>> -> memref<16x2048xf32, #tpu.memory_space<hbm>>
    %dma_wait3A_255 = arith.constant 0 : i32
    %dma_wait3A_256 = tpu.memref_slice %arg2[%add3A_224, %dma_wait3A_255] : memref<8192x2048xf32, #tpu.memory_space<hbm>> -> memref<16x2048xf32, #tpu.memory_space<hbm>>
    tpu.wait_dma2 semaphore(%arg8 : memref<!tpu.dma_semaphore, #tpu.memory_space<semaphore_mem>>) src(%dma_wait3A_256 : memref<16x2048xf32, #tpu.memory_space<hbm>>) dst(%arg6 : memref<16x2048xf32, #tpu.memory_space<vmem>>)
    %dma_start3A_257 = arith.constant 10 : i32
    %dma_start3A_258 = arith.constant 0 : i32
    %dma_start3A_259 = tpu.memref_slice %arg5[%dma_start3A_257, %dma_start3A_258] : memref<16x16xi32, #tpu.memory_space<vmem>> -> memref<1x16xi32, #tpu.memory_space<vmem>>
    %dma_start3A_260 = tpu.memref_squeeze %dma_start3A_259 : memref<1x16xi32, #tpu.memory_space<vmem>> -> memref<16xi32, #tpu.memory_space<vmem>>
    %dma_start3A_261 = arith.constant 0 : i32
    %dma_start3A_262 = arith.constant 0 : i32
    %dma_start3A_263 = tpu.memref_slice %arg4[%dma_start3A_261, %dma_start3A_262] : memref<8704x2048xf32, #tpu.memory_space<hbm>> -> memref<8704x2048xf32, #tpu.memory_space<hbm>>
    tpu.enqueue_indirect_dma source(%arg6 : memref<16x2048xf32, #tpu.memory_space<vmem>>) target(%dma_start3A_263 : memref<8704x2048xf32, #tpu.memory_space<hbm>>) offsets(%dma_start3A_260 : memref<16xi32, #tpu.memory_space<vmem>>) semaphore(%arg10 : memref<!tpu.dma_semaphore, #tpu.memory_space<semaphore_mem>>)
    %dma_wait3A_264 = arith.constant 10 : i32
    %dma_wait3A_265 = arith.constant 0 : i32
    %dma_wait3A_266 = tpu.memref_slice %arg5[%dma_wait3A_264, %dma_wait3A_265] : memref<16x16xi32, #tpu.memory_space<vmem>> -> memref<1x16xi32, #tpu.memory_space<vmem>>
    %dma_wait3A_267 = tpu.memref_squeeze %dma_wait3A_266 : memref<1x16xi32, #tpu.memory_space<vmem>> -> memref<16xi32, #tpu.memory_space<vmem>>
    %dma_wait3A_268 = arith.constant 0 : i32
    %dma_wait3A_269 = arith.constant 0 : i32
    %dma_wait3A_270 = tpu.memref_slice %arg4[%dma_wait3A_268, %dma_wait3A_269] : memref<8704x2048xf32, #tpu.memory_space<hbm>> -> memref<8704x2048xf32, #tpu.memory_space<hbm>>
    tpu.wait_indirect_dma semaphore(%arg10 : memref<!tpu.dma_semaphore, #tpu.memory_space<semaphore_mem>>) src(%arg6 : memref<16x2048xf32, #tpu.memory_space<vmem>>) dst(%dma_wait3A_270 : memref<8704x2048xf32, #tpu.memory_space<hbm>>)
    %add3A_271 = arith.constant 192 : i32
    %add3A_272 = arith.addi %mul3A_2, %add3A_271 : i32
    %dma_start3A_273 = arith.constant 0 : i32
    %dma_start3A_274 = tpu.memref_slice %arg2[%add3A_272, %dma_start3A_273] : memref<8192x2048xf32, #tpu.memory_space<hbm>> -> memref<16x2048xf32, #tpu.memory_space<hbm>>
    %dma_start3A_275 = arith.constant 0 : i32
    %dma_start3A_276 = tpu.memref_slice %arg2[%add3A_272, %dma_start3A_275] : memref<8192x2048xf32, #tpu.memory_space<hbm>> -> memref<16x2048xf32, #tpu.memory_space<hbm>>
    tpu.enqueue_dma source(%dma_start3A_276 : memref<16x2048xf32, #tpu.memory_space<hbm>>) target(%arg6 : memref<16x2048xf32, #tpu.memory_space<vmem>>) target_semaphore(%arg8 : memref<!tpu.dma_semaphore, #tpu.memory_space<semaphore_mem>>)
    %dma_wait3A_277 = arith.constant 0 : i32
    %dma_wait3A_278 = tpu.memref_slice %arg2[%add3A_248, %dma_wait3A_277] : memref<8192x2048xf32, #tpu.memory_space<hbm>> -> memref<16x2048xf32, #tpu.memory_space<hbm>>
    %dma_wait3A_279 = arith.constant 0 : i32
    %dma_wait3A_280 = tpu.memref_slice %arg2[%add3A_248, %dma_wait3A_279] : memref<8192x2048xf32, #tpu.memory_space<hbm>> -> memref<16x2048xf32, #tpu.memory_space<hbm>>
    tpu.wait_dma2 semaphore(%arg9 : memref<!tpu.dma_semaphore, #tpu.memory_space<semaphore_mem>>) src(%dma_wait3A_280 : memref<16x2048xf32, #tpu.memory_space<hbm>>) dst(%arg7 : memref<16x2048xf32, #tpu.memory_space<vmem>>)
    %dma_start3A_281 = arith.constant 11 : i32
    %dma_start3A_282 = arith.constant 0 : i32
    %dma_start3A_283 = tpu.memref_slice %arg5[%dma_start3A_281, %dma_start3A_282] : memref<16x16xi32, #tpu.memory_space<vmem>> -> memref<1x16xi32, #tpu.memory_space<vmem>>
    %dma_start3A_284 = tpu.memref_squeeze %dma_start3A_283 : memref<1x16xi32, #tpu.memory_space<vmem>> -> memref<16xi32, #tpu.memory_space<vmem>>
    %dma_start3A_285 = arith.constant 0 : i32
    %dma_start3A_286 = arith.constant 0 : i32
    %dma_start3A_287 = tpu.memref_slice %arg4[%dma_start3A_285, %dma_start3A_286] : memref<8704x2048xf32, #tpu.memory_space<hbm>> -> memref<8704x2048xf32, #tpu.memory_space<hbm>>
    tpu.enqueue_indirect_dma source(%arg7 : memref<16x2048xf32, #tpu.memory_space<vmem>>) target(%dma_start3A_287 : memref<8704x2048xf32, #tpu.memory_space<hbm>>) offsets(%dma_start3A_284 : memref<16xi32, #tpu.memory_space<vmem>>) semaphore(%arg11 : memref<!tpu.dma_semaphore, #tpu.memory_space<semaphore_mem>>)
    %dma_wait3A_288 = arith.constant 11 : i32
    %dma_wait3A_289 = arith.constant 0 : i32
    %dma_wait3A_290 = tpu.memref_slice %arg5[%dma_wait3A_288, %dma_wait3A_289] : memref<16x16xi32, #tpu.memory_space<vmem>> -> memref<1x16xi32, #tpu.memory_space<vmem>>
    %dma_wait3A_291 = tpu.memref_squeeze %dma_wait3A_290 : memref<1x16xi32, #tpu.memory_space<vmem>> -> memref<16xi32, #tpu.memory_space<vmem>>
    %dma_wait3A_292 = arith.constant 0 : i32
    %dma_wait3A_293 = arith.constant 0 : i32
    %dma_wait3A_294 = tpu.memref_slice %arg4[%dma_wait3A_292, %dma_wait3A_293] : memref<8704x2048xf32, #tpu.memory_space<hbm>> -> memref<8704x2048xf32, #tpu.memory_space<hbm>>
    tpu.wait_indirect_dma semaphore(%arg11 : memref<!tpu.dma_semaphore, #tpu.memory_space<semaphore_mem>>) src(%arg7 : memref<16x2048xf32, #tpu.memory_space<vmem>>) dst(%dma_wait3A_294 : memref<8704x2048xf32, #tpu.memory_space<hbm>>)
    %add3A_295 = arith.constant 208 : i32
    %add3A_296 = arith.addi %mul3A_2, %add3A_295 : i32
    %dma_start3A_297 = arith.constant 0 : i32
    %dma_start3A_298 = tpu.memref_slice %arg2[%add3A_296, %dma_start3A_297] : memref<8192x2048xf32, #tpu.memory_space<hbm>> -> memref<16x2048xf32, #tpu.memory_space<hbm>>
    %dma_start3A_299 = arith.constant 0 : i32
    %dma_start3A_300 = tpu.memref_slice %arg2[%add3A_296, %dma_start3A_299] : memref<8192x2048xf32, #tpu.memory_space<hbm>> -> memref<16x2048xf32, #tpu.memory_space<hbm>>
    tpu.enqueue_dma source(%dma_start3A_300 : memref<16x2048xf32, #tpu.memory_space<hbm>>) target(%arg7 : memref<16x2048xf32, #tpu.memory_space<vmem>>) target_semaphore(%arg9 : memref<!tpu.dma_semaphore, #tpu.memory_space<semaphore_mem>>)
    %dma_wait3A_301 = arith.constant 0 : i32
    %dma_wait3A_302 = tpu.memref_slice %arg2[%add3A_272, %dma_wait3A_301] : memref<8192x2048xf32, #tpu.memory_space<hbm>> -> memref<16x2048xf32, #tpu.memory_space<hbm>>
    %dma_wait3A_303 = arith.constant 0 : i32
    %dma_wait3A_304 = tpu.memref_slice %arg2[%add3A_272, %dma_wait3A_303] : memref<8192x2048xf32, #tpu.memory_space<hbm>> -> memref<16x2048xf32, #tpu.memory_space<hbm>>
    tpu.wait_dma2 semaphore(%arg8 : memref<!tpu.dma_semaphore, #tpu.memory_space<semaphore_mem>>) src(%dma_wait3A_304 : memref<16x2048xf32, #tpu.memory_space<hbm>>) dst(%arg6 : memref<16x2048xf32, #tpu.memory_space<vmem>>)
    %dma_start3A_305 = arith.constant 12 : i32
    %dma_start3A_306 = arith.constant 0 : i32
    %dma_start3A_307 = tpu.memref_slice %arg5[%dma_start3A_305, %dma_start3A_306] : memref<16x16xi32, #tpu.memory_space<vmem>> -> memref<1x16xi32, #tpu.memory_space<vmem>>
    %dma_start3A_308 = tpu.memref_squeeze %dma_start3A_307 : memref<1x16xi32, #tpu.memory_space<vmem>> -> memref<16xi32, #tpu.memory_space<vmem>>
    %dma_start3A_309 = arith.constant 0 : i32
    %dma_start3A_310 = arith.constant 0 : i32
    %dma_start3A_311 = tpu.memref_slice %arg4[%dma_start3A_309, %dma_start3A_310] : memref<8704x2048xf32, #tpu.memory_space<hbm>> -> memref<8704x2048xf32, #tpu.memory_space<hbm>>
    tpu.enqueue_indirect_dma source(%arg6 : memref<16x2048xf32, #tpu.memory_space<vmem>>) target(%dma_start3A_311 : memref<8704x2048xf32, #tpu.memory_space<hbm>>) offsets(%dma_start3A_308 : memref<16xi32, #tpu.memory_space<vmem>>) semaphore(%arg10 : memref<!tpu.dma_semaphore, #tpu.memory_space<semaphore_mem>>)
    %dma_wait3A_312 = arith.constant 12 : i32
    %dma_wait3A_313 = arith.constant 0 : i32
    %dma_wait3A_314 = tpu.memref_slice %arg5[%dma_wait3A_312, %dma_wait3A_313] : memref<16x16xi32, #tpu.memory_space<vmem>> -> memref<1x16xi32, #tpu.memory_space<vmem>>
    %dma_wait3A_315 = tpu.memref_squeeze %dma_wait3A_314 : memref<1x16xi32, #tpu.memory_space<vmem>> -> memref<16xi32, #tpu.memory_space<vmem>>
    %dma_wait3A_316 = arith.constant 0 : i32
    %dma_wait3A_317 = arith.constant 0 : i32
    %dma_wait3A_318 = tpu.memref_slice %arg4[%dma_wait3A_316, %dma_wait3A_317] : memref<8704x2048xf32, #tpu.memory_space<hbm>> -> memref<8704x2048xf32, #tpu.memory_space<hbm>>
    tpu.wait_indirect_dma semaphore(%arg10 : memref<!tpu.dma_semaphore, #tpu.memory_space<semaphore_mem>>) src(%arg6 : memref<16x2048xf32, #tpu.memory_space<vmem>>) dst(%dma_wait3A_318 : memref<8704x2048xf32, #tpu.memory_space<hbm>>)
    %add3A_319 = arith.constant 224 : i32
    %add3A_320 = arith.addi %mul3A_2, %add3A_319 : i32
    %dma_start3A_321 = arith.constant 0 : i32
    %dma_start3A_322 = tpu.memref_slice %arg2[%add3A_320, %dma_start3A_321] : memref<8192x2048xf32, #tpu.memory_space<hbm>> -> memref<16x2048xf32, #tpu.memory_space<hbm>>
    %dma_start3A_323 = arith.constant 0 : i32
    %dma_start3A_324 = tpu.memref_slice %arg2[%add3A_320, %dma_start3A_323] : memref<8192x2048xf32, #tpu.memory_space<hbm>> -> memref<16x2048xf32, #tpu.memory_space<hbm>>
    tpu.enqueue_dma source(%dma_start3A_324 : memref<16x2048xf32, #tpu.memory_space<hbm>>) target(%arg6 : memref<16x2048xf32, #tpu.memory_space<vmem>>) target_semaphore(%arg8 : memref<!tpu.dma_semaphore, #tpu.memory_space<semaphore_mem>>)
    %dma_wait3A_325 = arith.constant 0 : i32
    %dma_wait3A_326 = tpu.memref_slice %arg2[%add3A_296, %dma_wait3A_325] : memref<8192x2048xf32, #tpu.memory_space<hbm>> -> memref<16x2048xf32, #tpu.memory_space<hbm>>
    %dma_wait3A_327 = arith.constant 0 : i32
    %dma_wait3A_328 = tpu.memref_slice %arg2[%add3A_296, %dma_wait3A_327] : memref<8192x2048xf32, #tpu.memory_space<hbm>> -> memref<16x2048xf32, #tpu.memory_space<hbm>>
    tpu.wait_dma2 semaphore(%arg9 : memref<!tpu.dma_semaphore, #tpu.memory_space<semaphore_mem>>) src(%dma_wait3A_328 : memref<16x2048xf32, #tpu.memory_space<hbm>>) dst(%arg7 : memref<16x2048xf32, #tpu.memory_space<vmem>>)
    %dma_start3A_329 = arith.constant 13 : i32
    %dma_start3A_330 = arith.constant 0 : i32
    %dma_start3A_331 = tpu.memref_slice %arg5[%dma_start3A_329, %dma_start3A_330] : memref<16x16xi32, #tpu.memory_space<vmem>> -> memref<1x16xi32, #tpu.memory_space<vmem>>
    %dma_start3A_332 = tpu.memref_squeeze %dma_start3A_331 : memref<1x16xi32, #tpu.memory_space<vmem>> -> memref<16xi32, #tpu.memory_space<vmem>>
    %dma_start3A_333 = arith.constant 0 : i32
    %dma_start3A_334 = arith.constant 0 : i32
    %dma_start3A_335 = tpu.memref_slice %arg4[%dma_start3A_333, %dma_start3A_334] : memref<8704x2048xf32, #tpu.memory_space<hbm>> -> memref<8704x2048xf32, #tpu.memory_space<hbm>>
    tpu.enqueue_indirect_dma source(%arg7 : memref<16x2048xf32, #tpu.memory_space<vmem>>) target(%dma_start3A_335 : memref<8704x2048xf32, #tpu.memory_space<hbm>>) offsets(%dma_start3A_332 : memref<16xi32, #tpu.memory_space<vmem>>) semaphore(%arg11 : memref<!tpu.dma_semaphore, #tpu.memory_space<semaphore_mem>>)
    %dma_wait3A_336 = arith.constant 13 : i32
    %dma_wait3A_337 = arith.constant 0 : i32
    %dma_wait3A_338 = tpu.memref_slice %arg5[%dma_wait3A_336, %dma_wait3A_337] : memref<16x16xi32, #tpu.memory_space<vmem>> -> memref<1x16xi32, #tpu.memory_space<vmem>>
    %dma_wait3A_339 = tpu.memref_squeeze %dma_wait3A_338 : memref<1x16xi32, #tpu.memory_space<vmem>> -> memref<16xi32, #tpu.memory_space<vmem>>
    %dma_wait3A_340 = arith.constant 0 : i32
    %dma_wait3A_341 = arith.constant 0 : i32
    %dma_wait3A_342 = tpu.memref_slice %arg4[%dma_wait3A_340, %dma_wait3A_341] : memref<8704x2048xf32, #tpu.memory_space<hbm>> -> memref<8704x2048xf32, #tpu.memory_space<hbm>>
    tpu.wait_indirect_dma semaphore(%arg11 : memref<!tpu.dma_semaphore, #tpu.memory_space<semaphore_mem>>) src(%arg7 : memref<16x2048xf32, #tpu.memory_space<vmem>>) dst(%dma_wait3A_342 : memref<8704x2048xf32, #tpu.memory_space<hbm>>)
    %add3A_343 = arith.constant 240 : i32
    %add3A_344 = arith.addi %mul3A_2, %add3A_343 : i32
    %dma_start3A_345 = arith.constant 0 : i32
    %dma_start3A_346 = tpu.memref_slice %arg2[%add3A_344, %dma_start3A_345] : memref<8192x2048xf32, #tpu.memory_space<hbm>> -> memref<16x2048xf32, #tpu.memory_space<hbm>>
    %dma_start3A_347 = arith.constant 0 : i32
    %dma_start3A_348 = tpu.memref_slice %arg2[%add3A_344, %dma_start3A_347] : memref<8192x2048xf32, #tpu.memory_space<hbm>> -> memref<16x2048xf32, #tpu.memory_space<hbm>>
    tpu.enqueue_dma source(%dma_start3A_348 : memref<16x2048xf32, #tpu.memory_space<hbm>>) target(%arg7 : memref<16x2048xf32, #tpu.memory_space<vmem>>) target_semaphore(%arg9 : memref<!tpu.dma_semaphore, #tpu.memory_space<semaphore_mem>>)
    %dma_wait3A_349 = arith.constant 0 : i32
    %dma_wait3A_350 = tpu.memref_slice %arg2[%add3A_320, %dma_wait3A_349] : memref<8192x2048xf32, #tpu.memory_space<hbm>> -> memref<16x2048xf32, #tpu.memory_space<hbm>>
    %dma_wait3A_351 = arith.constant 0 : i32
    %dma_wait3A_352 = tpu.memref_slice %arg2[%add3A_320, %dma_wait3A_351] : memref<8192x2048xf32, #tpu.memory_space<hbm>> -> memref<16x2048xf32, #tpu.memory_space<hbm>>
    tpu.wait_dma2 semaphore(%arg8 : memref<!tpu.dma_semaphore, #tpu.memory_space<semaphore_mem>>) src(%dma_wait3A_352 : memref<16x2048xf32, #tpu.memory_space<hbm>>) dst(%arg6 : memref<16x2048xf32, #tpu.memory_space<vmem>>)
    %dma_start3A_353 = arith.constant 14 : i32
    %dma_start3A_354 = arith.constant 0 : i32
    %dma_start3A_355 = tpu.memref_slice %arg5[%dma_start3A_353, %dma_start3A_354] : memref<16x16xi32, #tpu.memory_space<vmem>> -> memref<1x16xi32, #tpu.memory_space<vmem>>
    %dma_start3A_356 = tpu.memref_squeeze %dma_start3A_355 : memref<1x16xi32, #tpu.memory_space<vmem>> -> memref<16xi32, #tpu.memory_space<vmem>>
    %dma_start3A_357 = arith.constant 0 : i32
    %dma_start3A_358 = arith.constant 0 : i32
    %dma_start3A_359 = tpu.memref_slice %arg4[%dma_start3A_357, %dma_start3A_358] : memref<8704x2048xf32, #tpu.memory_space<hbm>> -> memref<8704x2048xf32, #tpu.memory_space<hbm>>
    tpu.enqueue_indirect_dma source(%arg6 : memref<16x2048xf32, #tpu.memory_space<vmem>>) target(%dma_start3A_359 : memref<8704x2048xf32, #tpu.memory_space<hbm>>) offsets(%dma_start3A_356 : memref<16xi32, #tpu.memory_space<vmem>>) semaphore(%arg10 : memref<!tpu.dma_semaphore, #tpu.memory_space<semaphore_mem>>)
    %dma_wait3A_360 = arith.constant 0 : i32
    %dma_wait3A_361 = tpu.memref_slice %arg2[%add3A_344, %dma_wait3A_360] : memref<8192x2048xf32, #tpu.memory_space<hbm>> -> memref<16x2048xf32, #tpu.memory_space<hbm>>
    %dma_wait3A_362 = arith.constant 0 : i32
    %dma_wait3A_363 = tpu.memref_slice %arg2[%add3A_344, %dma_wait3A_362] : memref<8192x2048xf32, #tpu.memory_space<hbm>> -> memref<16x2048xf32, #tpu.memory_space<hbm>>
    tpu.wait_dma2 semaphore(%arg9 : memref<!tpu.dma_semaphore, #tpu.memory_space<semaphore_mem>>) src(%dma_wait3A_363 : memref<16x2048xf32, #tpu.memory_space<hbm>>) dst(%arg7 : memref<16x2048xf32, #tpu.memory_space<vmem>>)
    %dma_start3A_364 = arith.constant 15 : i32
    %dma_start3A_365 = arith.constant 0 : i32
    %dma_start3A_366 = tpu.memref_slice %arg5[%dma_start3A_364, %dma_start3A_365] : memref<16x16xi32, #tpu.memory_space<vmem>> -> memref<1x16xi32, #tpu.memory_space<vmem>>
    %dma_start3A_367 = tpu.memref_squeeze %dma_start3A_366 : memref<1x16xi32, #tpu.memory_space<vmem>> -> memref<16xi32, #tpu.memory_space<vmem>>
    %dma_start3A_368 = arith.constant 0 : i32
    %dma_start3A_369 = arith.constant 0 : i32
    %dma_start3A_370 = tpu.memref_slice %arg4[%dma_start3A_368, %dma_start3A_369] : memref<8704x2048xf32, #tpu.memory_space<hbm>> -> memref<8704x2048xf32, #tpu.memory_space<hbm>>
    tpu.enqueue_indirect_dma source(%arg7 : memref<16x2048xf32, #tpu.memory_space<vmem>>) target(%dma_start3A_370 : memref<8704x2048xf32, #tpu.memory_space<hbm>>) offsets(%dma_start3A_367 : memref<16xi32, #tpu.memory_space<vmem>>) semaphore(%arg11 : memref<!tpu.dma_semaphore, #tpu.memory_space<semaphore_mem>>)
    %dma_wait3A_371 = arith.constant 14 : i32
    %dma_wait3A_372 = arith.constant 0 : i32
    %dma_wait3A_373 = tpu.memref_slice %arg5[%dma_wait3A_371, %dma_wait3A_372] : memref<16x16xi32, #tpu.memory_space<vmem>> -> memref<1x16xi32, #tpu.memory_space<vmem>>
    %dma_wait3A_374 = tpu.memref_squeeze %dma_wait3A_373 : memref<1x16xi32, #tpu.memory_space<vmem>> -> memref<16xi32, #tpu.memory_space<vmem>>
    %dma_wait3A_375 = arith.constant 0 : i32
    %dma_wait3A_376 = arith.constant 0 : i32
    %dma_wait3A_377 = tpu.memref_slice %arg4[%dma_wait3A_375, %dma_wait3A_376] : memref<8704x2048xf32, #tpu.memory_space<hbm>> -> memref<8704x2048xf32, #tpu.memory_space<hbm>>
    tpu.wait_indirect_dma semaphore(%arg10 : memref<!tpu.dma_semaphore, #tpu.memory_space<semaphore_mem>>) src(%arg6 : memref<16x2048xf32, #tpu.memory_space<vmem>>) dst(%dma_wait3A_377 : memref<8704x2048xf32, #tpu.memory_space<hbm>>)
    %dma_wait3A_378 = arith.constant 15 : i32
    %dma_wait3A_379 = arith.constant 0 : i32
    %dma_wait3A_380 = tpu.memref_slice %arg5[%dma_wait3A_378, %dma_wait3A_379] : memref<16x16xi32, #tpu.memory_space<vmem>> -> memref<1x16xi32, #tpu.memory_space<vmem>>
    %dma_wait3A_381 = tpu.memref_squeeze %dma_wait3A_380 : memref<1x16xi32, #tpu.memory_space<vmem>> -> memref<16xi32, #tpu.memory_space<vmem>>
    %dma_wait3A_382 = arith.constant 0 : i32
    %dma_wait3A_383 = arith.constant 0 : i32
    %dma_wait3A_384 = tpu.memref_slice %arg4[%dma_wait3A_382, %dma_wait3A_383] : memref<8704x2048xf32, #tpu.memory_space<hbm>> -> memref<8704x2048xf32, #tpu.memory_space<hbm>>
    tpu.wait_indirect_dma semaphore(%arg11 : memref<!tpu.dma_semaphore, #tpu.memory_space<semaphore_mem>>) src(%arg7 : memref<16x2048xf32, #tpu.memory_space<vmem>>) dst(%dma_wait3A_384 : memref<8704x2048xf32, #tpu.memory_space<hbm>>)
    return
  }
}

module attributes {stable_mosaic.version = 14 : i64} {
  func.func @_mm_body(%arg0: i32, %arg1: memref<16xi32, #tpu.memory_space<smem>>, %arg2: memref<512x2048xf32, #tpu.memory_space<vmem>>, %arg3: memref<1x2048x2048xbf16, #tpu.memory_space<vmem>>, %arg4: memref<1x1x2048xf32, #tpu.memory_space<vmem>>, %arg5: memref<512x2048xf32, #tpu.memory_space<vmem>>) attributes {dimension_semantics = [#tpu.dimension_semantics<arbitrary>], iteration_bounds = array<i64: 17>, scalar_prefetch = 1 : i64, scratch_operands = 0 : i64, tpu.core_type = #tpu.core_type<tc>, window_params = [{transform_indices = @transform_0, window_bounds = array<i64: 512, 2048>}, {transform_indices = @transform_1, window_bounds = array<i64: 1, 2048, 2048>}, {transform_indices = @transform_2, window_bounds = array<i64: 1, 1, 2048>}, {transform_indices = @transform_3, window_bounds = array<i64: 512, 2048>}]} {
    %get3A = arith.constant 0 : index
    %get3A_0 = arith.constant 0 : index
    %get3A_1 = vector.load %arg2[%get3A, %get3A_0] : memref<512x2048xf32, #tpu.memory_space<vmem>>, vector<512x2048xf32>
    %convert_element_type3A = arith.truncf %get3A_1 : vector<512x2048xf32> to vector<512x2048xbf16>
    %get3A_2 = arith.constant 0 : index
    %get3A_3 = arith.constant 0 : index
    %get3A_4 = arith.constant 0 : index
    %get3A_5 = vector.load %arg3[%get3A_2, %get3A_3, %get3A_4] : memref<1x2048x2048xbf16, #tpu.memory_space<vmem>>, vector<1x2048x2048xbf16>
    %get3A_6 = vector.shape_cast %get3A_5 : vector<1x2048x2048xbf16> to vector<2048x2048xbf16>
    %dot_general3A = arith.constant dense<0.000000e+00> : vector<512x2048xf32>
    %dot_general3A_7 = tpu.matmul %convert_element_type3A, %get3A_6, %dot_general3A {dimension_numbers = #tpu.dot_dimension_numbers<[1], [1], [0], [0], [0, 0, 1, 0], [], []>, transpose_lhs_hint = false} : vector<512x2048xbf16>, vector<2048x2048xbf16>, vector<512x2048xf32> -> vector<512x2048xf32>
    %get3A_8 = arith.constant 0 : index
    %get3A_9 = arith.constant 0 : index
    %get3A_10 = arith.constant 0 : index
    %get3A_11 = vector.load %arg4[%get3A_8, %get3A_9, %get3A_10] : memref<1x1x2048xf32, #tpu.memory_space<vmem>>, vector<1x1x2048xf32>
    %get3A_12 = vector.shape_cast %get3A_11 : vector<1x1x2048xf32> to vector<1x2048xf32>
    %add3A = vector.broadcast %get3A_12 : vector<1x2048xf32> to vector<512x2048xf32>
    %add3A_13 = arith.addf %dot_general3A_7, %add3A : vector<512x2048xf32>
    %swap3A = arith.constant 0 : index
    %swap3A_14 = arith.constant 0 : index
    %swap3A_15 = vector.load %arg5[%swap3A, %swap3A_14] : memref<512x2048xf32, #tpu.memory_space<vmem>>, vector<512x2048xf32>
    tpu.vector_store %arg5[%swap3A, %swap3A_14], %add3A_13 {strides = array<i32>} : memref<512x2048xf32, #tpu.memory_space<vmem>>, vector<512x2048xf32>,
    return
  }
  func.func @transform_0(%arg0: i32, %arg1: memref<16xi32, #tpu.memory_space<smem>>) -> (i32, i32) {
    %c0_i32 = arith.constant 0 : i32
    %c0_i32_0 = arith.constant 0 : i32
    return %arg0, %c0_i32 : i32, i32
  }
  func.func @transform_1(%arg0: i32, %arg1: memref<16xi32, #tpu.memory_space<smem>>) -> (i32, i32, i32) {
    %get3A = arith.constant 0 : index
    %get3A_0 = memref.load %arg1[%get3A] : memref<16xi32, #tpu.memory_space<smem>>
    %ge3A = arith.cmpi sge, %arg0, %get3A_0 : i32
    %jit3A = arith.constant 1 : i32
    %jit3A_1 = arith.constant 0 : i32
    %select_n3A = arith.select %ge3A, %jit3A, %jit3A_1 : i32
    %c0_i32 = arith.constant 0 : i32
    %c0_i32_2 = arith.constant 0 : i32
    %c0_i32_3 = arith.constant 0 : i32
    return %select_n3A, %c0_i32, %c0_i32_2 : i32, i32, i32
  }
  func.func @transform_2(%arg0: i32, %arg1: memref<16xi32, #tpu.memory_space<smem>>) -> (i32, i32, i32) {
    %get3A = arith.constant 0 : index
    %get3A_0 = memref.load %arg1[%get3A] : memref<16xi32, #tpu.memory_space<smem>>
    %ge3A = arith.cmpi sge, %arg0, %get3A_0 : i32
    %jit3A = arith.constant 1 : i32
    %jit3A_1 = arith.constant 0 : i32
    %select_n3A = arith.select %ge3A, %jit3A, %jit3A_1 : i32
    %c0_i32 = arith.constant 0 : i32
    %c0_i32_2 = arith.constant 0 : i32
    %c0_i32_3 = arith.constant 0 : i32
    return %select_n3A, %c0_i32, %c0_i32_2 : i32, i32, i32
  }
  func.func @transform_3(%arg0: i32, %arg1: memref<16xi32, #tpu.memory_space<smem>>) -> (i32, i32) {
    %c0_i32 = arith.constant 0 : i32
    %c0_i32_0 = arith.constant 0 : i32
    return %arg0, %c0_i32 : i32, i32
  }
}

</mosaic_0001>

<sc_bundles>
// kernel: kernel.12.cloned.1.call-start
scs
__scs_entry_jumppad:
0x0: {  	(pc) =	sbr.rel $0x88, $3  }
0x1: {  	(tag) =	ssettag $0x0;
	lr =	simm.s32 $0x1  }
0x2: {  	[smem:$0x3F9B] =	sst lr;
	_ =	strace $0xD0000000  }
0x3: {  	_ = 	snop  }
0x4: {  	_ = 	snop  }
0x5: {  	_ = 	snop  }
0x6: {  	_ = 	snop  }
0x7: {  	_ = 	snop  }
__scs_overlays_trampoline_lowered:
0x8: {  	[smem:$0x3FAA] =	sst s0  }
0x9: {  	[smem:$0x3FAB] =	sst s1  }
0xa: {  	[smem:$0x3FAC] =	sst s2  }
0xb: {  	[smem:$0x3FAD] =	sst s3  }
0xc: {  	[smem:$0x3FAE] =	sst s4  }
0xd: {  	[smem:$0x3FAF] =	sst s5  }
0xe: {  	[smem:$0x3FB0] =	sst s6  }
0xf: {  	[smem:$0x3FB1] =	sst s7  }
0x10: {  	[smem:$0x3FB2] =	sst s8  }
0x11: {  	[smem:$0x3FB3] =	sst s9;
	s0 =	simm.s32 @!p0 $0x0  }
0x12: {  	s1 =	sld [smem:$0x3F99];
	s0 =	simm.s32 @p0 $0x1  }
0x13: {  	[smem:$0x3FB4] =	sst s0;
	s0 =	simm.s32 @!p1 $0x0  }
0x14: {  	s2 =	sld [smem:$0x3F98];
	s0 =	simm.s32 @p1 $0x1  }
0x15: {  	[smem:$0x3FB5] =	sst s0;
	s0 =	simm.s32 @!p2 $0x0  }
0x16: {  	s3 =	sld [smem:$0x3FDB];
	s0 =	simm.s32 @p2 $0x1  }
0x17: {  	s4 =	simm.s32 $0x1BF5;
	[smem:$0x3FB7] =	sst s0  }
0x18: {  	s0 =	sld [smem:$0x3F9A];
	_ =	swait.ge [sflag:s4], $0x0  }
0x19: {  	s7 =	sld [smem:$0x3F9B]  }
0x1a: {  	s8 =	sadd.s32 $0xFFFFE003, lr  }
0x1b: {  	s9 =	sadd.s32 $0xFFFFFEF7, lr;
	s5 =	simm.s32 $0xFFFFFFFF;
	p2 =	slt.u32 s8, $0xFFFFF086  }
0x1c: {  	p1 =	slt.u32 s9, $0xF7A;
	s5 =	simm.s32 @!p2 $0x0  }
0x1d: {  	s5 =	simm.s32 @p1 $0x1;
	p0 =	seq.s32 s7, s2  }
0x1e: {  	s7 =	smul.u32 @!p0 $0xF7A, s2;
	p2 =	seq.s32 @!p0 s5, $0x0  }
0x1f: {  	s9 =	smul.u32 $0xF7A, s1;
	s8 =	simm.s32 @!p0 $0x1BF5;
	p2 =	por !p2, p0  }
0x20: {  	[sflag:s8] =	ssyncset.s32 @!p0 $0xFFFFF086;
	s6 =	sadd.s32 @!p0 s3, s7;
	s7 =	simm.s32 @!p0 $0x108  }
0x21: {  	s3 =	sadd.s32 s3, s9;
	s6 =	sadd.s32 @!p0 $0x88, s6;
	s7 =	simm.s32 @p2 $0x1082  }
0x22: {  	[simem:s7], [sflag:s8] =	dma.local @!p0 [hbm:s6], $0xF7A  }
0x23: {  	s9 =	sor.u32 $0xD0000000, s2;
	s6 =	simm.s32 $0x108;
	_ =	swait.ge @!p0 [sflag:s8], $0x0  }
0x24: {  	s3 =	sadd.s32 $0x88, s3;
	s6 =	simm.s32 @!p1 $0x1082;
	[sflag:s4] =	ssyncset.s32 $0xFFFFF086  }
0x25: {  	[simem:s6], [sflag:s4] =	dma.local [hbm:s3], $0xF7A  }
0x26: {  	[smem:$0x3F9B] =	sst s1;
	(tag) =	ssettag s2;
	_ =	strace s9  }
0x27: {  	s1 =	sld [smem:$0x3FAB]  }
0x28: {  	s2 =	sld [smem:$0x3FAC]  }
0x29: {  	s4 =	sld [smem:$0x3FAE]  }
0x2a: {  	p0 =	seq.s32 s5, $0x0;
	s5 =	sld [smem:$0x3FAF]  }
0x2b: {  	s6 =	sld [smem:$0x3FB0]  }
0x2c: {  	s7 =	sld [smem:$0x3FB1]  }
0x2d: {  	s3 =	simm.s32 $0x108;
	s8 =	sld [smem:$0x3FB2]  }
0x2e: {  	s3 =	simm.s32 @!p0 $0x1082;
	s9 =	sld [smem:$0x3FB3]  }
0x2f: {  	lr =	sadd.s32 s0, s3;
	s0 =	sld [smem:$0x3FAA]  }
0x30: {  	s3 =	sld [smem:$0x3FAD]  }
0x31: {  	[smem:$0x3FB6] =	sst s10  }
0x32: {  	s10 =	sld [smem:$0x3FB4];
	_ =	sdelay $0x3  }
0x33: {  	p0 =	seq.s32 s10, $0x1;
	s10 =	sld [smem:$0x3FB6];
	_ =	sdelay $0x3  }
0x34: {  	[smem:$0x3FB6] =	sst s10  }
0x35: {  	s10 =	sld [smem:$0x3FB5];
	_ =	sdelay $0x3  }
0x36: {  	p1 =	seq.s32 s10, $0x1;
	s10 =	sld [smem:$0x3FB6];
	_ =	sdelay $0x3  }
0x37: {  	[smem:$0x3FB6] =	sst s10  }
0x38: {  	s10 =	sld [smem:$0x3FB7]  }
0x39: {  	_ = 	snop;
	(pc) =	sbr.ind lr, $3  }
0x3a: {  	_ = 	snop  }
0x3b: {  	_ = 	snop  }
0x3c: {  	p2 =	seq.s32 s10, $0x1;
	s10 =	sld [smem:$0x3FB6]  }
0x3d: {  	_ =	shalt  }
0x3e: {  	_ =	shalt  }
0x3f: {  	_ =	shalt  }
0x40: {  	_ =	shalt  }
0x41: {  	_ =	shalt  }
0x42: {  	_ =	shalt  }
0x43: {  	_ =	shalt  }
0x44: {  	_ =	shalt  }
0x45: {  	_ =	shalt  }
0x46: {  	_ =	shalt  }
0x47: {  	_ =	shalt  }
0x48: {  	_ =	shalt  }
0x49: {  	_ =	shalt  }
0x4a: {  	_ =	shalt  }
0x4b: {  	_ =	shalt  }
0x4c: {  	_ =	shalt  }
0x4d: {  	_ =	shalt  }
0x4e: {  	_ =	shalt  }
0x4f: {  	_ =	shalt  }
0x50: {  	_ =	shalt  }
0x51: {  	_ =	shalt  }
0x52: {  	_ =	shalt  }
0x53: {  	_ =	shalt  }
0x54: {  	_ =	shalt  }
0x55: {  	_ =	shalt  }
0x56: {  	_ =	shalt  }
0x57: {  	_ =	shalt  }
0x58: {  	_ =	shalt  }
0x59: {  	_ =	shalt  }
0x5a: {  	_ =	shalt  }
0x5b: {  	_ =	shalt  }
0x5c: {  	_ =	shalt  }
0x5d: {  	_ =	shalt  }
0x5e: {  	_ =	shalt  }
0x5f: {  	_ =	shalt  }
0x60: {  	_ =	shalt  }
0x61: {  	_ =	shalt  }
0x62: {  	_ =	shalt  }
0x63: {  	_ =	shalt  }
0x64: {  	_ =	shalt  }
0x65: {  	_ =	shalt  }
0x66: {  	_ =	shalt  }
0x67: {  	_ =	shalt  }
0x68: {  	_ =	shalt  }
0x69: {  	_ =	shalt  }
0x6a: {  	_ =	shalt  }
0x6b: {  	_ =	shalt  }
0x6c: {  	_ =	shalt  }
0x6d: {  	_ =	shalt  }
0x6e: {  	_ =	shalt  }
0x6f: {  	_ =	shalt  }
0x70: {  	_ =	shalt  }
0x71: {  	_ =	shalt  }
0x72: {  	_ =	shalt  }
0x73: {  	_ =	shalt  }
0x74: {  	_ =	shalt  }
0x75: {  	_ =	shalt  }
0x76: {  	_ =	shalt  }
0x77: {  	_ =	shalt  }
0x78: {  	_ =	shalt  }
0x79: {  	_ =	shalt  }
0x7a: {  	_ =	shalt  }
0x7b: {  	_ =	shalt  }
0x7c: {  	_ =	shalt  }
0x7d: {  	_ =	shalt  }
0x7e: {  	_ =	shalt  }
0x7f: {  	_ =	shalt  }
0x80: {  	_ =	shalt  }
0x81: {  	_ =	shalt  }
0x82: {  	_ =	shalt  }
0x83: {  	_ =	shalt  }
0x84: {  	_ =	shalt  }
0x85: {  	_ =	shalt  }
0x86: {  	_ =	shalt  }
0x87: {  	_ =	shalt  }
.Lfunc_end0:
.L_simem_size_0:
called_computation.2_lowered:
.L_overlay_start_0:
0x88: {  	s2 =	sld [smem:$0x3FD9]  }
0x89: {  	s3 =	sld [smem:$0x3FFE];
	_ =	sdelay $0x1  }
0x8a: {  	s1 =	srdreg.scid  }
0x8b: {  	s0 =	sand.u32 $0x1, s1  }
0x8c: {  	s17 =	sshll.u32 s0, $0xA;
	s2 =	sadd.s32 s3, s2  }
0x8d: {  	s2 =	sadd.s32 s2, s17  }
0x8e: {  	[smem:$0x3FC2] =	sst s2  }
0x8f: {  	_ = 	snop  }
0x90: {  	s2 =	sld [smem:$0x3FD0];
	(tm) =	ssettm $0x1  }
0x91: {  	s18 =	sld [smem:$0x3FFB];
	_ =	sdelay $0x3  }
0x92: {  	_ =	strace s18  }
0x93: {  	s3 =	sld [smem:$0x3FFC];
	_ =	sdelay $0x3  }
0x94: {  	_ =	strace s3  }
0x95: {  	s3 =	sld [smem:$0x3FFD];
	_ =	sdelay $0x3  }
0x96: {  	_ =	strace s3  }
0x97: {  	_ =	strace $0x8FFFFFFF  }
0x98: {  	s19 =	sld [smem:$0x3FDB];
	_ =	sdelay $0x1  }
0x99: {  	s4 =	simm.s32 $_scs_section_size  }
0x9a: {  	s5 =	simm.s32 $_size__tile_overlayer_lowered;
	s6 =	simm.s32 $_tile_overlayer_lowered  }
0x9b: {  	s22 =	simm.s32 $0x1BFF;
	s21 =	sshll.u32 s6, $0x1;
	s3 =	sadd.s32 s4, s19  }
0x9c: {  	s7 =	simm.s32 $0x0;
	s20 =	sshll.u32 s5, $0x1;
	s5 =	sadd.s32 s21, s3  }
0x9d: {  	[timem:s7], [sflag:s22] =	dma.local [hbm:s5], s20  }
0x9e: {  	_ =	swait.ge [sflag:s22], s20  }
0x9f: {  	s4 =	ssub.s32 $0x0, s20;
	[sflag:s22] =	ssyncset.done $0x0  }
0xa0: {  	[sflag:s22] =	ssyncadd.s32 s4;
	_ =	sdelay $0x1  }
0xa1: {  	s23 =	simm.s32 $0x1B8B  }
0xa2: {  	_ =	swait.ge [sflag:s23], $0x1  }
0xa3: {  	[sflag:s23] =	ssyncset.done $0x0  }
0xa4: {  	s25 =	simm.s32 $0x1B8E;
	s24 =	sld [smem:$0x3FFE];
	[sflag:s23] =	ssyncadd.s32 $0xFFFFFFFF  }
0xa5: {  	s26 =	simm.s32 $execute0_lowered;
	[smem:$0x3FD2] =	sst s25  }
0xa6: {  	s5 =	sshll.u32 s26, $0x1;
	_ =	strace $0x8000004C;
	[dreg:$0x1] =	wrdreg $0xFFFFFFFF  }
0xa7: {  	s28 =	simm.s32 $_size_execute0_lowered;
	s3 =	sadd.s32 s3, s5;
	[dreg:$0x0] =	wrdreg $0x0  }
0xa8: {  	s5 =	sshll.u32 s28, $0x1;
	[dreg:$0x2] =	wrdreg s3  }
0xa9: {  	[dreg:$0x3] =	wrdreg s5  }
0xaa: {  	[dreg:$0x4] =	wrdreg $0xC0  }
0xab: {  	_ =	task [dreg:s7], $0x5FFFF  }
0xac: {  	[dreg:$0x1] =	wrdreg $0xFFFFFFFF  }
0xad: {  	[dreg:$0x0] =	wrdreg $0x60  }
0xae: {  	[dreg:$0x2] =	wrdreg s24  }
0xaf: {  	[dreg:$0x3] =	wrdreg s2  }
0xb0: {  	[dreg:$0x4] =	wrdreg $0x9  }
0xb1: {  	_ =	task.clear_ibuf [dreg:s7], $0x5FFFF;
	_ =	strace $0x9000004C  }
0xb2: {  	s29 =	simm.s32 $0x9;
	_ =	strace $0x8000004E  }
0xb3: {  	_ =	swait.ge [sflag:s29], $0x1  }
0xb4: {  	[sflag:s29] =	ssyncadd.s32 $0xFFFFFFFF  }
0xb5: {  	_ =	strace $0x9000004E  }
0xb6: {  	_ =	sfence  }
0xb7: {  	s30 =	sld [smem:$0x0];
	_ =	sdelay $0x2  }
0xb8: {  	s31 =	sshll.u32 s1, $0xD;
	s1 =	sshrl.u32 s1, $0x2  }
0xb9: {  	s3 =	sand.u32 $0x4000, s31;
	s1 =	sadd.s32 s1, s30  }
0xba: {  	s0 =	sor.u32 s3, s0;
	s1 =	sshll.u32 s1, $0x11  }
0xbb: {  	s0 =	sor.u32 s1, s0  }
0xbc: {  	s0 =	sadd.s32 $0x8F2B, s0  }
0xbd: {  	[sflag:s0] =	ssyncadd.remote.s32 $0x1  }
0xbe: {  	_ =	sfence.sel $0xFFFF  }
0xbf: {  	[dreg:$0x0] =	wrdreg $0xFFFFFFFF;
	(pc) =	sbr.abs _section_cstart, $3  }
0xc0: {  	[dreg:$0x1] =	wrdreg $0xFFFFFFFF  }
0xc1: {  	_ =	task.clear_ibuf [dreg:s7], $0x2FFFF;
	_ =	strace $0x9FFFFFFF  }
0xc2: {  	(tm) =	ssettm $0x7FFFFFFF  }
0xc3: {  	_ =	shalt  }
tec
execute0_lowered:
.L_overlay_start_1:
0x0: {  	(tag) =	ssettag $0x1  }
0x1: {  	s0 =	srdreg.scid;
	s2 =	stileid.u32  }
0x2: {  	s1 =	rddreg [dreg:$0x0];
	s0 =	sand.u32 $0x1, s0;
	s2 =	sshll.u32 s2, $0x1  }
0x3: {  	s3 =	rddreg [dreg:$0x1];
	s4 =	sor.u32 s0, s2  }
0x4: {  	s2 =	simm.s32 $0x0;
	s5 =	sshll.u32 s4, $0x8;
	s4 =	sshll.u32 s4, $0x10  }
0x5: {  	[smem:$0x7FF] =	sst s2;
	s5 =	sadd.s32 s5, s1;
	s12 =	sadd.s32 s3, s4  }
0x6: {  	_ =	strace $0x8000004D;
	s5 =	sadd.s32 $0x1C00, s5;
	[dreg:$0x13] =	wrdreg s12  }
0x7: {  	s3 =	sadd.s32 $0x1000, s12;
	[dreg:$0x3] =	wrdreg s5  }
0x8: {  	s11 =	sadd.s32 $0x2000, s12;
	[dreg:$0x4] =	wrdreg s3  }
0x9: {  	s31 =	simm.s32 $0x8800;
	s13 =	sadd.s32 $0x3000, s12;
	[dreg:$0x5] =	wrdreg s11  }
0xa: {  	s28 =	simm.s32 $0x3;
	s14 =	sadd.s32 $0x4000, s12;
	[dreg:$0x6] =	wrdreg s13  }
0xb: {  	s29 =	simm.s32 $0x2;
	s15 =	sadd.s32 $0x5000, s12;
	[dreg:$0x7] =	wrdreg s14  }
0xc: {  	s30 =	simm.s32 $0x4;
	s16 =	sadd.s32 $0x6000, s12;
	[dreg:$0x8] =	wrdreg s15  }
0xd: {  	s6 =	sadd.s32 $0x223E00, s1;
	s18 =	sadd.s32 $0x7000, s12;
	[dreg:$0x9] =	wrdreg s16  }
0xe: {  	s7 =	sadd.s32 $0x223F00, s1;
	s19 =	sadd.s32 $0x8000, s12;
	[dreg:$0xa] =	wrdreg s18  }
0xf: {  	s8 =	sadd.s32 $0x224000, s1;
	s20 =	sadd.s32 $0x9000, s12;
	[dreg:$0xb] =	wrdreg s19  }
0x10: {  	s9 =	sadd.s32 $0x224100, s1;
	s21 =	sadd.s32 $0xA000, s12;
	[dreg:$0xc] =	wrdreg s20  }
0x11: {  	s10 =	sadd.s32 $0x224200, s1;
	s22 =	sadd.s32 $0xB000, s12;
	[dreg:$0xd] =	wrdreg s21  }
0x12: {  	s0 =	ssub.s32 $0x2, s0;
	s23 =	sadd.s32 $0xC000, s12;
	[dreg:$0xe] =	wrdreg s22  }
0x13: {  	s17 =	sshrl.u32 s0, $0x1;
	s24 =	sadd.s32 $0xD000, s12;
	[dreg:$0xf] =	wrdreg s23  }
0x14: {  	s4 =	sadd.s32 $0x223C00, s1;
	s25 =	sadd.s32 $0xE000, s12;
	[dreg:$0x10] =	wrdreg s24  }
0x15: {  	v2 =	vlaneseq.u32;
	s0 =	ssub.s32 s0, s17;
	s26 =	sadd.s32 $0xF000, s12;
	[dreg:$0x11] =	wrdreg s25  }
0x16: {  	vm0 =	vmmov $0xffff;
	v1 =	vshrl.u32 v2, $0x3;
	s5 =	sadd.s32 $0x223D00, s1;
	s11 =	sadd.s32 $0x224300, s1;
	[dreg:$0x12] =	wrdreg s26  }
0x17: {  	v0 =	vand.u32 $0x7, v2;
	v2 =	vor.u32 $0x8, v2;
	v1 =	vmul.u32 $0x8, v1;
	s16 =	smax.u32 s0, $0x1;
	s14 =	simm.s32 $0x800;
	s26 =	simm.s32 $0x1  }
.LBB2_1:
0x18: {  	s1 =	rddreg [dreg:$0x3];
	s21 =	simm.s32 $0x5  }
0x19: {  	[tilespmem:s2], [sflag:$0x5] =	stream.linear.gather [hbm4b:s1+s2], $0x800, $0x38;
	[tilespmem:$0x10800] =	vst v63  }
0x1a: {  	_ =	swait.ge [sflag:s21], $0x800  }
0x1b: {  	[sflag:s21] =	ssyncset.done $0x0  }
0x1c: {  	[sflag:s21] =	ssyncadd.s32 $0xFFFFF800  }
0x1d: {  	v3 =	vld [tilespmem:$0x0];
	_ =	sdelay $0x4  }
0x1e: {  	v4 =	vshll.u32 v3, $0x4  }
0x1f: {  	v3 =	vand.u32 $0x7, v3;
	v4 =	vand.u32 $0xFFFFFF80, v4  }
0x20: {  	v3 =	vor.u32 v3, v4  }
0x21: {  	v4 =	vperm.xlane v3, v0;
	_ =	sdelay $0x1  }
0x22: {  	v4 =	vadd.s32 v1, v4;
	_ =	sdelay $0x4  }
0x23: {  	[tilespmem:s14], [sflag:$0x1] =	stream.indirect_vreg.gather [hbm4b:s4+s2], $0x80, v4, vm0, $0xb8;
	[tilespmem:$0x10800] =	vst v63  }
0x24: {  	s0 =	simm.s32 $0x1000  }
0x25: {  	[tilespmem:s0], [sflag:$0x1] =	stream.indirect_vreg.gather [hbm4b:s5+s2], $0x80, v4, vm0, $0xb8;
	[tilespmem:$0x10800] =	vst v63  }
0x26: {  	s22 =	simm.s32 $0x1800  }
0x27: {  	[tilespmem:s22], [sflag:$0x1] =	stream.indirect_vreg.gather [hbm4b:s6+s2], $0x80, v4, vm0, $0xb8;
	[tilespmem:$0x10800] =	vst v63  }
0x28: {  	s23 =	simm.s32 $0x2000  }
0x29: {  	[tilespmem:s23], [sflag:$0x1] =	stream.indirect_vreg.gather [hbm4b:s7+s2], $0x80, v4, vm0, $0xb8;
	[tilespmem:$0x10800] =	vst v63  }
0x2a: {  	s24 =	simm.s32 $0x2800  }
0x2b: {  	[tilespmem:s24], [sflag:$0x1] =	stream.indirect_vreg.gather [hbm4b:s8+s2], $0x80, v4, vm0, $0xb8;
	[tilespmem:$0x10800] =	vst v63  }
0x2c: {  	s25 =	simm.s32 $0x3000;
	v3 =	vperm.xlane v3, v2  }
0x2d: {  	[tilespmem:s25], [sflag:$0x1] =	stream.indirect_vreg.gather [hbm4b:s9+s2], $0x80, v4, vm0, $0xb8;
	[tilespmem:$0x10800] =	vst v63  }
0x2e: {  	s1 =	simm.s32 $0x3800;
	v3 =	vadd.s32 v1, v3  }
0x2f: {  	[tilespmem:s1], [sflag:$0x1] =	stream.indirect_vreg.gather [hbm4b:s10+s2], $0x80, v4, vm0, $0xb8;
	[tilespmem:$0x10800] =	vst v63  }
0x30: {  	s3 =	simm.s32 $0x4000  }
0x31: {  	[tilespmem:s3], [sflag:$0x1] =	stream.indirect_vreg.gather [hbm4b:s11+s2], $0x80, v4, vm0, $0xb8;
	[tilespmem:$0x10800] =	vst v63  }
0x32: {  	s12 =	simm.s32 $0x4800  }
0x33: {  	[tilespmem:s12], [sflag:$0x1] =	stream.indirect_vreg.gather [hbm4b:s4+s2], $0x80, v3, vm0, $0xb8;
	[tilespmem:$0x10800] =	vst v63  }
0x34: {  	s15 =	simm.s32 $0x5000  }
0x35: {  	[tilespmem:s15], [sflag:$0x1] =	stream.indirect_vreg.gather [hbm4b:s5+s2], $0x80, v3, vm0, $0xb8;
	[tilespmem:$0x10800] =	vst v63  }
0x36: {  	s18 =	simm.s32 $0x5800  }
0x37: {  	[tilespmem:s18], [sflag:$0x1] =	stream.indirect_vreg.gather [hbm4b:s6+s2], $0x80, v3, vm0, $0xb8;
	[tilespmem:$0x10800] =	vst v63  }
0x38: {  	s19 =	simm.s32 $0x6000  }
0x39: {  	[tilespmem:s19], [sflag:$0x1] =	stream.indirect_vreg.gather [hbm4b:s7+s2], $0x80, v3, vm0, $0xb8;
	[tilespmem:$0x10800] =	vst v63  }
0x3a: {  	s20 =	simm.s32 $0x6800  }
0x3b: {  	[tilespmem:s20], [sflag:$0x1] =	stream.indirect_vreg.gather [hbm4b:s8+s2], $0x80, v3, vm0, $0xb8;
	[tilespmem:$0x10800] =	vst v63  }
0x3c: {  	s21 =	simm.s32 $0x7000  }
0x3d: {  	[tilespmem:s21], [sflag:$0x1] =	stream.indirect_vreg.gather [hbm4b:s9+s2], $0x80, v3, vm0, $0xb8;
	[tilespmem:$0x10800] =	vst v63  }
0x3e: {  	s22 =	simm.s32 $0x7800  }
0x3f: {  	[tilespmem:s22], [sflag:$0x1] =	stream.indirect_vreg.gather [hbm4b:s10+s2], $0x80, v3, vm0, $0xb8;
	[tilespmem:$0x10800] =	vst v63  }
0x40: {  	s23 =	simm.s32 $0x8000  }
0x41: {  	[tilespmem:s23], [sflag:$0x1] =	stream.indirect_vreg.gather [hbm4b:s11+s2], $0x80, v3, vm0, $0xb8;
	[tilespmem:$0x10800] =	vst v63  }
0x42: {  	v3 =	vld [tilespmem:$0x80];
	_ =	sdelay $0x4  }
0x43: {  	v49 =	vshll.u32 v3, $0x4  }
0x44: {  	v3 =	vand.u32 $0x7, v3;
	v4 =	vand.u32 $0xFFFFFF80, v49  }
0x45: {  	v3 =	vor.u32 v3, v4  }
0x46: {  	v4 =	vperm.xlane v3, v0;
	_ =	sdelay $0x1  }
0x47: {  	v4 =	vadd.s32 v1, v4;
	_ =	sdelay $0x4  }
0x48: {  	[tilespmem:s31], [sflag:$0x2] =	stream.indirect_vreg.gather [hbm4b:s4+s2], $0x80, v4, vm0, $0xb8;
	[tilespmem:$0x10800] =	vst v63  }
0x49: {  	s24 =	simm.s32 $0x9000  }
0x4a: {  	[tilespmem:s24], [sflag:$0x2] =	stream.indirect_vreg.gather [hbm4b:s5+s2], $0x80, v4, vm0, $0xb8;
	[tilespmem:$0x10800] =	vst v63  }
0x4b: {  	s25 =	simm.s32 $0x9800  }
0x4c: {  	[tilespmem:s25], [sflag:$0x2] =	stream.indirect_vreg.gather [hbm4b:s6+s2], $0x80, v4, vm0, $0xb8;
	[tilespmem:$0x10800] =	vst v63  }
0x4d: {  	s0 =	simm.s32 $0xA000  }
0x4e: {  	[tilespmem:s0], [sflag:$0x2] =	stream.indirect_vreg.gather [hbm4b:s7+s2], $0x80, v4, vm0, $0xb8;
	[tilespmem:$0x10800] =	vst v63  }
0x4f: {  	s3 =	simm.s32 $0xA800  }
0x50: {  	[tilespmem:s3], [sflag:$0x2] =	stream.indirect_vreg.gather [hbm4b:s8+s2], $0x80, v4, vm0, $0xb8;
	[tilespmem:$0x10800] =	vst v63  }
0x51: {  	s12 =	simm.s32 $0xB000;
	v3 =	vperm.xlane v3, v2  }
0x52: {  	[tilespmem:s12], [sflag:$0x2] =	stream.indirect_vreg.gather [hbm4b:s9+s2], $0x80, v4, vm0, $0xb8;
	[tilespmem:$0x10800] =	vst v63  }
0x53: {  	s18 =	simm.s32 $0xB800;
	v3 =	vadd.s32 v1, v3  }
0x54: {  	[tilespmem:s18], [sflag:$0x2] =	stream.indirect_vreg.gather [hbm4b:s10+s2], $0x80, v4, vm0, $0xb8;
	[tilespmem:$0x10800] =	vst v63  }
0x55: {  	s19 =	simm.s32 $0xC000  }
0x56: {  	[tilespmem:s19], [sflag:$0x2] =	stream.indirect_vreg.gather [hbm4b:s11+s2], $0x80, v4, vm0, $0xb8;
	[tilespmem:$0x10800] =	vst v63  }
0x57: {  	s20 =	simm.s32 $0xC800  }
0x58: {  	[tilespmem:s20], [sflag:$0x2] =	stream.indirect_vreg.gather [hbm4b:s4+s2], $0x80, v3, vm0, $0xb8;
	[tilespmem:$0x10800] =	vst v63  }
0x59: {  	s21 =	simm.s32 $0xD000  }
0x5a: {  	[tilespmem:s21], [sflag:$0x2] =	stream.indirect_vreg.gather [hbm4b:s5+s2], $0x80, v3, vm0, $0xb8;
	[tilespmem:$0x10800] =	vst v63  }
0x5b: {  	s22 =	simm.s32 $0xD800  }
0x5c: {  	[tilespmem:s22], [sflag:$0x2] =	stream.indirect_vreg.gather [hbm4b:s6+s2], $0x80, v3, vm0, $0xb8;
	[tilespmem:$0x10800] =	vst v63  }
0x5d: {  	s23 =	simm.s32 $0xE000  }
0x5e: {  	[tilespmem:s23], [sflag:$0x2] =	stream.indirect_vreg.gather [hbm4b:s7+s2], $0x80, v3, vm0, $0xb8;
	[tilespmem:$0x10800] =	vst v63  }
0x5f: {  	s24 =	simm.s32 $0xE800  }
0x60: {  	[tilespmem:s24], [sflag:$0x2] =	stream.indirect_vreg.gather [hbm4b:s8+s2], $0x80, v3, vm0, $0xb8;
	[tilespmem:$0x10800] =	vst v63  }
0x61: {  	s25 =	simm.s32 $0xF000  }
0x62: {  	[tilespmem:s25], [sflag:$0x2] =	stream.indirect_vreg.gather [hbm4b:s9+s2], $0x80, v3, vm0, $0xb8;
	[tilespmem:$0x10800] =	vst v63  }
0x63: {  	s0 =	simm.s32 $0xF800  }
0x64: {  	[tilespmem:s0], [sflag:$0x2] =	stream.indirect_vreg.gather [hbm4b:s10+s2], $0x80, v3, vm0, $0xb8;
	[tilespmem:$0x10800] =	vst v63  }
0x65: {  	s3 =	simm.s32 $0x10000  }
0x66: {  	[tilespmem:s3], [sflag:$0x2] =	stream.indirect_vreg.gather [hbm4b:s11+s2], $0x80, v3, vm0, $0xb8;
	[tilespmem:$0x10800] =	vst v63  }
0x67: {  	_ =	swait.ge [sflag:s26], $0x8000  }
0x68: {  	[sflag:s26] =	ssyncset.done $0x0  }
0x69: {  	s12 =	rddreg [dreg:$0x13];
	[sflag:s26] =	ssyncadd.s32 $0xFFFF8000  }
0x6a: {  	[hbm4b:s12+s2] =	stream.linear.scatter [tilespmem:s14], [sflag:$0x3], $0x8000, $0x38;
	[tilespmem:$0x10800] =	vst v63  }
0x6b: {  	_ =	swait.ge [sflag:s28], $0x8000  }
0x6c: {  	[sflag:s28] =	ssyncset.done $0x0  }
0x6d: {  	[sflag:s28] =	ssyncadd.s32 $0xFFFF8000  }
0x6e: {  	v3 =	vld [tilespmem:$0x100];
	_ =	sdelay $0x4  }
0x6f: {  	v50 =	vshll.u32 v3, $0x4  }
0x70: {  	v3 =	vand.u32 $0x7, v3;
	v4 =	vand.u32 $0xFFFFFF80, v50  }
0x71: {  	v3 =	vor.u32 v3, v4  }
0x72: {  	v4 =	vperm.xlane v3, v0;
	_ =	sdelay $0x1  }
0x73: {  	v4 =	vadd.s32 v1, v4;
	_ =	sdelay $0x4  }
0x74: {  	[tilespmem:s14], [sflag:$0x1] =	stream.indirect_vreg.gather [hbm4b:s4+s2], $0x80, v4, vm0, $0xb8;
	[tilespmem:$0x10800] =	vst v63  }
0x75: {  	s0 =	simm.s32 $0x1000  }
0x76: {  	[tilespmem:s0], [sflag:$0x1] =	stream.indirect_vreg.gather [hbm4b:s5+s2], $0x80, v4, vm0, $0xb8;
	[tilespmem:$0x10800] =	vst v63  }
0x77: {  	s3 =	simm.s32 $0x1800  }
0x78: {  	[tilespmem:s3], [sflag:$0x1] =	stream.indirect_vreg.gather [hbm4b:s6+s2], $0x80, v4, vm0, $0xb8;
	[tilespmem:$0x10800] =	vst v63  }
0x79: {  	s12 =	simm.s32 $0x2000  }
0x7a: {  	[tilespmem:s12], [sflag:$0x1] =	stream.indirect_vreg.gather [hbm4b:s7+s2], $0x80, v4, vm0, $0xb8;
	[tilespmem:$0x10800] =	vst v63  }
0x7b: {  	s13 =	simm.s32 $0x2800  }
0x7c: {  	[tilespmem:s13], [sflag:$0x1] =	stream.indirect_vreg.gather [hbm4b:s8+s2], $0x80, v4, vm0, $0xb8;
	[tilespmem:$0x10800] =	vst v63  }
0x7d: {  	s17 =	simm.s32 $0x3000;
	v3 =	vperm.xlane v3, v2  }
0x7e: {  	[tilespmem:s17], [sflag:$0x1] =	stream.indirect_vreg.gather [hbm4b:s9+s2], $0x80, v4, vm0, $0xb8;
	[tilespmem:$0x10800] =	vst v63  }
0x7f: {  	v3 =	vadd.s32 v1, v3;
	s13 =	simm.s32 $0x3800  }
0x80: {  	[tilespmem:s13], [sflag:$0x1] =	stream.indirect_vreg.gather [hbm4b:s10+s2], $0x80, v4, vm0, $0xb8;
	[tilespmem:$0x10800] =	vst v63  }
0x81: {  	s17 =	simm.s32 $0x4000  }
0x82: {  	[tilespmem:s17], [sflag:$0x1] =	stream.indirect_vreg.gather [hbm4b:s11+s2], $0x80, v4, vm0, $0xb8;
	[tilespmem:$0x10800] =	vst v63  }
0x83: {  	s19 =	simm.s32 $0x4800  }
0x84: {  	[tilespmem:s19], [sflag:$0x1] =	stream.indirect_vreg.gather [hbm4b:s4+s2], $0x80, v3, vm0, $0xb8;
	[tilespmem:$0x10800] =	vst v63  }
0x85: {  	s20 =	simm.s32 $0x5000  }
0x86: {  	[tilespmem:s20], [sflag:$0x1] =	stream.indirect_vreg.gather [hbm4b:s5+s2], $0x80, v3, vm0, $0xb8;
	[tilespmem:$0x10800] =	vst v63  }
0x87: {  	s21 =	simm.s32 $0x5800  }
0x88: {  	[tilespmem:s21], [sflag:$0x1] =	stream.indirect_vreg.gather [hbm4b:s6+s2], $0x80, v3, vm0, $0xb8;
	[tilespmem:$0x10800] =	vst v63  }
0x89: {  	s22 =	simm.s32 $0x6000  }
0x8a: {  	[tilespmem:s22], [sflag:$0x1] =	stream.indirect_vreg.gather [hbm4b:s7+s2], $0x80, v3, vm0, $0xb8;
	[tilespmem:$0x10800] =	vst v63  }
0x8b: {  	s23 =	simm.s32 $0x6800  }
0x8c: {  	[tilespmem:s23], [sflag:$0x1] =	stream.indirect_vreg.gather [hbm4b:s8+s2], $0x80, v3, vm0, $0xb8;
	[tilespmem:$0x10800] =	vst v63  }
0x8d: {  	s24 =	simm.s32 $0x7000  }
0x8e: {  	[tilespmem:s24], [sflag:$0x1] =	stream.indirect_vreg.gather [hbm4b:s9+s2], $0x80, v3, vm0, $0xb8;
	[tilespmem:$0x10800] =	vst v63  }
0x8f: {  	s25 =	simm.s32 $0x7800  }
0x90: {  	[tilespmem:s25], [sflag:$0x1] =	stream.indirect_vreg.gather [hbm4b:s10+s2], $0x80, v3, vm0, $0xb8;
	[tilespmem:$0x10800] =	vst v63  }
0x91: {  	s15 =	simm.s32 $0x8000  }
0x92: {  	[tilespmem:s15], [sflag:$0x1] =	stream.indirect_vreg.gather [hbm4b:s11+s2], $0x80, v3, vm0, $0xb8;
	[tilespmem:$0x10800] =	vst v63  }
0x93: {  	_ =	swait.ge [sflag:s29], $0x8000  }
0x94: {  	[sflag:s29] =	ssyncset.done $0x0  }
0x95: {  	s15 =	rddreg [dreg:$0x4];
	[sflag:s29] =	ssyncadd.s32 $0xFFFF8000  }
0x96: {  	[hbm4b:s15+s2] =	stream.linear.scatter [tilespmem:s31], [sflag:$0x4], $0x8000, $0x38;
	[tilespmem:$0x10800] =	vst v63  }
0x97: {  	_ =	swait.ge [sflag:s30], $0x8000  }
0x98: {  	[sflag:s30] =	ssyncset.done $0x0  }
0x99: {  	[sflag:s30] =	ssyncadd.s32 $0xFFFF8000  }
0x9a: {  	v3 =	vld [tilespmem:$0x180];
	_ =	sdelay $0x4  }
0x9b: {  	v51 =	vshll.u32 v3, $0x4  }
0x9c: {  	v3 =	vand.u32 $0x7, v3;
	v4 =	vand.u32 $0xFFFFFF80, v51  }
0x9d: {  	v3 =	vor.u32 v3, v4  }
0x9e: {  	v4 =	vperm.xlane v3, v0;
	_ =	sdelay $0x1  }
0x9f: {  	v4 =	vadd.s32 v1, v4;
	_ =	sdelay $0x4  }
0xa0: {  	[tilespmem:s31], [sflag:$0x2] =	stream.indirect_vreg.gather [hbm4b:s4+s2], $0x80, v4, vm0, $0xb8;
	[tilespmem:$0x10800] =	vst v63  }
0xa1: {  	s15 =	simm.s32 $0x9000  }
0xa2: {  	[tilespmem:s15], [sflag:$0x2] =	stream.indirect_vreg.gather [hbm4b:s5+s2], $0x80, v4, vm0, $0xb8;
	[tilespmem:$0x10800] =	vst v63  }
0xa3: {  	s1 =	simm.s32 $0x9800  }
0xa4: {  	[tilespmem:s1], [sflag:$0x2] =	stream.indirect_vreg.gather [hbm4b:s6+s2], $0x80, v4, vm0, $0xb8;
	[tilespmem:$0x10800] =	vst v63  }
0xa5: {  	s1 =	simm.s32 $0xA000  }
0xa6: {  	[tilespmem:s1], [sflag:$0x2] =	stream.indirect_vreg.gather [hbm4b:s7+s2], $0x80, v4, vm0, $0xb8;
	[tilespmem:$0x10800] =	vst v63  }
0xa7: {  	s1 =	simm.s32 $0xA800  }
0xa8: {  	[tilespmem:s1], [sflag:$0x2] =	stream.indirect_vreg.gather [hbm4b:s8+s2], $0x80, v4, vm0, $0xb8;
	[tilespmem:$0x10800] =	vst v63  }
0xa9: {  	v3 =	vperm.xlane v3, v2;
	s1 =	simm.s32 $0xB000  }
0xaa: {  	[tilespmem:s1], [sflag:$0x2] =	stream.indirect_vreg.gather [hbm4b:s9+s2], $0x80, v4, vm0, $0xb8;
	[tilespmem:$0x10800] =	vst v63  }
0xab: {  	v3 =	vadd.s32 v1, v3;
	s1 =	simm.s32 $0xB800  }
0xac: {  	[tilespmem:s1], [sflag:$0x2] =	stream.indirect_vreg.gather [hbm4b:s10+s2], $0x80, v4, vm0, $0xb8;
	[tilespmem:$0x10800] =	vst v63  }
0xad: {  	s1 =	simm.s32 $0xC000  }
0xae: {  	[tilespmem:s1], [sflag:$0x2] =	stream.indirect_vreg.gather [hbm4b:s11+s2], $0x80, v4, vm0, $0xb8;
	[tilespmem:$0x10800] =	vst v63  }
0xaf: {  	s1 =	simm.s32 $0xC800  }
0xb0: {  	[tilespmem:s1], [sflag:$0x2] =	stream.indirect_vreg.gather [hbm4b:s4+s2], $0x80, v3, vm0, $0xb8;
	[tilespmem:$0x10800] =	vst v63  }
0xb1: {  	s1 =	simm.s32 $0xD000  }
0xb2: {  	[tilespmem:s1], [sflag:$0x2] =	stream.indirect_vreg.gather [hbm4b:s5+s2], $0x80, v3, vm0, $0xb8;
	[tilespmem:$0x10800] =	vst v63  }
0xb3: {  	s1 =	simm.s32 $0xD800  }
0xb4: {  	[tilespmem:s1], [sflag:$0x2] =	stream.indirect_vreg.gather [hbm4b:s6+s2], $0x80, v3, vm0, $0xb8;
	[tilespmem:$0x10800] =	vst v63  }
0xb5: {  	s1 =	simm.s32 $0xE000  }
0xb6: {  	[tilespmem:s1], [sflag:$0x2] =	stream.indirect_vreg.gather [hbm4b:s7+s2], $0x80, v3, vm0, $0xb8;
	[tilespmem:$0x10800] =	vst v63  }
0xb7: {  	s1 =	simm.s32 $0xE800  }
0xb8: {  	[tilespmem:s1], [sflag:$0x2] =	stream.indirect_vreg.gather [hbm4b:s8+s2], $0x80, v3, vm0, $0xb8;
	[tilespmem:$0x10800] =	vst v63  }
0xb9: {  	s1 =	simm.s32 $0xF000  }
0xba: {  	[tilespmem:s1], [sflag:$0x2] =	stream.indirect_vreg.gather [hbm4b:s9+s2], $0x80, v3, vm0, $0xb8;
	[tilespmem:$0x10800] =	vst v63  }
0xbb: {  	s1 =	simm.s32 $0xF800  }
0xbc: {  	[tilespmem:s1], [sflag:$0x2] =	stream.indirect_vreg.gather [hbm4b:s10+s2], $0x80, v3, vm0, $0xb8;
	[tilespmem:$0x10800] =	vst v63  }
0xbd: {  	s18 =	simm.s32 $0x10000  }
0xbe: {  	[tilespmem:s18], [sflag:$0x2] =	stream.indirect_vreg.gather [hbm4b:s11+s2], $0x80, v3, vm0, $0xb8;
	[tilespmem:$0x10800] =	vst v63  }
0xbf: {  	_ =	swait.ge [sflag:s26], $0x8000  }
0xc0: {  	[sflag:s26] =	ssyncset.done $0x0  }
0xc1: {  	s1 =	rddreg [dreg:$0x5];
	[sflag:s26] =	ssyncadd.s32 $0xFFFF8000  }
0xc2: {  	[hbm4b:s1+s2] =	stream.linear.scatter [tilespmem:s14], [sflag:$0x3], $0x8000, $0x38;
	[tilespmem:$0x10800] =	vst v63  }
0xc3: {  	_ =	swait.ge [sflag:s28], $0x8000  }
0xc4: {  	[sflag:s28] =	ssyncset.done $0x0  }
0xc5: {  	[sflag:s28] =	ssyncadd.s32 $0xFFFF8000  }
0xc6: {  	v3 =	vld [tilespmem:$0x200];
	_ =	sdelay $0x4  }
0xc7: {  	v52 =	vshll.u32 v3, $0x4  }
0xc8: {  	v3 =	vand.u32 $0x7, v3;
	v4 =	vand.u32 $0xFFFFFF80, v52  }
0xc9: {  	v3 =	vor.u32 v3, v4  }
0xca: {  	v4 =	vperm.xlane v3, v0;
	_ =	sdelay $0x1  }
0xcb: {  	v4 =	vadd.s32 v1, v4;
	_ =	sdelay $0x4  }
0xcc: {  	[tilespmem:s14], [sflag:$0x1] =	stream.indirect_vreg.gather [hbm4b:s4+s2], $0x80, v4, vm0, $0xb8;
	[tilespmem:$0x10800] =	vst v63  }
0xcd: {  	_ = 	snop  }
0xce: {  	[tilespmem:s0], [sflag:$0x1] =	stream.indirect_vreg.gather [hbm4b:s5+s2], $0x80, v4, vm0, $0xb8;
	[tilespmem:$0x10800] =	vst v63  }
0xcf: {  	_ = 	snop  }
0xd0: {  	[tilespmem:s3], [sflag:$0x1] =	stream.indirect_vreg.gather [hbm4b:s6+s2], $0x80, v4, vm0, $0xb8;
	[tilespmem:$0x10800] =	vst v63  }
0xd1: {  	_ = 	snop  }
0xd2: {  	[tilespmem:s12], [sflag:$0x1] =	stream.indirect_vreg.gather [hbm4b:s7+s2], $0x80, v4, vm0, $0xb8;
	[tilespmem:$0x10800] =	vst v63  }
0xd3: {  	s1 =	simm.s32 $0x2800  }
0xd4: {  	[tilespmem:s1], [sflag:$0x1] =	stream.indirect_vreg.gather [hbm4b:s8+s2], $0x80, v4, vm0, $0xb8;
	[tilespmem:$0x10800] =	vst v63  }
0xd5: {  	v3 =	vperm.xlane v3, v2;
	s1 =	simm.s32 $0x3000  }
0xd6: {  	[tilespmem:s1], [sflag:$0x1] =	stream.indirect_vreg.gather [hbm4b:s9+s2], $0x80, v4, vm0, $0xb8;
	[tilespmem:$0x10800] =	vst v63  }
0xd7: {  	v3 =	vadd.s32 v1, v3  }
0xd8: {  	[tilespmem:s13], [sflag:$0x1] =	stream.indirect_vreg.gather [hbm4b:s10+s2], $0x80, v4, vm0, $0xb8;
	[tilespmem:$0x10800] =	vst v63  }
0xd9: {  	_ = 	snop  }
0xda: {  	[tilespmem:s17], [sflag:$0x1] =	stream.indirect_vreg.gather [hbm4b:s11+s2], $0x80, v4, vm0, $0xb8;
	[tilespmem:$0x10800] =	vst v63  }
0xdb: {  	_ = 	snop  }
0xdc: {  	[tilespmem:s19], [sflag:$0x1] =	stream.indirect_vreg.gather [hbm4b:s4+s2], $0x80, v3, vm0, $0xb8;
	[tilespmem:$0x10800] =	vst v63  }
0xdd: {  	_ = 	snop  }
0xde: {  	[tilespmem:s20], [sflag:$0x1] =	stream.indirect_vreg.gather [hbm4b:s5+s2], $0x80, v3, vm0, $0xb8;
	[tilespmem:$0x10800] =	vst v63  }
0xdf: {  	_ = 	snop  }
0xe0: {  	[tilespmem:s21], [sflag:$0x1] =	stream.indirect_vreg.gather [hbm4b:s6+s2], $0x80, v3, vm0, $0xb8;
	[tilespmem:$0x10800] =	vst v63  }
0xe1: {  	_ = 	snop  }
0xe2: {  	[tilespmem:s22], [sflag:$0x1] =	stream.indirect_vreg.gather [hbm4b:s7+s2], $0x80, v3, vm0, $0xb8;
	[tilespmem:$0x10800] =	vst v63  }
0xe3: {  	_ = 	snop  }
0xe4: {  	[tilespmem:s23], [sflag:$0x1] =	stream.indirect_vreg.gather [hbm4b:s8+s2], $0x80, v3, vm0, $0xb8;
	[tilespmem:$0x10800] =	vst v63  }
0xe5: {  	_ = 	snop  }
0xe6: {  	[tilespmem:s24], [sflag:$0x1] =	stream.indirect_vreg.gather [hbm4b:s9+s2], $0x80, v3, vm0, $0xb8;
	[tilespmem:$0x10800] =	vst v63  }
0xe7: {  	_ = 	snop  }
0xe8: {  	[tilespmem:s25], [sflag:$0x1] =	stream.indirect_vreg.gather [hbm4b:s10+s2], $0x80, v3, vm0, $0xb8;
	[tilespmem:$0x10800] =	vst v63  }
0xe9: {  	s1 =	simm.s32 $0x8000  }
0xea: {  	[tilespmem:s1], [sflag:$0x1] =	stream.indirect_vreg.gather [hbm4b:s11+s2], $0x80, v3, vm0, $0xb8;
	[tilespmem:$0x10800] =	vst v63  }
0xeb: {  	_ =	swait.ge [sflag:s29], $0x8000  }
0xec: {  	[sflag:s29] =	ssyncset.done $0x0  }
0xed: {  	s1 =	rddreg [dreg:$0x6];
	[sflag:s29] =	ssyncadd.s32 $0xFFFF8000  }
0xee: {  	[hbm4b:s1+s2] =	stream.linear.scatter [tilespmem:s31], [sflag:$0x4], $0x8000, $0x38;
	[tilespmem:$0x10800] =	vst v63  }
0xef: {  	_ =	swait.ge [sflag:s30], $0x8000  }
0xf0: {  	[sflag:s30] =	ssyncset.done $0x0  }
0xf1: {  	[sflag:s30] =	ssyncadd.s32 $0xFFFF8000  }
0xf2: {  	v3 =	vld [tilespmem:$0x280];
	_ =	sdelay $0x4  }
0xf3: {  	v53 =	vshll.u32 v3, $0x4  }
0xf4: {  	v3 =	vand.u32 $0x7, v3;
	v4 =	vand.u32 $0xFFFFFF80, v53  }
0xf5: {  	v3 =	vor.u32 v3, v4  }
0xf6: {  	v4 =	vperm.xlane v3, v0;
	_ =	sdelay $0x1  }
0xf7: {  	v4 =	vadd.s32 v1, v4;
	_ =	sdelay $0x4  }
0xf8: {  	[tilespmem:s31], [sflag:$0x2] =	stream.indirect_vreg.gather [hbm4b:s4+s2], $0x80, v4, vm0, $0xb8;
	[tilespmem:$0x10800] =	vst v63  }
0xf9: {  	s15 =	simm.s32 $0x9000  }
0xfa: {  	[tilespmem:s15], [sflag:$0x2] =	stream.indirect_vreg.gather [hbm4b:s5+s2], $0x80, v4, vm0, $0xb8;
	[tilespmem:$0x10800] =	vst v63  }
0xfb: {  	s1 =	simm.s32 $0x9800  }
0xfc: {  	[tilespmem:s1], [sflag:$0x2] =	stream.indirect_vreg.gather [hbm4b:s6+s2], $0x80, v4, vm0, $0xb8;
	[tilespmem:$0x10800] =	vst v63  }
0xfd: {  	s1 =	simm.s32 $0xA000  }
0xfe: {  	[tilespmem:s1], [sflag:$0x2] =	stream.indirect_vreg.gather [hbm4b:s7+s2], $0x80, v4, vm0, $0xb8;
	[tilespmem:$0x10800] =	vst v63  }
0xff: {  	s1 =	simm.s32 $0xA800  }
0x100: {  	[tilespmem:s1], [sflag:$0x2] =	stream.indirect_vreg.gather [hbm4b:s8+s2], $0x80, v4, vm0, $0xb8;
	[tilespmem:$0x10800] =	vst v63  }
0x101: {  	v3 =	vperm.xlane v3, v2;
	s1 =	simm.s32 $0xB000  }
0x102: {  	[tilespmem:s1], [sflag:$0x2] =	stream.indirect_vreg.gather [hbm4b:s9+s2], $0x80, v4, vm0, $0xb8;
	[tilespmem:$0x10800] =	vst v63  }
0x103: {  	v3 =	vadd.s32 v1, v3;
	s1 =	simm.s32 $0xB800  }
0x104: {  	[tilespmem:s1], [sflag:$0x2] =	stream.indirect_vreg.gather [hbm4b:s10+s2], $0x80, v4, vm0, $0xb8;
	[tilespmem:$0x10800] =	vst v63  }
0x105: {  	s1 =	simm.s32 $0xC000  }
0x106: {  	[tilespmem:s1], [sflag:$0x2] =	stream.indirect_vreg.gather [hbm4b:s11+s2], $0x80, v4, vm0, $0xb8;
	[tilespmem:$0x10800] =	vst v63  }
0x107: {  	s1 =	simm.s32 $0xC800  }
0x108: {  	[tilespmem:s1], [sflag:$0x2] =	stream.indirect_vreg.gather [hbm4b:s4+s2], $0x80, v3, vm0, $0xb8;
	[tilespmem:$0x10800] =	vst v63  }
0x109: {  	s1 =	simm.s32 $0xD000  }
0x10a: {  	[tilespmem:s1], [sflag:$0x2] =	stream.indirect_vreg.gather [hbm4b:s5+s2], $0x80, v3, vm0, $0xb8;
	[tilespmem:$0x10800] =	vst v63  }
0x10b: {  	s1 =	simm.s32 $0xD800  }
0x10c: {  	[tilespmem:s1], [sflag:$0x2] =	stream.indirect_vreg.gather [hbm4b:s6+s2], $0x80, v3, vm0, $0xb8;
	[tilespmem:$0x10800] =	vst v63  }
0x10d: {  	s1 =	simm.s32 $0xE000  }
0x10e: {  	[tilespmem:s1], [sflag:$0x2] =	stream.indirect_vreg.gather [hbm4b:s7+s2], $0x80, v3, vm0, $0xb8;
	[tilespmem:$0x10800] =	vst v63  }
0x10f: {  	s1 =	simm.s32 $0xE800  }
0x110: {  	[tilespmem:s1], [sflag:$0x2] =	stream.indirect_vreg.gather [hbm4b:s8+s2], $0x80, v3, vm0, $0xb8;
	[tilespmem:$0x10800] =	vst v63  }
0x111: {  	s1 =	simm.s32 $0xF000  }
0x112: {  	[tilespmem:s1], [sflag:$0x2] =	stream.indirect_vreg.gather [hbm4b:s9+s2], $0x80, v3, vm0, $0xb8;
	[tilespmem:$0x10800] =	vst v63  }
0x113: {  	s1 =	simm.s32 $0xF800  }
0x114: {  	[tilespmem:s1], [sflag:$0x2] =	stream.indirect_vreg.gather [hbm4b:s10+s2], $0x80, v3, vm0, $0xb8;
	[tilespmem:$0x10800] =	vst v63  }
0x115: {  	s18 =	simm.s32 $0x10000  }
0x116: {  	[tilespmem:s18], [sflag:$0x2] =	stream.indirect_vreg.gather [hbm4b:s11+s2], $0x80, v3, vm0, $0xb8;
	[tilespmem:$0x10800] =	vst v63  }
0x117: {  	_ =	swait.ge [sflag:s26], $0x8000  }
0x118: {  	[sflag:s26] =	ssyncset.done $0x0  }
0x119: {  	s1 =	rddreg [dreg:$0x7];
	[sflag:s26] =	ssyncadd.s32 $0xFFFF8000  }
0x11a: {  	[hbm4b:s1+s2] =	stream.linear.scatter [tilespmem:s14], [sflag:$0x3], $0x8000, $0x38;
	[tilespmem:$0x10800] =	vst v63  }
0x11b: {  	_ =	swait.ge [sflag:s28], $0x8000  }
0x11c: {  	[sflag:s28] =	ssyncset.done $0x0  }
0x11d: {  	[sflag:s28] =	ssyncadd.s32 $0xFFFF8000  }
0x11e: {  	v3 =	vld [tilespmem:$0x300];
	_ =	sdelay $0x4  }
0x11f: {  	v54 =	vshll.u32 v3, $0x4  }
0x120: {  	v3 =	vand.u32 $0x7, v3;
	v4 =	vand.u32 $0xFFFFFF80, v54  }
0x121: {  	v3 =	vor.u32 v3, v4  }
0x122: {  	v4 =	vperm.xlane v3, v0;
	_ =	sdelay $0x1  }
0x123: {  	v4 =	vadd.s32 v1, v4;
	_ =	sdelay $0x4  }
0x124: {  	[tilespmem:s14], [sflag:$0x1] =	stream.indirect_vreg.gather [hbm4b:s4+s2], $0x80, v4, vm0, $0xb8;
	[tilespmem:$0x10800] =	vst v63  }
0x125: {  	s0 =	simm.s32 $0x1000  }
0x126: {  	[tilespmem:s0], [sflag:$0x1] =	stream.indirect_vreg.gather [hbm4b:s5+s2], $0x80, v4, vm0, $0xb8;
	[tilespmem:$0x10800] =	vst v63  }
0x127: {  	s3 =	simm.s32 $0x1800  }
0x128: {  	[tilespmem:s3], [sflag:$0x1] =	stream.indirect_vreg.gather [hbm4b:s6+s2], $0x80, v4, vm0, $0xb8;
	[tilespmem:$0x10800] =	vst v63  }
0x129: {  	s12 =	simm.s32 $0x2000  }
0x12a: {  	[tilespmem:s12], [sflag:$0x1] =	stream.indirect_vreg.gather [hbm4b:s7+s2], $0x80, v4, vm0, $0xb8;
	[tilespmem:$0x10800] =	vst v63  }
0x12b: {  	s1 =	simm.s32 $0x2800  }
0x12c: {  	[tilespmem:s1], [sflag:$0x1] =	stream.indirect_vreg.gather [hbm4b:s8+s2], $0x80, v4, vm0, $0xb8;
	[tilespmem:$0x10800] =	vst v63  }
0x12d: {  	v3 =	vperm.xlane v3, v2;
	s1 =	simm.s32 $0x3000  }
0x12e: {  	[tilespmem:s1], [sflag:$0x1] =	stream.indirect_vreg.gather [hbm4b:s9+s2], $0x80, v4, vm0, $0xb8;
	[tilespmem:$0x10800] =	vst v63  }
0x12f: {  	s13 =	simm.s32 $0x3800;
	v3 =	vadd.s32 v1, v3  }
0x130: {  	[tilespmem:s13], [sflag:$0x1] =	stream.indirect_vreg.gather [hbm4b:s10+s2], $0x80, v4, vm0, $0xb8;
	[tilespmem:$0x10800] =	vst v63  }
0x131: {  	s17 =	simm.s32 $0x4000  }
0x132: {  	[tilespmem:s17], [sflag:$0x1] =	stream.indirect_vreg.gather [hbm4b:s11+s2], $0x80, v4, vm0, $0xb8;
	[tilespmem:$0x10800] =	vst v63  }
0x133: {  	s19 =	simm.s32 $0x4800  }
0x134: {  	[tilespmem:s19], [sflag:$0x1] =	stream.indirect_vreg.gather [hbm4b:s4+s2], $0x80, v3, vm0, $0xb8;
	[tilespmem:$0x10800] =	vst v63  }
0x135: {  	s20 =	simm.s32 $0x5000  }
0x136: {  	[tilespmem:s20], [sflag:$0x1] =	stream.indirect_vreg.gather [hbm4b:s5+s2], $0x80, v3, vm0, $0xb8;
	[tilespmem:$0x10800] =	vst v63  }
0x137: {  	s21 =	simm.s32 $0x5800  }
0x138: {  	[tilespmem:s21], [sflag:$0x1] =	stream.indirect_vreg.gather [hbm4b:s6+s2], $0x80, v3, vm0, $0xb8;
	[tilespmem:$0x10800] =	vst v63  }
0x139: {  	s22 =	simm.s32 $0x6000  }
0x13a: {  	[tilespmem:s22], [sflag:$0x1] =	stream.indirect_vreg.gather [hbm4b:s7+s2], $0x80, v3, vm0, $0xb8;
	[tilespmem:$0x10800] =	vst v63  }
0x13b: {  	s23 =	simm.s32 $0x6800  }
0x13c: {  	[tilespmem:s23], [sflag:$0x1] =	stream.indirect_vreg.gather [hbm4b:s8+s2], $0x80, v3, vm0, $0xb8;
	[tilespmem:$0x10800] =	vst v63  }
0x13d: {  	s24 =	simm.s32 $0x7000  }
0x13e: {  	[tilespmem:s24], [sflag:$0x1] =	stream.indirect_vreg.gather [hbm4b:s9+s2], $0x80, v3, vm0, $0xb8;
	[tilespmem:$0x10800] =	vst v63  }
0x13f: {  	s25 =	simm.s32 $0x7800  }
0x140: {  	[tilespmem:s25], [sflag:$0x1] =	stream.indirect_vreg.gather [hbm4b:s10+s2], $0x80, v3, vm0, $0xb8;
	[tilespmem:$0x10800] =	vst v63  }
0x141: {  	s1 =	simm.s32 $0x8000  }
0x142: {  	[tilespmem:s1], [sflag:$0x1] =	stream.indirect_vreg.gather [hbm4b:s11+s2], $0x80, v3, vm0, $0xb8;
	[tilespmem:$0x10800] =	vst v63  }
0x143: {  	_ =	swait.ge [sflag:s29], $0x8000  }
0x144: {  	[sflag:s29] =	ssyncset.done $0x0  }
0x145: {  	s1 =	rddreg [dreg:$0x8];
	[sflag:s29] =	ssyncadd.s32 $0xFFFF8000  }
0x146: {  	[hbm4b:s1+s2] =	stream.linear.scatter [tilespmem:s31], [sflag:$0x4], $0x8000, $0x38;
	[tilespmem:$0x10800] =	vst v63  }
0x147: {  	_ =	swait.ge [sflag:s30], $0x8000  }
0x148: {  	[sflag:s30] =	ssyncset.done $0x0  }
0x149: {  	[sflag:s30] =	ssyncadd.s32 $0xFFFF8000  }
0x14a: {  	v3 =	vld [tilespmem:$0x380];
	_ =	sdelay $0x4  }
0x14b: {  	v55 =	vshll.u32 v3, $0x4  }
0x14c: {  	v3 =	vand.u32 $0x7, v3;
	v4 =	vand.u32 $0xFFFFFF80, v55  }
0x14d: {  	v3 =	vor.u32 v3, v4  }
0x14e: {  	v4 =	vperm.xlane v3, v0;
	_ =	sdelay $0x1  }
0x14f: {  	v4 =	vadd.s32 v1, v4;
	_ =	sdelay $0x4  }
0x150: {  	[tilespmem:s31], [sflag:$0x2] =	stream.indirect_vreg.gather [hbm4b:s4+s2], $0x80, v4, vm0, $0xb8;
	[tilespmem:$0x10800] =	vst v63  }
0x151: {  	s15 =	simm.s32 $0x9000  }
0x152: {  	[tilespmem:s15], [sflag:$0x2] =	stream.indirect_vreg.gather [hbm4b:s5+s2], $0x80, v4, vm0, $0xb8;
	[tilespmem:$0x10800] =	vst v63  }
0x153: {  	s1 =	simm.s32 $0x9800  }
0x154: {  	[tilespmem:s1], [sflag:$0x2] =	stream.indirect_vreg.gather [hbm4b:s6+s2], $0x80, v4, vm0, $0xb8;
	[tilespmem:$0x10800] =	vst v63  }
0x155: {  	s1 =	simm.s32 $0xA000  }
0x156: {  	[tilespmem:s1], [sflag:$0x2] =	stream.indirect_vreg.gather [hbm4b:s7+s2], $0x80, v4, vm0, $0xb8;
	[tilespmem:$0x10800] =	vst v63  }
0x157: {  	s1 =	simm.s32 $0xA800  }
0x158: {  	[tilespmem:s1], [sflag:$0x2] =	stream.indirect_vreg.gather [hbm4b:s8+s2], $0x80, v4, vm0, $0xb8;
	[tilespmem:$0x10800] =	vst v63  }
0x159: {  	v3 =	vperm.xlane v3, v2;
	s1 =	simm.s32 $0xB000  }
0x15a: {  	[tilespmem:s1], [sflag:$0x2] =	stream.indirect_vreg.gather [hbm4b:s9+s2], $0x80, v4, vm0, $0xb8;
	[tilespmem:$0x10800] =	vst v63  }
0x15b: {  	v3 =	vadd.s32 v1, v3;
	s1 =	simm.s32 $0xB800  }
0x15c: {  	[tilespmem:s1], [sflag:$0x2] =	stream.indirect_vreg.gather [hbm4b:s10+s2], $0x80, v4, vm0, $0xb8;
	[tilespmem:$0x10800] =	vst v63  }
0x15d: {  	s1 =	simm.s32 $0xC000  }
0x15e: {  	[tilespmem:s1], [sflag:$0x2] =	stream.indirect_vreg.gather [hbm4b:s11+s2], $0x80, v4, vm0, $0xb8;
	[tilespmem:$0x10800] =	vst v63  }
0x15f: {  	s1 =	simm.s32 $0xC800  }
0x160: {  	[tilespmem:s1], [sflag:$0x2] =	stream.indirect_vreg.gather [hbm4b:s4+s2], $0x80, v3, vm0, $0xb8;
	[tilespmem:$0x10800] =	vst v63  }
0x161: {  	s1 =	simm.s32 $0xD000  }
0x162: {  	[tilespmem:s1], [sflag:$0x2] =	stream.indirect_vreg.gather [hbm4b:s5+s2], $0x80, v3, vm0, $0xb8;
	[tilespmem:$0x10800] =	vst v63  }
0x163: {  	s1 =	simm.s32 $0xD800  }
0x164: {  	[tilespmem:s1], [sflag:$0x2] =	stream.indirect_vreg.gather [hbm4b:s6+s2], $0x80, v3, vm0, $0xb8;
	[tilespmem:$0x10800] =	vst v63  }
0x165: {  	s1 =	simm.s32 $0xE000  }
0x166: {  	[tilespmem:s1], [sflag:$0x2] =	stream.indirect_vreg.gather [hbm4b:s7+s2], $0x80, v3, vm0, $0xb8;
	[tilespmem:$0x10800] =	vst v63  }
0x167: {  	s1 =	simm.s32 $0xE800  }
0x168: {  	[tilespmem:s1], [sflag:$0x2] =	stream.indirect_vreg.gather [hbm4b:s8+s2], $0x80, v3, vm0, $0xb8;
	[tilespmem:$0x10800] =	vst v63  }
0x169: {  	s1 =	simm.s32 $0xF000  }
0x16a: {  	[tilespmem:s1], [sflag:$0x2] =	stream.indirect_vreg.gather [hbm4b:s9+s2], $0x80, v3, vm0, $0xb8;
	[tilespmem:$0x10800] =	vst v63  }
0x16b: {  	s1 =	simm.s32 $0xF800  }
0x16c: {  	[tilespmem:s1], [sflag:$0x2] =	stream.indirect_vreg.gather [hbm4b:s10+s2], $0x80, v3, vm0, $0xb8;
	[tilespmem:$0x10800] =	vst v63  }
0x16d: {  	s18 =	simm.s32 $0x10000  }
0x16e: {  	[tilespmem:s18], [sflag:$0x2] =	stream.indirect_vreg.gather [hbm4b:s11+s2], $0x80, v3, vm0, $0xb8;
	[tilespmem:$0x10800] =	vst v63  }
0x16f: {  	_ =	swait.ge [sflag:s26], $0x8000  }
0x170: {  	[sflag:s26] =	ssyncset.done $0x0  }
0x171: {  	s1 =	rddreg [dreg:$0x9];
	[sflag:s26] =	ssyncadd.s32 $0xFFFF8000  }
0x172: {  	[hbm4b:s1+s2] =	stream.linear.scatter [tilespmem:s14], [sflag:$0x3], $0x8000, $0x38;
	[tilespmem:$0x10800] =	vst v63  }
0x173: {  	_ =	swait.ge [sflag:s28], $0x8000  }
0x174: {  	[sflag:s28] =	ssyncset.done $0x0  }
0x175: {  	[sflag:s28] =	ssyncadd.s32 $0xFFFF8000  }
0x176: {  	v3 =	vld [tilespmem:$0x400];
	_ =	sdelay $0x4  }
0x177: {  	v56 =	vshll.u32 v3, $0x4  }
0x178: {  	v3 =	vand.u32 $0x7, v3;
	v4 =	vand.u32 $0xFFFFFF80, v56  }
0x179: {  	v3 =	vor.u32 v3, v4  }
0x17a: {  	v4 =	vperm.xlane v3, v0;
	_ =	sdelay $0x1  }
0x17b: {  	v4 =	vadd.s32 v1, v4;
	_ =	sdelay $0x4  }
0x17c: {  	[tilespmem:s14], [sflag:$0x1] =	stream.indirect_vreg.gather [hbm4b:s4+s2], $0x80, v4, vm0, $0xb8;
	[tilespmem:$0x10800] =	vst v63  }
0x17d: {  	s0 =	simm.s32 $0x1000  }
0x17e: {  	[tilespmem:s0], [sflag:$0x1] =	stream.indirect_vreg.gather [hbm4b:s5+s2], $0x80, v4, vm0, $0xb8;
	[tilespmem:$0x10800] =	vst v63  }
0x17f: {  	s3 =	simm.s32 $0x1800  }
0x180: {  	[tilespmem:s3], [sflag:$0x1] =	stream.indirect_vreg.gather [hbm4b:s6+s2], $0x80, v4, vm0, $0xb8;
	[tilespmem:$0x10800] =	vst v63  }
0x181: {  	s12 =	simm.s32 $0x2000  }
0x182: {  	[tilespmem:s12], [sflag:$0x1] =	stream.indirect_vreg.gather [hbm4b:s7+s2], $0x80, v4, vm0, $0xb8;
	[tilespmem:$0x10800] =	vst v63  }
0x183: {  	s1 =	simm.s32 $0x2800  }
0x184: {  	[tilespmem:s1], [sflag:$0x1] =	stream.indirect_vreg.gather [hbm4b:s8+s2], $0x80, v4, vm0, $0xb8;
	[tilespmem:$0x10800] =	vst v63  }
0x185: {  	v3 =	vperm.xlane v3, v2;
	s1 =	simm.s32 $0x3000  }
0x186: {  	[tilespmem:s1], [sflag:$0x1] =	stream.indirect_vreg.gather [hbm4b:s9+s2], $0x80, v4, vm0, $0xb8;
	[tilespmem:$0x10800] =	vst v63  }
0x187: {  	s13 =	simm.s32 $0x3800;
	v3 =	vadd.s32 v1, v3  }
0x188: {  	[tilespmem:s13], [sflag:$0x1] =	stream.indirect_vreg.gather [hbm4b:s10+s2], $0x80, v4, vm0, $0xb8;
	[tilespmem:$0x10800] =	vst v63  }
0x189: {  	s17 =	simm.s32 $0x4000  }
0x18a: {  	[tilespmem:s17], [sflag:$0x1] =	stream.indirect_vreg.gather [hbm4b:s11+s2], $0x80, v4, vm0, $0xb8;
	[tilespmem:$0x10800] =	vst v63  }
0x18b: {  	s19 =	simm.s32 $0x4800  }
0x18c: {  	[tilespmem:s19], [sflag:$0x1] =	stream.indirect_vreg.gather [hbm4b:s4+s2], $0x80, v3, vm0, $0xb8;
	[tilespmem:$0x10800] =	vst v63  }
0x18d: {  	s20 =	simm.s32 $0x5000  }
0x18e: {  	[tilespmem:s20], [sflag:$0x1] =	stream.indirect_vreg.gather [hbm4b:s5+s2], $0x80, v3, vm0, $0xb8;
	[tilespmem:$0x10800] =	vst v63  }
0x18f: {  	s21 =	simm.s32 $0x5800  }
0x190: {  	[tilespmem:s21], [sflag:$0x1] =	stream.indirect_vreg.gather [hbm4b:s6+s2], $0x80, v3, vm0, $0xb8;
	[tilespmem:$0x10800] =	vst v63  }
0x191: {  	s22 =	simm.s32 $0x6000  }
0x192: {  	[tilespmem:s22], [sflag:$0x1] =	stream.indirect_vreg.gather [hbm4b:s7+s2], $0x80, v3, vm0, $0xb8;
	[tilespmem:$0x10800] =	vst v63  }
0x193: {  	s23 =	simm.s32 $0x6800  }
0x194: {  	[tilespmem:s23], [sflag:$0x1] =	stream.indirect_vreg.gather [hbm4b:s8+s2], $0x80, v3, vm0, $0xb8;
	[tilespmem:$0x10800] =	vst v63  }
0x195: {  	s24 =	simm.s32 $0x7000  }
0x196: {  	[tilespmem:s24], [sflag:$0x1] =	stream.indirect_vreg.gather [hbm4b:s9+s2], $0x80, v3, vm0, $0xb8;
	[tilespmem:$0x10800] =	vst v63  }
0x197: {  	s25 =	simm.s32 $0x7800  }
0x198: {  	[tilespmem:s25], [sflag:$0x1] =	stream.indirect_vreg.gather [hbm4b:s10+s2], $0x80, v3, vm0, $0xb8;
	[tilespmem:$0x10800] =	vst v63  }
0x199: {  	s1 =	simm.s32 $0x8000  }
0x19a: {  	[tilespmem:s1], [sflag:$0x1] =	stream.indirect_vreg.gather [hbm4b:s11+s2], $0x80, v3, vm0, $0xb8;
	[tilespmem:$0x10800] =	vst v63  }
0x19b: {  	_ =	swait.ge [sflag:s29], $0x8000  }
0x19c: {  	[sflag:s29] =	ssyncset.done $0x0  }
0x19d: {  	s1 =	rddreg [dreg:$0xa];
	[sflag:s29] =	ssyncadd.s32 $0xFFFF8000  }
0x19e: {  	[hbm4b:s1+s2] =	stream.linear.scatter [tilespmem:s31], [sflag:$0x4], $0x8000, $0x38;
	[tilespmem:$0x10800] =	vst v63  }
0x19f: {  	_ =	swait.ge [sflag:s30], $0x8000  }
0x1a0: {  	[sflag:s30] =	ssyncset.done $0x0  }
0x1a1: {  	[sflag:s30] =	ssyncadd.s32 $0xFFFF8000  }
0x1a2: {  	v3 =	vld [tilespmem:$0x480];
	_ =	sdelay $0x4  }
0x1a3: {  	v57 =	vshll.u32 v3, $0x4  }
0x1a4: {  	v3 =	vand.u32 $0x7, v3;
	v4 =	vand.u32 $0xFFFFFF80, v57  }
0x1a5: {  	v3 =	vor.u32 v3, v4  }
0x1a6: {  	v4 =	vperm.xlane v3, v0;
	_ =	sdelay $0x1  }
0x1a7: {  	v4 =	vadd.s32 v1, v4;
	_ =	sdelay $0x4  }
0x1a8: {  	[tilespmem:s31], [sflag:$0x2] =	stream.indirect_vreg.gather [hbm4b:s4+s2], $0x80, v4, vm0, $0xb8;
	[tilespmem:$0x10800] =	vst v63  }
0x1a9: {  	s15 =	simm.s32 $0x9000  }
0x1aa: {  	[tilespmem:s15], [sflag:$0x2] =	stream.indirect_vreg.gather [hbm4b:s5+s2], $0x80, v4, vm0, $0xb8;
	[tilespmem:$0x10800] =	vst v63  }
0x1ab: {  	s1 =	simm.s32 $0x9800  }
0x1ac: {  	[tilespmem:s1], [sflag:$0x2] =	stream.indirect_vreg.gather [hbm4b:s6+s2], $0x80, v4, vm0, $0xb8;
	[tilespmem:$0x10800] =	vst v63  }
0x1ad: {  	s1 =	simm.s32 $0xA000  }
0x1ae: {  	[tilespmem:s1], [sflag:$0x2] =	stream.indirect_vreg.gather [hbm4b:s7+s2], $0x80, v4, vm0, $0xb8;
	[tilespmem:$0x10800] =	vst v63  }
0x1af: {  	s1 =	simm.s32 $0xA800  }
0x1b0: {  	[tilespmem:s1], [sflag:$0x2] =	stream.indirect_vreg.gather [hbm4b:s8+s2], $0x80, v4, vm0, $0xb8;
	[tilespmem:$0x10800] =	vst v63  }
0x1b1: {  	v3 =	vperm.xlane v3, v2;
	s1 =	simm.s32 $0xB000  }
0x1b2: {  	[tilespmem:s1], [sflag:$0x2] =	stream.indirect_vreg.gather [hbm4b:s9+s2], $0x80, v4, vm0, $0xb8;
	[tilespmem:$0x10800] =	vst v63  }
0x1b3: {  	v3 =	vadd.s32 v1, v3;
	s1 =	simm.s32 $0xB800  }
0x1b4: {  	[tilespmem:s1], [sflag:$0x2] =	stream.indirect_vreg.gather [hbm4b:s10+s2], $0x80, v4, vm0, $0xb8;
	[tilespmem:$0x10800] =	vst v63  }
0x1b5: {  	s1 =	simm.s32 $0xC000  }
0x1b6: {  	[tilespmem:s1], [sflag:$0x2] =	stream.indirect_vreg.gather [hbm4b:s11+s2], $0x80, v4, vm0, $0xb8;
	[tilespmem:$0x10800] =	vst v63  }
0x1b7: {  	s1 =	simm.s32 $0xC800  }
0x1b8: {  	[tilespmem:s1], [sflag:$0x2] =	stream.indirect_vreg.gather [hbm4b:s4+s2], $0x80, v3, vm0, $0xb8;
	[tilespmem:$0x10800] =	vst v63  }
0x1b9: {  	s1 =	simm.s32 $0xD000  }
0x1ba: {  	[tilespmem:s1], [sflag:$0x2] =	stream.indirect_vreg.gather [hbm4b:s5+s2], $0x80, v3, vm0, $0xb8;
	[tilespmem:$0x10800] =	vst v63  }
0x1bb: {  	s1 =	simm.s32 $0xD800  }
0x1bc: {  	[tilespmem:s1], [sflag:$0x2] =	stream.indirect_vreg.gather [hbm4b:s6+s2], $0x80, v3, vm0, $0xb8;
	[tilespmem:$0x10800] =	vst v63  }
0x1bd: {  	s1 =	simm.s32 $0xE000  }
0x1be: {  	[tilespmem:s1], [sflag:$0x2] =	stream.indirect_vreg.gather [hbm4b:s7+s2], $0x80, v3, vm0, $0xb8;
	[tilespmem:$0x10800] =	vst v63  }
0x1bf: {  	s1 =	simm.s32 $0xE800  }
0x1c0: {  	[tilespmem:s1], [sflag:$0x2] =	stream.indirect_vreg.gather [hbm4b:s8+s2], $0x80, v3, vm0, $0xb8;
	[tilespmem:$0x10800] =	vst v63  }
0x1c1: {  	s1 =	simm.s32 $0xF000  }
0x1c2: {  	[tilespmem:s1], [sflag:$0x2] =	stream.indirect_vreg.gather [hbm4b:s9+s2], $0x80, v3, vm0, $0xb8;
	[tilespmem:$0x10800] =	vst v63  }
0x1c3: {  	s1 =	simm.s32 $0xF800  }
0x1c4: {  	[tilespmem:s1], [sflag:$0x2] =	stream.indirect_vreg.gather [hbm4b:s10+s2], $0x80, v3, vm0, $0xb8;
	[tilespmem:$0x10800] =	vst v63  }
0x1c5: {  	s18 =	simm.s32 $0x10000  }
0x1c6: {  	[tilespmem:s18], [sflag:$0x2] =	stream.indirect_vreg.gather [hbm4b:s11+s2], $0x80, v3, vm0, $0xb8;
	[tilespmem:$0x10800] =	vst v63  }
0x1c7: {  	_ =	swait.ge [sflag:s26], $0x8000  }
0x1c8: {  	[sflag:s26] =	ssyncset.done $0x0  }
0x1c9: {  	s1 =	rddreg [dreg:$0xb];
	[sflag:s26] =	ssyncadd.s32 $0xFFFF8000  }
0x1ca: {  	[hbm4b:s1+s2] =	stream.linear.scatter [tilespmem:s14], [sflag:$0x3], $0x8000, $0x38;
	[tilespmem:$0x10800] =	vst v63  }
0x1cb: {  	_ =	swait.ge [sflag:s28], $0x8000  }
0x1cc: {  	[sflag:s28] =	ssyncset.done $0x0  }
0x1cd: {  	[sflag:s28] =	ssyncadd.s32 $0xFFFF8000  }
0x1ce: {  	v3 =	vld [tilespmem:$0x500];
	_ =	sdelay $0x4  }
0x1cf: {  	v58 =	vshll.u32 v3, $0x4  }
0x1d0: {  	v3 =	vand.u32 $0x7, v3;
	v4 =	vand.u32 $0xFFFFFF80, v58  }
0x1d1: {  	v3 =	vor.u32 v3, v4  }
0x1d2: {  	v4 =	vperm.xlane v3, v0;
	_ =	sdelay $0x1  }
0x1d3: {  	v4 =	vadd.s32 v1, v4;
	_ =	sdelay $0x4  }
0x1d4: {  	[tilespmem:s14], [sflag:$0x1] =	stream.indirect_vreg.gather [hbm4b:s4+s2], $0x80, v4, vm0, $0xb8;
	[tilespmem:$0x10800] =	vst v63  }
0x1d5: {  	s0 =	simm.s32 $0x1000  }
0x1d6: {  	[tilespmem:s0], [sflag:$0x1] =	stream.indirect_vreg.gather [hbm4b:s5+s2], $0x80, v4, vm0, $0xb8;
	[tilespmem:$0x10800] =	vst v63  }
0x1d7: {  	s3 =	simm.s32 $0x1800  }
0x1d8: {  	[tilespmem:s3], [sflag:$0x1] =	stream.indirect_vreg.gather [hbm4b:s6+s2], $0x80, v4, vm0, $0xb8;
	[tilespmem:$0x10800] =	vst v63  }
0x1d9: {  	s12 =	simm.s32 $0x2000  }
0x1da: {  	[tilespmem:s12], [sflag:$0x1] =	stream.indirect_vreg.gather [hbm4b:s7+s2], $0x80, v4, vm0, $0xb8;
	[tilespmem:$0x10800] =	vst v63  }
0x1db: {  	s1 =	simm.s32 $0x2800  }
0x1dc: {  	[tilespmem:s1], [sflag:$0x1] =	stream.indirect_vreg.gather [hbm4b:s8+s2], $0x80, v4, vm0, $0xb8;
	[tilespmem:$0x10800] =	vst v63  }
0x1dd: {  	v3 =	vperm.xlane v3, v2;
	s1 =	simm.s32 $0x3000  }
0x1de: {  	[tilespmem:s1], [sflag:$0x1] =	stream.indirect_vreg.gather [hbm4b:s9+s2], $0x80, v4, vm0, $0xb8;
	[tilespmem:$0x10800] =	vst v63  }
0x1df: {  	s13 =	simm.s32 $0x3800;
	v3 =	vadd.s32 v1, v3  }
0x1e0: {  	[tilespmem:s13], [sflag:$0x1] =	stream.indirect_vreg.gather [hbm4b:s10+s2], $0x80, v4, vm0, $0xb8;
	[tilespmem:$0x10800] =	vst v63  }
0x1e1: {  	s17 =	simm.s32 $0x4000  }
0x1e2: {  	[tilespmem:s17], [sflag:$0x1] =	stream.indirect_vreg.gather [hbm4b:s11+s2], $0x80, v4, vm0, $0xb8;
	[tilespmem:$0x10800] =	vst v63  }
0x1e3: {  	s19 =	simm.s32 $0x4800  }
0x1e4: {  	[tilespmem:s19], [sflag:$0x1] =	stream.indirect_vreg.gather [hbm4b:s4+s2], $0x80, v3, vm0, $0xb8;
	[tilespmem:$0x10800] =	vst v63  }
0x1e5: {  	s20 =	simm.s32 $0x5000  }
0x1e6: {  	[tilespmem:s20], [sflag:$0x1] =	stream.indirect_vreg.gather [hbm4b:s5+s2], $0x80, v3, vm0, $0xb8;
	[tilespmem:$0x10800] =	vst v63  }
0x1e7: {  	s21 =	simm.s32 $0x5800  }
0x1e8: {  	[tilespmem:s21], [sflag:$0x1] =	stream.indirect_vreg.gather [hbm4b:s6+s2], $0x80, v3, vm0, $0xb8;
	[tilespmem:$0x10800] =	vst v63  }
0x1e9: {  	s22 =	simm.s32 $0x6000  }
0x1ea: {  	[tilespmem:s22], [sflag:$0x1] =	stream.indirect_vreg.gather [hbm4b:s7+s2], $0x80, v3, vm0, $0xb8;
	[tilespmem:$0x10800] =	vst v63  }
0x1eb: {  	s23 =	simm.s32 $0x6800  }
0x1ec: {  	[tilespmem:s23], [sflag:$0x1] =	stream.indirect_vreg.gather [hbm4b:s8+s2], $0x80, v3, vm0, $0xb8;
	[tilespmem:$0x10800] =	vst v63  }
0x1ed: {  	s24 =	simm.s32 $0x7000  }
0x1ee: {  	[tilespmem:s24], [sflag:$0x1] =	stream.indirect_vreg.gather [hbm4b:s9+s2], $0x80, v3, vm0, $0xb8;
	[tilespmem:$0x10800] =	vst v63  }
0x1ef: {  	s25 =	simm.s32 $0x7800  }
0x1f0: {  	[tilespmem:s25], [sflag:$0x1] =	stream.indirect_vreg.gather [hbm4b:s10+s2], $0x80, v3, vm0, $0xb8;
	[tilespmem:$0x10800] =	vst v63  }
0x1f1: {  	s1 =	simm.s32 $0x8000  }
0x1f2: {  	[tilespmem:s1], [sflag:$0x1] =	stream.indirect_vreg.gather [hbm4b:s11+s2], $0x80, v3, vm0, $0xb8;
	[tilespmem:$0x10800] =	vst v63  }
0x1f3: {  	_ =	swait.ge [sflag:s29], $0x8000  }
0x1f4: {  	[sflag:s29] =	ssyncset.done $0x0  }
0x1f5: {  	s1 =	rddreg [dreg:$0xc];
	[sflag:s29] =	ssyncadd.s32 $0xFFFF8000  }
0x1f6: {  	[hbm4b:s1+s2] =	stream.linear.scatter [tilespmem:s31], [sflag:$0x4], $0x8000, $0x38;
	[tilespmem:$0x10800] =	vst v63  }
0x1f7: {  	_ =	swait.ge [sflag:s30], $0x8000  }
0x1f8: {  	[sflag:s30] =	ssyncset.done $0x0  }
0x1f9: {  	[sflag:s30] =	ssyncadd.s32 $0xFFFF8000  }
0x1fa: {  	v3 =	vld [tilespmem:$0x580];
	_ =	sdelay $0x4  }
0x1fb: {  	v59 =	vshll.u32 v3, $0x4  }
0x1fc: {  	v3 =	vand.u32 $0x7, v3;
	v4 =	vand.u32 $0xFFFFFF80, v59  }
0x1fd: {  	v3 =	vor.u32 v3, v4  }
0x1fe: {  	v4 =	vperm.xlane v3, v0;
	_ =	sdelay $0x1  }
0x1ff: {  	v4 =	vadd.s32 v1, v4;
	_ =	sdelay $0x4  }
0x200: {  	[tilespmem:s31], [sflag:$0x2] =	stream.indirect_vreg.gather [hbm4b:s4+s2], $0x80, v4, vm0, $0xb8;
	[tilespmem:$0x10800] =	vst v63  }
0x201: {  	s15 =	simm.s32 $0x9000  }
0x202: {  	[tilespmem:s15], [sflag:$0x2] =	stream.indirect_vreg.gather [hbm4b:s5+s2], $0x80, v4, vm0, $0xb8;
	[tilespmem:$0x10800] =	vst v63  }
0x203: {  	s1 =	simm.s32 $0x9800  }
0x204: {  	[tilespmem:s1], [sflag:$0x2] =	stream.indirect_vreg.gather [hbm4b:s6+s2], $0x80, v4, vm0, $0xb8;
	[tilespmem:$0x10800] =	vst v63  }
0x205: {  	s1 =	simm.s32 $0xA000  }
0x206: {  	[tilespmem:s1], [sflag:$0x2] =	stream.indirect_vreg.gather [hbm4b:s7+s2], $0x80, v4, vm0, $0xb8;
	[tilespmem:$0x10800] =	vst v63  }
0x207: {  	s1 =	simm.s32 $0xA800  }
0x208: {  	[tilespmem:s1], [sflag:$0x2] =	stream.indirect_vreg.gather [hbm4b:s8+s2], $0x80, v4, vm0, $0xb8;
	[tilespmem:$0x10800] =	vst v63  }
0x209: {  	v3 =	vperm.xlane v3, v2;
	s1 =	simm.s32 $0xB000  }
0x20a: {  	[tilespmem:s1], [sflag:$0x2] =	stream.indirect_vreg.gather [hbm4b:s9+s2], $0x80, v4, vm0, $0xb8;
	[tilespmem:$0x10800] =	vst v63  }
0x20b: {  	v3 =	vadd.s32 v1, v3;
	s1 =	simm.s32 $0xB800  }
0x20c: {  	[tilespmem:s1], [sflag:$0x2] =	stream.indirect_vreg.gather [hbm4b:s10+s2], $0x80, v4, vm0, $0xb8;
	[tilespmem:$0x10800] =	vst v63  }
0x20d: {  	s1 =	simm.s32 $0xC000  }
0x20e: {  	[tilespmem:s1], [sflag:$0x2] =	stream.indirect_vreg.gather [hbm4b:s11+s2], $0x80, v4, vm0, $0xb8;
	[tilespmem:$0x10800] =	vst v63  }
0x20f: {  	s1 =	simm.s32 $0xC800  }
0x210: {  	[tilespmem:s1], [sflag:$0x2] =	stream.indirect_vreg.gather [hbm4b:s4+s2], $0x80, v3, vm0, $0xb8;
	[tilespmem:$0x10800] =	vst v63  }
0x211: {  	s1 =	simm.s32 $0xD000  }
0x212: {  	[tilespmem:s1], [sflag:$0x2] =	stream.indirect_vreg.gather [hbm4b:s5+s2], $0x80, v3, vm0, $0xb8;
	[tilespmem:$0x10800] =	vst v63  }
0x213: {  	s1 =	simm.s32 $0xD800  }
0x214: {  	[tilespmem:s1], [sflag:$0x2] =	stream.indirect_vreg.gather [hbm4b:s6+s2], $0x80, v3, vm0, $0xb8;
	[tilespmem:$0x10800] =	vst v63  }
0x215: {  	s1 =	simm.s32 $0xE000  }
0x216: {  	[tilespmem:s1], [sflag:$0x2] =	stream.indirect_vreg.gather [hbm4b:s7+s2], $0x80, v3, vm0, $0xb8;
	[tilespmem:$0x10800] =	vst v63  }
0x217: {  	s1 =	simm.s32 $0xE800  }
0x218: {  	[tilespmem:s1], [sflag:$0x2] =	stream.indirect_vreg.gather [hbm4b:s8+s2], $0x80, v3, vm0, $0xb8;
	[tilespmem:$0x10800] =	vst v63  }
0x219: {  	s1 =	simm.s32 $0xF000  }
0x21a: {  	[tilespmem:s1], [sflag:$0x2] =	stream.indirect_vreg.gather [hbm4b:s9+s2], $0x80, v3, vm0, $0xb8;
	[tilespmem:$0x10800] =	vst v63  }
0x21b: {  	s1 =	simm.s32 $0xF800  }
0x21c: {  	[tilespmem:s1], [sflag:$0x2] =	stream.indirect_vreg.gather [hbm4b:s10+s2], $0x80, v3, vm0, $0xb8;
	[tilespmem:$0x10800] =	vst v63  }
0x21d: {  	s18 =	simm.s32 $0x10000  }
0x21e: {  	[tilespmem:s18], [sflag:$0x2] =	stream.indirect_vreg.gather [hbm4b:s11+s2], $0x80, v3, vm0, $0xb8;
	[tilespmem:$0x10800] =	vst v63  }
0x21f: {  	_ =	swait.ge [sflag:s26], $0x8000  }
0x220: {  	[sflag:s26] =	ssyncset.done $0x0  }
0x221: {  	s18 =	rddreg [dreg:$0xd];
	[sflag:s26] =	ssyncadd.s32 $0xFFFF8000  }
0x222: {  	[hbm4b:s18+s2] =	stream.linear.scatter [tilespmem:s14], [sflag:$0x3], $0x8000, $0x38;
	[tilespmem:$0x10800] =	vst v63  }
0x223: {  	_ =	swait.ge [sflag:s28], $0x8000  }
0x224: {  	[sflag:s28] =	ssyncset.done $0x0  }
0x225: {  	[sflag:s28] =	ssyncadd.s32 $0xFFFF8000  }
0x226: {  	v3 =	vld [tilespmem:$0x600];
	_ =	sdelay $0x4  }
0x227: {  	v60 =	vshll.u32 v3, $0x4  }
0x228: {  	v3 =	vand.u32 $0x7, v3;
	v4 =	vand.u32 $0xFFFFFF80, v60  }
0x229: {  	v3 =	vor.u32 v3, v4  }
0x22a: {  	v4 =	vperm.xlane v3, v0;
	_ =	sdelay $0x1  }
0x22b: {  	v4 =	vadd.s32 v1, v4;
	_ =	sdelay $0x4  }
0x22c: {  	[tilespmem:s14], [sflag:$0x1] =	stream.indirect_vreg.gather [hbm4b:s4+s2], $0x80, v4, vm0, $0xb8;
	[tilespmem:$0x10800] =	vst v63  }
0x22d: {  	s0 =	simm.s32 $0x1000  }
0x22e: {  	[tilespmem:s0], [sflag:$0x1] =	stream.indirect_vreg.gather [hbm4b:s5+s2], $0x80, v4, vm0, $0xb8;
	[tilespmem:$0x10800] =	vst v63  }
0x22f: {  	s3 =	simm.s32 $0x1800  }
0x230: {  	[tilespmem:s3], [sflag:$0x1] =	stream.indirect_vreg.gather [hbm4b:s6+s2], $0x80, v4, vm0, $0xb8;
	[tilespmem:$0x10800] =	vst v63  }
0x231: {  	s12 =	simm.s32 $0x2000  }
0x232: {  	[tilespmem:s12], [sflag:$0x1] =	stream.indirect_vreg.gather [hbm4b:s7+s2], $0x80, v4, vm0, $0xb8;
	[tilespmem:$0x10800] =	vst v63  }
0x233: {  	s12 =	simm.s32 $0x2800  }
0x234: {  	[tilespmem:s12], [sflag:$0x1] =	stream.indirect_vreg.gather [hbm4b:s8+s2], $0x80, v4, vm0, $0xb8;
	[tilespmem:$0x10800] =	vst v63  }
0x235: {  	v3 =	vperm.xlane v3, v2;
	s12 =	simm.s32 $0x3000  }
0x236: {  	[tilespmem:s12], [sflag:$0x1] =	stream.indirect_vreg.gather [hbm4b:s9+s2], $0x80, v4, vm0, $0xb8;
	[tilespmem:$0x10800] =	vst v63  }
0x237: {  	s13 =	simm.s32 $0x3800;
	v3 =	vadd.s32 v1, v3  }
0x238: {  	[tilespmem:s13], [sflag:$0x1] =	stream.indirect_vreg.gather [hbm4b:s10+s2], $0x80, v4, vm0, $0xb8;
	[tilespmem:$0x10800] =	vst v63  }
0x239: {  	s17 =	simm.s32 $0x4000  }
0x23a: {  	[tilespmem:s17], [sflag:$0x1] =	stream.indirect_vreg.gather [hbm4b:s11+s2], $0x80, v4, vm0, $0xb8;
	[tilespmem:$0x10800] =	vst v63  }
0x23b: {  	s19 =	simm.s32 $0x4800  }
0x23c: {  	[tilespmem:s19], [sflag:$0x1] =	stream.indirect_vreg.gather [hbm4b:s4+s2], $0x80, v3, vm0, $0xb8;
	[tilespmem:$0x10800] =	vst v63  }
0x23d: {  	s20 =	simm.s32 $0x5000  }
0x23e: {  	[tilespmem:s20], [sflag:$0x1] =	stream.indirect_vreg.gather [hbm4b:s5+s2], $0x80, v3, vm0, $0xb8;
	[tilespmem:$0x10800] =	vst v63  }
0x23f: {  	s21 =	simm.s32 $0x5800  }
0x240: {  	[tilespmem:s21], [sflag:$0x1] =	stream.indirect_vreg.gather [hbm4b:s6+s2], $0x80, v3, vm0, $0xb8;
	[tilespmem:$0x10800] =	vst v63  }
0x241: {  	s22 =	simm.s32 $0x6000  }
0x242: {  	[tilespmem:s22], [sflag:$0x1] =	stream.indirect_vreg.gather [hbm4b:s7+s2], $0x80, v3, vm0, $0xb8;
	[tilespmem:$0x10800] =	vst v63  }
0x243: {  	s23 =	simm.s32 $0x6800  }
0x244: {  	[tilespmem:s23], [sflag:$0x1] =	stream.indirect_vreg.gather [hbm4b:s8+s2], $0x80, v3, vm0, $0xb8;
	[tilespmem:$0x10800] =	vst v63  }
0x245: {  	s24 =	simm.s32 $0x7000  }
0x246: {  	[tilespmem:s24], [sflag:$0x1] =	stream.indirect_vreg.gather [hbm4b:s9+s2], $0x80, v3, vm0, $0xb8;
	[tilespmem:$0x10800] =	vst v63  }
0x247: {  	s25 =	simm.s32 $0x7800  }
0x248: {  	[tilespmem:s25], [sflag:$0x1] =	stream.indirect_vreg.gather [hbm4b:s10+s2], $0x80, v3, vm0, $0xb8;
	[tilespmem:$0x10800] =	vst v63  }
0x249: {  	s25 =	simm.s32 $0x8000  }
0x24a: {  	[tilespmem:s25], [sflag:$0x1] =	stream.indirect_vreg.gather [hbm4b:s11+s2], $0x80, v3, vm0, $0xb8;
	[tilespmem:$0x10800] =	vst v63  }
0x24b: {  	_ =	swait.ge [sflag:s29], $0x8000  }
0x24c: {  	[sflag:s29] =	ssyncset.done $0x0  }
0x24d: {  	s25 =	rddreg [dreg:$0xe];
	[sflag:s29] =	ssyncadd.s32 $0xFFFF8000  }
0x24e: {  	[hbm4b:s25+s2] =	stream.linear.scatter [tilespmem:s31], [sflag:$0x4], $0x8000, $0x38;
	[tilespmem:$0x10800] =	vst v63  }
0x24f: {  	_ =	swait.ge [sflag:s30], $0x8000  }
0x250: {  	[sflag:s30] =	ssyncset.done $0x0  }
0x251: {  	[sflag:s30] =	ssyncadd.s32 $0xFFFF8000  }
0x252: {  	v3 =	vld [tilespmem:$0x680];
	_ =	sdelay $0x4  }
0x253: {  	v61 =	vshll.u32 v3, $0x4  }
0x254: {  	v3 =	vand.u32 $0x7, v3;
	v4 =	vand.u32 $0xFFFFFF80, v61  }
0x255: {  	v3 =	vor.u32 v3, v4  }
0x256: {  	v4 =	vperm.xlane v3, v0;
	_ =	sdelay $0x1  }
0x257: {  	v4 =	vadd.s32 v1, v4;
	_ =	sdelay $0x4  }
0x258: {  	[tilespmem:s31], [sflag:$0x2] =	stream.indirect_vreg.gather [hbm4b:s4+s2], $0x80, v4, vm0, $0xb8;
	[tilespmem:$0x10800] =	vst v63  }
0x259: {  	s15 =	simm.s32 $0x9000  }
0x25a: {  	[tilespmem:s15], [sflag:$0x2] =	stream.indirect_vreg.gather [hbm4b:s5+s2], $0x80, v4, vm0, $0xb8;
	[tilespmem:$0x10800] =	vst v63  }
0x25b: {  	s15 =	simm.s32 $0x9800  }
0x25c: {  	[tilespmem:s15], [sflag:$0x2] =	stream.indirect_vreg.gather [hbm4b:s6+s2], $0x80, v4, vm0, $0xb8;
	[tilespmem:$0x10800] =	vst v63  }
0x25d: {  	s1 =	simm.s32 $0xA000  }
0x25e: {  	[tilespmem:s1], [sflag:$0x2] =	stream.indirect_vreg.gather [hbm4b:s7+s2], $0x80, v4, vm0, $0xb8;
	[tilespmem:$0x10800] =	vst v63  }
0x25f: {  	s1 =	simm.s32 $0xA800  }
0x260: {  	[tilespmem:s1], [sflag:$0x2] =	stream.indirect_vreg.gather [hbm4b:s8+s2], $0x80, v4, vm0, $0xb8;
	[tilespmem:$0x10800] =	vst v63  }
0x261: {  	v3 =	vperm.xlane v3, v2;
	s1 =	simm.s32 $0xB000  }
0x262: {  	[tilespmem:s1], [sflag:$0x2] =	stream.indirect_vreg.gather [hbm4b:s9+s2], $0x80, v4, vm0, $0xb8;
	[tilespmem:$0x10800] =	vst v63  }
0x263: {  	v3 =	vadd.s32 v1, v3;
	s1 =	simm.s32 $0xB800  }
0x264: {  	[tilespmem:s1], [sflag:$0x2] =	stream.indirect_vreg.gather [hbm4b:s10+s2], $0x80, v4, vm0, $0xb8;
	[tilespmem:$0x10800] =	vst v63  }
0x265: {  	s1 =	simm.s32 $0xC000  }
0x266: {  	[tilespmem:s1], [sflag:$0x2] =	stream.indirect_vreg.gather [hbm4b:s11+s2], $0x80, v4, vm0, $0xb8;
	[tilespmem:$0x10800] =	vst v63  }
0x267: {  	s1 =	simm.s32 $0xC800  }
0x268: {  	[tilespmem:s1], [sflag:$0x2] =	stream.indirect_vreg.gather [hbm4b:s4+s2], $0x80, v3, vm0, $0xb8;
	[tilespmem:$0x10800] =	vst v63  }
0x269: {  	s1 =	simm.s32 $0xD000  }
0x26a: {  	[tilespmem:s1], [sflag:$0x2] =	stream.indirect_vreg.gather [hbm4b:s5+s2], $0x80, v3, vm0, $0xb8;
	[tilespmem:$0x10800] =	vst v63  }
0x26b: {  	s1 =	simm.s32 $0xD800  }
0x26c: {  	[tilespmem:s1], [sflag:$0x2] =	stream.indirect_vreg.gather [hbm4b:s6+s2], $0x80, v3, vm0, $0xb8;
	[tilespmem:$0x10800] =	vst v63  }
0x26d: {  	s1 =	simm.s32 $0xE000  }
0x26e: {  	[tilespmem:s1], [sflag:$0x2] =	stream.indirect_vreg.gather [hbm4b:s7+s2], $0x80, v3, vm0, $0xb8;
	[tilespmem:$0x10800] =	vst v63  }
0x26f: {  	s1 =	simm.s32 $0xE800  }
0x270: {  	[tilespmem:s1], [sflag:$0x2] =	stream.indirect_vreg.gather [hbm4b:s8+s2], $0x80, v3, vm0, $0xb8;
	[tilespmem:$0x10800] =	vst v63  }
0x271: {  	s1 =	simm.s32 $0xF000  }
0x272: {  	[tilespmem:s1], [sflag:$0x2] =	stream.indirect_vreg.gather [hbm4b:s9+s2], $0x80, v3, vm0, $0xb8;
	[tilespmem:$0x10800] =	vst v63  }
0x273: {  	s1 =	simm.s32 $0xF800  }
0x274: {  	[tilespmem:s1], [sflag:$0x2] =	stream.indirect_vreg.gather [hbm4b:s10+s2], $0x80, v3, vm0, $0xb8;
	[tilespmem:$0x10800] =	vst v63  }
0x275: {  	s1 =	simm.s32 $0x10000  }
0x276: {  	[tilespmem:s1], [sflag:$0x2] =	stream.indirect_vreg.gather [hbm4b:s11+s2], $0x80, v3, vm0, $0xb8;
	[tilespmem:$0x10800] =	vst v63  }
0x277: {  	_ =	swait.ge [sflag:s26], $0x8000  }
0x278: {  	[sflag:s26] =	ssyncset.done $0x0  }
0x279: {  	s1 =	rddreg [dreg:$0xf];
	[sflag:s26] =	ssyncadd.s32 $0xFFFF8000  }
0x27a: {  	[hbm4b:s1+s2] =	stream.linear.scatter [tilespmem:s14], [sflag:$0x3], $0x8000, $0x38;
	[tilespmem:$0x10800] =	vst v63  }
0x27b: {  	_ =	swait.ge [sflag:s28], $0x8000  }
0x27c: {  	[sflag:s28] =	ssyncset.done $0x0  }
0x27d: {  	[sflag:s28] =	ssyncadd.s32 $0xFFFF8000  }
0x27e: {  	v3 =	vld [tilespmem:$0x700];
	_ =	sdelay $0x4  }
0x27f: {  	v62 =	vshll.u32 v3, $0x4  }
0x280: {  	v3 =	vand.u32 $0x7, v3;
	v4 =	vand.u32 $0xFFFFFF80, v62  }
0x281: {  	v3 =	vor.u32 v3, v4  }
0x282: {  	v4 =	vperm.xlane v3, v0;
	_ =	sdelay $0x1  }
0x283: {  	v4 =	vadd.s32 v1, v4;
	_ =	sdelay $0x4  }
0x284: {  	[tilespmem:s14], [sflag:$0x1] =	stream.indirect_vreg.gather [hbm4b:s4+s2], $0x80, v4, vm0, $0xb8;
	[tilespmem:$0x10800] =	vst v63  }
0x285: {  	s18 =	simm.s32 $0x1000  }
0x286: {  	[tilespmem:s18], [sflag:$0x1] =	stream.indirect_vreg.gather [hbm4b:s5+s2], $0x80, v4, vm0, $0xb8;
	[tilespmem:$0x10800] =	vst v63  }
0x287: {  	s0 =	simm.s32 $0x1800  }
0x288: {  	[tilespmem:s0], [sflag:$0x1] =	stream.indirect_vreg.gather [hbm4b:s6+s2], $0x80, v4, vm0, $0xb8;
	[tilespmem:$0x10800] =	vst v63  }
0x289: {  	s3 =	simm.s32 $0x2000  }
0x28a: {  	[tilespmem:s3], [sflag:$0x1] =	stream.indirect_vreg.gather [hbm4b:s7+s2], $0x80, v4, vm0, $0xb8;
	[tilespmem:$0x10800] =	vst v63  }
0x28b: {  	s3 =	simm.s32 $0x2800  }
0x28c: {  	[tilespmem:s3], [sflag:$0x1] =	stream.indirect_vreg.gather [hbm4b:s8+s2], $0x80, v4, vm0, $0xb8;
	[tilespmem:$0x10800] =	vst v63  }
0x28d: {  	v3 =	vperm.xlane v3, v2;
	s18 =	simm.s32 $0x3000  }
0x28e: {  	[tilespmem:s18], [sflag:$0x1] =	stream.indirect_vreg.gather [hbm4b:s9+s2], $0x80, v4, vm0, $0xb8;
	[tilespmem:$0x10800] =	vst v63  }
0x28f: {  	s12 =	simm.s32 $0x3800;
	v3 =	vadd.s32 v1, v3  }
0x290: {  	[tilespmem:s12], [sflag:$0x1] =	stream.indirect_vreg.gather [hbm4b:s10+s2], $0x80, v4, vm0, $0xb8;
	[tilespmem:$0x10800] =	vst v63  }
0x291: {  	s13 =	simm.s32 $0x4000  }
0x292: {  	[tilespmem:s13], [sflag:$0x1] =	stream.indirect_vreg.gather [hbm4b:s11+s2], $0x80, v4, vm0, $0xb8;
	[tilespmem:$0x10800] =	vst v63  }
0x293: {  	s17 =	simm.s32 $0x4800  }
0x294: {  	[tilespmem:s17], [sflag:$0x1] =	stream.indirect_vreg.gather [hbm4b:s4+s2], $0x80, v3, vm0, $0xb8;
	[tilespmem:$0x10800] =	vst v63  }
0x295: {  	s19 =	simm.s32 $0x5000  }
0x296: {  	[tilespmem:s19], [sflag:$0x1] =	stream.indirect_vreg.gather [hbm4b:s5+s2], $0x80, v3, vm0, $0xb8;
	[tilespmem:$0x10800] =	vst v63  }
0x297: {  	s20 =	simm.s32 $0x5800  }
0x298: {  	[tilespmem:s20], [sflag:$0x1] =	stream.indirect_vreg.gather [hbm4b:s6+s2], $0x80, v3, vm0, $0xb8;
	[tilespmem:$0x10800] =	vst v63  }
0x299: {  	s21 =	simm.s32 $0x6000  }
0x29a: {  	[tilespmem:s21], [sflag:$0x1] =	stream.indirect_vreg.gather [hbm4b:s7+s2], $0x80, v3, vm0, $0xb8;
	[tilespmem:$0x10800] =	vst v63  }
0x29b: {  	s22 =	simm.s32 $0x6800  }
0x29c: {  	[tilespmem:s22], [sflag:$0x1] =	stream.indirect_vreg.gather [hbm4b:s8+s2], $0x80, v3, vm0, $0xb8;
	[tilespmem:$0x10800] =	vst v63  }
0x29d: {  	s23 =	simm.s32 $0x7000  }
0x29e: {  	[tilespmem:s23], [sflag:$0x1] =	stream.indirect_vreg.gather [hbm4b:s9+s2], $0x80, v3, vm0, $0xb8;
	[tilespmem:$0x10800] =	vst v63  }
0x29f: {  	s24 =	simm.s32 $0x7800  }
0x2a0: {  	[tilespmem:s24], [sflag:$0x1] =	stream.indirect_vreg.gather [hbm4b:s10+s2], $0x80, v3, vm0, $0xb8;
	[tilespmem:$0x10800] =	vst v63  }
0x2a1: {  	s23 =	simm.s32 $0x8000  }
0x2a2: {  	[tilespmem:s23], [sflag:$0x1] =	stream.indirect_vreg.gather [hbm4b:s11+s2], $0x80, v3, vm0, $0xb8;
	[tilespmem:$0x10800] =	vst v63  }
0x2a3: {  	_ =	swait.ge [sflag:s29], $0x8000  }
0x2a4: {  	[sflag:s29] =	ssyncset.done $0x0  }
0x2a5: {  	s24 =	rddreg [dreg:$0x10];
	[sflag:s29] =	ssyncadd.s32 $0xFFFF8000  }
0x2a6: {  	[hbm4b:s24+s2] =	stream.linear.scatter [tilespmem:s31], [sflag:$0x4], $0x8000, $0x38;
	[tilespmem:$0x10800] =	vst v63  }
0x2a7: {  	_ =	swait.ge [sflag:s30], $0x8000  }
0x2a8: {  	[sflag:s30] =	ssyncset.done $0x0  }
0x2a9: {  	[sflag:s30] =	ssyncadd.s32 $0xFFFF8000  }
0x2aa: {  	v3 =	vld [tilespmem:$0x780];
	_ =	sdelay $0x4  }
0x2ab: {  	v63 =	vshll.u32 v3, $0x4  }
0x2ac: {  	v3 =	vand.u32 $0x7, v3;
	v4 =	vand.u32 $0xFFFFFF80, v63  }
0x2ad: {  	v3 =	vor.u32 v3, v4  }
0x2ae: {  	v4 =	vperm.xlane v3, v0;
	_ =	sdelay $0x1  }
0x2af: {  	v4 =	vadd.s32 v1, v4;
	_ =	sdelay $0x4  }
0x2b0: {  	[tilespmem:s31], [sflag:$0x2] =	stream.indirect_vreg.gather [hbm4b:s4+s2], $0x80, v4, vm0, $0xb8;
	[tilespmem:$0x10800] =	vst v63  }
0x2b1: {  	s25 =	simm.s32 $0x9000  }
0x2b2: {  	[tilespmem:s25], [sflag:$0x2] =	stream.indirect_vreg.gather [hbm4b:s5+s2], $0x80, v4, vm0, $0xb8;
	[tilespmem:$0x10800] =	vst v63  }
0x2b3: {  	s15 =	simm.s32 $0x9800  }
0x2b4: {  	[tilespmem:s15], [sflag:$0x2] =	stream.indirect_vreg.gather [hbm4b:s6+s2], $0x80, v4, vm0, $0xb8;
	[tilespmem:$0x10800] =	vst v63  }
0x2b5: {  	s25 =	simm.s32 $0xA000  }
0x2b6: {  	[tilespmem:s25], [sflag:$0x2] =	stream.indirect_vreg.gather [hbm4b:s7+s2], $0x80, v4, vm0, $0xb8;
	[tilespmem:$0x10800] =	vst v63  }
0x2b7: {  	s1 =	simm.s32 $0xA800  }
0x2b8: {  	[tilespmem:s1], [sflag:$0x2] =	stream.indirect_vreg.gather [hbm4b:s8+s2], $0x80, v4, vm0, $0xb8;
	[tilespmem:$0x10800] =	vst v63  }
0x2b9: {  	s3 =	simm.s32 $0xB000;
	v3 =	vperm.xlane v3, v2  }
0x2ba: {  	[tilespmem:s3], [sflag:$0x2] =	stream.indirect_vreg.gather [hbm4b:s9+s2], $0x80, v4, vm0, $0xb8;
	[tilespmem:$0x10800] =	vst v63  }
0x2bb: {  	s12 =	simm.s32 $0xB800;
	v3 =	vadd.s32 v1, v3  }
0x2bc: {  	[tilespmem:s12], [sflag:$0x2] =	stream.indirect_vreg.gather [hbm4b:s10+s2], $0x80, v4, vm0, $0xb8;
	[tilespmem:$0x10800] =	vst v63  }
0x2bd: {  	s13 =	simm.s32 $0xC000  }
0x2be: {  	[tilespmem:s13], [sflag:$0x2] =	stream.indirect_vreg.gather [hbm4b:s11+s2], $0x80, v4, vm0, $0xb8;
	[tilespmem:$0x10800] =	vst v63  }
0x2bf: {  	s15 =	simm.s32 $0xC800  }
0x2c0: {  	[tilespmem:s15], [sflag:$0x2] =	stream.indirect_vreg.gather [hbm4b:s4+s2], $0x80, v3, vm0, $0xb8;
	[tilespmem:$0x10800] =	vst v63  }
0x2c1: {  	s17 =	simm.s32 $0xD000  }
0x2c2: {  	[tilespmem:s17], [sflag:$0x2] =	stream.indirect_vreg.gather [hbm4b:s5+s2], $0x80, v3, vm0, $0xb8;
	[tilespmem:$0x10800] =	vst v63  }
0x2c3: {  	s18 =	simm.s32 $0xD800  }
0x2c4: {  	[tilespmem:s18], [sflag:$0x2] =	stream.indirect_vreg.gather [hbm4b:s6+s2], $0x80, v3, vm0, $0xb8;
	[tilespmem:$0x10800] =	vst v63  }
0x2c5: {  	s19 =	simm.s32 $0xE000  }
0x2c6: {  	[tilespmem:s19], [sflag:$0x2] =	stream.indirect_vreg.gather [hbm4b:s7+s2], $0x80, v3, vm0, $0xb8;
	[tilespmem:$0x10800] =	vst v63  }
0x2c7: {  	s20 =	simm.s32 $0xE800  }
0x2c8: {  	[tilespmem:s20], [sflag:$0x2] =	stream.indirect_vreg.gather [hbm4b:s8+s2], $0x80, v3, vm0, $0xb8;
	[tilespmem:$0x10800] =	vst v63  }
0x2c9: {  	s21 =	simm.s32 $0xF000  }
0x2ca: {  	[tilespmem:s21], [sflag:$0x2] =	stream.indirect_vreg.gather [hbm4b:s9+s2], $0x80, v3, vm0, $0xb8;
	[tilespmem:$0x10800] =	vst v63  }
0x2cb: {  	s22 =	simm.s32 $0xF800  }
0x2cc: {  	[tilespmem:s22], [sflag:$0x2] =	stream.indirect_vreg.gather [hbm4b:s10+s2], $0x80, v3, vm0, $0xb8;
	[tilespmem:$0x10800] =	vst v63  }
0x2cd: {  	s23 =	simm.s32 $0x10000  }
0x2ce: {  	[tilespmem:s23], [sflag:$0x2] =	stream.indirect_vreg.gather [hbm4b:s11+s2], $0x80, v3, vm0, $0xb8;
	[tilespmem:$0x10800] =	vst v63  }
0x2cf: {  	_ =	swait.ge [sflag:s26], $0x8000  }
0x2d0: {  	[sflag:s26] =	ssyncset.done $0x0  }
0x2d1: {  	s24 =	rddreg [dreg:$0x11];
	[sflag:s26] =	ssyncadd.s32 $0xFFFF8000  }
0x2d2: {  	[hbm4b:s24+s2] =	stream.linear.scatter [tilespmem:s14], [sflag:$0x3], $0x8000, $0x38;
	[tilespmem:$0x10800] =	vst v63  }
0x2d3: {  	_ =	swait.ge [sflag:s29], $0x8000  }
0x2d4: {  	[sflag:s29] =	ssyncset.done $0x0  }
0x2d5: {  	s25 =	rddreg [dreg:$0x12];
	[sflag:s29] =	ssyncadd.s32 $0xFFFF8000  }
0x2d6: {  	[hbm4b:s25+s2] =	stream.linear.scatter [tilespmem:s31], [sflag:$0x4], $0x8000, $0x38;
	[tilespmem:$0x10800] =	vst v63  }
0x2d7: {  	p0 =	sne.s32 s16, $0x1;
	_ =	swait.ge [sflag:s28], $0x8000  }
.Ltmp0:
0x2d8: {  	[sflag:s28] =	ssyncset.done $0x0;
	(pc) =	sbr.rel @p0 .LBB2_1-.Ltmp0, $4  }
0x2d9: {  	[sflag:s28] =	ssyncadd.s32 $0xFFFF8000  }
0x2da: {  	_ =	swait.ge [sflag:s30], $0x8000  }
0x2db: {  	[sflag:s30] =	ssyncset.done $0x0  }
0x2dc: {  	s16 =	sadd.s32 $0xFFFFFFFF, s16;
	[sflag:s30] =	ssyncadd.s32 $0xFFFF8000  }
0x2dd: {  	_ =	sfence.sel $0x180000  }
0x2de: {  	[bflag:$0x0] =	sbarrier.arrive $0xFFFF  }
0x2df: {  	_ =	strace $0x9000004D  }
0x2e0: {  	s0 =	stileid.u32;
	[bflag:$0x2] =	sbarrier.arrive $0xFFFF  }
0x2e1: {  	p0 =	sne.s32 s0, $0x0;
	s0 =	rddreg [dreg:$0x2]  }
0x2e2: {  	s0 =	sadd.s32 @!p0 $0x100000, s0  }
0x2e3: {  	[sflag:s0] =	ssyncadd.tile.s32 @!p0 $0x1;
	_ =	shalt  }
.Lfunc_end2:
_tile_overlayer_lowered:
.L_overlay_start_2:
0x2e4: {  	(tag) =	ssettag $0x2  }
0x2e5: {  	s0 =	rddreg [dreg:$0x0];
	s2 =	stileid.u32  }
0x2e6: {  	s1 =	rddreg [dreg:$0x1];
	p0 =	sne.s32 s2, $0x0  }
0x2e7: {  	s3 =	rddreg [dreg:$0x2];
	[bflag:$0x3] =	sbarrier.arrive $0xFFFF;
	s2 =	simm.s32 @!p0 $0x1C05  }
0x2e8: {  	[timem:s3], [sflag:s2] =	dma.local @!p0 [hbm:s0], s1  }
0x2e9: {  	s0 =	simm.s32 @!p0 $0x5  }
0x2ea: {  	_ =	swait.ge @!p0 [sflag:s0], s1  }
0x2eb: {  	s1 =	ssub.s32 @!p0 $0x0, s1;
	[sflag:s0] =	ssyncset.done @!p0 $0x0  }
0x2ec: {  	[sflag:s0] =	ssyncadd.s32 @!p0 s1  }
0x2ed: {  	[bflag:$0x3] =	sbarrier.arrive $0xFFFF  }
0x2ee: {  	_ =	shalt  }

// kernel: kernel.6.cloned.1.call-start
scs
__scs_entry_jumppad:
0x0: {  	(pc) =	sbr.rel $0x88, $3  }
0x1: {  	(tag) =	ssettag $0x0;
	lr =	simm.s32 $0x1  }
0x2: {  	[smem:$0x3F9B] =	sst lr;
	_ =	strace $0xD0000000  }
0x3: {  	_ = 	snop  }
0x4: {  	_ = 	snop  }
0x5: {  	_ = 	snop  }
0x6: {  	_ = 	snop  }
0x7: {  	_ = 	snop  }
__scs_overlays_trampoline_lowered:
0x8: {  	[smem:$0x3FAA] =	sst s0  }
0x9: {  	[smem:$0x3FAB] =	sst s1  }
0xa: {  	[smem:$0x3FAC] =	sst s2  }
0xb: {  	[smem:$0x3FAD] =	sst s3  }
0xc: {  	[smem:$0x3FAE] =	sst s4  }
0xd: {  	[smem:$0x3FAF] =	sst s5  }
0xe: {  	[smem:$0x3FB0] =	sst s6  }
0xf: {  	[smem:$0x3FB1] =	sst s7  }
0x10: {  	[smem:$0x3FB2] =	sst s8  }
0x11: {  	[smem:$0x3FB3] =	sst s9;
	s0 =	simm.s32 @!p0 $0x0  }
0x12: {  	s1 =	sld [smem:$0x3F99];
	s0 =	simm.s32 @p0 $0x1  }
0x13: {  	[smem:$0x3FB4] =	sst s0;
	s0 =	simm.s32 @!p1 $0x0  }
0x14: {  	s2 =	sld [smem:$0x3F98];
	s0 =	simm.s32 @p1 $0x1  }
0x15: {  	[smem:$0x3FB5] =	sst s0;
	s0 =	simm.s32 @!p2 $0x0  }
0x16: {  	s3 =	sld [smem:$0x3FDB];
	s0 =	simm.s32 @p2 $0x1  }
0x17: {  	s4 =	simm.s32 $0x1BF5;
	[smem:$0x3FB7] =	sst s0  }
0x18: {  	s0 =	sld [smem:$0x3F9A];
	_ =	swait.ge [sflag:s4], $0x0  }
0x19: {  	s7 =	sld [smem:$0x3F9B]  }
0x1a: {  	s8 =	sadd.s32 $0xFFFFE003, lr  }
0x1b: {  	s9 =	sadd.s32 $0xFFFFFEF7, lr;
	s5 =	simm.s32 $0xFFFFFFFF;
	p2 =	slt.u32 s8, $0xFFFFF086  }
0x1c: {  	p1 =	slt.u32 s9, $0xF7A;
	s5 =	simm.s32 @!p2 $0x0  }
0x1d: {  	s5 =	simm.s32 @p1 $0x1;
	p0 =	seq.s32 s7, s2  }
0x1e: {  	s7 =	smul.u32 @!p0 $0xF7A, s2;
	p2 =	seq.s32 @!p0 s5, $0x0  }
0x1f: {  	s9 =	smul.u32 $0xF7A, s1;
	s8 =	simm.s32 @!p0 $0x1BF5;
	p2 =	por !p2, p0  }
0x20: {  	[sflag:s8] =	ssyncset.s32 @!p0 $0xFFFFF086;
	s6 =	sadd.s32 @!p0 s3, s7;
	s7 =	simm.s32 @!p0 $0x108  }
0x21: {  	s3 =	sadd.s32 s3, s9;
	s6 =	sadd.s32 @!p0 $0x88, s6;
	s7 =	simm.s32 @p2 $0x1082  }
0x22: {  	[simem:s7], [sflag:s8] =	dma.local @!p0 [hbm:s6], $0xF7A  }
0x23: {  	s9 =	sor.u32 $0xD0000000, s2;
	s6 =	simm.s32 $0x108;
	_ =	swait.ge @!p0 [sflag:s8], $0x0  }
0x24: {  	s3 =	sadd.s32 $0x88, s3;
	s6 =	simm.s32 @!p1 $0x1082;
	[sflag:s4] =	ssyncset.s32 $0xFFFFF086  }
0x25: {  	[simem:s6], [sflag:s4] =	dma.local [hbm:s3], $0xF7A  }
0x26: {  	[smem:$0x3F9B] =	sst s1;
	(tag) =	ssettag s2;
	_ =	strace s9  }
0x27: {  	s1 =	sld [smem:$0x3FAB]  }
0x28: {  	s2 =	sld [smem:$0x3FAC]  }
0x29: {  	s4 =	sld [smem:$0x3FAE]  }
0x2a: {  	p0 =	seq.s32 s5, $0x0;
	s5 =	sld [smem:$0x3FAF]  }
0x2b: {  	s6 =	sld [smem:$0x3FB0]  }
0x2c: {  	s7 =	sld [smem:$0x3FB1]  }
0x2d: {  	s3 =	simm.s32 $0x108;
	s8 =	sld [smem:$0x3FB2]  }
0x2e: {  	s3 =	simm.s32 @!p0 $0x1082;
	s9 =	sld [smem:$0x3FB3]  }
0x2f: {  	lr =	sadd.s32 s0, s3;
	s0 =	sld [smem:$0x3FAA]  }
0x30: {  	s3 =	sld [smem:$0x3FAD]  }
0x31: {  	[smem:$0x3FB6] =	sst s10  }
0x32: {  	s10 =	sld [smem:$0x3FB4];
	_ =	sdelay $0x3  }
0x33: {  	p0 =	seq.s32 s10, $0x1;
	s10 =	sld [smem:$0x3FB6];
	_ =	sdelay $0x3  }
0x34: {  	[smem:$0x3FB6] =	sst s10  }
0x35: {  	s10 =	sld [smem:$0x3FB5];
	_ =	sdelay $0x3  }
0x36: {  	p1 =	seq.s32 s10, $0x1;
	s10 =	sld [smem:$0x3FB6];
	_ =	sdelay $0x3  }
0x37: {  	[smem:$0x3FB6] =	sst s10  }
0x38: {  	s10 =	sld [smem:$0x3FB7]  }
0x39: {  	_ = 	snop;
	(pc) =	sbr.ind lr, $3  }
0x3a: {  	_ = 	snop  }
0x3b: {  	_ = 	snop  }
0x3c: {  	p2 =	seq.s32 s10, $0x1;
	s10 =	sld [smem:$0x3FB6]  }
0x3d: {  	_ =	shalt  }
0x3e: {  	_ =	shalt  }
0x3f: {  	_ =	shalt  }
0x40: {  	_ =	shalt  }
0x41: {  	_ =	shalt  }
0x42: {  	_ =	shalt  }
0x43: {  	_ =	shalt  }
0x44: {  	_ =	shalt  }
0x45: {  	_ =	shalt  }
0x46: {  	_ =	shalt  }
0x47: {  	_ =	shalt  }
0x48: {  	_ =	shalt  }
0x49: {  	_ =	shalt  }
0x4a: {  	_ =	shalt  }
0x4b: {  	_ =	shalt  }
0x4c: {  	_ =	shalt  }
0x4d: {  	_ =	shalt  }
0x4e: {  	_ =	shalt  }
0x4f: {  	_ =	shalt  }
0x50: {  	_ =	shalt  }
0x51: {  	_ =	shalt  }
0x52: {  	_ =	shalt  }
0x53: {  	_ =	shalt  }
0x54: {  	_ =	shalt  }
0x55: {  	_ =	shalt  }
0x56: {  	_ =	shalt  }
0x57: {  	_ =	shalt  }
0x58: {  	_ =	shalt  }
0x59: {  	_ =	shalt  }
0x5a: {  	_ =	shalt  }
0x5b: {  	_ =	shalt  }
0x5c: {  	_ =	shalt  }
0x5d: {  	_ =	shalt  }
0x5e: {  	_ =	shalt  }
0x5f: {  	_ =	shalt  }
0x60: {  	_ =	shalt  }
0x61: {  	_ =	shalt  }
0x62: {  	_ =	shalt  }
0x63: {  	_ =	shalt  }
0x64: {  	_ =	shalt  }
0x65: {  	_ =	shalt  }
0x66: {  	_ =	shalt  }
0x67: {  	_ =	shalt  }
0x68: {  	_ =	shalt  }
0x69: {  	_ =	shalt  }
0x6a: {  	_ =	shalt  }
0x6b: {  	_ =	shalt  }
0x6c: {  	_ =	shalt  }
0x6d: {  	_ =	shalt  }
0x6e: {  	_ =	shalt  }
0x6f: {  	_ =	shalt  }
0x70: {  	_ =	shalt  }
0x71: {  	_ =	shalt  }
0x72: {  	_ =	shalt  }
0x73: {  	_ =	shalt  }
0x74: {  	_ =	shalt  }
0x75: {  	_ =	shalt  }
0x76: {  	_ =	shalt  }
0x77: {  	_ =	shalt  }
0x78: {  	_ =	shalt  }
0x79: {  	_ =	shalt  }
0x7a: {  	_ =	shalt  }
0x7b: {  	_ =	shalt  }
0x7c: {  	_ =	shalt  }
0x7d: {  	_ =	shalt  }
0x7e: {  	_ =	shalt  }
0x7f: {  	_ =	shalt  }
0x80: {  	_ =	shalt  }
0x81: {  	_ =	shalt  }
0x82: {  	_ =	shalt  }
0x83: {  	_ =	shalt  }
0x84: {  	_ =	shalt  }
0x85: {  	_ =	shalt  }
0x86: {  	_ =	shalt  }
0x87: {  	_ =	shalt  }
.Lfunc_end0:
.L_simem_size_0:
called_computation_lowered:
.L_overlay_start_0:
0x88: {  	s2 =	sld [smem:$0x3FD9]  }
0x89: {  	s3 =	sld [smem:$0x3FFE];
	_ =	sdelay $0x1  }
0x8a: {  	s1 =	srdreg.scid  }
0x8b: {  	s0 =	sand.u32 $0x1, s1  }
0x8c: {  	s17 =	sshll.u32 s0, $0xA;
	s2 =	sadd.s32 s3, s2  }
0x8d: {  	s2 =	sadd.s32 s2, s17  }
0x8e: {  	[smem:$0x3FC2] =	sst s2  }
0x8f: {  	_ = 	snop  }
0x90: {  	s2 =	sld [smem:$0x3FC8];
	(tm) =	ssettm $0x1  }
0x91: {  	s18 =	sld [smem:$0x3FFB];
	_ =	sdelay $0x3  }
0x92: {  	_ =	strace s18  }
0x93: {  	s3 =	sld [smem:$0x3FFC];
	_ =	sdelay $0x3  }
0x94: {  	_ =	strace s3  }
0x95: {  	s3 =	sld [smem:$0x3FFD];
	_ =	sdelay $0x3  }
0x96: {  	_ =	strace s3  }
0x97: {  	_ =	strace $0x8FFFFFFF  }
0x98: {  	s19 =	sld [smem:$0x3FDB];
	_ =	sdelay $0x1  }
0x99: {  	s4 =	simm.s32 $_scs_section_size  }
0x9a: {  	s5 =	simm.s32 $_size__tile_overlayer_lowered;
	s6 =	simm.s32 $_tile_overlayer_lowered  }
0x9b: {  	s22 =	simm.s32 $0x1BFF;
	s21 =	sshll.u32 s6, $0x1;
	s3 =	sadd.s32 s4, s19  }
0x9c: {  	s7 =	simm.s32 $0x0;
	s20 =	sshll.u32 s5, $0x1;
	s5 =	sadd.s32 s21, s3  }
0x9d: {  	[timem:s7], [sflag:s22] =	dma.local [hbm:s5], s20  }
0x9e: {  	_ =	swait.ge [sflag:s22], s20  }
0x9f: {  	s4 =	ssub.s32 $0x0, s20;
	[sflag:s22] =	ssyncset.done $0x0  }
0xa0: {  	[sflag:s22] =	ssyncadd.s32 s4;
	_ =	sdelay $0x1  }
0xa1: {  	s23 =	simm.s32 $0x1B8B  }
0xa2: {  	_ =	swait.ge [sflag:s23], $0x1  }
0xa3: {  	[sflag:s23] =	ssyncset.done $0x0  }
0xa4: {  	s25 =	simm.s32 $0x1B8E;
	s24 =	sld [smem:$0x3FFE];
	[sflag:s23] =	ssyncadd.s32 $0xFFFFFFFF  }
0xa5: {  	s26 =	simm.s32 $execute0_lowered;
	[smem:$0x3FD2] =	sst s25  }
0xa6: {  	s5 =	sshll.u32 s26, $0x1;
	_ =	strace $0x80000046;
	[dreg:$0x1] =	wrdreg $0xFFFFFFFF  }
0xa7: {  	s28 =	simm.s32 $_size_execute0_lowered;
	s3 =	sadd.s32 s3, s5;
	[dreg:$0x0] =	wrdreg $0x0  }
0xa8: {  	s5 =	sshll.u32 s28, $0x1;
	[dreg:$0x2] =	wrdreg s3  }
0xa9: {  	[dreg:$0x3] =	wrdreg s5  }
0xaa: {  	[dreg:$0x4] =	wrdreg $0xC0  }
0xab: {  	_ =	task [dreg:s7], $0x5FFFF  }
0xac: {  	[dreg:$0x1] =	wrdreg $0xFFFFFFFF  }
0xad: {  	[dreg:$0x0] =	wrdreg $0x60  }
0xae: {  	[dreg:$0x2] =	wrdreg s2  }
0xaf: {  	[dreg:$0x3] =	wrdreg s24  }
0xb0: {  	[dreg:$0x4] =	wrdreg $0x9  }
0xb1: {  	_ =	task.clear_ibuf [dreg:s7], $0x5FFFF;
	_ =	strace $0x90000046  }
0xb2: {  	s29 =	simm.s32 $0x9;
	_ =	strace $0x80000048  }
0xb3: {  	_ =	swait.ge [sflag:s29], $0x1  }
0xb4: {  	[sflag:s29] =	ssyncadd.s32 $0xFFFFFFFF  }
0xb5: {  	_ =	strace $0x90000048  }
0xb6: {  	_ =	sfence  }
0xb7: {  	s30 =	sld [smem:$0x0];
	_ =	sdelay $0x2  }
0xb8: {  	s31 =	sshll.u32 s1, $0xD;
	s1 =	sshrl.u32 s1, $0x2  }
0xb9: {  	s3 =	sand.u32 $0x4000, s31;
	s1 =	sadd.s32 s1, s30  }
0xba: {  	s0 =	sor.u32 s3, s0;
	s1 =	sshll.u32 s1, $0x11  }
0xbb: {  	s0 =	sor.u32 s1, s0  }
0xbc: {  	s0 =	sadd.s32 $0x8F2B, s0  }
0xbd: {  	[sflag:s0] =	ssyncadd.remote.s32 $0x1  }
0xbe: {  	_ =	sfence.sel $0xFFFF  }
0xbf: {  	[dreg:$0x0] =	wrdreg $0xFFFFFFFF;
	(pc) =	sbr.abs _section_cstart, $3  }
0xc0: {  	[dreg:$0x1] =	wrdreg $0xFFFFFFFF  }
0xc1: {  	_ =	task.clear_ibuf [dreg:s7], $0x2FFFF;
	_ =	strace $0x9FFFFFFF  }
0xc2: {  	(tm) =	ssettm $0x7FFFFFFF  }
0xc3: {  	_ =	shalt  }
tec
execute0_lowered:
.L_overlay_start_1:
0x0: {  	(tag) =	ssettag $0x1  }
0x1: {  	s2 =	rddreg [dreg:$0x0]  }
0x2: {  	s1 =	srdreg.scid;
	s0 =	stileid.u32  }
0x3: {  	s5 =	rddreg [dreg:$0x1];
	s3 =	simm.s32 $0x0;
	s9 =	simm.s32 $0x1  }
0x4: {  	v0 =	vlaneseq.u32;
	s6 =	sand.u32 $0x1, s1;
	s4 =	sshll.u32 s0, $0x1;
	s1 =	rddreg [dreg:$0x2]  }
0x5: {  	s11 =	simm.s32 $0x0;
	[smem:$0x7FF] =	sst s3;
	v1 =	vor.u32 $0x10, v0;
	v2 =	vor.u32 $0x20, v0;
	v3 =	vor.u32 $0x30, v0;
	s10 =	sor.u32 s6, s4  }
0x6: {  	v4 =	vor.u32 $0x40, v0;
	v5 =	vor.u32 $0x50, v0;
	v6 =	vor.u32 $0x60, v0;
	s6 =	ssub.s32 $0x2, s6;
	_ =	strace $0x80000047;
	s4 =	sshll.u32 s10, $0x8  }
0x7: {  	v7 =	vor.u32 $0x70, v0;
	v8 =	vor.u32 $0x80, v0;
	v9 =	vor.u32 $0x90, v0;
	s8 =	sshrl.u32 s6, $0x1;
	p0 =	sne.s32 s10, $0x0;
	s7 =	sadd.s32 s4, s5  }
0x8: {  	v10 =	vor.u32 $0xA0, v0;
	v11 =	vor.u32 $0xB0, v0;
	v12 =	vor.u32 $0xC0, v0;
	s5 =	sadd.s32 $0x1A00, s5;
	s8 =	ssub.s32 s6, s8;
	s6 =	sshll.u32 s10, $0x4  }
0x9: {  	v13 =	vor.u32 $0xD0, v0;
	v14 =	vor.u32 $0xE0, v0;
	v15 =	vor.u32 $0xF0, v0;
	s10 =	simm.s32 $0x2000;
	s7 =	sadd.s32 $0x1C00, s7;
	s8 =	smax.u32 s8, $0x1  }
.LBB2_1:
0xa: {  	[tilespmem:s3], [sflag:$0x1] =	stream.linear.gather [hbm4b:s2+s3], $0x2000, $0x38;
	[tilespmem:$0x2880] =	vst v63  }
0xb: {  	_ =	swait.ge [sflag:s9], $0x2000  }
0xc: {  	[sflag:s9] =	ssyncset.done $0x0  }
0xd: {  	[sflag:s9] =	ssyncadd.s32 $0xFFFFE000  }
0xe: {  	v17 =	vld [tilespmem:s3+$0x0];
	_ =	sdelay $0x4  }
0xf: {  	v16 =	vimm.s32 $0x0;
	s12 =	simm.s32 $0x1;
	p1 =	sgt.u32 s6, $0x0;
	s13 =	simm.s32 $0x10;
	v18 =	vand.u32 $0x1, v17;
	v17 =	vimm.s32 $0x0  }
.LBB2_2:
0x10: {  	v19 =	vld [tilespmem:s13+$0x0];
	p2 =	sne.s32 s12, $0x1FF;
	v16 =	vadd.s32 v16, v18;
	v18 =	vpsel !p1, $0x0, v18;
	s14 =	smov.u32 s12;
	s12 =	sadd.s32 $0x1, s12  }
.Ltmp0:
0x11: {  	v17 =	vadd.s32 v17, v18;
	(pc) =	sbr.rel @p2 .LBB2_2-.Ltmp0, $2  }
0x12: {  	_ =	sdelay $0x2  }
0x13: {  	s13 =	sadd.s32 $0x10, s13;
	p1 =	slt.u32 s14, s6;
	v18 =	vand.u32 $0x1, v19  }
0x14: {  	v16 =	vadd.s32 v16, v18;
	v30 =	vpsel !p1, $0x0, v18  }
0x15: {  	v17 =	vadd.s32 v17, v30;
	(xrf0) =	vadd.scan.msk.s32 $0xffff, v16  }
0x16: {  	(xrf0) =	vadd.scan.msk.s32 $0xffff, v17;
	_ =	sdelay $0x4  }
0x17: {  	v16, _, _ =	vpop (xrf0)  }
0x18: {  	(v2sf) =	vpush v16, $0xF;
	v16, _, _ =	vpop (xrf0)  }
0x19: {  	(v2sf) =	vpush v16, $0xF;
	_ =	sdelay $0x3  }
0x1a: {  	v17 =	vld [tilespmem:s4+$0x0];
	_ =	sdelay $0x4  }
0x1b: {  	v31 =	vand.u32 $0x1, v17  }
0x1c: {  	(xrf0) =	vadd.scan.msk.s32 $0xffff, v31;
	_ =	sdelay $0x3  }
0x1d: {  	s12 =	spop (v2sf)  }
0x1e: {  	s13 =	spop (v2sf);
	s12 =	sadd.s32 $0x1FF, s12  }
0x1f: {  	v19, _, _ =	vpop (xrf0);
	s14 =	sand.u32 $0xFFFFFE00, s12;
	s13 =	ssub.s32 s4, s13  }
0x20: {  	v16 =	vbroadcast v16, $0xF;
	v18 =	vsub.s32 v19, v31;
	s13 =	sadd.s32 s14, s13  }
0x21: {  	v20 =	vsub.s32 s13, v18  }
0x22: {  	vm0 =	veq.s32 v17, $0x1;
	v17 =	vadd.s32 v16, v18;
	v32 =	vadd.s32 v0, v20  }
0x23: {  	v17 =	vsel vm0, v17, v32  }
0x24: {  	[tilespmem:$0x2000] =	vst v17  }
0x25: {  	v17 =	vld [tilespmem:s4+$0x10];
	_ =	sdelay $0x4  }
0x26: {  	v33 =	vand.u32 $0x1, v17  }
0x27: {  	(xrf0) =	vadd.scan.msk.s32 $0xffff, v33;
	_ =	sdelay $0x5  }
0x28: {  	v21 =	vbroadcast v19, $0xF;
	v34, _, _ =	vpop (xrf0)  }
0x29: {  	v18 =	vsub.s32 v34, v33  }
0x2a: {  	v18 =	vadd.s32 v21, v18  }
0x2b: {  	(v2sf) =	vpush v19, $0xF;
	vm13 =	veq.s32 v17, $0x1;
	v17 =	vsub.s32 s13, v18  }
0x2c: {  	(v2sf) =	vpush v34, $0xF;
	v18 =	vadd.s32 v16, v18;
	v17 =	vadd.s32 v1, v17  }
0x2d: {  	v17 =	vsel vm13, v18, v17  }
0x2e: {  	[tilespmem:$0x2080] =	vst v17  }
0x2f: {  	v17 =	vld [tilespmem:s4+$0x20];
	_ =	sdelay $0x4  }
0x30: {  	v35 =	vand.u32 $0x1, v17  }
0x31: {  	(xrf0) =	vadd.scan.msk.s32 $0xffff, v35;
	_ =	sdelay $0x4  }
0x32: {  	s17 =	spop (v2sf)  }
0x33: {  	s15 =	spop (v2sf);
	v36, _, _ =	vpop (xrf0)  }
0x34: {  	s14 =	sadd.s32 s17, s15;
	v18 =	vsub.s32 v36, v35  }
0x35: {  	v18 =	vadd.s32 s14, v18  }
0x36: {  	vm14 =	veq.s32 v17, $0x1;
	v17 =	vsub.s32 s13, v18  }
0x37: {  	(v2sf) =	vpush v36, $0xF;
	v18 =	vadd.s32 v16, v18;
	v17 =	vadd.s32 v2, v17  }
0x38: {  	v17 =	vsel vm14, v18, v17  }
0x39: {  	[tilespmem:$0x2100] =	vst v17  }
0x3a: {  	v17 =	vld [tilespmem:s4+$0x30];
	_ =	sdelay $0x4  }
0x3b: {  	v37 =	vand.u32 $0x1, v17  }
0x3c: {  	(xrf0) =	vadd.scan.msk.s32 $0xffff, v37;
	_ =	sdelay $0x5  }
0x3d: {  	s18 =	spop (v2sf);
	v38, _, _ =	vpop (xrf0)  }
0x3e: {  	s14 =	sadd.s32 s14, s18;
	v18 =	vsub.s32 v38, v37  }
0x3f: {  	v18 =	vadd.s32 s14, v18  }
0x40: {  	vm15 =	veq.s32 v17, $0x1;
	v17 =	vsub.s32 s13, v18  }
0x41: {  	(v2sf) =	vpush v38, $0xF;
	v18 =	vadd.s32 v16, v18;
	v17 =	vadd.s32 v3, v17  }
0x42: {  	v17 =	vsel vm15, v18, v17  }
0x43: {  	[tilespmem:$0x2180] =	vst v17  }
0x44: {  	v17 =	vld [tilespmem:s4+$0x40];
	_ =	sdelay $0x4  }
0x45: {  	v39 =	vand.u32 $0x1, v17  }
0x46: {  	(xrf0) =	vadd.scan.msk.s32 $0xffff, v39;
	_ =	sdelay $0x5  }
0x47: {  	s19 =	spop (v2sf);
	v40, _, _ =	vpop (xrf0)  }
0x48: {  	s14 =	sadd.s32 s14, s19;
	v18 =	vsub.s32 v40, v39  }
0x49: {  	v18 =	vadd.s32 s14, v18  }
0x4a: {  	vm4 =	veq.s32 v17, $0x1;
	v17 =	vsub.s32 s13, v18  }
0x4b: {  	(v2sf) =	vpush v40, $0xF;
	v18 =	vadd.s32 v16, v18;
	v17 =	vadd.s32 v4, v17  }
0x4c: {  	v17 =	vsel vm4, v18, v17  }
0x4d: {  	[tilespmem:$0x2200] =	vst v17  }
0x4e: {  	v17 =	vld [tilespmem:s4+$0x50];
	_ =	sdelay $0x4  }
0x4f: {  	v41 =	vand.u32 $0x1, v17  }
0x50: {  	(xrf0) =	vadd.scan.msk.s32 $0xffff, v41;
	_ =	sdelay $0x5  }
0x51: {  	s20 =	spop (v2sf);
	v42, _, _ =	vpop (xrf0)  }
0x52: {  	s14 =	sadd.s32 s14, s20;
	v18 =	vsub.s32 v42, v41  }
0x53: {  	v18 =	vadd.s32 s14, v18  }
0x54: {  	vm5 =	veq.s32 v17, $0x1;
	v17 =	vsub.s32 s13, v18  }
0x55: {  	(v2sf) =	vpush v42, $0xF;
	v18 =	vadd.s32 v16, v18;
	v17 =	vadd.s32 v5, v17  }
0x56: {  	v17 =	vsel vm5, v18, v17  }
0x57: {  	[tilespmem:$0x2280] =	vst v17  }
0x58: {  	v17 =	vld [tilespmem:s4+$0x60];
	_ =	sdelay $0x4  }
0x59: {  	v43 =	vand.u32 $0x1, v17  }
0x5a: {  	(xrf0) =	vadd.scan.msk.s32 $0xffff, v43;
	_ =	sdelay $0x5  }
0x5b: {  	s21 =	spop (v2sf);
	v44, _, _ =	vpop (xrf0)  }
0x5c: {  	s14 =	sadd.s32 s14, s21;
	v18 =	vsub.s32 v44, v43  }
0x5d: {  	v18 =	vadd.s32 s14, v18  }
0x5e: {  	vm6 =	veq.s32 v17, $0x1;
	v17 =	vsub.s32 s13, v18  }
0x5f: {  	(v2sf) =	vpush v44, $0xF;
	v18 =	vadd.s32 v16, v18;
	v17 =	vadd.s32 v6, v17  }
0x60: {  	v17 =	vsel vm6, v18, v17  }
0x61: {  	[tilespmem:$0x2300] =	vst v17  }
0x62: {  	v17 =	vld [tilespmem:s4+$0x70];
	_ =	sdelay $0x4  }
0x63: {  	v45 =	vand.u32 $0x1, v17  }
0x64: {  	(xrf0) =	vadd.scan.msk.s32 $0xffff, v45;
	_ =	sdelay $0x5  }
0x65: {  	s22 =	spop (v2sf);
	v46, _, _ =	vpop (xrf0)  }
0x66: {  	s14 =	sadd.s32 s14, s22;
	v18 =	vsub.s32 v46, v45  }
0x67: {  	v18 =	vadd.s32 s14, v18  }
0x68: {  	vm7 =	veq.s32 v17, $0x1;
	v17 =	vsub.s32 s13, v18  }
0x69: {  	(v2sf) =	vpush v46, $0xF;
	v18 =	vadd.s32 v16, v18;
	v17 =	vadd.s32 v7, v17  }
0x6a: {  	v17 =	vsel vm7, v18, v17  }
0x6b: {  	[tilespmem:$0x2380] =	vst v17  }
0x6c: {  	v17 =	vld [tilespmem:s4+$0x80];
	_ =	sdelay $0x4  }
0x6d: {  	v47 =	vand.u32 $0x1, v17  }
0x6e: {  	(xrf0) =	vadd.scan.msk.s32 $0xffff, v47;
	_ =	sdelay $0x5  }
0x6f: {  	s23 =	spop (v2sf);
	v48, _, _ =	vpop (xrf0)  }
0x70: {  	s14 =	sadd.s32 s14, s23;
	v18 =	vsub.s32 v48, v47  }
0x71: {  	v18 =	vadd.s32 s14, v18  }
0x72: {  	vm8 =	veq.s32 v17, $0x1;
	v17 =	vsub.s32 s13, v18  }
0x73: {  	(v2sf) =	vpush v48, $0xF;
	v18 =	vadd.s32 v16, v18;
	v17 =	vadd.s32 v8, v17  }
0x74: {  	v17 =	vsel vm8, v18, v17  }
0x75: {  	[tilespmem:$0x2400] =	vst v17  }
0x76: {  	v17 =	vld [tilespmem:s4+$0x90];
	_ =	sdelay $0x4  }
0x77: {  	v49 =	vand.u32 $0x1, v17  }
0x78: {  	(xrf0) =	vadd.scan.msk.s32 $0xffff, v49;
	_ =	sdelay $0x5  }
0x79: {  	s24 =	spop (v2sf);
	v50, _, _ =	vpop (xrf0)  }
0x7a: {  	s14 =	sadd.s32 s14, s24;
	v18 =	vsub.s32 v50, v49  }
0x7b: {  	v18 =	vadd.s32 s14, v18  }
0x7c: {  	vm9 =	veq.s32 v17, $0x1;
	v17 =	vsub.s32 s13, v18  }
0x7d: {  	(v2sf) =	vpush v50, $0xF;
	v18 =	vadd.s32 v16, v18;
	v17 =	vadd.s32 v9, v17  }
0x7e: {  	v17 =	vsel vm9, v18, v17  }
0x7f: {  	[tilespmem:$0x2480] =	vst v17  }
0x80: {  	v17 =	vld [tilespmem:s4+$0xA0];
	_ =	sdelay $0x4  }
0x81: {  	v51 =	vand.u32 $0x1, v17  }
0x82: {  	(xrf0) =	vadd.scan.msk.s32 $0xffff, v51;
	_ =	sdelay $0x5  }
0x83: {  	s25 =	spop (v2sf);
	v52, _, _ =	vpop (xrf0)  }
0x84: {  	s14 =	sadd.s32 s14, s25;
	v18 =	vsub.s32 v52, v51  }
0x85: {  	v18 =	vadd.s32 s14, v18  }
0x86: {  	vm10 =	veq.s32 v17, $0x1;
	v17 =	vsub.s32 s13, v18  }
0x87: {  	(v2sf) =	vpush v52, $0xF;
	v18 =	vadd.s32 v16, v18;
	v17 =	vadd.s32 v10, v17  }
0x88: {  	v17 =	vsel vm10, v18, v17  }
0x89: {  	[tilespmem:$0x2500] =	vst v17  }
0x8a: {  	v17 =	vld [tilespmem:s4+$0xB0];
	_ =	sdelay $0x4  }
0x8b: {  	v53 =	vand.u32 $0x1, v17  }
0x8c: {  	(xrf0) =	vadd.scan.msk.s32 $0xffff, v53;
	_ =	sdelay $0x5  }
0x8d: {  	s26 =	spop (v2sf);
	v54, _, _ =	vpop (xrf0)  }
0x8e: {  	s14 =	sadd.s32 s14, s26;
	v18 =	vsub.s32 v54, v53  }
0x8f: {  	v18 =	vadd.s32 s14, v18  }
0x90: {  	vm11 =	veq.s32 v17, $0x1;
	v17 =	vsub.s32 s13, v18  }
0x91: {  	(v2sf) =	vpush v54, $0xF;
	v18 =	vadd.s32 v16, v18;
	v17 =	vadd.s32 v11, v17  }
0x92: {  	v17 =	vsel vm11, v18, v17  }
0x93: {  	[tilespmem:$0x2580] =	vst v17  }
0x94: {  	v17 =	vld [tilespmem:s4+$0xC0];
	_ =	sdelay $0x4  }
0x95: {  	v55 =	vand.u32 $0x1, v17  }
0x96: {  	(xrf0) =	vadd.scan.msk.s32 $0xffff, v55;
	_ =	sdelay $0x5  }
0x97: {  	s28 =	spop (v2sf);
	v56, _, _ =	vpop (xrf0)  }
0x98: {  	s14 =	sadd.s32 s14, s28;
	v18 =	vsub.s32 v56, v55  }
0x99: {  	v18 =	vadd.s32 s14, v18  }
0x9a: {  	vm12 =	veq.s32 v17, $0x1;
	v17 =	vsub.s32 s13, v18  }
0x9b: {  	(v2sf) =	vpush v56, $0xF;
	v18 =	vadd.s32 v16, v18;
	v17 =	vadd.s32 v12, v17  }
0x9c: {  	v17 =	vsel vm12, v18, v17  }
0x9d: {  	[tilespmem:$0x2600] =	vst v17  }
0x9e: {  	v17 =	vld [tilespmem:s4+$0xD0];
	_ =	sdelay $0x4  }
0x9f: {  	v57 =	vand.u32 $0x1, v17  }
0xa0: {  	(xrf0) =	vadd.scan.msk.s32 $0xffff, v57;
	_ =	sdelay $0x5  }
0xa1: {  	s29 =	spop (v2sf);
	v58, _, _ =	vpop (xrf0)  }
0xa2: {  	s14 =	sadd.s32 s14, s29;
	v18 =	vsub.s32 v58, v57  }
0xa3: {  	v18 =	vadd.s32 s14, v18  }
0xa4: {  	vm13 =	veq.s32 v17, $0x1;
	v17 =	vsub.s32 s13, v18  }
0xa5: {  	(v2sf) =	vpush v58, $0xF;
	v18 =	vadd.s32 v16, v18;
	v17 =	vadd.s32 v13, v17  }
0xa6: {  	v17 =	vsel vm13, v18, v17  }
0xa7: {  	[tilespmem:$0x2680] =	vst v17  }
0xa8: {  	v17 =	vld [tilespmem:s4+$0xE0];
	_ =	sdelay $0x4  }
0xa9: {  	v59 =	vand.u32 $0x1, v17  }
0xaa: {  	(xrf0) =	vadd.scan.msk.s32 $0xffff, v59;
	_ =	sdelay $0x5  }
0xab: {  	s30 =	spop (v2sf);
	v60, _, _ =	vpop (xrf0)  }
0xac: {  	s14 =	sadd.s32 s14, s30;
	v18 =	vsub.s32 v60, v59  }
0xad: {  	v18 =	vadd.s32 s14, v18  }
0xae: {  	vm14 =	veq.s32 v17, $0x1;
	v17 =	vsub.s32 s13, v18  }
0xaf: {  	(v2sf) =	vpush v60, $0xF;
	v18 =	vadd.s32 v16, v18;
	v17 =	vadd.s32 v14, v17  }
0xb0: {  	v17 =	vsel vm14, v18, v17  }
0xb1: {  	[tilespmem:$0x2700] =	vst v17  }
0xb2: {  	v17 =	vld [tilespmem:s4+$0xF0];
	_ =	sdelay $0x4  }
0xb3: {  	v61 =	vand.u32 $0x1, v17  }
0xb4: {  	(xrf0) =	vadd.scan.msk.s32 $0xffff, v61;
	_ =	sdelay $0x5  }
0xb5: {  	s31 =	spop (v2sf);
	v62, _, _ =	vpop (xrf0)  }
0xb6: {  	s14 =	sadd.s32 s14, s31;
	v18 =	vsub.s32 v62, v61  }
0xb7: {  	v18 =	vadd.s32 s14, v18  }
0xb8: {  	v63 =	vsub.s32 s13, v18  }
0xb9: {  	vm15 =	veq.s32 v17, $0x1;
	v16 =	vadd.s32 v16, v18;
	v17 =	vadd.s32 v15, v63  }
0xba: {  	v16 =	vsel vm15, v16, v17  }
0xbb: {  	[tilespmem:$0x2780] =	vst v16  }
0xbc: {  	[hbm4b:s7+s3] =	stream.linear.scatter [tilespmem:s10], [sflag:$0x1], $0x800, $0x38;
	[tilespmem:$0x2880] =	vst v63  }
0xbd: {  	_ =	swait.ge [sflag:s9], $0x800  }
0xbe: {  	s12 =	sshra.s32 @!p0 s12, $0x9;
	[sflag:s9] =	ssyncset.done $0x0  }
0xbf: {  	s11 =	sadd.s32 $0x1, s11;
	v16 =	vmov @!p0 s12;
	[sflag:s9] =	ssyncadd.s32 $0xFFFFF800  }
0xc0: {  	p1 =	sne.s32 s11, s8;
	s13 =	simm.s32 @!p0 $0x2800;
	s12 =	simm.s32 @!p0 $0x0;
	[tilespmem:$0x2800] =	vst @!p0 v16  }
0xc1: {  	[hbm4b:s5+s12] =	stream.linear.scatter @!p0 [tilespmem:s13], [sflag:$0x1], $0x80, $0x38;
	[tilespmem:$0x2880] =	vst v63  }
.Ltmp1:
0xc2: {  	_ = 	snop;
	(pc) =	sbr.rel @p1 .LBB2_1-.Ltmp1, $4  }
0xc3: {  	s12 =	simm.s32 @!p0 $0x1  }
0xc4: {  	_ =	swait.ge @!p0 [sflag:s12], $0x80  }
0xc5: {  	[sflag:s12] =	ssyncset.done @!p0 $0x0  }
0xc6: {  	[sflag:s12] =	ssyncadd.s32 @!p0 $0xFFFFFF80  }
0xc7: {  	_ =	sfence.sel $0x180000  }
0xc8: {  	[bflag:$0x0] =	sbarrier.arrive $0xFFFF  }
0xc9: {  	p0 =	sne.s32 s0, $0x0;
	_ =	strace $0x90000047  }
0xca: {  	s0 =	sadd.s32 @!p0 $0x100000, s1;
	[bflag:$0x2] =	sbarrier.arrive $0xFFFF  }
0xcb: {  	[sflag:s0] =	ssyncadd.tile.s32 @!p0 $0x1;
	_ =	shalt  }
.Lfunc_end2:
_tile_overlayer_lowered:
.L_overlay_start_2:
0xcc: {  	(tag) =	ssettag $0x2  }
0xcd: {  	s0 =	rddreg [dreg:$0x0];
	s2 =	stileid.u32  }
0xce: {  	s1 =	rddreg [dreg:$0x1];
	p0 =	sne.s32 s2, $0x0  }
0xcf: {  	s3 =	rddreg [dreg:$0x2];
	[bflag:$0x3] =	sbarrier.arrive $0xFFFF;
	s2 =	simm.s32 @!p0 $0x1C01  }
0xd0: {  	[timem:s3], [sflag:s2] =	dma.local @!p0 [hbm:s0], s1  }
0xd1: {  	s0 =	simm.s32 @!p0 $0x1  }
0xd2: {  	_ =	swait.ge @!p0 [sflag:s0], s1  }
0xd3: {  	s1 =	ssub.s32 @!p0 $0x0, s1;
	[sflag:s0] =	ssyncset.done @!p0 $0x0  }
0xd4: {  	[sflag:s0] =	ssyncadd.s32 @!p0 s1  }
0xd5: {  	[bflag:$0x3] =	sbarrier.arrive $0xFFFF  }
0xd6: {  	_ =	shalt  }

// kernel: kernel.9.cloned.1.call-start
scs
__scs_entry_jumppad:
0x0: {  	(pc) =	sbr.rel $0x88, $3  }
0x1: {  	(tag) =	ssettag $0x0;
	lr =	simm.s32 $0x1  }
0x2: {  	[smem:$0x3F9B] =	sst lr;
	_ =	strace $0xD0000000  }
0x3: {  	_ = 	snop  }
0x4: {  	_ = 	snop  }
0x5: {  	_ = 	snop  }
0x6: {  	_ = 	snop  }
0x7: {  	_ = 	snop  }
__scs_overlays_trampoline_lowered:
0x8: {  	[smem:$0x3FAA] =	sst s0  }
0x9: {  	[smem:$0x3FAB] =	sst s1  }
0xa: {  	[smem:$0x3FAC] =	sst s2  }
0xb: {  	[smem:$0x3FAD] =	sst s3  }
0xc: {  	[smem:$0x3FAE] =	sst s4  }
0xd: {  	[smem:$0x3FAF] =	sst s5  }
0xe: {  	[smem:$0x3FB0] =	sst s6  }
0xf: {  	[smem:$0x3FB1] =	sst s7  }
0x10: {  	[smem:$0x3FB2] =	sst s8  }
0x11: {  	[smem:$0x3FB3] =	sst s9;
	s0 =	simm.s32 @!p0 $0x0  }
0x12: {  	s1 =	sld [smem:$0x3F99];
	s0 =	simm.s32 @p0 $0x1  }
0x13: {  	[smem:$0x3FB4] =	sst s0;
	s0 =	simm.s32 @!p1 $0x0  }
0x14: {  	s2 =	sld [smem:$0x3F98];
	s0 =	simm.s32 @p1 $0x1  }
0x15: {  	[smem:$0x3FB5] =	sst s0;
	s0 =	simm.s32 @!p2 $0x0  }
0x16: {  	s3 =	sld [smem:$0x3FDB];
	s0 =	simm.s32 @p2 $0x1  }
0x17: {  	s4 =	simm.s32 $0x1BF5;
	[smem:$0x3FB7] =	sst s0  }
0x18: {  	s0 =	sld [smem:$0x3F9A];
	_ =	swait.ge [sflag:s4], $0x0  }
0x19: {  	s7 =	sld [smem:$0x3F9B]  }
0x1a: {  	s8 =	sadd.s32 $0xFFFFE003, lr  }
0x1b: {  	s9 =	sadd.s32 $0xFFFFFEF7, lr;
	s5 =	simm.s32 $0xFFFFFFFF;
	p2 =	slt.u32 s8, $0xFFFFF086  }
0x1c: {  	p1 =	slt.u32 s9, $0xF7A;
	s5 =	simm.s32 @!p2 $0x0  }
0x1d: {  	s5 =	simm.s32 @p1 $0x1;
	p0 =	seq.s32 s7, s2  }
0x1e: {  	s7 =	smul.u32 @!p0 $0xF7A, s2;
	p2 =	seq.s32 @!p0 s5, $0x0  }
0x1f: {  	s9 =	smul.u32 $0xF7A, s1;
	s8 =	simm.s32 @!p0 $0x1BF5;
	p2 =	por !p2, p0  }
0x20: {  	[sflag:s8] =	ssyncset.s32 @!p0 $0xFFFFF086;
	s6 =	sadd.s32 @!p0 s3, s7;
	s7 =	simm.s32 @!p0 $0x108  }
0x21: {  	s3 =	sadd.s32 s3, s9;
	s6 =	sadd.s32 @!p0 $0x88, s6;
	s7 =	simm.s32 @p2 $0x1082  }
0x22: {  	[simem:s7], [sflag:s8] =	dma.local @!p0 [hbm:s6], $0xF7A  }
0x23: {  	s9 =	sor.u32 $0xD0000000, s2;
	s6 =	simm.s32 $0x108;
	_ =	swait.ge @!p0 [sflag:s8], $0x0  }
0x24: {  	s3 =	sadd.s32 $0x88, s3;
	s6 =	simm.s32 @!p1 $0x1082;
	[sflag:s4] =	ssyncset.s32 $0xFFFFF086  }
0x25: {  	[simem:s6], [sflag:s4] =	dma.local [hbm:s3], $0xF7A  }
0x26: {  	[smem:$0x3F9B] =	sst s1;
	(tag) =	ssettag s2;
	_ =	strace s9  }
0x27: {  	s1 =	sld [smem:$0x3FAB]  }
0x28: {  	s2 =	sld [smem:$0x3FAC]  }
0x29: {  	s4 =	sld [smem:$0x3FAE]  }
0x2a: {  	p0 =	seq.s32 s5, $0x0;
	s5 =	sld [smem:$0x3FAF]  }
0x2b: {  	s6 =	sld [smem:$0x3FB0]  }
0x2c: {  	s7 =	sld [smem:$0x3FB1]  }
0x2d: {  	s3 =	simm.s32 $0x108;
	s8 =	sld [smem:$0x3FB2]  }
0x2e: {  	s3 =	simm.s32 @!p0 $0x1082;
	s9 =	sld [smem:$0x3FB3]  }
0x2f: {  	lr =	sadd.s32 s0, s3;
	s0 =	sld [smem:$0x3FAA]  }
0x30: {  	s3 =	sld [smem:$0x3FAD]  }
0x31: {  	[smem:$0x3FB6] =	sst s10  }
0x32: {  	s10 =	sld [smem:$0x3FB4];
	_ =	sdelay $0x3  }
0x33: {  	p0 =	seq.s32 s10, $0x1;
	s10 =	sld [smem:$0x3FB6];
	_ =	sdelay $0x3  }
0x34: {  	[smem:$0x3FB6] =	sst s10  }
0x35: {  	s10 =	sld [smem:$0x3FB5];
	_ =	sdelay $0x3  }
0x36: {  	p1 =	seq.s32 s10, $0x1;
	s10 =	sld [smem:$0x3FB6];
	_ =	sdelay $0x3  }
0x37: {  	[smem:$0x3FB6] =	sst s10  }
0x38: {  	s10 =	sld [smem:$0x3FB7]  }
0x39: {  	_ = 	snop;
	(pc) =	sbr.ind lr, $3  }
0x3a: {  	_ = 	snop  }
0x3b: {  	_ = 	snop  }
0x3c: {  	p2 =	seq.s32 s10, $0x1;
	s10 =	sld [smem:$0x3FB6]  }
0x3d: {  	_ =	shalt  }
0x3e: {  	_ =	shalt  }
0x3f: {  	_ =	shalt  }
0x40: {  	_ =	shalt  }
0x41: {  	_ =	shalt  }
0x42: {  	_ =	shalt  }
0x43: {  	_ =	shalt  }
0x44: {  	_ =	shalt  }
0x45: {  	_ =	shalt  }
0x46: {  	_ =	shalt  }
0x47: {  	_ =	shalt  }
0x48: {  	_ =	shalt  }
0x49: {  	_ =	shalt  }
0x4a: {  	_ =	shalt  }
0x4b: {  	_ =	shalt  }
0x4c: {  	_ =	shalt  }
0x4d: {  	_ =	shalt  }
0x4e: {  	_ =	shalt  }
0x4f: {  	_ =	shalt  }
0x50: {  	_ =	shalt  }
0x51: {  	_ =	shalt  }
0x52: {  	_ =	shalt  }
0x53: {  	_ =	shalt  }
0x54: {  	_ =	shalt  }
0x55: {  	_ =	shalt  }
0x56: {  	_ =	shalt  }
0x57: {  	_ =	shalt  }
0x58: {  	_ =	shalt  }
0x59: {  	_ =	shalt  }
0x5a: {  	_ =	shalt  }
0x5b: {  	_ =	shalt  }
0x5c: {  	_ =	shalt  }
0x5d: {  	_ =	shalt  }
0x5e: {  	_ =	shalt  }
0x5f: {  	_ =	shalt  }
0x60: {  	_ =	shalt  }
0x61: {  	_ =	shalt  }
0x62: {  	_ =	shalt  }
0x63: {  	_ =	shalt  }
0x64: {  	_ =	shalt  }
0x65: {  	_ =	shalt  }
0x66: {  	_ =	shalt  }
0x67: {  	_ =	shalt  }
0x68: {  	_ =	shalt  }
0x69: {  	_ =	shalt  }
0x6a: {  	_ =	shalt  }
0x6b: {  	_ =	shalt  }
0x6c: {  	_ =	shalt  }
0x6d: {  	_ =	shalt  }
0x6e: {  	_ =	shalt  }
0x6f: {  	_ =	shalt  }
0x70: {  	_ =	shalt  }
0x71: {  	_ =	shalt  }
0x72: {  	_ =	shalt  }
0x73: {  	_ =	shalt  }
0x74: {  	_ =	shalt  }
0x75: {  	_ =	shalt  }
0x76: {  	_ =	shalt  }
0x77: {  	_ =	shalt  }
0x78: {  	_ =	shalt  }
0x79: {  	_ =	shalt  }
0x7a: {  	_ =	shalt  }
0x7b: {  	_ =	shalt  }
0x7c: {  	_ =	shalt  }
0x7d: {  	_ =	shalt  }
0x7e: {  	_ =	shalt  }
0x7f: {  	_ =	shalt  }
0x80: {  	_ =	shalt  }
0x81: {  	_ =	shalt  }
0x82: {  	_ =	shalt  }
0x83: {  	_ =	shalt  }
0x84: {  	_ =	shalt  }
0x85: {  	_ =	shalt  }
0x86: {  	_ =	shalt  }
0x87: {  	_ =	shalt  }
.Lfunc_end0:
.L_simem_size_0:
called_computation.1_lowered:
.L_overlay_start_0:
0x88: {  	s2 =	sld [smem:$0x3FD9]  }
0x89: {  	s3 =	sld [smem:$0x3FFE];
	_ =	sdelay $0x1  }
0x8a: {  	s1 =	srdreg.scid  }
0x8b: {  	s0 =	sand.u32 $0x1, s1  }
0x8c: {  	s17 =	sshll.u32 s0, $0xA;
	s2 =	sadd.s32 s3, s2  }
0x8d: {  	s2 =	sadd.s32 s2, s17  }
0x8e: {  	[smem:$0x3FC2] =	sst s2  }
0x8f: {  	_ = 	snop  }
0x90: {  	s2 =	sld [smem:$0x3FC9];
	(tm) =	ssettm $0x1  }
0x91: {  	s18 =	sld [smem:$0x3FFB];
	_ =	sdelay $0x3  }
0x92: {  	_ =	strace s18  }
0x93: {  	s3 =	sld [smem:$0x3FFC];
	_ =	sdelay $0x3  }
0x94: {  	_ =	strace s3  }
0x95: {  	s3 =	sld [smem:$0x3FFD];
	_ =	sdelay $0x3  }
0x96: {  	_ =	strace s3  }
0x97: {  	_ =	strace $0x8FFFFFFF  }
0x98: {  	s19 =	sld [smem:$0x3FDB];
	_ =	sdelay $0x1  }
0x99: {  	s4 =	simm.s32 $_scs_section_size  }
0x9a: {  	s5 =	simm.s32 $_size__tile_overlayer_lowered;
	s6 =	simm.s32 $_tile_overlayer_lowered  }
0x9b: {  	s22 =	simm.s32 $0x1BFF;
	s21 =	sshll.u32 s6, $0x1;
	s3 =	sadd.s32 s4, s19  }
0x9c: {  	s7 =	simm.s32 $0x0;
	s20 =	sshll.u32 s5, $0x1;
	s5 =	sadd.s32 s21, s3  }
0x9d: {  	[timem:s7], [sflag:s22] =	dma.local [hbm:s5], s20  }
0x9e: {  	_ =	swait.ge [sflag:s22], s20  }
0x9f: {  	s4 =	ssub.s32 $0x0, s20;
	[sflag:s22] =	ssyncset.done $0x0  }
0xa0: {  	[sflag:s22] =	ssyncadd.s32 s4;
	_ =	sdelay $0x1  }
0xa1: {  	s23 =	simm.s32 $0x1B8B  }
0xa2: {  	_ =	swait.ge [sflag:s23], $0x1  }
0xa3: {  	[sflag:s23] =	ssyncset.done $0x0  }
0xa4: {  	s25 =	simm.s32 $0x1B8E;
	s24 =	sld [smem:$0x3FFE];
	[sflag:s23] =	ssyncadd.s32 $0xFFFFFFFF  }
0xa5: {  	s26 =	simm.s32 $execute0_lowered;
	[smem:$0x3FD2] =	sst s25  }
0xa6: {  	s5 =	sshll.u32 s26, $0x1;
	_ =	strace $0x80000049;
	[dreg:$0x1] =	wrdreg $0xFFFFFFFF  }
0xa7: {  	s28 =	simm.s32 $_size_execute0_lowered;
	s3 =	sadd.s32 s3, s5;
	[dreg:$0x0] =	wrdreg $0x0  }
0xa8: {  	s5 =	sshll.u32 s28, $0x1;
	[dreg:$0x2] =	wrdreg s3  }
0xa9: {  	[dreg:$0x3] =	wrdreg s5  }
0xaa: {  	[dreg:$0x4] =	wrdreg $0xC0  }
0xab: {  	_ =	task [dreg:s7], $0x5FFFF  }
0xac: {  	[dreg:$0x1] =	wrdreg $0xFFFFFFFF  }
0xad: {  	[dreg:$0x0] =	wrdreg $0x60  }
0xae: {  	[dreg:$0x2] =	wrdreg s2  }
0xaf: {  	[dreg:$0x3] =	wrdreg s24  }
0xb0: {  	[dreg:$0x4] =	wrdreg $0x9  }
0xb1: {  	_ =	task.clear_ibuf [dreg:s7], $0x5FFFF;
	_ =	strace $0x90000049  }
0xb2: {  	s29 =	simm.s32 $0x9;
	_ =	strace $0x8000004B  }
0xb3: {  	_ =	swait.ge [sflag:s29], $0x1  }
0xb4: {  	[sflag:s29] =	ssyncadd.s32 $0xFFFFFFFF  }
0xb5: {  	_ =	strace $0x9000004B  }
0xb6: {  	_ =	sfence  }
0xb7: {  	s30 =	sld [smem:$0x0];
	_ =	sdelay $0x2  }
0xb8: {  	s31 =	sshll.u32 s1, $0xD;
	s1 =	sshrl.u32 s1, $0x2  }
0xb9: {  	s3 =	sand.u32 $0x4000, s31;
	s1 =	sadd.s32 s1, s30  }
0xba: {  	s0 =	sor.u32 s3, s0;
	s1 =	sshll.u32 s1, $0x11  }
0xbb: {  	s0 =	sor.u32 s1, s0  }
0xbc: {  	s0 =	sadd.s32 $0x8F2B, s0  }
0xbd: {  	[sflag:s0] =	ssyncadd.remote.s32 $0x1  }
0xbe: {  	_ =	sfence.sel $0xFFFF  }
0xbf: {  	[dreg:$0x0] =	wrdreg $0xFFFFFFFF;
	(pc) =	sbr.abs _section_cstart, $3  }
0xc0: {  	[dreg:$0x1] =	wrdreg $0xFFFFFFFF  }
0xc1: {  	_ =	task.clear_ibuf [dreg:s7], $0x2FFFF;
	_ =	strace $0x9FFFFFFF  }
0xc2: {  	(tm) =	ssettm $0x7FFFFFFF  }
0xc3: {  	_ =	shalt  }
tec
execute0_lowered:
.L_overlay_start_1:
0x0: {  	(tag) =	ssettag $0x1  }
0x1: {  	s0 =	srdreg.scid;
	s2 =	stileid.u32  }
0x2: {  	s1 =	rddreg [dreg:$0x0];
	s0 =	sand.u32 $0x1, s0;
	s2 =	sshll.u32 s2, $0x1  }
0x3: {  	s3 =	rddreg [dreg:$0x1];
	s4 =	sor.u32 s0, s2  }
0x4: {  	s2 =	simm.s32 $0x0;
	s5 =	sshll.u32 s4, $0x8;
	s4 =	sshll.u32 s4, $0x10  }
0x5: {  	[smem:$0x7FF] =	sst s2;
	s5 =	sadd.s32 s5, s3;
	s12 =	sadd.s32 s1, s4  }
0x6: {  	_ =	strace $0x8000004A;
	s5 =	sadd.s32 $0x1C00, s5;
	[dreg:$0x13] =	wrdreg s12  }
0x7: {  	s1 =	sadd.s32 $0x1000, s12;
	[dreg:$0x3] =	wrdreg s5  }
0x8: {  	s16 =	sadd.s32 $0x2000, s12;
	[dreg:$0x4] =	wrdreg s1  }
0x9: {  	s14 =	simm.s32 $0x800;
	s17 =	sadd.s32 $0x3000, s12;
	[dreg:$0x5] =	wrdreg s16  }
0xa: {  	s15 =	simm.s32 $0x8800;
	s18 =	sadd.s32 $0x4000, s12;
	[dreg:$0x6] =	wrdreg s17  }
0xb: {  	s6 =	sadd.s32 $0x3E00, s3;
	s19 =	sadd.s32 $0x5000, s12;
	[dreg:$0x7] =	wrdreg s18  }
0xc: {  	s7 =	sadd.s32 $0x3F00, s3;
	s20 =	sadd.s32 $0x6000, s12;
	[dreg:$0x8] =	wrdreg s19  }
0xd: {  	s8 =	sadd.s32 $0x4000, s3;
	s22 =	sadd.s32 $0x7000, s12;
	[dreg:$0x9] =	wrdreg s20  }
0xe: {  	s9 =	sadd.s32 $0x4100, s3;
	s23 =	sadd.s32 $0x8000, s12;
	[dreg:$0xa] =	wrdreg s22  }
0xf: {  	s10 =	sadd.s32 $0x4200, s3;
	s24 =	sadd.s32 $0x9000, s12;
	[dreg:$0xb] =	wrdreg s23  }
0x10: {  	s11 =	sadd.s32 $0x4300, s3;
	s25 =	sadd.s32 $0xA000, s12;
	[dreg:$0xc] =	wrdreg s24  }
0x11: {  	s0 =	ssub.s32 $0x2, s0;
	s26 =	sadd.s32 $0xB000, s12;
	[dreg:$0xd] =	wrdreg s25  }
0x12: {  	s21 =	sshrl.u32 s0, $0x1;
	s28 =	sadd.s32 $0xC000, s12;
	[dreg:$0xe] =	wrdreg s26  }
0x13: {  	s4 =	sadd.s32 $0x3C00, s3;
	s29 =	sadd.s32 $0xD000, s12;
	[dreg:$0xf] =	wrdreg s28  }
0x14: {  	s0 =	ssub.s32 s0, s21;
	s30 =	sadd.s32 $0xE000, s12;
	[dreg:$0x10] =	wrdreg s29  }
0x15: {  	v2 =	vlaneseq.u32;
	s31 =	sadd.s32 $0xF000, s12;
	s12 =	smax.u32 s0, $0x1;
	[dreg:$0x11] =	wrdreg s30  }
0x16: {  	vm0 =	vmmov $0xffff;
	v1 =	vshrl.u32 v2, $0x3;
	s0 =	simm.s32 $0x3;
	s5 =	sadd.s32 $0x3D00, s3;
	[dreg:$0x12] =	wrdreg s31  }
0x17: {  	v0 =	vand.u32 $0x7, v2;
	v2 =	vor.u32 $0x8, v2;
	v1 =	vmul.u32 $0x8, v1;
	s16 =	simm.s32 $0x1;
	s3 =	simm.s32 $0x2;
	s1 =	simm.s32 $0x4  }
.LBB2_1:
0x18: {  	[dreg:$0x14] =	wrdreg s12  }
0x19: {  	s13 =	rddreg [dreg:$0x3];
	s21 =	simm.s32 $0x5  }
0x1a: {  	[tilespmem:s2], [sflag:$0x5] =	stream.linear.gather [hbm4b:s13+s2], $0x800, $0x38;
	[tilespmem:$0x10800] =	vst v63  }
0x1b: {  	_ =	swait.ge [sflag:s21], $0x800  }
0x1c: {  	[sflag:s21] =	ssyncset.done $0x0  }
0x1d: {  	s17 =	rddreg [dreg:$0x13];
	[sflag:s21] =	ssyncadd.s32 $0xFFFFF800  }
0x1e: {  	[tilespmem:s14], [sflag:$0x1] =	stream.linear.gather [hbm4b:s17+s2], $0x8000, $0x38;
	[tilespmem:$0x10800] =	vst v63  }
0x1f: {  	s22 =	rddreg [dreg:$0x4]  }
0x20: {  	[tilespmem:s15], [sflag:$0x2] =	stream.linear.gather [hbm4b:s22+s2], $0x8000, $0x38;
	[tilespmem:$0x10800] =	vst v63  }
0x21: {  	_ =	swait.ge [sflag:s16], $0x8000  }
0x22: {  	[sflag:s16] =	ssyncset.done $0x0  }
0x23: {  	[sflag:s16] =	ssyncadd.s32 $0xFFFF8000  }
0x24: {  	v3 =	vld [tilespmem:$0x0];
	_ =	sdelay $0x4  }
0x25: {  	v4 =	vshll.u32 v3, $0x4  }
0x26: {  	v3 =	vand.u32 $0x7, v3;
	v4 =	vand.u32 $0xFFFFFF80, v4  }
0x27: {  	v3 =	vor.u32 v3, v4  }
0x28: {  	v4 =	vperm.xlane v3, v0;
	_ =	sdelay $0x1  }
0x29: {  	v4 =	vadd.s32 v1, v4;
	_ =	sdelay $0x4  }
0x2a: {  	[hbm4b:s4+s2] =	stream.indirect_vreg.scatter [tilespmem:s14], [sflag:$0x3], $0x80, v4, vm0, $0xb8;
	[tilespmem:$0x10800] =	vst v63  }
0x2b: {  	s23 =	simm.s32 $0x1000  }
0x2c: {  	[hbm4b:s5+s2] =	stream.indirect_vreg.scatter [tilespmem:s23], [sflag:$0x3], $0x80, v4, vm0, $0xb8;
	[tilespmem:$0x10800] =	vst v63  }
0x2d: {  	s24 =	simm.s32 $0x1800  }
0x2e: {  	[hbm4b:s6+s2] =	stream.indirect_vreg.scatter [tilespmem:s24], [sflag:$0x3], $0x80, v4, vm0, $0xb8;
	[tilespmem:$0x10800] =	vst v63  }
0x2f: {  	s25 =	simm.s32 $0x2000  }
0x30: {  	[hbm4b:s7+s2] =	stream.indirect_vreg.scatter [tilespmem:s25], [sflag:$0x3], $0x80, v4, vm0, $0xb8;
	[tilespmem:$0x10800] =	vst v63  }
0x31: {  	s26 =	simm.s32 $0x2800  }
0x32: {  	[hbm4b:s8+s2] =	stream.indirect_vreg.scatter [tilespmem:s26], [sflag:$0x3], $0x80, v4, vm0, $0xb8;
	[tilespmem:$0x10800] =	vst v63  }
0x33: {  	s28 =	simm.s32 $0x3000;
	v3 =	vperm.xlane v3, v2  }
0x34: {  	[hbm4b:s9+s2] =	stream.indirect_vreg.scatter [tilespmem:s28], [sflag:$0x3], $0x80, v4, vm0, $0xb8;
	[tilespmem:$0x10800] =	vst v63  }
0x35: {  	s29 =	simm.s32 $0x3800;
	v3 =	vadd.s32 v1, v3  }
0x36: {  	[hbm4b:s10+s2] =	stream.indirect_vreg.scatter [tilespmem:s29], [sflag:$0x3], $0x80, v4, vm0, $0xb8;
	[tilespmem:$0x10800] =	vst v63  }
0x37: {  	s30 =	simm.s32 $0x4000  }
0x38: {  	[hbm4b:s11+s2] =	stream.indirect_vreg.scatter [tilespmem:s30], [sflag:$0x3], $0x80, v4, vm0, $0xb8;
	[tilespmem:$0x10800] =	vst v63  }
0x39: {  	s31 =	simm.s32 $0x4800  }
0x3a: {  	[hbm4b:s4+s2] =	stream.indirect_vreg.scatter [tilespmem:s31], [sflag:$0x3], $0x80, v3, vm0, $0xb8;
	[tilespmem:$0x10800] =	vst v63  }
0x3b: {  	s18 =	simm.s32 $0x5000  }
0x3c: {  	[hbm4b:s5+s2] =	stream.indirect_vreg.scatter [tilespmem:s18], [sflag:$0x3], $0x80, v3, vm0, $0xb8;
	[tilespmem:$0x10800] =	vst v63  }
0x3d: {  	s19 =	simm.s32 $0x5800  }
0x3e: {  	[hbm4b:s6+s2] =	stream.indirect_vreg.scatter [tilespmem:s19], [sflag:$0x3], $0x80, v3, vm0, $0xb8;
	[tilespmem:$0x10800] =	vst v63  }
0x3f: {  	s20 =	simm.s32 $0x6000  }
0x40: {  	[hbm4b:s7+s2] =	stream.indirect_vreg.scatter [tilespmem:s20], [sflag:$0x3], $0x80, v3, vm0, $0xb8;
	[tilespmem:$0x10800] =	vst v63  }
0x41: {  	s21 =	simm.s32 $0x6800  }
0x42: {  	[hbm4b:s8+s2] =	stream.indirect_vreg.scatter [tilespmem:s21], [sflag:$0x3], $0x80, v3, vm0, $0xb8;
	[tilespmem:$0x10800] =	vst v63  }
0x43: {  	s18 =	simm.s32 $0x7000  }
0x44: {  	[hbm4b:s9+s2] =	stream.indirect_vreg.scatter [tilespmem:s18], [sflag:$0x3], $0x80, v3, vm0, $0xb8;
	[tilespmem:$0x10800] =	vst v63  }
0x45: {  	s19 =	simm.s32 $0x7800  }
0x46: {  	[hbm4b:s10+s2] =	stream.indirect_vreg.scatter [tilespmem:s19], [sflag:$0x3], $0x80, v3, vm0, $0xb8;
	[tilespmem:$0x10800] =	vst v63  }
0x47: {  	s20 =	simm.s32 $0x8000  }
0x48: {  	[hbm4b:s11+s2] =	stream.indirect_vreg.scatter [tilespmem:s20], [sflag:$0x3], $0x80, v3, vm0, $0xb8;
	[tilespmem:$0x10800] =	vst v63  }
0x49: {  	_ =	swait.ge [sflag:s0], $0x8000  }
0x4a: {  	[sflag:s0] =	ssyncset.done $0x0  }
0x4b: {  	s21 =	rddreg [dreg:$0x5];
	[sflag:s0] =	ssyncadd.s32 $0xFFFF8000  }
0x4c: {  	[tilespmem:s14], [sflag:$0x1] =	stream.linear.gather [hbm4b:s21+s2], $0x8000, $0x38;
	[tilespmem:$0x10800] =	vst v63  }
0x4d: {  	_ =	swait.ge [sflag:s3], $0x8000  }
0x4e: {  	[sflag:s3] =	ssyncset.done $0x0  }
0x4f: {  	[sflag:s3] =	ssyncadd.s32 $0xFFFF8000  }
0x50: {  	v3 =	vld [tilespmem:$0x80];
	_ =	sdelay $0x4  }
0x51: {  	v49 =	vshll.u32 v3, $0x4  }
0x52: {  	v3 =	vand.u32 $0x7, v3;
	v4 =	vand.u32 $0xFFFFFF80, v49  }
0x53: {  	v3 =	vor.u32 v3, v4  }
0x54: {  	v4 =	vperm.xlane v3, v0;
	_ =	sdelay $0x1  }
0x55: {  	v4 =	vadd.s32 v1, v4;
	_ =	sdelay $0x4  }
0x56: {  	[hbm4b:s4+s2] =	stream.indirect_vreg.scatter [tilespmem:s15], [sflag:$0x4], $0x80, v4, vm0, $0xb8;
	[tilespmem:$0x10800] =	vst v63  }
0x57: {  	s19 =	simm.s32 $0x9000  }
0x58: {  	[hbm4b:s5+s2] =	stream.indirect_vreg.scatter [tilespmem:s19], [sflag:$0x4], $0x80, v4, vm0, $0xb8;
	[tilespmem:$0x10800] =	vst v63  }
0x59: {  	s20 =	simm.s32 $0x9800  }
0x5a: {  	[hbm4b:s6+s2] =	stream.indirect_vreg.scatter [tilespmem:s20], [sflag:$0x4], $0x80, v4, vm0, $0xb8;
	[tilespmem:$0x10800] =	vst v63  }
0x5b: {  	s21 =	simm.s32 $0xA000  }
0x5c: {  	[hbm4b:s7+s2] =	stream.indirect_vreg.scatter [tilespmem:s21], [sflag:$0x4], $0x80, v4, vm0, $0xb8;
	[tilespmem:$0x10800] =	vst v63  }
0x5d: {  	s19 =	simm.s32 $0xA800  }
0x5e: {  	[hbm4b:s8+s2] =	stream.indirect_vreg.scatter [tilespmem:s19], [sflag:$0x4], $0x80, v4, vm0, $0xb8;
	[tilespmem:$0x10800] =	vst v63  }
0x5f: {  	v3 =	vperm.xlane v3, v2;
	s20 =	simm.s32 $0xB000  }
0x60: {  	[hbm4b:s9+s2] =	stream.indirect_vreg.scatter [tilespmem:s20], [sflag:$0x4], $0x80, v4, vm0, $0xb8;
	[tilespmem:$0x10800] =	vst v63  }
0x61: {  	v3 =	vadd.s32 v1, v3;
	s21 =	simm.s32 $0xB800  }
0x62: {  	[hbm4b:s10+s2] =	stream.indirect_vreg.scatter [tilespmem:s21], [sflag:$0x4], $0x80, v4, vm0, $0xb8;
	[tilespmem:$0x10800] =	vst v63  }
0x63: {  	s21 =	simm.s32 $0xC000  }
0x64: {  	[hbm4b:s11+s2] =	stream.indirect_vreg.scatter [tilespmem:s21], [sflag:$0x4], $0x80, v4, vm0, $0xb8;
	[tilespmem:$0x10800] =	vst v63  }
0x65: {  	s21 =	simm.s32 $0xC800  }
0x66: {  	[hbm4b:s4+s2] =	stream.indirect_vreg.scatter [tilespmem:s21], [sflag:$0x4], $0x80, v3, vm0, $0xb8;
	[tilespmem:$0x10800] =	vst v63  }
0x67: {  	s21 =	simm.s32 $0xD000  }
0x68: {  	[hbm4b:s5+s2] =	stream.indirect_vreg.scatter [tilespmem:s21], [sflag:$0x4], $0x80, v3, vm0, $0xb8;
	[tilespmem:$0x10800] =	vst v63  }
0x69: {  	s21 =	simm.s32 $0xD800  }
0x6a: {  	[hbm4b:s6+s2] =	stream.indirect_vreg.scatter [tilespmem:s21], [sflag:$0x4], $0x80, v3, vm0, $0xb8;
	[tilespmem:$0x10800] =	vst v63  }
0x6b: {  	s21 =	simm.s32 $0xE000  }
0x6c: {  	[hbm4b:s7+s2] =	stream.indirect_vreg.scatter [tilespmem:s21], [sflag:$0x4], $0x80, v3, vm0, $0xb8;
	[tilespmem:$0x10800] =	vst v63  }
0x6d: {  	s21 =	simm.s32 $0xE800  }
0x6e: {  	[hbm4b:s8+s2] =	stream.indirect_vreg.scatter [tilespmem:s21], [sflag:$0x4], $0x80, v3, vm0, $0xb8;
	[tilespmem:$0x10800] =	vst v63  }
0x6f: {  	s21 =	simm.s32 $0xF000  }
0x70: {  	[hbm4b:s9+s2] =	stream.indirect_vreg.scatter [tilespmem:s21], [sflag:$0x4], $0x80, v3, vm0, $0xb8;
	[tilespmem:$0x10800] =	vst v63  }
0x71: {  	s21 =	simm.s32 $0xF800  }
0x72: {  	[hbm4b:s10+s2] =	stream.indirect_vreg.scatter [tilespmem:s21], [sflag:$0x4], $0x80, v3, vm0, $0xb8;
	[tilespmem:$0x10800] =	vst v63  }
0x73: {  	s21 =	simm.s32 $0x10000  }
0x74: {  	[hbm4b:s11+s2] =	stream.indirect_vreg.scatter [tilespmem:s21], [sflag:$0x4], $0x80, v3, vm0, $0xb8;
	[tilespmem:$0x10800] =	vst v63  }
0x75: {  	_ =	swait.ge [sflag:s1], $0x8000  }
0x76: {  	[sflag:s1] =	ssyncset.done $0x0  }
0x77: {  	s13 =	rddreg [dreg:$0x6];
	[sflag:s1] =	ssyncadd.s32 $0xFFFF8000  }
0x78: {  	[tilespmem:s15], [sflag:$0x2] =	stream.linear.gather [hbm4b:s13+s2], $0x8000, $0x38;
	[tilespmem:$0x10800] =	vst v63  }
0x79: {  	_ =	swait.ge [sflag:s16], $0x8000  }
0x7a: {  	[sflag:s16] =	ssyncset.done $0x0  }
0x7b: {  	[sflag:s16] =	ssyncadd.s32 $0xFFFF8000  }
0x7c: {  	v3 =	vld [tilespmem:$0x100];
	_ =	sdelay $0x4  }
0x7d: {  	v50 =	vshll.u32 v3, $0x4  }
0x7e: {  	v3 =	vand.u32 $0x7, v3;
	v4 =	vand.u32 $0xFFFFFF80, v50  }
0x7f: {  	v3 =	vor.u32 v3, v4  }
0x80: {  	v4 =	vperm.xlane v3, v0;
	_ =	sdelay $0x1  }
0x81: {  	v4 =	vadd.s32 v1, v4;
	_ =	sdelay $0x4  }
0x82: {  	[hbm4b:s4+s2] =	stream.indirect_vreg.scatter [tilespmem:s14], [sflag:$0x3], $0x80, v4, vm0, $0xb8;
	[tilespmem:$0x10800] =	vst v63  }
0x83: {  	s22 =	simm.s32 $0x1000  }
0x84: {  	[hbm4b:s5+s2] =	stream.indirect_vreg.scatter [tilespmem:s22], [sflag:$0x3], $0x80, v4, vm0, $0xb8;
	[tilespmem:$0x10800] =	vst v63  }
0x85: {  	s23 =	simm.s32 $0x1800  }
0x86: {  	[hbm4b:s6+s2] =	stream.indirect_vreg.scatter [tilespmem:s23], [sflag:$0x3], $0x80, v4, vm0, $0xb8;
	[tilespmem:$0x10800] =	vst v63  }
0x87: {  	s24 =	simm.s32 $0x2000  }
0x88: {  	[hbm4b:s7+s2] =	stream.indirect_vreg.scatter [tilespmem:s24], [sflag:$0x3], $0x80, v4, vm0, $0xb8;
	[tilespmem:$0x10800] =	vst v63  }
0x89: {  	s17 =	simm.s32 $0x2800  }
0x8a: {  	[hbm4b:s8+s2] =	stream.indirect_vreg.scatter [tilespmem:s17], [sflag:$0x3], $0x80, v4, vm0, $0xb8;
	[tilespmem:$0x10800] =	vst v63  }
0x8b: {  	s12 =	simm.s32 $0x3000;
	v3 =	vperm.xlane v3, v2  }
0x8c: {  	[hbm4b:s9+s2] =	stream.indirect_vreg.scatter [tilespmem:s12], [sflag:$0x3], $0x80, v4, vm0, $0xb8;
	[tilespmem:$0x10800] =	vst v63  }
0x8d: {  	s25 =	simm.s32 $0x3800;
	v3 =	vadd.s32 v1, v3  }
0x8e: {  	[hbm4b:s10+s2] =	stream.indirect_vreg.scatter [tilespmem:s25], [sflag:$0x3], $0x80, v4, vm0, $0xb8;
	[tilespmem:$0x10800] =	vst v63  }
0x8f: {  	s26 =	simm.s32 $0x4000  }
0x90: {  	[hbm4b:s11+s2] =	stream.indirect_vreg.scatter [tilespmem:s26], [sflag:$0x3], $0x80, v4, vm0, $0xb8;
	[tilespmem:$0x10800] =	vst v63  }
0x91: {  	s28 =	simm.s32 $0x4800  }
0x92: {  	[hbm4b:s4+s2] =	stream.indirect_vreg.scatter [tilespmem:s28], [sflag:$0x3], $0x80, v3, vm0, $0xb8;
	[tilespmem:$0x10800] =	vst v63  }
0x93: {  	s29 =	simm.s32 $0x5000  }
0x94: {  	[hbm4b:s5+s2] =	stream.indirect_vreg.scatter [tilespmem:s29], [sflag:$0x3], $0x80, v3, vm0, $0xb8;
	[tilespmem:$0x10800] =	vst v63  }
0x95: {  	s30 =	simm.s32 $0x5800  }
0x96: {  	[hbm4b:s6+s2] =	stream.indirect_vreg.scatter [tilespmem:s30], [sflag:$0x3], $0x80, v3, vm0, $0xb8;
	[tilespmem:$0x10800] =	vst v63  }
0x97: {  	s31 =	simm.s32 $0x6000  }
0x98: {  	[hbm4b:s7+s2] =	stream.indirect_vreg.scatter [tilespmem:s31], [sflag:$0x3], $0x80, v3, vm0, $0xb8;
	[tilespmem:$0x10800] =	vst v63  }
0x99: {  	s30 =	simm.s32 $0x6800  }
0x9a: {  	[hbm4b:s8+s2] =	stream.indirect_vreg.scatter [tilespmem:s30], [sflag:$0x3], $0x80, v3, vm0, $0xb8;
	[tilespmem:$0x10800] =	vst v63  }
0x9b: {  	s31 =	simm.s32 $0x7000  }
0x9c: {  	[hbm4b:s9+s2] =	stream.indirect_vreg.scatter [tilespmem:s31], [sflag:$0x3], $0x80, v3, vm0, $0xb8;
	[tilespmem:$0x10800] =	vst v63  }
0x9d: {  	s13 =	simm.s32 $0x7800  }
0x9e: {  	[hbm4b:s10+s2] =	stream.indirect_vreg.scatter [tilespmem:s13], [sflag:$0x3], $0x80, v3, vm0, $0xb8;
	[tilespmem:$0x10800] =	vst v63  }
0x9f: {  	s18 =	simm.s32 $0x8000  }
0xa0: {  	[hbm4b:s11+s2] =	stream.indirect_vreg.scatter [tilespmem:s18], [sflag:$0x3], $0x80, v3, vm0, $0xb8;
	[tilespmem:$0x10800] =	vst v63  }
0xa1: {  	_ =	swait.ge [sflag:s0], $0x8000  }
0xa2: {  	[sflag:s0] =	ssyncset.done $0x0  }
0xa3: {  	s13 =	rddreg [dreg:$0x7];
	[sflag:s0] =	ssyncadd.s32 $0xFFFF8000  }
0xa4: {  	[tilespmem:s14], [sflag:$0x1] =	stream.linear.gather [hbm4b:s13+s2], $0x8000, $0x38;
	[tilespmem:$0x10800] =	vst v63  }
0xa5: {  	_ =	swait.ge [sflag:s3], $0x8000  }
0xa6: {  	[sflag:s3] =	ssyncset.done $0x0  }
0xa7: {  	[sflag:s3] =	ssyncadd.s32 $0xFFFF8000  }
0xa8: {  	v3 =	vld [tilespmem:$0x180];
	_ =	sdelay $0x4  }
0xa9: {  	v51 =	vshll.u32 v3, $0x4  }
0xaa: {  	v3 =	vand.u32 $0x7, v3;
	v4 =	vand.u32 $0xFFFFFF80, v51  }
0xab: {  	v3 =	vor.u32 v3, v4  }
0xac: {  	v4 =	vperm.xlane v3, v0;
	_ =	sdelay $0x1  }
0xad: {  	v4 =	vadd.s32 v1, v4;
	_ =	sdelay $0x4  }
0xae: {  	[hbm4b:s4+s2] =	stream.indirect_vreg.scatter [tilespmem:s15], [sflag:$0x4], $0x80, v4, vm0, $0xb8;
	[tilespmem:$0x10800] =	vst v63  }
0xaf: {  	s13 =	simm.s32 $0x9000  }
0xb0: {  	[hbm4b:s5+s2] =	stream.indirect_vreg.scatter [tilespmem:s13], [sflag:$0x4], $0x80, v4, vm0, $0xb8;
	[tilespmem:$0x10800] =	vst v63  }
0xb1: {  	s13 =	simm.s32 $0x9800  }
0xb2: {  	[hbm4b:s6+s2] =	stream.indirect_vreg.scatter [tilespmem:s13], [sflag:$0x4], $0x80, v4, vm0, $0xb8;
	[tilespmem:$0x10800] =	vst v63  }
0xb3: {  	s13 =	simm.s32 $0xA000  }
0xb4: {  	[hbm4b:s7+s2] =	stream.indirect_vreg.scatter [tilespmem:s13], [sflag:$0x4], $0x80, v4, vm0, $0xb8;
	[tilespmem:$0x10800] =	vst v63  }
0xb5: {  	s19 =	simm.s32 $0xA800  }
0xb6: {  	[hbm4b:s8+s2] =	stream.indirect_vreg.scatter [tilespmem:s19], [sflag:$0x4], $0x80, v4, vm0, $0xb8;
	[tilespmem:$0x10800] =	vst v63  }
0xb7: {  	s20 =	simm.s32 $0xB000;
	v3 =	vperm.xlane v3, v2  }
0xb8: {  	[hbm4b:s9+s2] =	stream.indirect_vreg.scatter [tilespmem:s20], [sflag:$0x4], $0x80, v4, vm0, $0xb8;
	[tilespmem:$0x10800] =	vst v63  }
0xb9: {  	v3 =	vadd.s32 v1, v3;
	s19 =	simm.s32 $0xB800  }
0xba: {  	[hbm4b:s10+s2] =	stream.indirect_vreg.scatter [tilespmem:s19], [sflag:$0x4], $0x80, v4, vm0, $0xb8;
	[tilespmem:$0x10800] =	vst v63  }
0xbb: {  	s20 =	simm.s32 $0xC000  }
0xbc: {  	[hbm4b:s11+s2] =	stream.indirect_vreg.scatter [tilespmem:s20], [sflag:$0x4], $0x80, v4, vm0, $0xb8;
	[tilespmem:$0x10800] =	vst v63  }
0xbd: {  	s13 =	simm.s32 $0xC800  }
0xbe: {  	[hbm4b:s4+s2] =	stream.indirect_vreg.scatter [tilespmem:s13], [sflag:$0x4], $0x80, v3, vm0, $0xb8;
	[tilespmem:$0x10800] =	vst v63  }
0xbf: {  	s13 =	simm.s32 $0xD000  }
0xc0: {  	[hbm4b:s5+s2] =	stream.indirect_vreg.scatter [tilespmem:s13], [sflag:$0x4], $0x80, v3, vm0, $0xb8;
	[tilespmem:$0x10800] =	vst v63  }
0xc1: {  	s13 =	simm.s32 $0xD800  }
0xc2: {  	[hbm4b:s6+s2] =	stream.indirect_vreg.scatter [tilespmem:s13], [sflag:$0x4], $0x80, v3, vm0, $0xb8;
	[tilespmem:$0x10800] =	vst v63  }
0xc3: {  	s13 =	simm.s32 $0xE000  }
0xc4: {  	[hbm4b:s7+s2] =	stream.indirect_vreg.scatter [tilespmem:s13], [sflag:$0x4], $0x80, v3, vm0, $0xb8;
	[tilespmem:$0x10800] =	vst v63  }
0xc5: {  	s13 =	simm.s32 $0xE800  }
0xc6: {  	[hbm4b:s8+s2] =	stream.indirect_vreg.scatter [tilespmem:s13], [sflag:$0x4], $0x80, v3, vm0, $0xb8;
	[tilespmem:$0x10800] =	vst v63  }
0xc7: {  	s13 =	simm.s32 $0xF000  }
0xc8: {  	[hbm4b:s9+s2] =	stream.indirect_vreg.scatter [tilespmem:s13], [sflag:$0x4], $0x80, v3, vm0, $0xb8;
	[tilespmem:$0x10800] =	vst v63  }
0xc9: {  	s13 =	simm.s32 $0xF800  }
0xca: {  	[hbm4b:s10+s2] =	stream.indirect_vreg.scatter [tilespmem:s13], [sflag:$0x4], $0x80, v3, vm0, $0xb8;
	[tilespmem:$0x10800] =	vst v63  }
0xcb: {  	s21 =	simm.s32 $0x10000  }
0xcc: {  	[hbm4b:s11+s2] =	stream.indirect_vreg.scatter [tilespmem:s21], [sflag:$0x4], $0x80, v3, vm0, $0xb8;
	[tilespmem:$0x10800] =	vst v63  }
0xcd: {  	_ =	swait.ge [sflag:s1], $0x8000  }
0xce: {  	[sflag:s1] =	ssyncset.done $0x0  }
0xcf: {  	s13 =	rddreg [dreg:$0x8];
	[sflag:s1] =	ssyncadd.s32 $0xFFFF8000  }
0xd0: {  	[tilespmem:s15], [sflag:$0x2] =	stream.linear.gather [hbm4b:s13+s2], $0x8000, $0x38;
	[tilespmem:$0x10800] =	vst v63  }
0xd1: {  	_ =	swait.ge [sflag:s16], $0x8000  }
0xd2: {  	[sflag:s16] =	ssyncset.done $0x0  }
0xd3: {  	[sflag:s16] =	ssyncadd.s32 $0xFFFF8000  }
0xd4: {  	v3 =	vld [tilespmem:$0x200];
	_ =	sdelay $0x4  }
0xd5: {  	v52 =	vshll.u32 v3, $0x4  }
0xd6: {  	v3 =	vand.u32 $0x7, v3;
	v4 =	vand.u32 $0xFFFFFF80, v52  }
0xd7: {  	v3 =	vor.u32 v3, v4  }
0xd8: {  	v4 =	vperm.xlane v3, v0;
	_ =	sdelay $0x1  }
0xd9: {  	v4 =	vadd.s32 v1, v4;
	_ =	sdelay $0x4  }
0xda: {  	[hbm4b:s4+s2] =	stream.indirect_vreg.scatter [tilespmem:s14], [sflag:$0x3], $0x80, v4, vm0, $0xb8;
	[tilespmem:$0x10800] =	vst v63  }
0xdb: {  	s22 =	simm.s32 $0x1000  }
0xdc: {  	[hbm4b:s5+s2] =	stream.indirect_vreg.scatter [tilespmem:s22], [sflag:$0x3], $0x80, v4, vm0, $0xb8;
	[tilespmem:$0x10800] =	vst v63  }
0xdd: {  	s23 =	simm.s32 $0x1800  }
0xde: {  	[hbm4b:s6+s2] =	stream.indirect_vreg.scatter [tilespmem:s23], [sflag:$0x3], $0x80, v4, vm0, $0xb8;
	[tilespmem:$0x10800] =	vst v63  }
0xdf: {  	s24 =	simm.s32 $0x2000  }
0xe0: {  	[hbm4b:s7+s2] =	stream.indirect_vreg.scatter [tilespmem:s24], [sflag:$0x3], $0x80, v4, vm0, $0xb8;
	[tilespmem:$0x10800] =	vst v63  }
0xe1: {  	s13 =	simm.s32 $0x2800  }
0xe2: {  	[hbm4b:s8+s2] =	stream.indirect_vreg.scatter [tilespmem:s13], [sflag:$0x3], $0x80, v4, vm0, $0xb8;
	[tilespmem:$0x10800] =	vst v63  }
0xe3: {  	v3 =	vperm.xlane v3, v2;
	s13 =	simm.s32 $0x3000  }
0xe4: {  	[hbm4b:s9+s2] =	stream.indirect_vreg.scatter [tilespmem:s13], [sflag:$0x3], $0x80, v4, vm0, $0xb8;
	[tilespmem:$0x10800] =	vst v63  }
0xe5: {  	s17 =	simm.s32 $0x3800;
	v3 =	vadd.s32 v1, v3  }
0xe6: {  	[hbm4b:s10+s2] =	stream.indirect_vreg.scatter [tilespmem:s17], [sflag:$0x3], $0x80, v4, vm0, $0xb8;
	[tilespmem:$0x10800] =	vst v63  }
0xe7: {  	s12 =	simm.s32 $0x4000  }
0xe8: {  	[hbm4b:s11+s2] =	stream.indirect_vreg.scatter [tilespmem:s12], [sflag:$0x3], $0x80, v4, vm0, $0xb8;
	[tilespmem:$0x10800] =	vst v63  }
0xe9: {  	s25 =	simm.s32 $0x4800  }
0xea: {  	[hbm4b:s4+s2] =	stream.indirect_vreg.scatter [tilespmem:s25], [sflag:$0x3], $0x80, v3, vm0, $0xb8;
	[tilespmem:$0x10800] =	vst v63  }
0xeb: {  	s26 =	simm.s32 $0x5000  }
0xec: {  	[hbm4b:s5+s2] =	stream.indirect_vreg.scatter [tilespmem:s26], [sflag:$0x3], $0x80, v3, vm0, $0xb8;
	[tilespmem:$0x10800] =	vst v63  }
0xed: {  	s28 =	simm.s32 $0x5800  }
0xee: {  	[hbm4b:s6+s2] =	stream.indirect_vreg.scatter [tilespmem:s28], [sflag:$0x3], $0x80, v3, vm0, $0xb8;
	[tilespmem:$0x10800] =	vst v63  }
0xef: {  	s29 =	simm.s32 $0x6000  }
0xf0: {  	[hbm4b:s7+s2] =	stream.indirect_vreg.scatter [tilespmem:s29], [sflag:$0x3], $0x80, v3, vm0, $0xb8;
	[tilespmem:$0x10800] =	vst v63  }
0xf1: {  	s30 =	simm.s32 $0x6800  }
0xf2: {  	[hbm4b:s8+s2] =	stream.indirect_vreg.scatter [tilespmem:s30], [sflag:$0x3], $0x80, v3, vm0, $0xb8;
	[tilespmem:$0x10800] =	vst v63  }
0xf3: {  	s31 =	simm.s32 $0x7000  }
0xf4: {  	[hbm4b:s9+s2] =	stream.indirect_vreg.scatter [tilespmem:s31], [sflag:$0x3], $0x80, v3, vm0, $0xb8;
	[tilespmem:$0x10800] =	vst v63  }
0xf5: {  	s13 =	simm.s32 $0x7800  }
0xf6: {  	[hbm4b:s10+s2] =	stream.indirect_vreg.scatter [tilespmem:s13], [sflag:$0x3], $0x80, v3, vm0, $0xb8;
	[tilespmem:$0x10800] =	vst v63  }
0xf7: {  	s18 =	simm.s32 $0x8000  }
0xf8: {  	[hbm4b:s11+s2] =	stream.indirect_vreg.scatter [tilespmem:s18], [sflag:$0x3], $0x80, v3, vm0, $0xb8;
	[tilespmem:$0x10800] =	vst v63  }
0xf9: {  	_ =	swait.ge [sflag:s0], $0x8000  }
0xfa: {  	[sflag:s0] =	ssyncset.done $0x0  }
0xfb: {  	s13 =	rddreg [dreg:$0x9];
	[sflag:s0] =	ssyncadd.s32 $0xFFFF8000  }
0xfc: {  	[tilespmem:s14], [sflag:$0x1] =	stream.linear.gather [hbm4b:s13+s2], $0x8000, $0x38;
	[tilespmem:$0x10800] =	vst v63  }
0xfd: {  	_ =	swait.ge [sflag:s3], $0x8000  }
0xfe: {  	[sflag:s3] =	ssyncset.done $0x0  }
0xff: {  	[sflag:s3] =	ssyncadd.s32 $0xFFFF8000  }
0x100: {  	v3 =	vld [tilespmem:$0x280];
	_ =	sdelay $0x4  }
0x101: {  	v53 =	vshll.u32 v3, $0x4  }
0x102: {  	v3 =	vand.u32 $0x7, v3;
	v4 =	vand.u32 $0xFFFFFF80, v53  }
0x103: {  	v3 =	vor.u32 v3, v4  }
0x104: {  	v4 =	vperm.xlane v3, v0;
	_ =	sdelay $0x1  }
0x105: {  	v4 =	vadd.s32 v1, v4;
	_ =	sdelay $0x4  }
0x106: {  	[hbm4b:s4+s2] =	stream.indirect_vreg.scatter [tilespmem:s15], [sflag:$0x4], $0x80, v4, vm0, $0xb8;
	[tilespmem:$0x10800] =	vst v63  }
0x107: {  	s13 =	simm.s32 $0x9000  }
0x108: {  	[hbm4b:s5+s2] =	stream.indirect_vreg.scatter [tilespmem:s13], [sflag:$0x4], $0x80, v4, vm0, $0xb8;
	[tilespmem:$0x10800] =	vst v63  }
0x109: {  	s13 =	simm.s32 $0x9800  }
0x10a: {  	[hbm4b:s6+s2] =	stream.indirect_vreg.scatter [tilespmem:s13], [sflag:$0x4], $0x80, v4, vm0, $0xb8;
	[tilespmem:$0x10800] =	vst v63  }
0x10b: {  	s13 =	simm.s32 $0xA000  }
0x10c: {  	[hbm4b:s7+s2] =	stream.indirect_vreg.scatter [tilespmem:s13], [sflag:$0x4], $0x80, v4, vm0, $0xb8;
	[tilespmem:$0x10800] =	vst v63  }
0x10d: {  	s13 =	simm.s32 $0xA800  }
0x10e: {  	[hbm4b:s8+s2] =	stream.indirect_vreg.scatter [tilespmem:s13], [sflag:$0x4], $0x80, v4, vm0, $0xb8;
	[tilespmem:$0x10800] =	vst v63  }
0x10f: {  	v3 =	vperm.xlane v3, v2;
	s13 =	simm.s32 $0xB000  }
0x110: {  	[hbm4b:s9+s2] =	stream.indirect_vreg.scatter [tilespmem:s13], [sflag:$0x4], $0x80, v4, vm0, $0xb8;
	[tilespmem:$0x10800] =	vst v63  }
0x111: {  	s19 =	simm.s32 $0xB800;
	v3 =	vadd.s32 v1, v3  }
0x112: {  	[hbm4b:s10+s2] =	stream.indirect_vreg.scatter [tilespmem:s19], [sflag:$0x4], $0x80, v4, vm0, $0xb8;
	[tilespmem:$0x10800] =	vst v63  }
0x113: {  	s20 =	simm.s32 $0xC000  }
0x114: {  	[hbm4b:s11+s2] =	stream.indirect_vreg.scatter [tilespmem:s20], [sflag:$0x4], $0x80, v4, vm0, $0xb8;
	[tilespmem:$0x10800] =	vst v63  }
0x115: {  	s13 =	simm.s32 $0xC800  }
0x116: {  	[hbm4b:s4+s2] =	stream.indirect_vreg.scatter [tilespmem:s13], [sflag:$0x4], $0x80, v3, vm0, $0xb8;
	[tilespmem:$0x10800] =	vst v63  }
0x117: {  	s13 =	simm.s32 $0xD000  }
0x118: {  	[hbm4b:s5+s2] =	stream.indirect_vreg.scatter [tilespmem:s13], [sflag:$0x4], $0x80, v3, vm0, $0xb8;
	[tilespmem:$0x10800] =	vst v63  }
0x119: {  	s13 =	simm.s32 $0xD800  }
0x11a: {  	[hbm4b:s6+s2] =	stream.indirect_vreg.scatter [tilespmem:s13], [sflag:$0x4], $0x80, v3, vm0, $0xb8;
	[tilespmem:$0x10800] =	vst v63  }
0x11b: {  	s13 =	simm.s32 $0xE000  }
0x11c: {  	[hbm4b:s7+s2] =	stream.indirect_vreg.scatter [tilespmem:s13], [sflag:$0x4], $0x80, v3, vm0, $0xb8;
	[tilespmem:$0x10800] =	vst v63  }
0x11d: {  	s13 =	simm.s32 $0xE800  }
0x11e: {  	[hbm4b:s8+s2] =	stream.indirect_vreg.scatter [tilespmem:s13], [sflag:$0x4], $0x80, v3, vm0, $0xb8;
	[tilespmem:$0x10800] =	vst v63  }
0x11f: {  	s13 =	simm.s32 $0xF000  }
0x120: {  	[hbm4b:s9+s2] =	stream.indirect_vreg.scatter [tilespmem:s13], [sflag:$0x4], $0x80, v3, vm0, $0xb8;
	[tilespmem:$0x10800] =	vst v63  }
0x121: {  	s13 =	simm.s32 $0xF800  }
0x122: {  	[hbm4b:s10+s2] =	stream.indirect_vreg.scatter [tilespmem:s13], [sflag:$0x4], $0x80, v3, vm0, $0xb8;
	[tilespmem:$0x10800] =	vst v63  }
0x123: {  	s21 =	simm.s32 $0x10000  }
0x124: {  	[hbm4b:s11+s2] =	stream.indirect_vreg.scatter [tilespmem:s21], [sflag:$0x4], $0x80, v3, vm0, $0xb8;
	[tilespmem:$0x10800] =	vst v63  }
0x125: {  	_ =	swait.ge [sflag:s1], $0x8000  }
0x126: {  	[sflag:s1] =	ssyncset.done $0x0  }
0x127: {  	s13 =	rddreg [dreg:$0xa];
	[sflag:s1] =	ssyncadd.s32 $0xFFFF8000  }
0x128: {  	[tilespmem:s15], [sflag:$0x2] =	stream.linear.gather [hbm4b:s13+s2], $0x8000, $0x38;
	[tilespmem:$0x10800] =	vst v63  }
0x129: {  	_ =	swait.ge [sflag:s16], $0x8000  }
0x12a: {  	[sflag:s16] =	ssyncset.done $0x0  }
0x12b: {  	[sflag:s16] =	ssyncadd.s32 $0xFFFF8000  }
0x12c: {  	v3 =	vld [tilespmem:$0x300];
	_ =	sdelay $0x4  }
0x12d: {  	v54 =	vshll.u32 v3, $0x4  }
0x12e: {  	v3 =	vand.u32 $0x7, v3;
	v4 =	vand.u32 $0xFFFFFF80, v54  }
0x12f: {  	v3 =	vor.u32 v3, v4  }
0x130: {  	v4 =	vperm.xlane v3, v0;
	_ =	sdelay $0x1  }
0x131: {  	v4 =	vadd.s32 v1, v4;
	_ =	sdelay $0x4  }
0x132: {  	[hbm4b:s4+s2] =	stream.indirect_vreg.scatter [tilespmem:s14], [sflag:$0x3], $0x80, v4, vm0, $0xb8;
	[tilespmem:$0x10800] =	vst v63  }
0x133: {  	s22 =	simm.s32 $0x1000  }
0x134: {  	[hbm4b:s5+s2] =	stream.indirect_vreg.scatter [tilespmem:s22], [sflag:$0x3], $0x80, v4, vm0, $0xb8;
	[tilespmem:$0x10800] =	vst v63  }
0x135: {  	s23 =	simm.s32 $0x1800  }
0x136: {  	[hbm4b:s6+s2] =	stream.indirect_vreg.scatter [tilespmem:s23], [sflag:$0x3], $0x80, v4, vm0, $0xb8;
	[tilespmem:$0x10800] =	vst v63  }
0x137: {  	s24 =	simm.s32 $0x2000  }
0x138: {  	[hbm4b:s7+s2] =	stream.indirect_vreg.scatter [tilespmem:s24], [sflag:$0x3], $0x80, v4, vm0, $0xb8;
	[tilespmem:$0x10800] =	vst v63  }
0x139: {  	s13 =	simm.s32 $0x2800  }
0x13a: {  	[hbm4b:s8+s2] =	stream.indirect_vreg.scatter [tilespmem:s13], [sflag:$0x3], $0x80, v4, vm0, $0xb8;
	[tilespmem:$0x10800] =	vst v63  }
0x13b: {  	v3 =	vperm.xlane v3, v2;
	s13 =	simm.s32 $0x3000  }
0x13c: {  	[hbm4b:s9+s2] =	stream.indirect_vreg.scatter [tilespmem:s13], [sflag:$0x3], $0x80, v4, vm0, $0xb8;
	[tilespmem:$0x10800] =	vst v63  }
0x13d: {  	s17 =	simm.s32 $0x3800;
	v3 =	vadd.s32 v1, v3  }
0x13e: {  	[hbm4b:s10+s2] =	stream.indirect_vreg.scatter [tilespmem:s17], [sflag:$0x3], $0x80, v4, vm0, $0xb8;
	[tilespmem:$0x10800] =	vst v63  }
0x13f: {  	s12 =	simm.s32 $0x4000  }
0x140: {  	[hbm4b:s11+s2] =	stream.indirect_vreg.scatter [tilespmem:s12], [sflag:$0x3], $0x80, v4, vm0, $0xb8;
	[tilespmem:$0x10800] =	vst v63  }
0x141: {  	s25 =	simm.s32 $0x4800  }
0x142: {  	[hbm4b:s4+s2] =	stream.indirect_vreg.scatter [tilespmem:s25], [sflag:$0x3], $0x80, v3, vm0, $0xb8;
	[tilespmem:$0x10800] =	vst v63  }
0x143: {  	s26 =	simm.s32 $0x5000  }
0x144: {  	[hbm4b:s5+s2] =	stream.indirect_vreg.scatter [tilespmem:s26], [sflag:$0x3], $0x80, v3, vm0, $0xb8;
	[tilespmem:$0x10800] =	vst v63  }
0x145: {  	s28 =	simm.s32 $0x5800  }
0x146: {  	[hbm4b:s6+s2] =	stream.indirect_vreg.scatter [tilespmem:s28], [sflag:$0x3], $0x80, v3, vm0, $0xb8;
	[tilespmem:$0x10800] =	vst v63  }
0x147: {  	s29 =	simm.s32 $0x6000  }
0x148: {  	[hbm4b:s7+s2] =	stream.indirect_vreg.scatter [tilespmem:s29], [sflag:$0x3], $0x80, v3, vm0, $0xb8;
	[tilespmem:$0x10800] =	vst v63  }
0x149: {  	s30 =	simm.s32 $0x6800  }
0x14a: {  	[hbm4b:s8+s2] =	stream.indirect_vreg.scatter [tilespmem:s30], [sflag:$0x3], $0x80, v3, vm0, $0xb8;
	[tilespmem:$0x10800] =	vst v63  }
0x14b: {  	s31 =	simm.s32 $0x7000  }
0x14c: {  	[hbm4b:s9+s2] =	stream.indirect_vreg.scatter [tilespmem:s31], [sflag:$0x3], $0x80, v3, vm0, $0xb8;
	[tilespmem:$0x10800] =	vst v63  }
0x14d: {  	s13 =	simm.s32 $0x7800  }
0x14e: {  	[hbm4b:s10+s2] =	stream.indirect_vreg.scatter [tilespmem:s13], [sflag:$0x3], $0x80, v3, vm0, $0xb8;
	[tilespmem:$0x10800] =	vst v63  }
0x14f: {  	s18 =	simm.s32 $0x8000  }
0x150: {  	[hbm4b:s11+s2] =	stream.indirect_vreg.scatter [tilespmem:s18], [sflag:$0x3], $0x80, v3, vm0, $0xb8;
	[tilespmem:$0x10800] =	vst v63  }
0x151: {  	_ =	swait.ge [sflag:s0], $0x8000  }
0x152: {  	[sflag:s0] =	ssyncset.done $0x0  }
0x153: {  	s13 =	rddreg [dreg:$0xb];
	[sflag:s0] =	ssyncadd.s32 $0xFFFF8000  }
0x154: {  	[tilespmem:s14], [sflag:$0x1] =	stream.linear.gather [hbm4b:s13+s2], $0x8000, $0x38;
	[tilespmem:$0x10800] =	vst v63  }
0x155: {  	_ =	swait.ge [sflag:s3], $0x8000  }
0x156: {  	[sflag:s3] =	ssyncset.done $0x0  }
0x157: {  	[sflag:s3] =	ssyncadd.s32 $0xFFFF8000  }
0x158: {  	v3 =	vld [tilespmem:$0x380];
	_ =	sdelay $0x4  }
0x159: {  	v55 =	vshll.u32 v3, $0x4  }
0x15a: {  	v3 =	vand.u32 $0x7, v3;
	v4 =	vand.u32 $0xFFFFFF80, v55  }
0x15b: {  	v3 =	vor.u32 v3, v4  }
0x15c: {  	v4 =	vperm.xlane v3, v0;
	_ =	sdelay $0x1  }
0x15d: {  	v4 =	vadd.s32 v1, v4;
	_ =	sdelay $0x4  }
0x15e: {  	[hbm4b:s4+s2] =	stream.indirect_vreg.scatter [tilespmem:s15], [sflag:$0x4], $0x80, v4, vm0, $0xb8;
	[tilespmem:$0x10800] =	vst v63  }
0x15f: {  	s13 =	simm.s32 $0x9000  }
0x160: {  	[hbm4b:s5+s2] =	stream.indirect_vreg.scatter [tilespmem:s13], [sflag:$0x4], $0x80, v4, vm0, $0xb8;
	[tilespmem:$0x10800] =	vst v63  }
0x161: {  	s13 =	simm.s32 $0x9800  }
0x162: {  	[hbm4b:s6+s2] =	stream.indirect_vreg.scatter [tilespmem:s13], [sflag:$0x4], $0x80, v4, vm0, $0xb8;
	[tilespmem:$0x10800] =	vst v63  }
0x163: {  	s13 =	simm.s32 $0xA000  }
0x164: {  	[hbm4b:s7+s2] =	stream.indirect_vreg.scatter [tilespmem:s13], [sflag:$0x4], $0x80, v4, vm0, $0xb8;
	[tilespmem:$0x10800] =	vst v63  }
0x165: {  	s13 =	simm.s32 $0xA800  }
0x166: {  	[hbm4b:s8+s2] =	stream.indirect_vreg.scatter [tilespmem:s13], [sflag:$0x4], $0x80, v4, vm0, $0xb8;
	[tilespmem:$0x10800] =	vst v63  }
0x167: {  	v3 =	vperm.xlane v3, v2;
	s13 =	simm.s32 $0xB000  }
0x168: {  	[hbm4b:s9+s2] =	stream.indirect_vreg.scatter [tilespmem:s13], [sflag:$0x4], $0x80, v4, vm0, $0xb8;
	[tilespmem:$0x10800] =	vst v63  }
0x169: {  	s19 =	simm.s32 $0xB800;
	v3 =	vadd.s32 v1, v3  }
0x16a: {  	[hbm4b:s10+s2] =	stream.indirect_vreg.scatter [tilespmem:s19], [sflag:$0x4], $0x80, v4, vm0, $0xb8;
	[tilespmem:$0x10800] =	vst v63  }
0x16b: {  	s20 =	simm.s32 $0xC000  }
0x16c: {  	[hbm4b:s11+s2] =	stream.indirect_vreg.scatter [tilespmem:s20], [sflag:$0x4], $0x80, v4, vm0, $0xb8;
	[tilespmem:$0x10800] =	vst v63  }
0x16d: {  	s13 =	simm.s32 $0xC800  }
0x16e: {  	[hbm4b:s4+s2] =	stream.indirect_vreg.scatter [tilespmem:s13], [sflag:$0x4], $0x80, v3, vm0, $0xb8;
	[tilespmem:$0x10800] =	vst v63  }
0x16f: {  	s13 =	simm.s32 $0xD000  }
0x170: {  	[hbm4b:s5+s2] =	stream.indirect_vreg.scatter [tilespmem:s13], [sflag:$0x4], $0x80, v3, vm0, $0xb8;
	[tilespmem:$0x10800] =	vst v63  }
0x171: {  	s13 =	simm.s32 $0xD800  }
0x172: {  	[hbm4b:s6+s2] =	stream.indirect_vreg.scatter [tilespmem:s13], [sflag:$0x4], $0x80, v3, vm0, $0xb8;
	[tilespmem:$0x10800] =	vst v63  }
0x173: {  	s13 =	simm.s32 $0xE000  }
0x174: {  	[hbm4b:s7+s2] =	stream.indirect_vreg.scatter [tilespmem:s13], [sflag:$0x4], $0x80, v3, vm0, $0xb8;
	[tilespmem:$0x10800] =	vst v63  }
0x175: {  	s13 =	simm.s32 $0xE800  }
0x176: {  	[hbm4b:s8+s2] =	stream.indirect_vreg.scatter [tilespmem:s13], [sflag:$0x4], $0x80, v3, vm0, $0xb8;
	[tilespmem:$0x10800] =	vst v63  }
0x177: {  	s13 =	simm.s32 $0xF000  }
0x178: {  	[hbm4b:s9+s2] =	stream.indirect_vreg.scatter [tilespmem:s13], [sflag:$0x4], $0x80, v3, vm0, $0xb8;
	[tilespmem:$0x10800] =	vst v63  }
0x179: {  	s13 =	simm.s32 $0xF800  }
0x17a: {  	[hbm4b:s10+s2] =	stream.indirect_vreg.scatter [tilespmem:s13], [sflag:$0x4], $0x80, v3, vm0, $0xb8;
	[tilespmem:$0x10800] =	vst v63  }
0x17b: {  	s21 =	simm.s32 $0x10000  }
0x17c: {  	[hbm4b:s11+s2] =	stream.indirect_vreg.scatter [tilespmem:s21], [sflag:$0x4], $0x80, v3, vm0, $0xb8;
	[tilespmem:$0x10800] =	vst v63  }
0x17d: {  	_ =	swait.ge [sflag:s1], $0x8000  }
0x17e: {  	[sflag:s1] =	ssyncset.done $0x0  }
0x17f: {  	s13 =	rddreg [dreg:$0xc];
	[sflag:s1] =	ssyncadd.s32 $0xFFFF8000  }
0x180: {  	[tilespmem:s15], [sflag:$0x2] =	stream.linear.gather [hbm4b:s13+s2], $0x8000, $0x38;
	[tilespmem:$0x10800] =	vst v63  }
0x181: {  	_ =	swait.ge [sflag:s16], $0x8000  }
0x182: {  	[sflag:s16] =	ssyncset.done $0x0  }
0x183: {  	[sflag:s16] =	ssyncadd.s32 $0xFFFF8000  }
0x184: {  	v3 =	vld [tilespmem:$0x400];
	_ =	sdelay $0x4  }
0x185: {  	v56 =	vshll.u32 v3, $0x4  }
0x186: {  	v3 =	vand.u32 $0x7, v3;
	v4 =	vand.u32 $0xFFFFFF80, v56  }
0x187: {  	v3 =	vor.u32 v3, v4  }
0x188: {  	v4 =	vperm.xlane v3, v0;
	_ =	sdelay $0x1  }
0x189: {  	v4 =	vadd.s32 v1, v4;
	_ =	sdelay $0x4  }
0x18a: {  	[hbm4b:s4+s2] =	stream.indirect_vreg.scatter [tilespmem:s14], [sflag:$0x3], $0x80, v4, vm0, $0xb8;
	[tilespmem:$0x10800] =	vst v63  }
0x18b: {  	s22 =	simm.s32 $0x1000  }
0x18c: {  	[hbm4b:s5+s2] =	stream.indirect_vreg.scatter [tilespmem:s22], [sflag:$0x3], $0x80, v4, vm0, $0xb8;
	[tilespmem:$0x10800] =	vst v63  }
0x18d: {  	s23 =	simm.s32 $0x1800  }
0x18e: {  	[hbm4b:s6+s2] =	stream.indirect_vreg.scatter [tilespmem:s23], [sflag:$0x3], $0x80, v4, vm0, $0xb8;
	[tilespmem:$0x10800] =	vst v63  }
0x18f: {  	s24 =	simm.s32 $0x2000  }
0x190: {  	[hbm4b:s7+s2] =	stream.indirect_vreg.scatter [tilespmem:s24], [sflag:$0x3], $0x80, v4, vm0, $0xb8;
	[tilespmem:$0x10800] =	vst v63  }
0x191: {  	s13 =	simm.s32 $0x2800  }
0x192: {  	[hbm4b:s8+s2] =	stream.indirect_vreg.scatter [tilespmem:s13], [sflag:$0x3], $0x80, v4, vm0, $0xb8;
	[tilespmem:$0x10800] =	vst v63  }
0x193: {  	v3 =	vperm.xlane v3, v2;
	s13 =	simm.s32 $0x3000  }
0x194: {  	[hbm4b:s9+s2] =	stream.indirect_vreg.scatter [tilespmem:s13], [sflag:$0x3], $0x80, v4, vm0, $0xb8;
	[tilespmem:$0x10800] =	vst v63  }
0x195: {  	s17 =	simm.s32 $0x3800;
	v3 =	vadd.s32 v1, v3  }
0x196: {  	[hbm4b:s10+s2] =	stream.indirect_vreg.scatter [tilespmem:s17], [sflag:$0x3], $0x80, v4, vm0, $0xb8;
	[tilespmem:$0x10800] =	vst v63  }
0x197: {  	s12 =	simm.s32 $0x4000  }
0x198: {  	[hbm4b:s11+s2] =	stream.indirect_vreg.scatter [tilespmem:s12], [sflag:$0x3], $0x80, v4, vm0, $0xb8;
	[tilespmem:$0x10800] =	vst v63  }
0x199: {  	s25 =	simm.s32 $0x4800  }
0x19a: {  	[hbm4b:s4+s2] =	stream.indirect_vreg.scatter [tilespmem:s25], [sflag:$0x3], $0x80, v3, vm0, $0xb8;
	[tilespmem:$0x10800] =	vst v63  }
0x19b: {  	s26 =	simm.s32 $0x5000  }
0x19c: {  	[hbm4b:s5+s2] =	stream.indirect_vreg.scatter [tilespmem:s26], [sflag:$0x3], $0x80, v3, vm0, $0xb8;
	[tilespmem:$0x10800] =	vst v63  }
0x19d: {  	s28 =	simm.s32 $0x5800  }
0x19e: {  	[hbm4b:s6+s2] =	stream.indirect_vreg.scatter [tilespmem:s28], [sflag:$0x3], $0x80, v3, vm0, $0xb8;
	[tilespmem:$0x10800] =	vst v63  }
0x19f: {  	s29 =	simm.s32 $0x6000  }
0x1a0: {  	[hbm4b:s7+s2] =	stream.indirect_vreg.scatter [tilespmem:s29], [sflag:$0x3], $0x80, v3, vm0, $0xb8;
	[tilespmem:$0x10800] =	vst v63  }
0x1a1: {  	s30 =	simm.s32 $0x6800  }
0x1a2: {  	[hbm4b:s8+s2] =	stream.indirect_vreg.scatter [tilespmem:s30], [sflag:$0x3], $0x80, v3, vm0, $0xb8;
	[tilespmem:$0x10800] =	vst v63  }
0x1a3: {  	s31 =	simm.s32 $0x7000  }
0x1a4: {  	[hbm4b:s9+s2] =	stream.indirect_vreg.scatter [tilespmem:s31], [sflag:$0x3], $0x80, v3, vm0, $0xb8;
	[tilespmem:$0x10800] =	vst v63  }
0x1a5: {  	s13 =	simm.s32 $0x7800  }
0x1a6: {  	[hbm4b:s10+s2] =	stream.indirect_vreg.scatter [tilespmem:s13], [sflag:$0x3], $0x80, v3, vm0, $0xb8;
	[tilespmem:$0x10800] =	vst v63  }
0x1a7: {  	s18 =	simm.s32 $0x8000  }
0x1a8: {  	[hbm4b:s11+s2] =	stream.indirect_vreg.scatter [tilespmem:s18], [sflag:$0x3], $0x80, v3, vm0, $0xb8;
	[tilespmem:$0x10800] =	vst v63  }
0x1a9: {  	_ =	swait.ge [sflag:s0], $0x8000  }
0x1aa: {  	[sflag:s0] =	ssyncset.done $0x0  }
0x1ab: {  	s13 =	rddreg [dreg:$0xd];
	[sflag:s0] =	ssyncadd.s32 $0xFFFF8000  }
0x1ac: {  	[tilespmem:s14], [sflag:$0x1] =	stream.linear.gather [hbm4b:s13+s2], $0x8000, $0x38;
	[tilespmem:$0x10800] =	vst v63  }
0x1ad: {  	_ =	swait.ge [sflag:s3], $0x8000  }
0x1ae: {  	[sflag:s3] =	ssyncset.done $0x0  }
0x1af: {  	[sflag:s3] =	ssyncadd.s32 $0xFFFF8000  }
0x1b0: {  	v3 =	vld [tilespmem:$0x480];
	_ =	sdelay $0x4  }
0x1b1: {  	v57 =	vshll.u32 v3, $0x4  }
0x1b2: {  	v3 =	vand.u32 $0x7, v3;
	v4 =	vand.u32 $0xFFFFFF80, v57  }
0x1b3: {  	v3 =	vor.u32 v3, v4  }
0x1b4: {  	v4 =	vperm.xlane v3, v0;
	_ =	sdelay $0x1  }
0x1b5: {  	v4 =	vadd.s32 v1, v4;
	_ =	sdelay $0x4  }
0x1b6: {  	[hbm4b:s4+s2] =	stream.indirect_vreg.scatter [tilespmem:s15], [sflag:$0x4], $0x80, v4, vm0, $0xb8;
	[tilespmem:$0x10800] =	vst v63  }
0x1b7: {  	s13 =	simm.s32 $0x9000  }
0x1b8: {  	[hbm4b:s5+s2] =	stream.indirect_vreg.scatter [tilespmem:s13], [sflag:$0x4], $0x80, v4, vm0, $0xb8;
	[tilespmem:$0x10800] =	vst v63  }
0x1b9: {  	s13 =	simm.s32 $0x9800  }
0x1ba: {  	[hbm4b:s6+s2] =	stream.indirect_vreg.scatter [tilespmem:s13], [sflag:$0x4], $0x80, v4, vm0, $0xb8;
	[tilespmem:$0x10800] =	vst v63  }
0x1bb: {  	s13 =	simm.s32 $0xA000  }
0x1bc: {  	[hbm4b:s7+s2] =	stream.indirect_vreg.scatter [tilespmem:s13], [sflag:$0x4], $0x80, v4, vm0, $0xb8;
	[tilespmem:$0x10800] =	vst v63  }
0x1bd: {  	s13 =	simm.s32 $0xA800  }
0x1be: {  	[hbm4b:s8+s2] =	stream.indirect_vreg.scatter [tilespmem:s13], [sflag:$0x4], $0x80, v4, vm0, $0xb8;
	[tilespmem:$0x10800] =	vst v63  }
0x1bf: {  	v3 =	vperm.xlane v3, v2;
	s13 =	simm.s32 $0xB000  }
0x1c0: {  	[hbm4b:s9+s2] =	stream.indirect_vreg.scatter [tilespmem:s13], [sflag:$0x4], $0x80, v4, vm0, $0xb8;
	[tilespmem:$0x10800] =	vst v63  }
0x1c1: {  	s19 =	simm.s32 $0xB800;
	v3 =	vadd.s32 v1, v3  }
0x1c2: {  	[hbm4b:s10+s2] =	stream.indirect_vreg.scatter [tilespmem:s19], [sflag:$0x4], $0x80, v4, vm0, $0xb8;
	[tilespmem:$0x10800] =	vst v63  }
0x1c3: {  	s20 =	simm.s32 $0xC000  }
0x1c4: {  	[hbm4b:s11+s2] =	stream.indirect_vreg.scatter [tilespmem:s20], [sflag:$0x4], $0x80, v4, vm0, $0xb8;
	[tilespmem:$0x10800] =	vst v63  }
0x1c5: {  	s13 =	simm.s32 $0xC800  }
0x1c6: {  	[hbm4b:s4+s2] =	stream.indirect_vreg.scatter [tilespmem:s13], [sflag:$0x4], $0x80, v3, vm0, $0xb8;
	[tilespmem:$0x10800] =	vst v63  }
0x1c7: {  	s13 =	simm.s32 $0xD000  }
0x1c8: {  	[hbm4b:s5+s2] =	stream.indirect_vreg.scatter [tilespmem:s13], [sflag:$0x4], $0x80, v3, vm0, $0xb8;
	[tilespmem:$0x10800] =	vst v63  }
0x1c9: {  	s13 =	simm.s32 $0xD800  }
0x1ca: {  	[hbm4b:s6+s2] =	stream.indirect_vreg.scatter [tilespmem:s13], [sflag:$0x4], $0x80, v3, vm0, $0xb8;
	[tilespmem:$0x10800] =	vst v63  }
0x1cb: {  	s13 =	simm.s32 $0xE000  }
0x1cc: {  	[hbm4b:s7+s2] =	stream.indirect_vreg.scatter [tilespmem:s13], [sflag:$0x4], $0x80, v3, vm0, $0xb8;
	[tilespmem:$0x10800] =	vst v63  }
0x1cd: {  	s13 =	simm.s32 $0xE800  }
0x1ce: {  	[hbm4b:s8+s2] =	stream.indirect_vreg.scatter [tilespmem:s13], [sflag:$0x4], $0x80, v3, vm0, $0xb8;
	[tilespmem:$0x10800] =	vst v63  }
0x1cf: {  	s13 =	simm.s32 $0xF000  }
0x1d0: {  	[hbm4b:s9+s2] =	stream.indirect_vreg.scatter [tilespmem:s13], [sflag:$0x4], $0x80, v3, vm0, $0xb8;
	[tilespmem:$0x10800] =	vst v63  }
0x1d1: {  	s13 =	simm.s32 $0xF800  }
0x1d2: {  	[hbm4b:s10+s2] =	stream.indirect_vreg.scatter [tilespmem:s13], [sflag:$0x4], $0x80, v3, vm0, $0xb8;
	[tilespmem:$0x10800] =	vst v63  }
0x1d3: {  	s21 =	simm.s32 $0x10000  }
0x1d4: {  	[hbm4b:s11+s2] =	stream.indirect_vreg.scatter [tilespmem:s21], [sflag:$0x4], $0x80, v3, vm0, $0xb8;
	[tilespmem:$0x10800] =	vst v63  }
0x1d5: {  	_ =	swait.ge [sflag:s1], $0x8000  }
0x1d6: {  	[sflag:s1] =	ssyncset.done $0x0  }
0x1d7: {  	s13 =	rddreg [dreg:$0xe];
	[sflag:s1] =	ssyncadd.s32 $0xFFFF8000  }
0x1d8: {  	[tilespmem:s15], [sflag:$0x2] =	stream.linear.gather [hbm4b:s13+s2], $0x8000, $0x38;
	[tilespmem:$0x10800] =	vst v63  }
0x1d9: {  	_ =	swait.ge [sflag:s16], $0x8000  }
0x1da: {  	[sflag:s16] =	ssyncset.done $0x0  }
0x1db: {  	[sflag:s16] =	ssyncadd.s32 $0xFFFF8000  }
0x1dc: {  	v3 =	vld [tilespmem:$0x500];
	_ =	sdelay $0x4  }
0x1dd: {  	v58 =	vshll.u32 v3, $0x4  }
0x1de: {  	v3 =	vand.u32 $0x7, v3;
	v4 =	vand.u32 $0xFFFFFF80, v58  }
0x1df: {  	v3 =	vor.u32 v3, v4  }
0x1e0: {  	v4 =	vperm.xlane v3, v0;
	_ =	sdelay $0x1  }
0x1e1: {  	v4 =	vadd.s32 v1, v4;
	_ =	sdelay $0x4  }
0x1e2: {  	[hbm4b:s4+s2] =	stream.indirect_vreg.scatter [tilespmem:s14], [sflag:$0x3], $0x80, v4, vm0, $0xb8;
	[tilespmem:$0x10800] =	vst v63  }
0x1e3: {  	s22 =	simm.s32 $0x1000  }
0x1e4: {  	[hbm4b:s5+s2] =	stream.indirect_vreg.scatter [tilespmem:s22], [sflag:$0x3], $0x80, v4, vm0, $0xb8;
	[tilespmem:$0x10800] =	vst v63  }
0x1e5: {  	s23 =	simm.s32 $0x1800  }
0x1e6: {  	[hbm4b:s6+s2] =	stream.indirect_vreg.scatter [tilespmem:s23], [sflag:$0x3], $0x80, v4, vm0, $0xb8;
	[tilespmem:$0x10800] =	vst v63  }
0x1e7: {  	s24 =	simm.s32 $0x2000  }
0x1e8: {  	[hbm4b:s7+s2] =	stream.indirect_vreg.scatter [tilespmem:s24], [sflag:$0x3], $0x80, v4, vm0, $0xb8;
	[tilespmem:$0x10800] =	vst v63  }
0x1e9: {  	s13 =	simm.s32 $0x2800  }
0x1ea: {  	[hbm4b:s8+s2] =	stream.indirect_vreg.scatter [tilespmem:s13], [sflag:$0x3], $0x80, v4, vm0, $0xb8;
	[tilespmem:$0x10800] =	vst v63  }
0x1eb: {  	v3 =	vperm.xlane v3, v2;
	s13 =	simm.s32 $0x3000  }
0x1ec: {  	[hbm4b:s9+s2] =	stream.indirect_vreg.scatter [tilespmem:s13], [sflag:$0x3], $0x80, v4, vm0, $0xb8;
	[tilespmem:$0x10800] =	vst v63  }
0x1ed: {  	s17 =	simm.s32 $0x3800;
	v3 =	vadd.s32 v1, v3  }
0x1ee: {  	[hbm4b:s10+s2] =	stream.indirect_vreg.scatter [tilespmem:s17], [sflag:$0x3], $0x80, v4, vm0, $0xb8;
	[tilespmem:$0x10800] =	vst v63  }
0x1ef: {  	s12 =	simm.s32 $0x4000  }
0x1f0: {  	[hbm4b:s11+s2] =	stream.indirect_vreg.scatter [tilespmem:s12], [sflag:$0x3], $0x80, v4, vm0, $0xb8;
	[tilespmem:$0x10800] =	vst v63  }
0x1f1: {  	s25 =	simm.s32 $0x4800  }
0x1f2: {  	[hbm4b:s4+s2] =	stream.indirect_vreg.scatter [tilespmem:s25], [sflag:$0x3], $0x80, v3, vm0, $0xb8;
	[tilespmem:$0x10800] =	vst v63  }
0x1f3: {  	s26 =	simm.s32 $0x5000  }
0x1f4: {  	[hbm4b:s5+s2] =	stream.indirect_vreg.scatter [tilespmem:s26], [sflag:$0x3], $0x80, v3, vm0, $0xb8;
	[tilespmem:$0x10800] =	vst v63  }
0x1f5: {  	s28 =	simm.s32 $0x5800  }
0x1f6: {  	[hbm4b:s6+s2] =	stream.indirect_vreg.scatter [tilespmem:s28], [sflag:$0x3], $0x80, v3, vm0, $0xb8;
	[tilespmem:$0x10800] =	vst v63  }
0x1f7: {  	s29 =	simm.s32 $0x6000  }
0x1f8: {  	[hbm4b:s7+s2] =	stream.indirect_vreg.scatter [tilespmem:s29], [sflag:$0x3], $0x80, v3, vm0, $0xb8;
	[tilespmem:$0x10800] =	vst v63  }
0x1f9: {  	s30 =	simm.s32 $0x6800  }
0x1fa: {  	[hbm4b:s8+s2] =	stream.indirect_vreg.scatter [tilespmem:s30], [sflag:$0x3], $0x80, v3, vm0, $0xb8;
	[tilespmem:$0x10800] =	vst v63  }
0x1fb: {  	s31 =	simm.s32 $0x7000  }
0x1fc: {  	[hbm4b:s9+s2] =	stream.indirect_vreg.scatter [tilespmem:s31], [sflag:$0x3], $0x80, v3, vm0, $0xb8;
	[tilespmem:$0x10800] =	vst v63  }
0x1fd: {  	s31 =	simm.s32 $0x7800  }
0x1fe: {  	[hbm4b:s10+s2] =	stream.indirect_vreg.scatter [tilespmem:s31], [sflag:$0x3], $0x80, v3, vm0, $0xb8;
	[tilespmem:$0x10800] =	vst v63  }
0x1ff: {  	s18 =	simm.s32 $0x8000  }
0x200: {  	[hbm4b:s11+s2] =	stream.indirect_vreg.scatter [tilespmem:s18], [sflag:$0x3], $0x80, v3, vm0, $0xb8;
	[tilespmem:$0x10800] =	vst v63  }
0x201: {  	_ =	swait.ge [sflag:s0], $0x8000  }
0x202: {  	[sflag:s0] =	ssyncset.done $0x0  }
0x203: {  	s31 =	rddreg [dreg:$0xf];
	[sflag:s0] =	ssyncadd.s32 $0xFFFF8000  }
0x204: {  	[tilespmem:s14], [sflag:$0x1] =	stream.linear.gather [hbm4b:s31+s2], $0x8000, $0x38;
	[tilespmem:$0x10800] =	vst v63  }
0x205: {  	_ =	swait.ge [sflag:s3], $0x8000  }
0x206: {  	[sflag:s3] =	ssyncset.done $0x0  }
0x207: {  	[sflag:s3] =	ssyncadd.s32 $0xFFFF8000  }
0x208: {  	v3 =	vld [tilespmem:$0x580];
	_ =	sdelay $0x4  }
0x209: {  	v59 =	vshll.u32 v3, $0x4  }
0x20a: {  	v3 =	vand.u32 $0x7, v3;
	v4 =	vand.u32 $0xFFFFFF80, v59  }
0x20b: {  	v3 =	vor.u32 v3, v4  }
0x20c: {  	v4 =	vperm.xlane v3, v0;
	_ =	sdelay $0x1  }
0x20d: {  	v4 =	vadd.s32 v1, v4;
	_ =	sdelay $0x4  }
0x20e: {  	[hbm4b:s4+s2] =	stream.indirect_vreg.scatter [tilespmem:s15], [sflag:$0x4], $0x80, v4, vm0, $0xb8;
	[tilespmem:$0x10800] =	vst v63  }
0x20f: {  	s18 =	simm.s32 $0x9000  }
0x210: {  	[hbm4b:s5+s2] =	stream.indirect_vreg.scatter [tilespmem:s18], [sflag:$0x4], $0x80, v4, vm0, $0xb8;
	[tilespmem:$0x10800] =	vst v63  }
0x211: {  	s31 =	simm.s32 $0x9800  }
0x212: {  	[hbm4b:s6+s2] =	stream.indirect_vreg.scatter [tilespmem:s31], [sflag:$0x4], $0x80, v4, vm0, $0xb8;
	[tilespmem:$0x10800] =	vst v63  }
0x213: {  	s18 =	simm.s32 $0xA000  }
0x214: {  	[hbm4b:s7+s2] =	stream.indirect_vreg.scatter [tilespmem:s18], [sflag:$0x4], $0x80, v4, vm0, $0xb8;
	[tilespmem:$0x10800] =	vst v63  }
0x215: {  	s31 =	simm.s32 $0xA800  }
0x216: {  	[hbm4b:s8+s2] =	stream.indirect_vreg.scatter [tilespmem:s31], [sflag:$0x4], $0x80, v4, vm0, $0xb8;
	[tilespmem:$0x10800] =	vst v63  }
0x217: {  	v3 =	vperm.xlane v3, v2;
	s18 =	simm.s32 $0xB000  }
0x218: {  	[hbm4b:s9+s2] =	stream.indirect_vreg.scatter [tilespmem:s18], [sflag:$0x4], $0x80, v4, vm0, $0xb8;
	[tilespmem:$0x10800] =	vst v63  }
0x219: {  	s19 =	simm.s32 $0xB800;
	v3 =	vadd.s32 v1, v3  }
0x21a: {  	[hbm4b:s10+s2] =	stream.indirect_vreg.scatter [tilespmem:s19], [sflag:$0x4], $0x80, v4, vm0, $0xb8;
	[tilespmem:$0x10800] =	vst v63  }
0x21b: {  	s20 =	simm.s32 $0xC000  }
0x21c: {  	[hbm4b:s11+s2] =	stream.indirect_vreg.scatter [tilespmem:s20], [sflag:$0x4], $0x80, v4, vm0, $0xb8;
	[tilespmem:$0x10800] =	vst v63  }
0x21d: {  	s20 =	simm.s32 $0xC800  }
0x21e: {  	[hbm4b:s4+s2] =	stream.indirect_vreg.scatter [tilespmem:s20], [sflag:$0x4], $0x80, v3, vm0, $0xb8;
	[tilespmem:$0x10800] =	vst v63  }
0x21f: {  	s31 =	simm.s32 $0xD000  }
0x220: {  	[hbm4b:s5+s2] =	stream.indirect_vreg.scatter [tilespmem:s31], [sflag:$0x4], $0x80, v3, vm0, $0xb8;
	[tilespmem:$0x10800] =	vst v63  }
0x221: {  	s18 =	simm.s32 $0xD800  }
0x222: {  	[hbm4b:s6+s2] =	stream.indirect_vreg.scatter [tilespmem:s18], [sflag:$0x4], $0x80, v3, vm0, $0xb8;
	[tilespmem:$0x10800] =	vst v63  }
0x223: {  	s19 =	simm.s32 $0xE000  }
0x224: {  	[hbm4b:s7+s2] =	stream.indirect_vreg.scatter [tilespmem:s19], [sflag:$0x4], $0x80, v3, vm0, $0xb8;
	[tilespmem:$0x10800] =	vst v63  }
0x225: {  	s20 =	simm.s32 $0xE800  }
0x226: {  	[hbm4b:s8+s2] =	stream.indirect_vreg.scatter [tilespmem:s20], [sflag:$0x4], $0x80, v3, vm0, $0xb8;
	[tilespmem:$0x10800] =	vst v63  }
0x227: {  	s31 =	simm.s32 $0xF000  }
0x228: {  	[hbm4b:s9+s2] =	stream.indirect_vreg.scatter [tilespmem:s31], [sflag:$0x4], $0x80, v3, vm0, $0xb8;
	[tilespmem:$0x10800] =	vst v63  }
0x229: {  	s18 =	simm.s32 $0xF800  }
0x22a: {  	[hbm4b:s10+s2] =	stream.indirect_vreg.scatter [tilespmem:s18], [sflag:$0x4], $0x80, v3, vm0, $0xb8;
	[tilespmem:$0x10800] =	vst v63  }
0x22b: {  	s21 =	simm.s32 $0x10000  }
0x22c: {  	[hbm4b:s11+s2] =	stream.indirect_vreg.scatter [tilespmem:s21], [sflag:$0x4], $0x80, v3, vm0, $0xb8;
	[tilespmem:$0x10800] =	vst v63  }
0x22d: {  	_ =	swait.ge [sflag:s1], $0x8000  }
0x22e: {  	[sflag:s1] =	ssyncset.done $0x0  }
0x22f: {  	s19 =	rddreg [dreg:$0x10];
	[sflag:s1] =	ssyncadd.s32 $0xFFFF8000  }
0x230: {  	[tilespmem:s15], [sflag:$0x2] =	stream.linear.gather [hbm4b:s19+s2], $0x8000, $0x38;
	[tilespmem:$0x10800] =	vst v63  }
0x231: {  	_ =	swait.ge [sflag:s16], $0x8000  }
0x232: {  	[sflag:s16] =	ssyncset.done $0x0  }
0x233: {  	[sflag:s16] =	ssyncadd.s32 $0xFFFF8000  }
0x234: {  	v3 =	vld [tilespmem:$0x600];
	_ =	sdelay $0x4  }
0x235: {  	v60 =	vshll.u32 v3, $0x4  }
0x236: {  	v3 =	vand.u32 $0x7, v3;
	v4 =	vand.u32 $0xFFFFFF80, v60  }
0x237: {  	v3 =	vor.u32 v3, v4  }
0x238: {  	v4 =	vperm.xlane v3, v0;
	_ =	sdelay $0x1  }
0x239: {  	v4 =	vadd.s32 v1, v4;
	_ =	sdelay $0x4  }
0x23a: {  	[hbm4b:s4+s2] =	stream.indirect_vreg.scatter [tilespmem:s14], [sflag:$0x3], $0x80, v4, vm0, $0xb8;
	[tilespmem:$0x10800] =	vst v63  }
0x23b: {  	s22 =	simm.s32 $0x1000  }
0x23c: {  	[hbm4b:s5+s2] =	stream.indirect_vreg.scatter [tilespmem:s22], [sflag:$0x3], $0x80, v4, vm0, $0xb8;
	[tilespmem:$0x10800] =	vst v63  }
0x23d: {  	s23 =	simm.s32 $0x1800  }
0x23e: {  	[hbm4b:s6+s2] =	stream.indirect_vreg.scatter [tilespmem:s23], [sflag:$0x3], $0x80, v4, vm0, $0xb8;
	[tilespmem:$0x10800] =	vst v63  }
0x23f: {  	s24 =	simm.s32 $0x2000  }
0x240: {  	[hbm4b:s7+s2] =	stream.indirect_vreg.scatter [tilespmem:s24], [sflag:$0x3], $0x80, v4, vm0, $0xb8;
	[tilespmem:$0x10800] =	vst v63  }
0x241: {  	s20 =	simm.s32 $0x2800  }
0x242: {  	[hbm4b:s8+s2] =	stream.indirect_vreg.scatter [tilespmem:s20], [sflag:$0x3], $0x80, v4, vm0, $0xb8;
	[tilespmem:$0x10800] =	vst v63  }
0x243: {  	s21 =	simm.s32 $0x3000;
	v3 =	vperm.xlane v3, v2  }
0x244: {  	[hbm4b:s9+s2] =	stream.indirect_vreg.scatter [tilespmem:s21], [sflag:$0x3], $0x80, v4, vm0, $0xb8;
	[tilespmem:$0x10800] =	vst v63  }
0x245: {  	s17 =	simm.s32 $0x3800;
	v3 =	vadd.s32 v1, v3  }
0x246: {  	[hbm4b:s10+s2] =	stream.indirect_vreg.scatter [tilespmem:s17], [sflag:$0x3], $0x80, v4, vm0, $0xb8;
	[tilespmem:$0x10800] =	vst v63  }
0x247: {  	s12 =	simm.s32 $0x4000  }
0x248: {  	[hbm4b:s11+s2] =	stream.indirect_vreg.scatter [tilespmem:s12], [sflag:$0x3], $0x80, v4, vm0, $0xb8;
	[tilespmem:$0x10800] =	vst v63  }
0x249: {  	s25 =	simm.s32 $0x4800  }
0x24a: {  	[hbm4b:s4+s2] =	stream.indirect_vreg.scatter [tilespmem:s25], [sflag:$0x3], $0x80, v3, vm0, $0xb8;
	[tilespmem:$0x10800] =	vst v63  }
0x24b: {  	s26 =	simm.s32 $0x5000  }
0x24c: {  	[hbm4b:s5+s2] =	stream.indirect_vreg.scatter [tilespmem:s26], [sflag:$0x3], $0x80, v3, vm0, $0xb8;
	[tilespmem:$0x10800] =	vst v63  }
0x24d: {  	s28 =	simm.s32 $0x5800  }
0x24e: {  	[hbm4b:s6+s2] =	stream.indirect_vreg.scatter [tilespmem:s28], [sflag:$0x3], $0x80, v3, vm0, $0xb8;
	[tilespmem:$0x10800] =	vst v63  }
0x24f: {  	s29 =	simm.s32 $0x6000  }
0x250: {  	[hbm4b:s7+s2] =	stream.indirect_vreg.scatter [tilespmem:s29], [sflag:$0x3], $0x80, v3, vm0, $0xb8;
	[tilespmem:$0x10800] =	vst v63  }
0x251: {  	s30 =	simm.s32 $0x6800  }
0x252: {  	[hbm4b:s8+s2] =	stream.indirect_vreg.scatter [tilespmem:s30], [sflag:$0x3], $0x80, v3, vm0, $0xb8;
	[tilespmem:$0x10800] =	vst v63  }
0x253: {  	s22 =	simm.s32 $0x7000  }
0x254: {  	[hbm4b:s9+s2] =	stream.indirect_vreg.scatter [tilespmem:s22], [sflag:$0x3], $0x80, v3, vm0, $0xb8;
	[tilespmem:$0x10800] =	vst v63  }
0x255: {  	s23 =	simm.s32 $0x7800  }
0x256: {  	[hbm4b:s10+s2] =	stream.indirect_vreg.scatter [tilespmem:s23], [sflag:$0x3], $0x80, v3, vm0, $0xb8;
	[tilespmem:$0x10800] =	vst v63  }
0x257: {  	s24 =	simm.s32 $0x8000  }
0x258: {  	[hbm4b:s11+s2] =	stream.indirect_vreg.scatter [tilespmem:s24], [sflag:$0x3], $0x80, v3, vm0, $0xb8;
	[tilespmem:$0x10800] =	vst v63  }
0x259: {  	_ =	swait.ge [sflag:s0], $0x8000  }
0x25a: {  	[sflag:s0] =	ssyncset.done $0x0  }
0x25b: {  	s25 =	rddreg [dreg:$0x11];
	[sflag:s0] =	ssyncadd.s32 $0xFFFF8000  }
0x25c: {  	[tilespmem:s14], [sflag:$0x1] =	stream.linear.gather [hbm4b:s25+s2], $0x8000, $0x38;
	[tilespmem:$0x10800] =	vst v63  }
0x25d: {  	_ =	swait.ge [sflag:s3], $0x8000  }
0x25e: {  	[sflag:s3] =	ssyncset.done $0x0  }
0x25f: {  	[sflag:s3] =	ssyncadd.s32 $0xFFFF8000  }
0x260: {  	v3 =	vld [tilespmem:$0x680];
	_ =	sdelay $0x4  }
0x261: {  	v61 =	vshll.u32 v3, $0x4  }
0x262: {  	v3 =	vand.u32 $0x7, v3;
	v4 =	vand.u32 $0xFFFFFF80, v61  }
0x263: {  	v3 =	vor.u32 v3, v4  }
0x264: {  	v4 =	vperm.xlane v3, v0;
	_ =	sdelay $0x1  }
0x265: {  	v4 =	vadd.s32 v1, v4;
	_ =	sdelay $0x4  }
0x266: {  	[hbm4b:s4+s2] =	stream.indirect_vreg.scatter [tilespmem:s15], [sflag:$0x4], $0x80, v4, vm0, $0xb8;
	[tilespmem:$0x10800] =	vst v63  }
0x267: {  	s26 =	simm.s32 $0x9000  }
0x268: {  	[hbm4b:s5+s2] =	stream.indirect_vreg.scatter [tilespmem:s26], [sflag:$0x4], $0x80, v4, vm0, $0xb8;
	[tilespmem:$0x10800] =	vst v63  }
0x269: {  	s28 =	simm.s32 $0x9800  }
0x26a: {  	[hbm4b:s6+s2] =	stream.indirect_vreg.scatter [tilespmem:s28], [sflag:$0x4], $0x80, v4, vm0, $0xb8;
	[tilespmem:$0x10800] =	vst v63  }
0x26b: {  	s29 =	simm.s32 $0xA000  }
0x26c: {  	[hbm4b:s7+s2] =	stream.indirect_vreg.scatter [tilespmem:s29], [sflag:$0x4], $0x80, v4, vm0, $0xb8;
	[tilespmem:$0x10800] =	vst v63  }
0x26d: {  	s30 =	simm.s32 $0xA800  }
0x26e: {  	[hbm4b:s8+s2] =	stream.indirect_vreg.scatter [tilespmem:s30], [sflag:$0x4], $0x80, v4, vm0, $0xb8;
	[tilespmem:$0x10800] =	vst v63  }
0x26f: {  	s31 =	simm.s32 $0xB000;
	v3 =	vperm.xlane v3, v2  }
0x270: {  	[hbm4b:s9+s2] =	stream.indirect_vreg.scatter [tilespmem:s31], [sflag:$0x4], $0x80, v4, vm0, $0xb8;
	[tilespmem:$0x10800] =	vst v63  }
0x271: {  	s19 =	simm.s32 $0xB800;
	v3 =	vadd.s32 v1, v3  }
0x272: {  	[hbm4b:s10+s2] =	stream.indirect_vreg.scatter [tilespmem:s19], [sflag:$0x4], $0x80, v4, vm0, $0xb8;
	[tilespmem:$0x10800] =	vst v63  }
0x273: {  	s20 =	simm.s32 $0xC000  }
0x274: {  	[hbm4b:s11+s2] =	stream.indirect_vreg.scatter [tilespmem:s20], [sflag:$0x4], $0x80, v4, vm0, $0xb8;
	[tilespmem:$0x10800] =	vst v63  }
0x275: {  	s21 =	simm.s32 $0xC800  }
0x276: {  	[hbm4b:s4+s2] =	stream.indirect_vreg.scatter [tilespmem:s21], [sflag:$0x4], $0x80, v3, vm0, $0xb8;
	[tilespmem:$0x10800] =	vst v63  }
0x277: {  	s22 =	simm.s32 $0xD000  }
0x278: {  	[hbm4b:s5+s2] =	stream.indirect_vreg.scatter [tilespmem:s22], [sflag:$0x4], $0x80, v3, vm0, $0xb8;
	[tilespmem:$0x10800] =	vst v63  }
0x279: {  	s23 =	simm.s32 $0xD800  }
0x27a: {  	[hbm4b:s6+s2] =	stream.indirect_vreg.scatter [tilespmem:s23], [sflag:$0x4], $0x80, v3, vm0, $0xb8;
	[tilespmem:$0x10800] =	vst v63  }
0x27b: {  	s24 =	simm.s32 $0xE000  }
0x27c: {  	[hbm4b:s7+s2] =	stream.indirect_vreg.scatter [tilespmem:s24], [sflag:$0x4], $0x80, v3, vm0, $0xb8;
	[tilespmem:$0x10800] =	vst v63  }
0x27d: {  	s25 =	simm.s32 $0xE800  }
0x27e: {  	[hbm4b:s8+s2] =	stream.indirect_vreg.scatter [tilespmem:s25], [sflag:$0x4], $0x80, v3, vm0, $0xb8;
	[tilespmem:$0x10800] =	vst v63  }
0x27f: {  	s26 =	simm.s32 $0xF000  }
0x280: {  	[hbm4b:s9+s2] =	stream.indirect_vreg.scatter [tilespmem:s26], [sflag:$0x4], $0x80, v3, vm0, $0xb8;
	[tilespmem:$0x10800] =	vst v63  }
0x281: {  	s28 =	simm.s32 $0xF800  }
0x282: {  	[hbm4b:s10+s2] =	stream.indirect_vreg.scatter [tilespmem:s28], [sflag:$0x4], $0x80, v3, vm0, $0xb8;
	[tilespmem:$0x10800] =	vst v63  }
0x283: {  	s31 =	simm.s32 $0x10000  }
0x284: {  	[hbm4b:s11+s2] =	stream.indirect_vreg.scatter [tilespmem:s31], [sflag:$0x4], $0x80, v3, vm0, $0xb8;
	[tilespmem:$0x10800] =	vst v63  }
0x285: {  	_ =	swait.ge [sflag:s1], $0x8000  }
0x286: {  	[sflag:s1] =	ssyncset.done $0x0  }
0x287: {  	s13 =	rddreg [dreg:$0x12];
	[sflag:s1] =	ssyncadd.s32 $0xFFFF8000  }
0x288: {  	[tilespmem:s15], [sflag:$0x2] =	stream.linear.gather [hbm4b:s13+s2], $0x8000, $0x38;
	[tilespmem:$0x10800] =	vst v63  }
0x289: {  	_ =	swait.ge [sflag:s16], $0x8000  }
0x28a: {  	[sflag:s16] =	ssyncset.done $0x0  }
0x28b: {  	[sflag:s16] =	ssyncadd.s32 $0xFFFF8000  }
0x28c: {  	v3 =	vld [tilespmem:$0x700];
	_ =	sdelay $0x4  }
0x28d: {  	v62 =	vshll.u32 v3, $0x4  }
0x28e: {  	v3 =	vand.u32 $0x7, v3;
	v4 =	vand.u32 $0xFFFFFF80, v62  }
0x28f: {  	v3 =	vor.u32 v3, v4  }
0x290: {  	v4 =	vperm.xlane v3, v0;
	_ =	sdelay $0x1  }
0x291: {  	v4 =	vadd.s32 v1, v4;
	_ =	sdelay $0x4  }
0x292: {  	[hbm4b:s4+s2] =	stream.indirect_vreg.scatter [tilespmem:s14], [sflag:$0x3], $0x80, v4, vm0, $0xb8;
	[tilespmem:$0x10800] =	vst v63  }
0x293: {  	s13 =	simm.s32 $0x1000  }
0x294: {  	[hbm4b:s5+s2] =	stream.indirect_vreg.scatter [tilespmem:s13], [sflag:$0x3], $0x80, v4, vm0, $0xb8;
	[tilespmem:$0x10800] =	vst v63  }
0x295: {  	s13 =	simm.s32 $0x1800  }
0x296: {  	[hbm4b:s6+s2] =	stream.indirect_vreg.scatter [tilespmem:s13], [sflag:$0x3], $0x80, v4, vm0, $0xb8;
	[tilespmem:$0x10800] =	vst v63  }
0x297: {  	s13 =	simm.s32 $0x2000  }
0x298: {  	[hbm4b:s7+s2] =	stream.indirect_vreg.scatter [tilespmem:s13], [sflag:$0x3], $0x80, v4, vm0, $0xb8;
	[tilespmem:$0x10800] =	vst v63  }
0x299: {  	s13 =	simm.s32 $0x2800  }
0x29a: {  	[hbm4b:s8+s2] =	stream.indirect_vreg.scatter [tilespmem:s13], [sflag:$0x3], $0x80, v4, vm0, $0xb8;
	[tilespmem:$0x10800] =	vst v63  }
0x29b: {  	v3 =	vperm.xlane v3, v2;
	s13 =	simm.s32 $0x3000  }
0x29c: {  	[hbm4b:s9+s2] =	stream.indirect_vreg.scatter [tilespmem:s13], [sflag:$0x3], $0x80, v4, vm0, $0xb8;
	[tilespmem:$0x10800] =	vst v63  }
0x29d: {  	v3 =	vadd.s32 v1, v3;
	s13 =	simm.s32 $0x3800  }
0x29e: {  	[hbm4b:s10+s2] =	stream.indirect_vreg.scatter [tilespmem:s13], [sflag:$0x3], $0x80, v4, vm0, $0xb8;
	[tilespmem:$0x10800] =	vst v63  }
0x29f: {  	s13 =	simm.s32 $0x4000  }
0x2a0: {  	[hbm4b:s11+s2] =	stream.indirect_vreg.scatter [tilespmem:s13], [sflag:$0x3], $0x80, v4, vm0, $0xb8;
	[tilespmem:$0x10800] =	vst v63  }
0x2a1: {  	s13 =	simm.s32 $0x4800  }
0x2a2: {  	[hbm4b:s4+s2] =	stream.indirect_vreg.scatter [tilespmem:s13], [sflag:$0x3], $0x80, v3, vm0, $0xb8;
	[tilespmem:$0x10800] =	vst v63  }
0x2a3: {  	s13 =	simm.s32 $0x5000  }
0x2a4: {  	[hbm4b:s5+s2] =	stream.indirect_vreg.scatter [tilespmem:s13], [sflag:$0x3], $0x80, v3, vm0, $0xb8;
	[tilespmem:$0x10800] =	vst v63  }
0x2a5: {  	s13 =	simm.s32 $0x5800  }
0x2a6: {  	[hbm4b:s6+s2] =	stream.indirect_vreg.scatter [tilespmem:s13], [sflag:$0x3], $0x80, v3, vm0, $0xb8;
	[tilespmem:$0x10800] =	vst v63  }
0x2a7: {  	s13 =	simm.s32 $0x6000  }
0x2a8: {  	[hbm4b:s7+s2] =	stream.indirect_vreg.scatter [tilespmem:s13], [sflag:$0x3], $0x80, v3, vm0, $0xb8;
	[tilespmem:$0x10800] =	vst v63  }
0x2a9: {  	s13 =	simm.s32 $0x6800  }
0x2aa: {  	[hbm4b:s8+s2] =	stream.indirect_vreg.scatter [tilespmem:s13], [sflag:$0x3], $0x80, v3, vm0, $0xb8;
	[tilespmem:$0x10800] =	vst v63  }
0x2ab: {  	s13 =	simm.s32 $0x7000  }
0x2ac: {  	[hbm4b:s9+s2] =	stream.indirect_vreg.scatter [tilespmem:s13], [sflag:$0x3], $0x80, v3, vm0, $0xb8;
	[tilespmem:$0x10800] =	vst v63  }
0x2ad: {  	s13 =	simm.s32 $0x7800  }
0x2ae: {  	[hbm4b:s10+s2] =	stream.indirect_vreg.scatter [tilespmem:s13], [sflag:$0x3], $0x80, v3, vm0, $0xb8;
	[tilespmem:$0x10800] =	vst v63  }
0x2af: {  	s13 =	simm.s32 $0x8000  }
0x2b0: {  	[hbm4b:s11+s2] =	stream.indirect_vreg.scatter [tilespmem:s13], [sflag:$0x3], $0x80, v3, vm0, $0xb8;
	[tilespmem:$0x10800] =	vst v63  }
0x2b1: {  	_ =	swait.ge [sflag:s3], $0x8000  }
0x2b2: {  	[sflag:s3] =	ssyncset.done $0x0  }
0x2b3: {  	[sflag:s3] =	ssyncadd.s32 $0xFFFF8000  }
0x2b4: {  	v3 =	vld [tilespmem:$0x780];
	_ =	sdelay $0x4  }
0x2b5: {  	v63 =	vshll.u32 v3, $0x4  }
0x2b6: {  	v3 =	vand.u32 $0x7, v3;
	v4 =	vand.u32 $0xFFFFFF80, v63  }
0x2b7: {  	v3 =	vor.u32 v3, v4  }
0x2b8: {  	v4 =	vperm.xlane v3, v0;
	_ =	sdelay $0x1  }
0x2b9: {  	v4 =	vadd.s32 v1, v4;
	_ =	sdelay $0x4  }
0x2ba: {  	[hbm4b:s4+s2] =	stream.indirect_vreg.scatter [tilespmem:s15], [sflag:$0x4], $0x80, v4, vm0, $0xb8;
	[tilespmem:$0x10800] =	vst v63  }
0x2bb: {  	s12 =	simm.s32 $0x9000  }
0x2bc: {  	[hbm4b:s5+s2] =	stream.indirect_vreg.scatter [tilespmem:s12], [sflag:$0x4], $0x80, v4, vm0, $0xb8;
	[tilespmem:$0x10800] =	vst v63  }
0x2bd: {  	s17 =	simm.s32 $0x9800  }
0x2be: {  	[hbm4b:s6+s2] =	stream.indirect_vreg.scatter [tilespmem:s17], [sflag:$0x4], $0x80, v4, vm0, $0xb8;
	[tilespmem:$0x10800] =	vst v63  }
0x2bf: {  	s18 =	simm.s32 $0xA000  }
0x2c0: {  	[hbm4b:s7+s2] =	stream.indirect_vreg.scatter [tilespmem:s18], [sflag:$0x4], $0x80, v4, vm0, $0xb8;
	[tilespmem:$0x10800] =	vst v63  }
0x2c1: {  	s29 =	simm.s32 $0xA800  }
0x2c2: {  	[hbm4b:s8+s2] =	stream.indirect_vreg.scatter [tilespmem:s29], [sflag:$0x4], $0x80, v4, vm0, $0xb8;
	[tilespmem:$0x10800] =	vst v63  }
0x2c3: {  	s30 =	simm.s32 $0xB000;
	v3 =	vperm.xlane v3, v2  }
0x2c4: {  	[hbm4b:s9+s2] =	stream.indirect_vreg.scatter [tilespmem:s30], [sflag:$0x4], $0x80, v4, vm0, $0xb8;
	[tilespmem:$0x10800] =	vst v63  }
0x2c5: {  	s19 =	simm.s32 $0xB800;
	v3 =	vadd.s32 v1, v3  }
0x2c6: {  	[hbm4b:s10+s2] =	stream.indirect_vreg.scatter [tilespmem:s19], [sflag:$0x4], $0x80, v4, vm0, $0xb8;
	[tilespmem:$0x10800] =	vst v63  }
0x2c7: {  	s20 =	simm.s32 $0xC000  }
0x2c8: {  	[hbm4b:s11+s2] =	stream.indirect_vreg.scatter [tilespmem:s20], [sflag:$0x4], $0x80, v4, vm0, $0xb8;
	[tilespmem:$0x10800] =	vst v63  }
0x2c9: {  	s21 =	simm.s32 $0xC800  }
0x2ca: {  	[hbm4b:s4+s2] =	stream.indirect_vreg.scatter [tilespmem:s21], [sflag:$0x4], $0x80, v3, vm0, $0xb8;
	[tilespmem:$0x10800] =	vst v63  }
0x2cb: {  	s22 =	simm.s32 $0xD000  }
0x2cc: {  	[hbm4b:s5+s2] =	stream.indirect_vreg.scatter [tilespmem:s22], [sflag:$0x4], $0x80, v3, vm0, $0xb8;
	[tilespmem:$0x10800] =	vst v63  }
0x2cd: {  	s23 =	simm.s32 $0xD800  }
0x2ce: {  	[hbm4b:s6+s2] =	stream.indirect_vreg.scatter [tilespmem:s23], [sflag:$0x4], $0x80, v3, vm0, $0xb8;
	[tilespmem:$0x10800] =	vst v63  }
0x2cf: {  	s24 =	simm.s32 $0xE000  }
0x2d0: {  	[hbm4b:s7+s2] =	stream.indirect_vreg.scatter [tilespmem:s24], [sflag:$0x4], $0x80, v3, vm0, $0xb8;
	[tilespmem:$0x10800] =	vst v63  }
0x2d1: {  	s25 =	simm.s32 $0xE800  }
0x2d2: {  	[hbm4b:s8+s2] =	stream.indirect_vreg.scatter [tilespmem:s25], [sflag:$0x4], $0x80, v3, vm0, $0xb8;
	[tilespmem:$0x10800] =	vst v63  }
0x2d3: {  	s26 =	simm.s32 $0xF000  }
0x2d4: {  	[hbm4b:s9+s2] =	stream.indirect_vreg.scatter [tilespmem:s26], [sflag:$0x4], $0x80, v3, vm0, $0xb8;
	[tilespmem:$0x10800] =	vst v63  }
0x2d5: {  	s28 =	simm.s32 $0xF800  }
0x2d6: {  	[hbm4b:s10+s2] =	stream.indirect_vreg.scatter [tilespmem:s28], [sflag:$0x4], $0x80, v3, vm0, $0xb8;
	[tilespmem:$0x10800] =	vst v63  }
0x2d7: {  	s31 =	simm.s32 $0x10000;
	s13 =	rddreg [dreg:$0x14]  }
0x2d8: {  	[hbm4b:s11+s2] =	stream.indirect_vreg.scatter [tilespmem:s31], [sflag:$0x4], $0x80, v3, vm0, $0xb8;
	[tilespmem:$0x10800] =	vst v63  }
0x2d9: {  	p0 =	sne.s32 s13, $0x1;
	_ =	swait.ge [sflag:s0], $0x8000  }
.Ltmp0:
0x2da: {  	[sflag:s0] =	ssyncset.done $0x0;
	(pc) =	sbr.rel @p0 .LBB2_1-.Ltmp0, $4  }
0x2db: {  	[sflag:s0] =	ssyncadd.s32 $0xFFFF8000  }
0x2dc: {  	_ =	swait.ge [sflag:s1], $0x8000  }
0x2dd: {  	[sflag:s1] =	ssyncset.done $0x0  }
0x2de: {  	s12 =	sadd.s32 $0xFFFFFFFF, s13;
	[sflag:s1] =	ssyncadd.s32 $0xFFFF8000  }
0x2df: {  	_ =	sfence.sel $0x180000  }
0x2e0: {  	[bflag:$0x0] =	sbarrier.arrive $0xFFFF  }
0x2e1: {  	_ =	strace $0x9000004A  }
0x2e2: {  	s0 =	stileid.u32;
	[bflag:$0x2] =	sbarrier.arrive $0xFFFF  }
0x2e3: {  	p0 =	sne.s32 s0, $0x0;
	s0 =	rddreg [dreg:$0x2]  }
0x2e4: {  	s0 =	sadd.s32 @!p0 $0x100000, s0  }
0x2e5: {  	[sflag:s0] =	ssyncadd.tile.s32 @!p0 $0x1;
	_ =	shalt  }
.Lfunc_end2:
_tile_overlayer_lowered:
.L_overlay_start_2:
0x2e6: {  	(tag) =	ssettag $0x2  }
0x2e7: {  	s0 =	rddreg [dreg:$0x0];
	s2 =	stileid.u32  }
0x2e8: {  	s1 =	rddreg [dreg:$0x1];
	p0 =	sne.s32 s2, $0x0  }
0x2e9: {  	s3 =	rddreg [dreg:$0x2];
	[bflag:$0x3] =	sbarrier.arrive $0xFFFF;
	s2 =	simm.s32 @!p0 $0x1C05  }
0x2ea: {  	[timem:s3], [sflag:s2] =	dma.local @!p0 [hbm:s0], s1  }
0x2eb: {  	s0 =	simm.s32 @!p0 $0x5  }
0x2ec: {  	_ =	swait.ge @!p0 [sflag:s0], s1  }
0x2ed: {  	s1 =	ssub.s32 @!p0 $0x0, s1;
	[sflag:s0] =	ssyncset.done @!p0 $0x0  }
0x2ee: {  	[sflag:s0] =	ssyncadd.s32 @!p0 s1  }
0x2ef: {  	[bflag:$0x3] =	sbarrier.arrive $0xFFFF  }
0x2f0: {  	_ =	shalt  }

</sc_bundles>
